<compile_context>
chip_gen: v7x
topology: tpu7x:2x2x1
jax: 0.10.2.dev20260603
libtpu: 0.0.44.dev20260713+nightly
codegen_flags: <defaults>
</compile_context>

<pallas_src>
import functools

import numpy as np

import jax
import jax.numpy as jnp
from jax import lax
from jax.experimental import pallas as pl
from jax.experimental.pallas import tpu as pltpu
from jax.experimental.pallas import tpu_sc as plsc

_N = 10000
_E = 320000
_D = 128
_HEADS = 8
_DH = 16
_OUT = 3
_RW = 144
_RWH = 160
_NSUB = 16
_EPW = _E // _NSUB
_C = 80
_NCHUNK = _EPW // _C
_ROWS = _N // _NSUB

_GDN = lax.GatherDimensionNumbers(
    offset_dims=(), collapsed_slice_dims=(0,), start_index_map=(0,))


def _vgather(vec, idx):
    return lax.gather(vec, jnp.asarray(idx).reshape(16, 1), _GDN,
                      slice_sizes=(1,),
                      mode=lax.GatherScatterMode.PROMISE_IN_BOUNDS)


_PERM = np.array([32 * (q // 32)
                  + (2 * (q % 32) if (q % 32) < 16 else 2 * (q % 32 - 16) + 1)
                  for q in range(_D)], dtype=np.int32)


def _bf16_bits(v):
    return lax.bitcast_convert_type(
        v.astype(jnp.bfloat16), jnp.uint16).astype(jnp.uint32)


def _proj_body(x_ref, wev_ref, wod_ref, as0_ref, as1_ref, ad0_ref, ad1_ref,
               hx0_ref, hx1_ref, td0_ref, td1_ref):
    x = x_ref[...]
    he = jnp.dot(x, wev_ref[...], preferred_element_type=jnp.float32)
    ho = jnp.dot(x, wod_ref[...], preferred_element_type=jnp.float32)
    w = lax.bitcast_convert_type(
        _bf16_bits(he) | (_bf16_bits(ho) << 16), jnp.int32)

    def hx(as_ref):
        a = jnp.dot(x, as_ref[...], preferred_element_type=jnp.float32)
        wa = lax.bitcast_convert_type(_bf16_bits(a), jnp.int32)
        return jnp.concatenate([w, wa], axis=1)

    hx0_ref[...] = hx(as0_ref)
    hx1_ref[...] = hx(as1_ref)
    td0_ref[...] = jnp.dot(x, ad0_ref[...], preferred_element_type=jnp.float32)
    td1_ref[...] = jnp.dot(x, ad1_ref[...], preferred_element_type=jnp.float32)


def _proj(x, wev, wod, as0, as1, ad0, ad1):
    return pl.pallas_call(
        _proj_body,
        out_shape=[
            jax.ShapeDtypeStruct((_N, _RWH // 2), jnp.int32),
            jax.ShapeDtypeStruct((_N, _RWH // 2), jnp.int32),
            jax.ShapeDtypeStruct((_N, _DH), jnp.float32),
            jax.ShapeDtypeStruct((_N, _DH), jnp.float32),
        ],
    )(x, wev, wod, as0, as1, ad0, ad1)


def _sc_body(hx0, hx1, td0, td1, src0, dst0, src1, dst1, u0, u1,
             accum, idx_s, idx_d, sidx, hxr, adr, msg,
             sem_hx, sem_ad, sem_s, sem_is, sem_id):
    sid = lax.axis_index("s")
    cid = lax.axis_index("c")

    def _z(i, carry):
        for j in range(_RW // 16):
            msg[0][i, pl.ds(j * 16, 16)] = jnp.zeros((16,), jnp.float32)
        return carry
    lax.fori_loop(0, _C, _z, 0)
    zbase = sid * _ROWS
    for r in range(_ROWS // _C):
        pltpu.sync_copy(msg[0], accum.at[pl.ds(zbase + r * _C, _C)])
    ztail = _ROWS % _C
    if ztail:
        pltpu.sync_copy(msg[0].at[pl.ds(0, ztail)],
                        accum.at[pl.ds(zbase + _ROWS - ztail, ztail)])
    plsc.subcore_barrier()

    def edges_pass(hx, td, src, dst):
        ebase = sid * _EPW

        def load_idx(chunk, b):
            pltpu.sync_copy(src.at[pl.ds(ebase + chunk * _C, _C)], idx_s[b])
            pltpu.sync_copy(dst.at[pl.ds(ebase + chunk * _C, _C)], idx_d[b])

        def issue_idx(chunk, b):
            pltpu.async_copy(src.at[pl.ds(ebase + chunk * _C, _C)],
                             idx_s[b], sem_is[b])
            pltpu.async_copy(dst.at[pl.ds(ebase + chunk * _C, _C)],
                             idx_d[b], sem_id[b])

        def wait_idx(chunk, b):
            pltpu.make_async_copy(src.at[pl.ds(ebase + chunk * _C, _C)],
                                  idx_s[b], sem_is[b]).wait()
            pltpu.make_async_copy(dst.at[pl.ds(ebase + chunk * _C, _C)],
                                  idx_d[b], sem_id[b]).wait()

        def issue_gather(b):
            pltpu.async_copy(hx.at[idx_s[b]], hxr[b], sem_hx[b])
            pltpu.async_copy(td.at[idx_d[b]], adr[b], sem_ad[b])

        def wait_gather(b):
            pltpu.make_async_copy(hx.at[idx_s[b]], hxr[b], sem_hx[b]).wait()
            pltpu.make_async_copy(td.at[idx_d[b]], adr[b], sem_ad[b]).wait()

        def issue_scatter(b):
            pltpu.async_copy(msg[b], accum.at[sidx[b]], sem_s[b], add=True)

        def wait_scatter(b):
            pltpu.make_async_copy(msg[b], accum.at[sidx[b]],
                                  sem_s[b]).wait()

        def compute(b):
            for j in range(_C // 16):
                sidx[b][pl.ds(j * 16, 16)] = idx_d[b][pl.ds(j * 16, 16)]

            def widen(w):
                lo = plsc.bitcast(lax.shift_left(w, jnp.int32(16)),
                                  jnp.float32)
                hi = plsc.bitcast(
                    lax.bitwise_and(w, jnp.int32(-65536)), jnp.float32)
                return lo, hi

            lane8 = lax.iota(jnp.int32, 16) < 8

            @plsc.parallel_loop(0, _C, 1, unroll=4)
            def edge_body(c):
                a16, _unused = widen(hxr[b][c, pl.ds(64, 16)])
                a = a16 + adr[b][c, pl.ds(0, 16)]
                ex16 = jnp.exp(jnp.maximum(a, a * 0.2))
                msg[b][c, pl.ds(128, 16)] = ex16
                for j in range(4):
                    h_lo, h_hi = widen(hxr[b][c, pl.ds(16 * j, 16)])
                    sp = _vgather(ex16, jnp.where(lane8, 2 * j, 2 * j + 1))
                    msg[b][c, pl.ds(32 * j, 16)] = h_lo * sp
                    msg[b][c, pl.ds(32 * j + 16, 16)] = h_hi * sp

        load_idx(0, 0)
        issue_gather(0)
        load_idx(1, 1)

        def step(g, carry):
            last = _NCHUNK // 2 - 1
            pl.when(g > 0)(lambda: wait_scatter(0))
            wait_gather(0)
            pl.when(g > 0)(lambda: wait_idx(2 * g + 1, 1))
            issue_gather(1)
            compute(0)
            issue_scatter(0)
            pl.when(g < last)(lambda: issue_idx(2 * g + 2, 0))
            pl.when(g > 0)(lambda: wait_scatter(1))
            wait_gather(1)
            pl.when(g < last)(lambda: wait_idx(2 * g + 2, 0))
            pl.when(g < last)(lambda: issue_gather(0))
            compute(1)
            issue_scatter(1)
            pl.when(g < last)(lambda: issue_idx(2 * g + 3, 1))
            return carry
        lax.fori_loop(0, _NCHUNK // 2, step, 0)
        wait_scatter(0)
        wait_scatter(1)

    pl.when(cid == 0)(lambda: edges_pass(hx0, td0, src0, dst0))
    pl.when(cid == 1)(lambda: edges_pass(hx1, td1, src1, dst1))
    plsc.subcore_barrier()

    pl.when(cid == 0)(lambda: pltpu.sync_copy(
        accum.at[pl.ds(sid * _ROWS, _ROWS)], u0.at[pl.ds(sid * _ROWS, _ROWS)]))
    pl.when(cid == 1)(lambda: pltpu.sync_copy(
        accum.at[pl.ds(sid * _ROWS, _ROWS)], u1.at[pl.ds(sid * _ROWS, _ROWS)]))


def _edge_aggregate(hx0, hx1, td0, td1, src0, dst0, src1, dst1):
    mesh = plsc.VectorSubcoreMesh(core_axis_name="c", subcore_axis_name="s")
    fn = functools.partial(
        pl.kernel,
        out_type=[
            jax.ShapeDtypeStruct((_N, _RW), jnp.float32),
            jax.ShapeDtypeStruct((_N, _RW), jnp.float32),
        ],
        mesh=mesh,
        compiler_params=pltpu.CompilerParams(use_tc_tiling_on_sc=False,
                                             needs_layout_passes=False),
        scratch_types=[
            pltpu.VMEM_SHARED((_N, _RW), jnp.float32),
            [pltpu.VMEM((_C,), jnp.int32) for _ in range(2)],
            [pltpu.VMEM((_C,), jnp.int32) for _ in range(2)],
            [pltpu.VMEM((_C,), jnp.int32) for _ in range(2)],
            [pltpu.VMEM((_C, _RWH // 2), jnp.int32) for _ in range(2)],
            [pltpu.VMEM((_C, _DH), jnp.float32) for _ in range(2)],
            [pltpu.VMEM((_C, _RW), jnp.float32) for _ in range(2)],
            [pltpu.SemaphoreType.DMA for _ in range(2)],
            [pltpu.SemaphoreType.DMA for _ in range(2)],
            [pltpu.SemaphoreType.DMA for _ in range(2)],
            [pltpu.SemaphoreType.DMA for _ in range(2)],
            [pltpu.SemaphoreType.DMA for _ in range(2)],
        ],
    )(_sc_body)
    return fn(hx0, hx1, td0, td1, src0, dst0, src1, dst1)


def _sem_body(u0_ref, u1_ref, s_mat_ref, ws_ref, bs_ref, q_ref,
              wl_ref, bl_ref, o_ref):
    smat = s_mat_ref[...]

    def one(u_ref):
        u = u_ref[...]
        den = jnp.dot(u[:, 128:136], smat,
                      preferred_element_type=jnp.float32) + 1e-16
        z = jnp.maximum(u[:, :128] / den, 0.0)
        t = jnp.tanh(jnp.dot(z, ws_ref[...],
                             preferred_element_type=jnp.float32) + bs_ref[...])
        sc = jnp.dot(t, q_ref[...], preferred_element_type=jnp.float32)
        return z, jnp.sum(sc) / _N

    z0, s0 = one(u0_ref)
    z1, s1 = one(u1_ref)
    m = jnp.maximum(s0, s1)
    e0 = jnp.exp(s0 - m)
    e1 = jnp.exp(s1 - m)
    beta0 = e0 / (e0 + e1)
    beta1 = e1 / (e0 + e1)
    fused = beta0 * z0 + beta1 * z1
    o_ref[...] = jnp.dot(fused, wl_ref[...],
                         preferred_element_type=jnp.float32) + bl_ref[...]


def _semantic(u0, u1, smat, ws, bs, q, wl, bl):
    return pl.pallas_call(
        _sem_body,
        out_shape=jax.ShapeDtypeStruct((_N, _OUT), jnp.float32),
    )(u0, u1, smat, ws, bs, q, wl, bl)


def _expand_att(att_p):
    eye = jnp.eye(_HEADS, dtype=jnp.float32)
    a = (att_p[:, :, None] * eye[:, None, :]).reshape(_D, _HEADS)
    return jnp.pad(a, ((0, 0), (0, _DH - _HEADS)))


def kernel(x_movie, edge_index_mp0, edge_index_mp1, W_movie, att_src,
           att_dst, W_sem, b_sem, q_sem, W_lin, b_lin):
    as0 = W_movie @ _expand_att(att_src[0])
    as1 = W_movie @ _expand_att(att_src[1])
    ad0 = W_movie @ _expand_att(att_dst[0])
    ad1 = W_movie @ _expand_att(att_dst[1])
    wev = W_movie[:, 0::2]
    wod = W_movie[:, 1::2]
    smat = jnp.kron(jnp.eye(_HEADS, dtype=jnp.float32),
                    jnp.ones((1, _DH), jnp.float32))[:, _PERM]
    ws_p = W_sem[_PERM, :]
    wl_p = W_lin[_PERM, :]

    hx0, hx1, td0, td1 = _proj(x_movie, wev, wod, as0, as1, ad0, ad1)
    u0, u1 = _edge_aggregate(
        hx0, hx1, td0, td1,
        edge_index_mp0[0], edge_index_mp0[1],
        edge_index_mp1[0], edge_index_mp1[1])
    return _semantic(u0, u1, smat, ws_p,
                     b_sem.reshape(1, _D), q_sem.reshape(_D, 1),
                     wl_p, b_lin.reshape(1, _OUT))

# --- scband reference (transcript-rebuilt; emitter-appended) ---
"""Pipeline reference for scband-auto-hgnn-32787780338324 (READ-ONLY COPY).

The authoritative reference and input builder live on the scoring server;
editing this copy changes nothing except your own understanding.
"""

import jax, jax.numpy as jnp
import numpy as np

N = 10000
E = 320000
D_IN = 128
HID = 128
HEADS = 8
DH = HID // HEADS
OUT = 3
NUM_METAPATHS = 2


def setup_inputs(seed: int = 0) -> dict:
    key = jax.random.key(seed)
    ks = jax.random.split(key, 10)
    x_movie = jax.random.normal(ks[0], (N, D_IN), dtype=jnp.float32)
    edge_index_mp0 = jax.random.randint(ks[1], (2, E), 0, N, dtype=jnp.int64 if jax.config.jax_enable_x64 else jnp.int32).astype(jnp.int32)
    edge_index_mp1 = jax.random.randint(ks[2], (2, E), 0, N, dtype=jnp.int64 if jax.config.jax_enable_x64 else jnp.int32).astype(jnp.int32)
    W_movie = jax.random.normal(ks[3], (D_IN, HID), dtype=jnp.float32) * 0.05
    att_src = jax.random.normal(ks[4], (NUM_METAPATHS, HEADS, DH), dtype=jnp.float32) * 0.1
    att_dst = jax.random.normal(ks[5], (NUM_METAPATHS, HEADS, DH), dtype=jnp.float32) * 0.1
    W_sem = jax.random.normal(ks[6], (HID, HID), dtype=jnp.float32) * 0.05
    b_sem = jnp.zeros((HID,), dtype=jnp.float32)
    q_sem = jax.random.normal(ks[7], (HID,), dtype=jnp.float32) * 0.1
    W_lin = jax.random.normal(ks[8], (HID, OUT), dtype=jnp.float32) * 0.05
    b_lin = jnp.zeros((OUT,), dtype=jnp.float32)
    return {
        'x_movie': x_movie,
        'edge_index_mp0': edge_index_mp0,
        'edge_index_mp1': edge_index_mp1,
        'W_movie': W_movie,
        'att_src': att_src,
        'att_dst': att_dst,
        'W_sem': W_sem,
        'b_sem': b_sem,
        'q_sem': q_sem,
        'W_lin': W_lin,
        'b_lin': b_lin,
    }


def _metapath_conv(h, edge_index, a_s, a_d):
    # h: [N, HEADS, DH]; edge_index: [2, E]; a_s, a_d: [HEADS, DH]
    src = edge_index[0]
    dst = edge_index[1]
    alpha_src = (h * a_s[None, :, :]).sum(-1)  # [N, HEADS]
    alpha_dst = (h * a_d[None, :, :]).sum(-1)  # [N, HEADS]
    alpha = jax.nn.leaky_relu(alpha_src[src] + alpha_dst[dst], negative_slope=0.2)  # [E, HEADS]
    amax = jax.ops.segment_max(alpha, dst, num_segments=N)  # [N, HEADS]
    amax = jnp.where(jnp.isfinite(amax), amax, 0.0)
    ex = jnp.exp(alpha - amax[dst])
    den = jax.ops.segment_sum(ex, dst, num_segments=N)
    coef = ex / (den[dst] + 1e-16)  # edge softmax per dst node
    msg = h[src] * coef[:, :, None]  # [E, HEADS, DH]
    out = jax.ops.segment_sum(msg, dst, num_segments=N)  # [N, HEADS, DH]
    return jax.nn.relu(out.reshape(N, HID))


def reference(x_movie, edge_index_mp0, edge_index_mp1, W_movie, att_src, att_dst, W_sem, b_sem, q_sem, W_lin, b_lin):
    # node-type projection
    h = (x_movie @ W_movie).reshape(N, HEADS, DH)
    # per-metapath node-level attention
    out0 = _metapath_conv(h, edge_index_mp0, att_src[0], att_dst[0])
    out1 = _metapath_conv(h, edge_index_mp1, att_src[1], att_dst[1])
    z = jnp.stack([out0, out1], axis=0)  # [P, N, HID]
    # semantic-level attention across metapaths
    s = (jnp.tanh(z @ W_sem + b_sem) @ q_sem).mean(axis=1)  # [P]
    beta = jax.nn.softmax(s)
    fused = (beta[:, None, None] * z).sum(axis=0)  # [N, HID]
    # final linear classifier on 'movie' nodes
    return fused @ W_lin + b_lin

if __name__ == "__main__":
    import jax
    _d = setup_inputs()
    print(jax.jit(kernel)(*tuple(_d.values())))

</pallas_src>

<mosaic_0001>
#map = affine_map<(d0, d1) -> (0, 0)>
#map1 = affine_map<(d0, d1) -> (0)>
module attributes {stable_mosaic.version = 14 : i64} {
  func.func @_sc_body(%arg0: i32, %arg1: i32, %arg2: memref<10000x80xi32, #tpu.memory_space<hbm>>, %arg3: memref<10000x80xi32, #tpu.memory_space<hbm>>, %arg4: memref<10000x16xf32, #tpu.memory_space<hbm>>, %arg5: memref<10000x16xf32, #tpu.memory_space<hbm>>, %arg6: memref<320000xi32, #tpu.memory_space<hbm>>, %arg7: memref<320000xi32, #tpu.memory_space<hbm>>, %arg8: memref<320000xi32, #tpu.memory_space<hbm>>, %arg9: memref<320000xi32, #tpu.memory_space<hbm>>, %arg10: memref<10000x144xf32, #tpu.memory_space<hbm>>, %arg11: memref<10000x144xf32, #tpu.memory_space<hbm>>, %arg12: memref<10000x144xf32, #tpu.memory_space<vmem_shared>>, %arg13: memref<80xi32, #tpu.memory_space<vmem>>, %arg14: memref<80xi32, #tpu.memory_space<vmem>>, %arg15: memref<80xi32, #tpu.memory_space<vmem>>, %arg16: memref<80xi32, #tpu.memory_space<vmem>>, %arg17: memref<80xi32, #tpu.memory_space<vmem>>, %arg18: memref<80xi32, #tpu.memory_space<vmem>>, %arg19: memref<80x80xi32, #tpu.memory_space<vmem>>, %arg20: memref<80x80xi32, #tpu.memory_space<vmem>>, %arg21: memref<80x16xf32, #tpu.memory_space<vmem>>, %arg22: memref<80x16xf32, #tpu.memory_space<vmem>>, %arg23: memref<80x144xf32, #tpu.memory_space<vmem>>, %arg24: memref<80x144xf32, #tpu.memory_space<vmem>>, %arg25: memref<!tpu.dma_semaphore, #tpu.memory_space<semaphore_mem>>, %arg26: memref<!tpu.dma_semaphore, #tpu.memory_space<semaphore_mem>>, %arg27: memref<!tpu.dma_semaphore, #tpu.memory_space<semaphore_mem>>, %arg28: memref<!tpu.dma_semaphore, #tpu.memory_space<semaphore_mem>>, %arg29: memref<!tpu.dma_semaphore, #tpu.memory_space<semaphore_mem>>, %arg30: memref<!tpu.dma_semaphore, #tpu.memory_space<semaphore_mem>>, %arg31: memref<!tpu.dma_semaphore, #tpu.memory_space<semaphore_mem>>, %arg32: memref<!tpu.dma_semaphore, #tpu.memory_space<semaphore_mem>>, %arg33: memref<!tpu.dma_semaphore, #tpu.memory_space<semaphore_mem>>, %arg34: memref<!tpu.dma_semaphore, #tpu.memory_space<semaphore_mem>>) attributes {dimension_semantics = [#tpu.dimension_semantics<core_parallel>, #tpu.dimension_semantics<subcore_parallel>], iteration_bounds = array<i64: 2, 16>, scalar_prefetch = 0 : i64, scratch_operands = 23 : i64, tpu.core_type = #tpu.core_type<sc_vector_subcore>, window_params = [{transform_indices = #map}, {transform_indices = #map}, {transform_indices = #map}, {transform_indices = #map}, {transform_indices = #map1}, {transform_indices = #map1}, {transform_indices = #map1}, {transform_indices = #map1}, {transform_indices = #map}, {transform_indices = #map}]} {
    %scan3A = arith.constant 0 : i32
    %scan3A_0 = arith.constant 0 : i32
    %scan3A_1 = arith.constant 80 : i32
    %scan3A_2 = arith.addi %scan3A_0, %scan3A_1 : i32
    %scan3A_3 = arith.constant 1 : i32
    scf.for %scan3A_40 = %scan3A_0 to %scan3A_2 step %scan3A_3  : i32 {
      %broadcast_in_dim3A = arith.constant 0.000000e+00 : f32
      %broadcast_in_dim3A_41 = vector.broadcast %broadcast_in_dim3A : f32 to vector<16xf32>
      %swap3A = arith.index_cast %scan3A_40 : i32 to index
      %swap3A_42 = arith.constant 0 : index
      %swap3A_43 = tpu.vector_load %arg23[%swap3A, %swap3A_42] {strides = array<i32>} : memref<80x144xf32, #tpu.memory_space<vmem>>, vector<16xf32>,
      tpu.vector_store %arg23[%swap3A, %swap3A_42], %broadcast_in_dim3A_41 {strides = array<i32>} : memref<80x144xf32, #tpu.memory_space<vmem>>, vector<16xf32>,
      %broadcast_in_dim3A_44 = arith.constant 0.000000e+00 : f32
      %broadcast_in_dim3A_45 = vector.broadcast %broadcast_in_dim3A_44 : f32 to vector<16xf32>
      %swap3A_46 = arith.index_cast %scan3A_40 : i32 to index
      %swap3A_47 = arith.constant 16 : index
      %swap3A_48 = tpu.vector_load %arg23[%swap3A_46, %swap3A_47] {strides = array<i32>} : memref<80x144xf32, #tpu.memory_space<vmem>>, vector<16xf32>,
      tpu.vector_store %arg23[%swap3A_46, %swap3A_47], %broadcast_in_dim3A_45 {strides = array<i32>} : memref<80x144xf32, #tpu.memory_space<vmem>>, vector<16xf32>,
      %broadcast_in_dim3A_49 = arith.constant 0.000000e+00 : f32
      %broadcast_in_dim3A_50 = vector.broadcast %broadcast_in_dim3A_49 : f32 to vector<16xf32>
      %swap3A_51 = arith.index_cast %scan3A_40 : i32 to index
      %swap3A_52 = arith.constant 32 : index
      %swap3A_53 = tpu.vector_load %arg23[%swap3A_51, %swap3A_52] {strides = array<i32>} : memref<80x144xf32, #tpu.memory_space<vmem>>, vector<16xf32>,
      tpu.vector_store %arg23[%swap3A_51, %swap3A_52], %broadcast_in_dim3A_50 {strides = array<i32>} : memref<80x144xf32, #tpu.memory_space<vmem>>, vector<16xf32>,
      %broadcast_in_dim3A_54 = arith.constant 0.000000e+00 : f32
      %broadcast_in_dim3A_55 = vector.broadcast %broadcast_in_dim3A_54 : f32 to vector<16xf32>
      %swap3A_56 = arith.index_cast %scan3A_40 : i32 to index
      %swap3A_57 = arith.constant 48 : index
      %swap3A_58 = tpu.vector_load %arg23[%swap3A_56, %swap3A_57] {strides = array<i32>} : memref<80x144xf32, #tpu.memory_space<vmem>>, vector<16xf32>,
      tpu.vector_store %arg23[%swap3A_56, %swap3A_57], %broadcast_in_dim3A_55 {strides = array<i32>} : memref<80x144xf32, #tpu.memory_space<vmem>>, vector<16xf32>,
      %broadcast_in_dim3A_59 = arith.constant 0.000000e+00 : f32
      %broadcast_in_dim3A_60 = vector.broadcast %broadcast_in_dim3A_59 : f32 to vector<16xf32>
      %swap3A_61 = arith.index_cast %scan3A_40 : i32 to index
      %swap3A_62 = arith.constant 64 : index
      %swap3A_63 = tpu.vector_load %arg23[%swap3A_61, %swap3A_62] {strides = array<i32>} : memref<80x144xf32, #tpu.memory_space<vmem>>, vector<16xf32>,
      tpu.vector_store %arg23[%swap3A_61, %swap3A_62], %broadcast_in_dim3A_60 {strides = array<i32>} : memref<80x144xf32, #tpu.memory_space<vmem>>, vector<16xf32>,
      %broadcast_in_dim3A_64 = arith.constant 0.000000e+00 : f32
      %broadcast_in_dim3A_65 = vector.broadcast %broadcast_in_dim3A_64 : f32 to vector<16xf32>
      %swap3A_66 = arith.index_cast %scan3A_40 : i32 to index
      %swap3A_67 = arith.constant 80 : index
      %swap3A_68 = tpu.vector_load %arg23[%swap3A_66, %swap3A_67] {strides = array<i32>} : memref<80x144xf32, #tpu.memory_space<vmem>>, vector<16xf32>,
      tpu.vector_store %arg23[%swap3A_66, %swap3A_67], %broadcast_in_dim3A_65 {strides = array<i32>} : memref<80x144xf32, #tpu.memory_space<vmem>>, vector<16xf32>,
      %broadcast_in_dim3A_69 = arith.constant 0.000000e+00 : f32
      %broadcast_in_dim3A_70 = vector.broadcast %broadcast_in_dim3A_69 : f32 to vector<16xf32>
      %swap3A_71 = arith.index_cast %scan3A_40 : i32 to index
      %swap3A_72 = arith.constant 96 : index
      %swap3A_73 = tpu.vector_load %arg23[%swap3A_71, %swap3A_72] {strides = array<i32>} : memref<80x144xf32, #tpu.memory_space<vmem>>, vector<16xf32>,
      tpu.vector_store %arg23[%swap3A_71, %swap3A_72], %broadcast_in_dim3A_70 {strides = array<i32>} : memref<80x144xf32, #tpu.memory_space<vmem>>, vector<16xf32>,
      %broadcast_in_dim3A_74 = arith.constant 0.000000e+00 : f32
      %broadcast_in_dim3A_75 = vector.broadcast %broadcast_in_dim3A_74 : f32 to vector<16xf32>
      %swap3A_76 = arith.index_cast %scan3A_40 : i32 to index
      %swap3A_77 = arith.constant 112 : index
      %swap3A_78 = tpu.vector_load %arg23[%swap3A_76, %swap3A_77] {strides = array<i32>} : memref<80x144xf32, #tpu.memory_space<vmem>>, vector<16xf32>,
      tpu.vector_store %arg23[%swap3A_76, %swap3A_77], %broadcast_in_dim3A_75 {strides = array<i32>} : memref<80x144xf32, #tpu.memory_space<vmem>>, vector<16xf32>,
      %broadcast_in_dim3A_79 = arith.constant 0.000000e+00 : f32
      %broadcast_in_dim3A_80 = vector.broadcast %broadcast_in_dim3A_79 : f32 to vector<16xf32>
      %swap3A_81 = arith.index_cast %scan3A_40 : i32 to index
      %swap3A_82 = arith.constant 128 : index
      %swap3A_83 = tpu.vector_load %arg23[%swap3A_81, %swap3A_82] {strides = array<i32>} : memref<80x144xf32, #tpu.memory_space<vmem>>, vector<16xf32>,
      tpu.vector_store %arg23[%swap3A_81, %swap3A_82], %broadcast_in_dim3A_80 {strides = array<i32>} : memref<80x144xf32, #tpu.memory_space<vmem>>, vector<16xf32>,
    }
    %scan3A_4 = arith.constant 80 : i32
    %mul3A = arith.constant 625 : i32
    %mul3A_5 = arith.muli %arg1, %mul3A : i32
    %add3A = arith.constant 0 : i32
    %add3A_6 = arith.addi %mul3A_5, %add3A : i32
    "tpu.region"() ({
      %run_scoped3A = tpu.sem_alloc : memref<!tpu.dma_semaphore, #tpu.memory_space<semaphore_mem>>
      %dma_start3A = arith.constant 0 : i32
      %dma_start3A_40 = tpu.memref_slice %arg12[%add3A_6, %dma_start3A] : memref<10000x144xf32, #tpu.memory_space<vmem_shared>> -> memref<80x144xf32, #tpu.memory_space<vmem_shared>>
      %dma_start3A_41 = arith.constant 0 : i32
      %dma_start3A_42 = tpu.memref_slice %arg12[%add3A_6, %dma_start3A_41] : memref<10000x144xf32, #tpu.memory_space<vmem_shared>> -> memref<80x144xf32, #tpu.memory_space<vmem_shared>>
      tpu.enqueue_dma source(%arg23 : memref<80x144xf32, #tpu.memory_space<vmem>>) target(%dma_start3A_42 : memref<80x144xf32, #tpu.memory_space<vmem_shared>>) target_semaphore(%run_scoped3A : memref<!tpu.dma_semaphore, #tpu.memory_space<semaphore_mem>>)
      %dma_wait3A = arith.constant 0 : i32
      %dma_wait3A_43 = tpu.memref_slice %arg12[%add3A_6, %dma_wait3A] : memref<10000x144xf32, #tpu.memory_space<vmem_shared>> -> memref<80x144xf32, #tpu.memory_space<vmem_shared>>
      %dma_wait3A_44 = arith.constant 0 : i32
      %dma_wait3A_45 = tpu.memref_slice %arg12[%add3A_6, %dma_wait3A_44] : memref<10000x144xf32, #tpu.memory_space<vmem_shared>> -> memref<80x144xf32, #tpu.memory_space<vmem_shared>>
      tpu.wait_dma2 semaphore(%run_scoped3A : memref<!tpu.dma_semaphore, #tpu.memory_space<semaphore_mem>>) src(%arg23 : memref<80x144xf32, #tpu.memory_space<vmem>>) dst(%dma_wait3A_45 : memref<80x144xf32, #tpu.memory_space<vmem_shared>>)
      tpu.yield
    }) : () -> ()
    %add3A_7 = arith.constant 80 : i32
    %add3A_8 = arith.addi %mul3A_5, %add3A_7 : i32
    "tpu.region"() ({
      %run_scoped3A = tpu.sem_alloc : memref<!tpu.dma_semaphore, #tpu.memory_space<semaphore_mem>>
      %dma_start3A = arith.constant 0 : i32
      %dma_start3A_40 = tpu.memref_slice %arg12[%add3A_8, %dma_start3A] : memref<10000x144xf32, #tpu.memory_space<vmem_shared>> -> memref<80x144xf32, #tpu.memory_space<vmem_shared>>
      %dma_start3A_41 = arith.constant 0 : i32
      %dma_start3A_42 = tpu.memref_slice %arg12[%add3A_8, %dma_start3A_41] : memref<10000x144xf32, #tpu.memory_space<vmem_shared>> -> memref<80x144xf32, #tpu.memory_space<vmem_shared>>
      tpu.enqueue_dma source(%arg23 : memref<80x144xf32, #tpu.memory_space<vmem>>) target(%dma_start3A_42 : memref<80x144xf32, #tpu.memory_space<vmem_shared>>) target_semaphore(%run_scoped3A : memref<!tpu.dma_semaphore, #tpu.memory_space<semaphore_mem>>)
      %dma_wait3A = arith.constant 0 : i32
      %dma_wait3A_43 = tpu.memref_slice %arg12[%add3A_8, %dma_wait3A] : memref<10000x144xf32, #tpu.memory_space<vmem_shared>> -> memref<80x144xf32, #tpu.memory_space<vmem_shared>>
      %dma_wait3A_44 = arith.constant 0 : i32
      %dma_wait3A_45 = tpu.memref_slice %arg12[%add3A_8, %dma_wait3A_44] : memref<10000x144xf32, #tpu.memory_space<vmem_shared>> -> memref<80x144xf32, #tpu.memory_space<vmem_shared>>
      tpu.wait_dma2 semaphore(%run_scoped3A : memref<!tpu.dma_semaphore, #tpu.memory_space<semaphore_mem>>) src(%arg23 : memref<80x144xf32, #tpu.memory_space<vmem>>) dst(%dma_wait3A_45 : memref<80x144xf32, #tpu.memory_space<vmem_shared>>)
      tpu.yield
    }) : () -> ()
    %add3A_9 = arith.constant 160 : i32
    %add3A_10 = arith.addi %mul3A_5, %add3A_9 : i32
    "tpu.region"() ({
      %run_scoped3A = tpu.sem_alloc : memref<!tpu.dma_semaphore, #tpu.memory_space<semaphore_mem>>
      %dma_start3A = arith.constant 0 : i32
      %dma_start3A_40 = tpu.memref_slice %arg12[%add3A_10, %dma_start3A] : memref<10000x144xf32, #tpu.memory_space<vmem_shared>> -> memref<80x144xf32, #tpu.memory_space<vmem_shared>>
      %dma_start3A_41 = arith.constant 0 : i32
      %dma_start3A_42 = tpu.memref_slice %arg12[%add3A_10, %dma_start3A_41] : memref<10000x144xf32, #tpu.memory_space<vmem_shared>> -> memref<80x144xf32, #tpu.memory_space<vmem_shared>>
      tpu.enqueue_dma source(%arg23 : memref<80x144xf32, #tpu.memory_space<vmem>>) target(%dma_start3A_42 : memref<80x144xf32, #tpu.memory_space<vmem_shared>>) target_semaphore(%run_scoped3A : memref<!tpu.dma_semaphore, #tpu.memory_space<semaphore_mem>>)
      %dma_wait3A = arith.constant 0 : i32
      %dma_wait3A_43 = tpu.memref_slice %arg12[%add3A_10, %dma_wait3A] : memref<10000x144xf32, #tpu.memory_space<vmem_shared>> -> memref<80x144xf32, #tpu.memory_space<vmem_shared>>
      %dma_wait3A_44 = arith.constant 0 : i32
      %dma_wait3A_45 = tpu.memref_slice %arg12[%add3A_10, %dma_wait3A_44] : memref<10000x144xf32, #tpu.memory_space<vmem_shared>> -> memref<80x144xf32, #tpu.memory_space<vmem_shared>>
      tpu.wait_dma2 semaphore(%run_scoped3A : memref<!tpu.dma_semaphore, #tpu.memory_space<semaphore_mem>>) src(%arg23 : memref<80x144xf32, #tpu.memory_space<vmem>>) dst(%dma_wait3A_45 : memref<80x144xf32, #tpu.memory_space<vmem_shared>>)
      tpu.yield
    }) : () -> ()
    %add3A_11 = arith.constant 240 : i32
    %add3A_12 = arith.addi %mul3A_5, %add3A_11 : i32
    "tpu.region"() ({
      %run_scoped3A = tpu.sem_alloc : memref<!tpu.dma_semaphore, #tpu.memory_space<semaphore_mem>>
      %dma_start3A = arith.constant 0 : i32
      %dma_start3A_40 = tpu.memref_slice %arg12[%add3A_12, %dma_start3A] : memref<10000x144xf32, #tpu.memory_space<vmem_shared>> -> memref<80x144xf32, #tpu.memory_space<vmem_shared>>
      %dma_start3A_41 = arith.constant 0 : i32
      %dma_start3A_42 = tpu.memref_slice %arg12[%add3A_12, %dma_start3A_41] : memref<10000x144xf32, #tpu.memory_space<vmem_shared>> -> memref<80x144xf32, #tpu.memory_space<vmem_shared>>
      tpu.enqueue_dma source(%arg23 : memref<80x144xf32, #tpu.memory_space<vmem>>) target(%dma_start3A_42 : memref<80x144xf32, #tpu.memory_space<vmem_shared>>) target_semaphore(%run_scoped3A : memref<!tpu.dma_semaphore, #tpu.memory_space<semaphore_mem>>)
      %dma_wait3A = arith.constant 0 : i32
      %dma_wait3A_43 = tpu.memref_slice %arg12[%add3A_12, %dma_wait3A] : memref<10000x144xf32, #tpu.memory_space<vmem_shared>> -> memref<80x144xf32, #tpu.memory_space<vmem_shared>>
      %dma_wait3A_44 = arith.constant 0 : i32
      %dma_wait3A_45 = tpu.memref_slice %arg12[%add3A_12, %dma_wait3A_44] : memref<10000x144xf32, #tpu.memory_space<vmem_shared>> -> memref<80x144xf32, #tpu.memory_space<vmem_shared>>
      tpu.wait_dma2 semaphore(%run_scoped3A : memref<!tpu.dma_semaphore, #tpu.memory_space<semaphore_mem>>) src(%arg23 : memref<80x144xf32, #tpu.memory_space<vmem>>) dst(%dma_wait3A_45 : memref<80x144xf32, #tpu.memory_space<vmem_shared>>)
      tpu.yield
    }) : () -> ()
    %add3A_13 = arith.constant 320 : i32
    %add3A_14 = arith.addi %mul3A_5, %add3A_13 : i32
    "tpu.region"() ({
      %run_scoped3A = tpu.sem_alloc : memref<!tpu.dma_semaphore, #tpu.memory_space<semaphore_mem>>
      %dma_start3A = arith.constant 0 : i32
      %dma_start3A_40 = tpu.memref_slice %arg12[%add3A_14, %dma_start3A] : memref<10000x144xf32, #tpu.memory_space<vmem_shared>> -> memref<80x144xf32, #tpu.memory_space<vmem_shared>>
      %dma_start3A_41 = arith.constant 0 : i32
      %dma_start3A_42 = tpu.memref_slice %arg12[%add3A_14, %dma_start3A_41] : memref<10000x144xf32, #tpu.memory_space<vmem_shared>> -> memref<80x144xf32, #tpu.memory_space<vmem_shared>>
      tpu.enqueue_dma source(%arg23 : memref<80x144xf32, #tpu.memory_space<vmem>>) target(%dma_start3A_42 : memref<80x144xf32, #tpu.memory_space<vmem_shared>>) target_semaphore(%run_scoped3A : memref<!tpu.dma_semaphore, #tpu.memory_space<semaphore_mem>>)
      %dma_wait3A = arith.constant 0 : i32
      %dma_wait3A_43 = tpu.memref_slice %arg12[%add3A_14, %dma_wait3A] : memref<10000x144xf32, #tpu.memory_space<vmem_shared>> -> memref<80x144xf32, #tpu.memory_space<vmem_shared>>
      %dma_wait3A_44 = arith.constant 0 : i32
      %dma_wait3A_45 = tpu.memref_slice %arg12[%add3A_14, %dma_wait3A_44] : memref<10000x144xf32, #tpu.memory_space<vmem_shared>> -> memref<80x144xf32, #tpu.memory_space<vmem_shared>>
      tpu.wait_dma2 semaphore(%run_scoped3A : memref<!tpu.dma_semaphore, #tpu.memory_space<semaphore_mem>>) src(%arg23 : memref<80x144xf32, #tpu.memory_space<vmem>>) dst(%dma_wait3A_45 : memref<80x144xf32, #tpu.memory_space<vmem_shared>>)
      tpu.yield
    }) : () -> ()
    %add3A_15 = arith.constant 400 : i32
    %add3A_16 = arith.addi %mul3A_5, %add3A_15 : i32
    "tpu.region"() ({
      %run_scoped3A = tpu.sem_alloc : memref<!tpu.dma_semaphore, #tpu.memory_space<semaphore_mem>>
      %dma_start3A = arith.constant 0 : i32
      %dma_start3A_40 = tpu.memref_slice %arg12[%add3A_16, %dma_start3A] : memref<10000x144xf32, #tpu.memory_space<vmem_shared>> -> memref<80x144xf32, #tpu.memory_space<vmem_shared>>
      %dma_start3A_41 = arith.constant 0 : i32
      %dma_start3A_42 = tpu.memref_slice %arg12[%add3A_16, %dma_start3A_41] : memref<10000x144xf32, #tpu.memory_space<vmem_shared>> -> memref<80x144xf32, #tpu.memory_space<vmem_shared>>
      tpu.enqueue_dma source(%arg23 : memref<80x144xf32, #tpu.memory_space<vmem>>) target(%dma_start3A_42 : memref<80x144xf32, #tpu.memory_space<vmem_shared>>) target_semaphore(%run_scoped3A : memref<!tpu.dma_semaphore, #tpu.memory_space<semaphore_mem>>)
      %dma_wait3A = arith.constant 0 : i32
      %dma_wait3A_43 = tpu.memref_slice %arg12[%add3A_16, %dma_wait3A] : memref<10000x144xf32, #tpu.memory_space<vmem_shared>> -> memref<80x144xf32, #tpu.memory_space<vmem_shared>>
      %dma_wait3A_44 = arith.constant 0 : i32
      %dma_wait3A_45 = tpu.memref_slice %arg12[%add3A_16, %dma_wait3A_44] : memref<10000x144xf32, #tpu.memory_space<vmem_shared>> -> memref<80x144xf32, #tpu.memory_space<vmem_shared>>
      tpu.wait_dma2 semaphore(%run_scoped3A : memref<!tpu.dma_semaphore, #tpu.memory_space<semaphore_mem>>) src(%arg23 : memref<80x144xf32, #tpu.memory_space<vmem>>) dst(%dma_wait3A_45 : memref<80x144xf32, #tpu.memory_space<vmem_shared>>)
      tpu.yield
    }) : () -> ()
    %add3A_17 = arith.constant 480 : i32
    %add3A_18 = arith.addi %mul3A_5, %add3A_17 : i32
    "tpu.region"() ({
      %run_scoped3A = tpu.sem_alloc : memref<!tpu.dma_semaphore, #tpu.memory_space<semaphore_mem>>
      %dma_start3A = arith.constant 0 : i32
      %dma_start3A_40 = tpu.memref_slice %arg12[%add3A_18, %dma_start3A] : memref<10000x144xf32, #tpu.memory_space<vmem_shared>> -> memref<80x144xf32, #tpu.memory_space<vmem_shared>>
      %dma_start3A_41 = arith.constant 0 : i32
      %dma_start3A_42 = tpu.memref_slice %arg12[%add3A_18, %dma_start3A_41] : memref<10000x144xf32, #tpu.memory_space<vmem_shared>> -> memref<80x144xf32, #tpu.memory_space<vmem_shared>>
      tpu.enqueue_dma source(%arg23 : memref<80x144xf32, #tpu.memory_space<vmem>>) target(%dma_start3A_42 : memref<80x144xf32, #tpu.memory_space<vmem_shared>>) target_semaphore(%run_scoped3A : memref<!tpu.dma_semaphore, #tpu.memory_space<semaphore_mem>>)
      %dma_wait3A = arith.constant 0 : i32
      %dma_wait3A_43 = tpu.memref_slice %arg12[%add3A_18, %dma_wait3A] : memref<10000x144xf32, #tpu.memory_space<vmem_shared>> -> memref<80x144xf32, #tpu.memory_space<vmem_shared>>
      %dma_wait3A_44 = arith.constant 0 : i32
      %dma_wait3A_45 = tpu.memref_slice %arg12[%add3A_18, %dma_wait3A_44] : memref<10000x144xf32, #tpu.memory_space<vmem_shared>> -> memref<80x144xf32, #tpu.memory_space<vmem_shared>>
      tpu.wait_dma2 semaphore(%run_scoped3A : memref<!tpu.dma_semaphore, #tpu.memory_space<semaphore_mem>>) src(%arg23 : memref<80x144xf32, #tpu.memory_space<vmem>>) dst(%dma_wait3A_45 : memref<80x144xf32, #tpu.memory_space<vmem_shared>>)
      tpu.yield
    }) : () -> ()
    %add3A_19 = arith.constant 625 : i32
    %add3A_20 = arith.addi %mul3A_5, %add3A_19 : i32
    %sub3A = arith.constant 65 : i32
    %sub3A_21 = arith.subi %add3A_20, %sub3A : i32
    "tpu.region"() ({
      %run_scoped3A = tpu.sem_alloc : memref<!tpu.dma_semaphore, #tpu.memory_space<semaphore_mem>>
      %dma_start3A = arith.constant 0 : i32
      %dma_start3A_40 = arith.constant 0 : i32
      %dma_start3A_41 = tpu.memref_slice %arg23[%dma_start3A, %dma_start3A_40] : memref<80x144xf32, #tpu.memory_space<vmem>> -> memref<65x144xf32, #tpu.memory_space<vmem>>
      %dma_start3A_42 = arith.constant 0 : i32
      %dma_start3A_43 = tpu.memref_slice %arg12[%sub3A_21, %dma_start3A_42] : memref<10000x144xf32, #tpu.memory_space<vmem_shared>> -> memref<65x144xf32, #tpu.memory_space<vmem_shared>>
      %dma_start3A_44 = arith.constant 0 : i32
      %dma_start3A_45 = tpu.memref_slice %arg12[%sub3A_21, %dma_start3A_44] : memref<10000x144xf32, #tpu.memory_space<vmem_shared>> -> memref<65x144xf32, #tpu.memory_space<vmem_shared>>
      %dma_start3A_46 = arith.constant 0 : i32
      %dma_start3A_47 = arith.constant 0 : i32
      %dma_start3A_48 = tpu.memref_slice %arg23[%dma_start3A_46, %dma_start3A_47] : memref<80x144xf32, #tpu.memory_space<vmem>> -> memref<65x144xf32, #tpu.memory_space<vmem>>
      tpu.enqueue_dma source(%dma_start3A_48 : memref<65x144xf32, #tpu.memory_space<vmem>>) target(%dma_start3A_45 : memref<65x144xf32, #tpu.memory_space<vmem_shared>>) target_semaphore(%run_scoped3A : memref<!tpu.dma_semaphore, #tpu.memory_space<semaphore_mem>>)
      %dma_wait3A = arith.constant 0 : i32
      %dma_wait3A_49 = arith.constant 0 : i32
      %dma_wait3A_50 = tpu.memref_slice %arg23[%dma_wait3A, %dma_wait3A_49] : memref<80x144xf32, #tpu.memory_space<vmem>> -> memref<65x144xf32, #tpu.memory_space<vmem>>
      %dma_wait3A_51 = arith.constant 0 : i32
      %dma_wait3A_52 = tpu.memref_slice %arg12[%sub3A_21, %dma_wait3A_51] : memref<10000x144xf32, #tpu.memory_space<vmem_shared>> -> memref<65x144xf32, #tpu.memory_space<vmem_shared>>
      %dma_wait3A_53 = arith.constant 0 : i32
      %dma_wait3A_54 = tpu.memref_slice %arg12[%sub3A_21, %dma_wait3A_53] : memref<10000x144xf32, #tpu.memory_space<vmem_shared>> -> memref<65x144xf32, #tpu.memory_space<vmem_shared>>
      %dma_wait3A_55 = arith.constant 0 : i32
      %dma_wait3A_56 = arith.constant 0 : i32
      %dma_wait3A_57 = tpu.memref_slice %arg23[%dma_wait3A_55, %dma_wait3A_56] : memref<80x144xf32, #tpu.memory_space<vmem>> -> memref<65x144xf32, #tpu.memory_space<vmem>>
      tpu.wait_dma2 semaphore(%run_scoped3A : memref<!tpu.dma_semaphore, #tpu.memory_space<semaphore_mem>>) src(%dma_wait3A_57 : memref<65x144xf32, #tpu.memory_space<vmem>>) dst(%dma_wait3A_54 : memref<65x144xf32, #tpu.memory_space<vmem_shared>>)
      tpu.yield
    }) : () -> ()
    %barrier3A = arith.constant 0 : index
    tpu.barrier barrier_id(%barrier3A)
    %eq3A = arith.constant 0 : i32
    %eq3A_22 = arith.cmpi eq, %arg0, %eq3A : i32
    %convert_element_type3A = arith.extui %eq3A_22 : i1 to i32
    %cond3A = arith.constant 0 : i32
    %cond3A_23 = arith.cmpi ne, %convert_element_type3A, %cond3A : i32
    scf.if %cond3A_23 {
      %mul3A_40 = arith.constant 20000 : i32
      %mul3A_41 = arith.muli %arg1, %mul3A_40 : i32
      %add3A_42 = arith.constant 0 : i32
      %add3A_43 = arith.addi %mul3A_41, %add3A_42 : i32
      "tpu.region"() ({
        %run_scoped3A = tpu.sem_alloc : memref<!tpu.dma_semaphore, #tpu.memory_space<semaphore_mem>>
        %dma_start3A_66 = tpu.memref_slice %arg6[%add3A_43] : memref<320000xi32, #tpu.memory_space<hbm>> -> memref<80xi32, #tpu.memory_space<hbm>>
        %dma_start3A_67 = tpu.memref_slice %arg6[%add3A_43] : memref<320000xi32, #tpu.memory_space<hbm>> -> memref<80xi32, #tpu.memory_space<hbm>>
        tpu.enqueue_dma source(%dma_start3A_67 : memref<80xi32, #tpu.memory_space<hbm>>) target(%arg13 : memref<80xi32, #tpu.memory_space<vmem>>) target_semaphore(%run_scoped3A : memref<!tpu.dma_semaphore, #tpu.memory_space<semaphore_mem>>)
        %dma_wait3A_68 = tpu.memref_slice %arg6[%add3A_43] : memref<320000xi32, #tpu.memory_space<hbm>> -> memref<80xi32, #tpu.memory_space<hbm>>
        %dma_wait3A_69 = tpu.memref_slice %arg6[%add3A_43] : memref<320000xi32, #tpu.memory_space<hbm>> -> memref<80xi32, #tpu.memory_space<hbm>>
        tpu.wait_dma2 semaphore(%run_scoped3A : memref<!tpu.dma_semaphore, #tpu.memory_space<semaphore_mem>>) src(%dma_wait3A_69 : memref<80xi32, #tpu.memory_space<hbm>>) dst(%arg13 : memref<80xi32, #tpu.memory_space<vmem>>)
        tpu.yield
      }) : () -> ()
      %add3A_44 = arith.constant 0 : i32
      %add3A_45 = arith.addi %mul3A_41, %add3A_44 : i32
      "tpu.region"() ({
        %run_scoped3A = tpu.sem_alloc : memref<!tpu.dma_semaphore, #tpu.memory_space<semaphore_mem>>
        %dma_start3A_66 = tpu.memref_slice %arg7[%add3A_45] : memref<320000xi32, #tpu.memory_space<hbm>> -> memref<80xi32, #tpu.memory_space<hbm>>
        %dma_start3A_67 = tpu.memref_slice %arg7[%add3A_45] : memref<320000xi32, #tpu.memory_space<hbm>> -> memref<80xi32, #tpu.memory_space<hbm>>
        tpu.enqueue_dma source(%dma_start3A_67 : memref<80xi32, #tpu.memory_space<hbm>>) target(%arg15 : memref<80xi32, #tpu.memory_space<vmem>>) target_semaphore(%run_scoped3A : memref<!tpu.dma_semaphore, #tpu.memory_space<semaphore_mem>>)
        %dma_wait3A_68 = tpu.memref_slice %arg7[%add3A_45] : memref<320000xi32, #tpu.memory_space<hbm>> -> memref<80xi32, #tpu.memory_space<hbm>>
        %dma_wait3A_69 = tpu.memref_slice %arg7[%add3A_45] : memref<320000xi32, #tpu.memory_space<hbm>> -> memref<80xi32, #tpu.memory_space<hbm>>
        tpu.wait_dma2 semaphore(%run_scoped3A : memref<!tpu.dma_semaphore, #tpu.memory_space<semaphore_mem>>) src(%dma_wait3A_69 : memref<80xi32, #tpu.memory_space<hbm>>) dst(%arg15 : memref<80xi32, #tpu.memory_space<vmem>>)
        tpu.yield
      }) : () -> ()
      %dma_start3A = arith.constant 0 : i32
      %dma_start3A_46 = arith.constant 0 : i32
      %dma_start3A_47 = tpu.memref_slice %arg2[%dma_start3A, %dma_start3A_46] : memref<10000x80xi32, #tpu.memory_space<hbm>> -> memref<10000x80xi32, #tpu.memory_space<hbm>>
      tpu.enqueue_indirect_dma source(%dma_start3A_47 : memref<10000x80xi32, #tpu.memory_space<hbm>>) target(%arg19 : memref<80x80xi32, #tpu.memory_space<vmem>>) offsets(%arg13 : memref<80xi32, #tpu.memory_space<vmem>>) semaphore(%arg25 : memref<!tpu.dma_semaphore, #tpu.memory_space<semaphore_mem>>)
      %dma_start3A_48 = arith.constant 0 : i32
      %dma_start3A_49 = arith.constant 0 : i32
      %dma_start3A_50 = tpu.memref_slice %arg4[%dma_start3A_48, %dma_start3A_49] : memref<10000x16xf32, #tpu.memory_space<hbm>> -> memref<10000x16xf32, #tpu.memory_space<hbm>>
      tpu.enqueue_indirect_dma source(%dma_start3A_50 : memref<10000x16xf32, #tpu.memory_space<hbm>>) target(%arg21 : memref<80x16xf32, #tpu.memory_space<vmem>>) offsets(%arg15 : memref<80xi32, #tpu.memory_space<vmem>>) semaphore(%arg27 : memref<!tpu.dma_semaphore, #tpu.memory_space<semaphore_mem>>)
      %add3A_51 = arith.constant 80 : i32
      %add3A_52 = arith.addi %mul3A_41, %add3A_51 : i32
      "tpu.region"() ({
        %run_scoped3A = tpu.sem_alloc : memref<!tpu.dma_semaphore, #tpu.memory_space<semaphore_mem>>
        %dma_start3A_66 = tpu.memref_slice %arg6[%add3A_52] : memref<320000xi32, #tpu.memory_space<hbm>> -> memref<80xi32, #tpu.memory_space<hbm>>
        %dma_start3A_67 = tpu.memref_slice %arg6[%add3A_52] : memref<320000xi32, #tpu.memory_space<hbm>> -> memref<80xi32, #tpu.memory_space<hbm>>
        tpu.enqueue_dma source(%dma_start3A_67 : memref<80xi32, #tpu.memory_space<hbm>>) target(%arg14 : memref<80xi32, #tpu.memory_space<vmem>>) target_semaphore(%run_scoped3A : memref<!tpu.dma_semaphore, #tpu.memory_space<semaphore_mem>>)
        %dma_wait3A_68 = tpu.memref_slice %arg6[%add3A_52] : memref<320000xi32, #tpu.memory_space<hbm>> -> memref<80xi32, #tpu.memory_space<hbm>>
        %dma_wait3A_69 = tpu.memref_slice %arg6[%add3A_52] : memref<320000xi32, #tpu.memory_space<hbm>> -> memref<80xi32, #tpu.memory_space<hbm>>
        tpu.wait_dma2 semaphore(%run_scoped3A : memref<!tpu.dma_semaphore, #tpu.memory_space<semaphore_mem>>) src(%dma_wait3A_69 : memref<80xi32, #tpu.memory_space<hbm>>) dst(%arg14 : memref<80xi32, #tpu.memory_space<vmem>>)
        tpu.yield
      }) : () -> ()
      %add3A_53 = arith.constant 80 : i32
      %add3A_54 = arith.addi %mul3A_41, %add3A_53 : i32
      "tpu.region"() ({
        %run_scoped3A = tpu.sem_alloc : memref<!tpu.dma_semaphore, #tpu.memory_space<semaphore_mem>>
        %dma_start3A_66 = tpu.memref_slice %arg7[%add3A_54] : memref<320000xi32, #tpu.memory_space<hbm>> -> memref<80xi32, #tpu.memory_space<hbm>>
        %dma_start3A_67 = tpu.memref_slice %arg7[%add3A_54] : memref<320000xi32, #tpu.memory_space<hbm>> -> memref<80xi32, #tpu.memory_space<hbm>>
        tpu.enqueue_dma source(%dma_start3A_67 : memref<80xi32, #tpu.memory_space<hbm>>) target(%arg16 : memref<80xi32, #tpu.memory_space<vmem>>) target_semaphore(%run_scoped3A : memref<!tpu.dma_semaphore, #tpu.memory_space<semaphore_mem>>)
        %dma_wait3A_68 = tpu.memref_slice %arg7[%add3A_54] : memref<320000xi32, #tpu.memory_space<hbm>> -> memref<80xi32, #tpu.memory_space<hbm>>
        %dma_wait3A_69 = tpu.memref_slice %arg7[%add3A_54] : memref<320000xi32, #tpu.memory_space<hbm>> -> memref<80xi32, #tpu.memory_space<hbm>>
        tpu.wait_dma2 semaphore(%run_scoped3A : memref<!tpu.dma_semaphore, #tpu.memory_space<semaphore_mem>>) src(%dma_wait3A_69 : memref<80xi32, #tpu.memory_space<hbm>>) dst(%arg16 : memref<80xi32, #tpu.memory_space<vmem>>)
        tpu.yield
      }) : () -> ()
      %scan3A_55 = arith.constant 0 : i32
      %scan3A_56 = arith.constant 0 : i32
      %scan3A_57 = arith.constant 125 : i32
      %scan3A_58 = arith.addi %scan3A_56, %scan3A_57 : i32
      %scan3A_59 = arith.constant 1 : i32
      scf.for %scan3A_66 = %scan3A_56 to %scan3A_58 step %scan3A_59  : i32 {
        %gt3A = arith.constant 0 : i32
        %gt3A_67 = arith.cmpi sgt, %scan3A_66, %gt3A : i32
        %convert_element_type3A_68 = arith.extui %gt3A_67 : i1 to i32
        %cond3A_69 = arith.constant 0 : i32
        %cond3A_70 = arith.cmpi ne, %convert_element_type3A_68, %cond3A_69 : i32
        scf.if %cond3A_70 {
          %dma_wait3A_174 = arith.constant 0 : i32
          %dma_wait3A_175 = arith.constant 0 : i32
          %dma_wait3A_176 = tpu.memref_slice %arg12[%dma_wait3A_174, %dma_wait3A_175] : memref<10000x144xf32, #tpu.memory_space<vmem_shared>> -> memref<10000x144xf32, #tpu.memory_space<vmem_shared>>
          tpu.wait_indirect_dma semaphore(%arg29 : memref<!tpu.dma_semaphore, #tpu.memory_space<semaphore_mem>>) src(%arg23 : memref<80x144xf32, #tpu.memory_space<vmem>>) dst(%dma_wait3A_176 : memref<10000x144xf32, #tpu.memory_space<vmem_shared>>)
        } else {
        }
        %dma_wait3A_71 = arith.constant 0 : i32
        %dma_wait3A_72 = arith.constant 0 : i32
        %dma_wait3A_73 = tpu.memref_slice %arg2[%dma_wait3A_71, %dma_wait3A_72] : memref<10000x80xi32, #tpu.memory_space<hbm>> -> memref<10000x80xi32, #tpu.memory_space<hbm>>
        tpu.wait_indirect_dma semaphore(%arg25 : memref<!tpu.dma_semaphore, #tpu.memory_space<semaphore_mem>>) src(%dma_wait3A_73 : memref<10000x80xi32, #tpu.memory_space<hbm>>) dst(%arg19 : memref<80x80xi32, #tpu.memory_space<vmem>>)
        %dma_wait3A_74 = arith.constant 0 : i32
        %dma_wait3A_75 = arith.constant 0 : i32
        %dma_wait3A_76 = tpu.memref_slice %arg4[%dma_wait3A_74, %dma_wait3A_75] : memref<10000x16xf32, #tpu.memory_space<hbm>> -> memref<10000x16xf32, #tpu.memory_space<hbm>>
        tpu.wait_indirect_dma semaphore(%arg27 : memref<!tpu.dma_semaphore, #tpu.memory_space<semaphore_mem>>) src(%dma_wait3A_76 : memref<10000x16xf32, #tpu.memory_space<hbm>>) dst(%arg21 : memref<80x16xf32, #tpu.memory_space<vmem>>)
        %gt3A_77 = arith.constant 0 : i32
        %gt3A_78 = arith.cmpi sgt, %scan3A_66, %gt3A_77 : i32
        %convert_element_type3A_79 = arith.extui %gt3A_78 : i1 to i32
        %cond3A_80 = arith.constant 0 : i32
        %cond3A_81 = arith.cmpi ne, %convert_element_type3A_79, %cond3A_80 : i32
        scf.if %cond3A_81 {
          %mul3A_174 = arith.constant 2 : i32
          %mul3A_175 = arith.muli %mul3A_174, %scan3A_66 : i32
          %add3A_176 = arith.constant 1 : i32
          %add3A_177 = arith.addi %mul3A_175, %add3A_176 : i32
          %mul3A_178 = arith.constant 80 : i32
          %mul3A_179 = arith.muli %add3A_177, %mul3A_178 : i32
          %add3A_180 = arith.addi %mul3A_41, %mul3A_179 : i32
          %dma_wait3A_181 = tpu.memref_slice %arg6[%add3A_180] : memref<320000xi32, #tpu.memory_space<hbm>> -> memref<80xi32, #tpu.memory_space<hbm>>
          %dma_wait3A_182 = tpu.memref_slice %arg6[%add3A_180] : memref<320000xi32, #tpu.memory_space<hbm>> -> memref<80xi32, #tpu.memory_space<hbm>>
          tpu.wait_dma2 semaphore(%arg32 : memref<!tpu.dma_semaphore, #tpu.memory_space<semaphore_mem>>) src(%dma_wait3A_182 : memref<80xi32, #tpu.memory_space<hbm>>) dst(%arg14 : memref<80xi32, #tpu.memory_space<vmem>>)
          %mul3A_183 = arith.constant 80 : i32
          %mul3A_184 = arith.muli %add3A_177, %mul3A_183 : i32
          %add3A_185 = arith.addi %mul3A_41, %mul3A_184 : i32
          %dma_wait3A_186 = tpu.memref_slice %arg7[%add3A_185] : memref<320000xi32, #tpu.memory_space<hbm>> -> memref<80xi32, #tpu.memory_space<hbm>>
          %dma_wait3A_187 = tpu.memref_slice %arg7[%add3A_185] : memref<320000xi32, #tpu.memory_space<hbm>> -> memref<80xi32, #tpu.memory_space<hbm>>
          tpu.wait_dma2 semaphore(%arg34 : memref<!tpu.dma_semaphore, #tpu.memory_space<semaphore_mem>>) src(%dma_wait3A_187 : memref<80xi32, #tpu.memory_space<hbm>>) dst(%arg16 : memref<80xi32, #tpu.memory_space<vmem>>)
        } else {
        }
        %dma_start3A_82 = arith.constant 0 : i32
        %dma_start3A_83 = arith.constant 0 : i32
        %dma_start3A_84 = tpu.memref_slice %arg2[%dma_start3A_82, %dma_start3A_83] : memref<10000x80xi32, #tpu.memory_space<hbm>> -> memref<10000x80xi32, #tpu.memory_space<hbm>>
        tpu.enqueue_indirect_dma source(%dma_start3A_84 : memref<10000x80xi32, #tpu.memory_space<hbm>>) target(%arg20 : memref<80x80xi32, #tpu.memory_space<vmem>>) offsets(%arg14 : memref<80xi32, #tpu.memory_space<vmem>>) semaphore(%arg26 : memref<!tpu.dma_semaphore, #tpu.memory_space<semaphore_mem>>)
        %dma_start3A_85 = arith.constant 0 : i32
        %dma_start3A_86 = arith.constant 0 : i32
        %dma_start3A_87 = tpu.memref_slice %arg4[%dma_start3A_85, %dma_start3A_86] : memref<10000x16xf32, #tpu.memory_space<hbm>> -> memref<10000x16xf32, #tpu.memory_space<hbm>>
        tpu.enqueue_indirect_dma source(%dma_start3A_87 : memref<10000x16xf32, #tpu.memory_space<hbm>>) target(%arg22 : memref<80x16xf32, #tpu.memory_space<vmem>>) offsets(%arg16 : memref<80xi32, #tpu.memory_space<vmem>>) semaphore(%arg28 : memref<!tpu.dma_semaphore, #tpu.memory_space<semaphore_mem>>)
        %get3A = arith.constant 0 : index
        %get3A_88 = tpu.vector_load %arg15[%get3A] {strides = array<i32>} : memref<80xi32, #tpu.memory_space<vmem>>, vector<16xi32>,
        %swap3A = arith.constant 0 : index
        %swap3A_89 = tpu.vector_load %arg17[%swap3A] {strides = array<i32>} : memref<80xi32, #tpu.memory_space<vmem>>, vector<16xi32>,
        tpu.vector_store %arg17[%swap3A], %get3A_88 {strides = array<i32>} : memref<80xi32, #tpu.memory_space<vmem>>, vector<16xi32>,
        %get3A_90 = arith.constant 16 : index
        %get3A_91 = tpu.vector_load %arg15[%get3A_90] {strides = array<i32>} : memref<80xi32, #tpu.memory_space<vmem>>, vector<16xi32>,
        %swap3A_92 = arith.constant 16 : index
        %swap3A_93 = tpu.vector_load %arg17[%swap3A_92] {strides = array<i32>} : memref<80xi32, #tpu.memory_space<vmem>>, vector<16xi32>,
        tpu.vector_store %arg17[%swap3A_92], %get3A_91 {strides = array<i32>} : memref<80xi32, #tpu.memory_space<vmem>>, vector<16xi32>,
        %get3A_94 = arith.constant 32 : index
        %get3A_95 = tpu.vector_load %arg15[%get3A_94] {strides = array<i32>} : memref<80xi32, #tpu.memory_space<vmem>>, vector<16xi32>,
        %swap3A_96 = arith.constant 32 : index
        %swap3A_97 = tpu.vector_load %arg17[%swap3A_96] {strides = array<i32>} : memref<80xi32, #tpu.memory_space<vmem>>, vector<16xi32>,
        tpu.vector_store %arg17[%swap3A_96], %get3A_95 {strides = array<i32>} : memref<80xi32, #tpu.memory_space<vmem>>, vector<16xi32>,
        %get3A_98 = arith.constant 48 : index
        %get3A_99 = tpu.vector_load %arg15[%get3A_98] {strides = array<i32>} : memref<80xi32, #tpu.memory_space<vmem>>, vector<16xi32>,
        %swap3A_100 = arith.constant 48 : index
        %swap3A_101 = tpu.vector_load %arg17[%swap3A_100] {strides = array<i32>} : memref<80xi32, #tpu.memory_space<vmem>>, vector<16xi32>,
        tpu.vector_store %arg17[%swap3A_100], %get3A_99 {strides = array<i32>} : memref<80xi32, #tpu.memory_space<vmem>>, vector<16xi32>,
        %get3A_102 = arith.constant 64 : index
        %get3A_103 = tpu.vector_load %arg15[%get3A_102] {strides = array<i32>} : memref<80xi32, #tpu.memory_space<vmem>>, vector<16xi32>,
        %swap3A_104 = arith.constant 64 : index
        %swap3A_105 = tpu.vector_load %arg17[%swap3A_104] {strides = array<i32>} : memref<80xi32, #tpu.memory_space<vmem>>, vector<16xi32>,
        tpu.vector_store %arg17[%swap3A_104], %get3A_103 {strides = array<i32>} : memref<80xi32, #tpu.memory_space<vmem>>, vector<16xi32>,
        %iota3A = tpu.iota {dimensions = array<i32: 0>} : vector<16xi32>
        %lt3A = arith.constant 8 : i32
        %lt3A_106 = vector.broadcast %lt3A : i32 to vector<16xi32>
        %lt3A_107 = arith.cmpi slt, %iota3A, %lt3A_106 : vector<16xi32>
        %parallel_loop3A = arith.constant 0 : i32
        %parallel_loop3A_108 = arith.constant 80 : i32
        %parallel_loop3A_109 = arith.constant 1 : i32
        scf.for %parallel_loop3A_174 = %parallel_loop3A to %parallel_loop3A_108 step %parallel_loop3A_109  : i32 {
          %parallel_loop3A_175 = arith.index_cast %parallel_loop3A_174 : i32 to index
          %parallel_loop3A_176 = arith.constant 64 : index
          %parallel_loop3A_177 = tpu.vector_load %arg19[%parallel_loop3A_175, %parallel_loop3A_176] {strides = array<i32>} : memref<80x80xi32, #tpu.memory_space<vmem>>, vector<16xi32>,
          %parallel_loop3A_178 = arith.constant 16 : i32
          %parallel_loop3A_179 = vector.broadcast %parallel_loop3A_178 : i32 to vector<16xi32>
          %parallel_loop3A_180 = arith.shli %parallel_loop3A_177, %parallel_loop3A_179 : vector<16xi32>
          %parallel_loop3A_181 = vector.bitcast %parallel_loop3A_180 : vector<16xi32> to vector<16xf32>
          %parallel_loop3A_182 = arith.constant -65536 : i32
          %parallel_loop3A_183 = vector.broadcast %parallel_loop3A_182 : i32 to vector<16xi32>
          %parallel_loop3A_184 = arith.andi %parallel_loop3A_177, %parallel_loop3A_183 : vector<16xi32>
          %parallel_loop3A_185 = vector.bitcast %parallel_loop3A_184 : vector<16xi32> to vector<16xf32>
          %parallel_loop3A_186 = arith.index_cast %parallel_loop3A_174 : i32 to index
          %parallel_loop3A_187 = arith.constant 0 : index
          %parallel_loop3A_188 = tpu.vector_load %arg21[%parallel_loop3A_186, %parallel_loop3A_187] {strides = array<i32>} : memref<80x16xf32, #tpu.memory_space<vmem>>, vector<16xf32>,
          %parallel_loop3A_189 = arith.addf %parallel_loop3A_181, %parallel_loop3A_188 : vector<16xf32>
          %parallel_loop3A_190 = arith.constant 2.000000e-01 : f32
          %parallel_loop3A_191 = vector.broadcast %parallel_loop3A_190 : f32 to vector<16xf32>
          %parallel_loop3A_192 = arith.mulf %parallel_loop3A_189, %parallel_loop3A_191 : vector<16xf32>
          %parallel_loop3A_193 = arith.maximumf %parallel_loop3A_189, %parallel_loop3A_192 : vector<16xf32>
          %parallel_loop3A_194 = math.exp %parallel_loop3A_193 : vector<16xf32>
          %parallel_loop3A_195 = arith.index_cast %parallel_loop3A_174 : i32 to index
          %parallel_loop3A_196 = arith.constant 128 : index
          %parallel_loop3A_197 = tpu.vector_load %arg23[%parallel_loop3A_195, %parallel_loop3A_196] {strides = array<i32>} : memref<80x144xf32, #tpu.memory_space<vmem>>, vector<16xf32>,
          tpu.vector_store %arg23[%parallel_loop3A_195, %parallel_loop3A_196], %parallel_loop3A_194 {strides = array<i32>} : memref<80x144xf32, #tpu.memory_space<vmem>>, vector<16xf32>,
          %parallel_loop3A_198 = arith.index_cast %parallel_loop3A_174 : i32 to index
          %parallel_loop3A_199 = arith.constant 0 : index
          %parallel_loop3A_200 = tpu.vector_load %arg19[%parallel_loop3A_198, %parallel_loop3A_199] {strides = array<i32>} : memref<80x80xi32, #tpu.memory_space<vmem>>, vector<16xi32>,
          %parallel_loop3A_201 = arith.constant 16 : i32
          %parallel_loop3A_202 = vector.broadcast %parallel_loop3A_201 : i32 to vector<16xi32>
          %parallel_loop3A_203 = arith.shli %parallel_loop3A_200, %parallel_loop3A_202 : vector<16xi32>
          %parallel_loop3A_204 = vector.bitcast %parallel_loop3A_203 : vector<16xi32> to vector<16xf32>
          %parallel_loop3A_205 = arith.constant -65536 : i32
          %parallel_loop3A_206 = vector.broadcast %parallel_loop3A_205 : i32 to vector<16xi32>
          %parallel_loop3A_207 = arith.andi %parallel_loop3A_200, %parallel_loop3A_206 : vector<16xi32>
          %parallel_loop3A_208 = vector.bitcast %parallel_loop3A_207 : vector<16xi32> to vector<16xf32>
          %parallel_loop3A_209 = arith.constant 0 : i32
          %parallel_loop3A_210 = arith.constant 1 : i32
          %parallel_loop3A_211 = vector.broadcast %parallel_loop3A_209 : i32 to vector<16xi32>
          %parallel_loop3A_212 = vector.broadcast %parallel_loop3A_210 : i32 to vector<16xi32>
          %parallel_loop3A_213 = arith.select %lt3A_107, %parallel_loop3A_211, %parallel_loop3A_212 : vector<16xi1>, vector<16xi32>
          %parallel_loop3A_214 = vector.shape_cast %parallel_loop3A_213 : vector<16xi32> to vector<16x1xi32>
          %parallel_loop3A_215 = vector.shape_cast %parallel_loop3A_214 : vector<16x1xi32> to vector<16xi32>
          %parallel_loop3A_216 = tpu.dynamic_gather %parallel_loop3A_194[%parallel_loop3A_215] in [0] : vector<16xf32>, vector<16xi32> -> vector<16xf32>
          %parallel_loop3A_217 = arith.mulf %parallel_loop3A_204, %parallel_loop3A_216 : vector<16xf32>
          %parallel_loop3A_218 = arith.index_cast %parallel_loop3A_174 : i32 to index
          %parallel_loop3A_219 = arith.constant 0 : index
          %parallel_loop3A_220 = tpu.vector_load %arg23[%parallel_loop3A_218, %parallel_loop3A_219] {strides = array<i32>} : memref<80x144xf32, #tpu.memory_space<vmem>>, vector<16xf32>,
          tpu.vector_store %arg23[%parallel_loop3A_218, %parallel_loop3A_219], %parallel_loop3A_217 {strides = array<i32>} : memref<80x144xf32, #tpu.memory_space<vmem>>, vector<16xf32>,
          %parallel_loop3A_221 = arith.mulf %parallel_loop3A_208, %parallel_loop3A_216 : vector<16xf32>
          %parallel_loop3A_222 = arith.index_cast %parallel_loop3A_174 : i32 to index
          %parallel_loop3A_223 = arith.constant 16 : index
          %parallel_loop3A_224 = tpu.vector_load %arg23[%parallel_loop3A_222, %parallel_loop3A_223] {strides = array<i32>} : memref<80x144xf32, #tpu.memory_space<vmem>>, vector<16xf32>,
          tpu.vector_store %arg23[%parallel_loop3A_222, %parallel_loop3A_223], %parallel_loop3A_221 {strides = array<i32>} : memref<80x144xf32, #tpu.memory_space<vmem>>, vector<16xf32>,
          %parallel_loop3A_225 = arith.index_cast %parallel_loop3A_174 : i32 to index
          %parallel_loop3A_226 = arith.constant 16 : index
          %parallel_loop3A_227 = tpu.vector_load %arg19[%parallel_loop3A_225, %parallel_loop3A_226] {strides = array<i32>} : memref<80x80xi32, #tpu.memory_space<vmem>>, vector<16xi32>,
          %parallel_loop3A_228 = arith.constant 16 : i32
          %parallel_loop3A_229 = vector.broadcast %parallel_loop3A_228 : i32 to vector<16xi32>
          %parallel_loop3A_230 = arith.shli %parallel_loop3A_227, %parallel_loop3A_229 : vector<16xi32>
          %parallel_loop3A_231 = vector.bitcast %parallel_loop3A_230 : vector<16xi32> to vector<16xf32>
          %parallel_loop3A_232 = arith.constant -65536 : i32
          %parallel_loop3A_233 = vector.broadcast %parallel_loop3A_232 : i32 to vector<16xi32>
          %parallel_loop3A_234 = arith.andi %parallel_loop3A_227, %parallel_loop3A_233 : vector<16xi32>
          %parallel_loop3A_235 = vector.bitcast %parallel_loop3A_234 : vector<16xi32> to vector<16xf32>
          %parallel_loop3A_236 = arith.constant 2 : i32
          %parallel_loop3A_237 = arith.constant 3 : i32
          %parallel_loop3A_238 = vector.broadcast %parallel_loop3A_236 : i32 to vector<16xi32>
          %parallel_loop3A_239 = vector.broadcast %parallel_loop3A_237 : i32 to vector<16xi32>
          %parallel_loop3A_240 = arith.select %lt3A_107, %parallel_loop3A_238, %parallel_loop3A_239 : vector<16xi1>, vector<16xi32>
          %parallel_loop3A_241 = vector.shape_cast %parallel_loop3A_240 : vector<16xi32> to vector<16x1xi32>
          %parallel_loop3A_242 = vector.shape_cast %parallel_loop3A_241 : vector<16x1xi32> to vector<16xi32>
          %parallel_loop3A_243 = tpu.dynamic_gather %parallel_loop3A_194[%parallel_loop3A_242] in [0] : vector<16xf32>, vector<16xi32> -> vector<16xf32>
          %parallel_loop3A_244 = arith.mulf %parallel_loop3A_231, %parallel_loop3A_243 : vector<16xf32>
          %parallel_loop3A_245 = arith.index_cast %parallel_loop3A_174 : i32 to index
          %parallel_loop3A_246 = arith.constant 32 : index
          %parallel_loop3A_247 = tpu.vector_load %arg23[%parallel_loop3A_245, %parallel_loop3A_246] {strides = array<i32>} : memref<80x144xf32, #tpu.memory_space<vmem>>, vector<16xf32>,
          tpu.vector_store %arg23[%parallel_loop3A_245, %parallel_loop3A_246], %parallel_loop3A_244 {strides = array<i32>} : memref<80x144xf32, #tpu.memory_space<vmem>>, vector<16xf32>,
          %parallel_loop3A_248 = arith.mulf %parallel_loop3A_235, %parallel_loop3A_243 : vector<16xf32>
          %parallel_loop3A_249 = arith.index_cast %parallel_loop3A_174 : i32 to index
          %parallel_loop3A_250 = arith.constant 48 : index
          %parallel_loop3A_251 = tpu.vector_load %arg23[%parallel_loop3A_249, %parallel_loop3A_250] {strides = array<i32>} : memref<80x144xf32, #tpu.memory_space<vmem>>, vector<16xf32>,
          tpu.vector_store %arg23[%parallel_loop3A_249, %parallel_loop3A_250], %parallel_loop3A_248 {strides = array<i32>} : memref<80x144xf32, #tpu.memory_space<vmem>>, vector<16xf32>,
          %parallel_loop3A_252 = arith.index_cast %parallel_loop3A_174 : i32 to index
          %parallel_loop3A_253 = arith.constant 32 : index
          %parallel_loop3A_254 = tpu.vector_load %arg19[%parallel_loop3A_252, %parallel_loop3A_253] {strides = array<i32>} : memref<80x80xi32, #tpu.memory_space<vmem>>, vector<16xi32>,
          %parallel_loop3A_255 = arith.constant 16 : i32
          %parallel_loop3A_256 = vector.broadcast %parallel_loop3A_255 : i32 to vector<16xi32>
          %parallel_loop3A_257 = arith.shli %parallel_loop3A_254, %parallel_loop3A_256 : vector<16xi32>
          %parallel_loop3A_258 = vector.bitcast %parallel_loop3A_257 : vector<16xi32> to vector<16xf32>
          %parallel_loop3A_259 = arith.constant -65536 : i32
          %parallel_loop3A_260 = vector.broadcast %parallel_loop3A_259 : i32 to vector<16xi32>
          %parallel_loop3A_261 = arith.andi %parallel_loop3A_254, %parallel_loop3A_260 : vector<16xi32>
          %parallel_loop3A_262 = vector.bitcast %parallel_loop3A_261 : vector<16xi32> to vector<16xf32>
          %parallel_loop3A_263 = arith.constant 4 : i32
          %parallel_loop3A_264 = arith.constant 5 : i32
          %parallel_loop3A_265 = vector.broadcast %parallel_loop3A_263 : i32 to vector<16xi32>
          %parallel_loop3A_266 = vector.broadcast %parallel_loop3A_264 : i32 to vector<16xi32>
          %parallel_loop3A_267 = arith.select %lt3A_107, %parallel_loop3A_265, %parallel_loop3A_266 : vector<16xi1>, vector<16xi32>
          %parallel_loop3A_268 = vector.shape_cast %parallel_loop3A_267 : vector<16xi32> to vector<16x1xi32>
          %parallel_loop3A_269 = vector.shape_cast %parallel_loop3A_268 : vector<16x1xi32> to vector<16xi32>
          %parallel_loop3A_270 = tpu.dynamic_gather %parallel_loop3A_194[%parallel_loop3A_269] in [0] : vector<16xf32>, vector<16xi32> -> vector<16xf32>
          %parallel_loop3A_271 = arith.mulf %parallel_loop3A_258, %parallel_loop3A_270 : vector<16xf32>
          %parallel_loop3A_272 = arith.index_cast %parallel_loop3A_174 : i32 to index
          %parallel_loop3A_273 = arith.constant 64 : index
          %parallel_loop3A_274 = tpu.vector_load %arg23[%parallel_loop3A_272, %parallel_loop3A_273] {strides = array<i32>} : memref<80x144xf32, #tpu.memory_space<vmem>>, vector<16xf32>,
          tpu.vector_store %arg23[%parallel_loop3A_272, %parallel_loop3A_273], %parallel_loop3A_271 {strides = array<i32>} : memref<80x144xf32, #tpu.memory_space<vmem>>, vector<16xf32>,
          %parallel_loop3A_275 = arith.mulf %parallel_loop3A_262, %parallel_loop3A_270 : vector<16xf32>
          %parallel_loop3A_276 = arith.index_cast %parallel_loop3A_174 : i32 to index
          %parallel_loop3A_277 = arith.constant 80 : index
          %parallel_loop3A_278 = tpu.vector_load %arg23[%parallel_loop3A_276, %parallel_loop3A_277] {strides = array<i32>} : memref<80x144xf32, #tpu.memory_space<vmem>>, vector<16xf32>,
          tpu.vector_store %arg23[%parallel_loop3A_276, %parallel_loop3A_277], %parallel_loop3A_275 {strides = array<i32>} : memref<80x144xf32, #tpu.memory_space<vmem>>, vector<16xf32>,
          %parallel_loop3A_279 = arith.index_cast %parallel_loop3A_174 : i32 to index
          %parallel_loop3A_280 = arith.constant 48 : index
          %parallel_loop3A_281 = tpu.vector_load %arg19[%parallel_loop3A_279, %parallel_loop3A_280] {strides = array<i32>} : memref<80x80xi32, #tpu.memory_space<vmem>>, vector<16xi32>,
          %parallel_loop3A_282 = arith.constant 16 : i32
          %parallel_loop3A_283 = vector.broadcast %parallel_loop3A_282 : i32 to vector<16xi32>
          %parallel_loop3A_284 = arith.shli %parallel_loop3A_281, %parallel_loop3A_283 : vector<16xi32>
          %parallel_loop3A_285 = vector.bitcast %parallel_loop3A_284 : vector<16xi32> to vector<16xf32>
          %parallel_loop3A_286 = arith.constant -65536 : i32
          %parallel_loop3A_287 = vector.broadcast %parallel_loop3A_286 : i32 to vector<16xi32>
          %parallel_loop3A_288 = arith.andi %parallel_loop3A_281, %parallel_loop3A_287 : vector<16xi32>
          %parallel_loop3A_289 = vector.bitcast %parallel_loop3A_288 : vector<16xi32> to vector<16xf32>
          %parallel_loop3A_290 = arith.constant 6 : i32
          %parallel_loop3A_291 = arith.constant 7 : i32
          %parallel_loop3A_292 = vector.broadcast %parallel_loop3A_290 : i32 to vector<16xi32>
          %parallel_loop3A_293 = vector.broadcast %parallel_loop3A_291 : i32 to vector<16xi32>
          %parallel_loop3A_294 = arith.select %lt3A_107, %parallel_loop3A_292, %parallel_loop3A_293 : vector<16xi1>, vector<16xi32>
          %parallel_loop3A_295 = vector.shape_cast %parallel_loop3A_294 : vector<16xi32> to vector<16x1xi32>
          %parallel_loop3A_296 = vector.shape_cast %parallel_loop3A_295 : vector<16x1xi32> to vector<16xi32>
          %parallel_loop3A_297 = tpu.dynamic_gather %parallel_loop3A_194[%parallel_loop3A_296] in [0] : vector<16xf32>, vector<16xi32> -> vector<16xf32>
          %parallel_loop3A_298 = arith.mulf %parallel_loop3A_285, %parallel_loop3A_297 : vector<16xf32>
          %parallel_loop3A_299 = arith.index_cast %parallel_loop3A_174 : i32 to index
          %parallel_loop3A_300 = arith.constant 96 : index
          %parallel_loop3A_301 = tpu.vector_load %arg23[%parallel_loop3A_299, %parallel_loop3A_300] {strides = array<i32>} : memref<80x144xf32, #tpu.memory_space<vmem>>, vector<16xf32>,
          tpu.vector_store %arg23[%parallel_loop3A_299, %parallel_loop3A_300], %parallel_loop3A_298 {strides = array<i32>} : memref<80x144xf32, #tpu.memory_space<vmem>>, vector<16xf32>,
          %parallel_loop3A_302 = arith.mulf %parallel_loop3A_289, %parallel_loop3A_297 : vector<16xf32>
          %parallel_loop3A_303 = arith.index_cast %parallel_loop3A_174 : i32 to index
          %parallel_loop3A_304 = arith.constant 112 : index
          %parallel_loop3A_305 = tpu.vector_load %arg23[%parallel_loop3A_303, %parallel_loop3A_304] {strides = array<i32>} : memref<80x144xf32, #tpu.memory_space<vmem>>, vector<16xf32>,
          tpu.vector_store %arg23[%parallel_loop3A_303, %parallel_loop3A_304], %parallel_loop3A_302 {strides = array<i32>} : memref<80x144xf32, #tpu.memory_space<vmem>>, vector<16xf32>,
        } {sc.loop_unroll_factor = 4 : i64, sc.parallel_access}
        %dma_start3A_110 = arith.constant 0 : i32
        %dma_start3A_111 = arith.constant 0 : i32
        %dma_start3A_112 = tpu.memref_slice %arg12[%dma_start3A_110, %dma_start3A_111] : memref<10000x144xf32, #tpu.memory_space<vmem_shared>> -> memref<10000x144xf32, #tpu.memory_space<vmem_shared>>
        tpu.enqueue_indirect_dma source(%arg23 : memref<80x144xf32, #tpu.memory_space<vmem>>) target(%dma_start3A_112 : memref<10000x144xf32, #tpu.memory_space<vmem_shared>>) offsets(%arg17 : memref<80xi32, #tpu.memory_space<vmem>>) semaphore(%arg29 : memref<!tpu.dma_semaphore, #tpu.memory_space<semaphore_mem>>) {add = true}
        %lt3A_113 = arith.constant 124 : i32
        %lt3A_114 = arith.cmpi slt, %scan3A_66, %lt3A_113 : i32
        %convert_element_type3A_115 = arith.extui %lt3A_114 : i1 to i32
        %cond3A_116 = arith.constant 0 : i32
        %cond3A_117 = arith.cmpi ne, %convert_element_type3A_115, %cond3A_116 : i32
        scf.if %cond3A_117 {
          %mul3A_174 = arith.constant 2 : i32
          %mul3A_175 = arith.muli %mul3A_174, %scan3A_66 : i32
          %add3A_176 = arith.constant 2 : i32
          %add3A_177 = arith.addi %mul3A_175, %add3A_176 : i32
          %mul3A_178 = arith.constant 80 : i32
          %mul3A_179 = arith.muli %add3A_177, %mul3A_178 : i32
          %add3A_180 = arith.addi %mul3A_41, %mul3A_179 : i32
          %dma_start3A_181 = tpu.memref_slice %arg6[%add3A_180] : memref<320000xi32, #tpu.memory_space<hbm>> -> memref<80xi32, #tpu.memory_space<hbm>>
          %dma_start3A_182 = tpu.memref_slice %arg6[%add3A_180] : memref<320000xi32, #tpu.memory_space<hbm>> -> memref<80xi32, #tpu.memory_space<hbm>>
          tpu.enqueue_dma source(%dma_start3A_182 : memref<80xi32, #tpu.memory_space<hbm>>) target(%arg13 : memref<80xi32, #tpu.memory_space<vmem>>) target_semaphore(%arg31 : memref<!tpu.dma_semaphore, #tpu.memory_space<semaphore_mem>>)
          %mul3A_183 = arith.constant 80 : i32
          %mul3A_184 = arith.muli %add3A_177, %mul3A_183 : i32
          %add3A_185 = arith.addi %mul3A_41, %mul3A_184 : i32
          %dma_start3A_186 = tpu.memref_slice %arg7[%add3A_185] : memref<320000xi32, #tpu.memory_space<hbm>> -> memref<80xi32, #tpu.memory_space<hbm>>
          %dma_start3A_187 = tpu.memref_slice %arg7[%add3A_185] : memref<320000xi32, #tpu.memory_space<hbm>> -> memref<80xi32, #tpu.memory_space<hbm>>
          tpu.enqueue_dma source(%dma_start3A_187 : memref<80xi32, #tpu.memory_space<hbm>>) target(%arg15 : memref<80xi32, #tpu.memory_space<vmem>>) target_semaphore(%arg33 : memref<!tpu.dma_semaphore, #tpu.memory_space<semaphore_mem>>)
        } else {
        }
        %gt3A_118 = arith.constant 0 : i32
        %gt3A_119 = arith.cmpi sgt, %scan3A_66, %gt3A_118 : i32
        %convert_element_type3A_120 = arith.extui %gt3A_119 : i1 to i32
        %cond3A_121 = arith.constant 0 : i32
        %cond3A_122 = arith.cmpi ne, %convert_element_type3A_120, %cond3A_121 : i32
        scf.if %cond3A_122 {
          %dma_wait3A_174 = arith.constant 0 : i32
          %dma_wait3A_175 = arith.constant 0 : i32
          %dma_wait3A_176 = tpu.memref_slice %arg12[%dma_wait3A_174, %dma_wait3A_175] : memref<10000x144xf32, #tpu.memory_space<vmem_shared>> -> memref<10000x144xf32, #tpu.memory_space<vmem_shared>>
          tpu.wait_indirect_dma semaphore(%arg30 : memref<!tpu.dma_semaphore, #tpu.memory_space<semaphore_mem>>) src(%arg24 : memref<80x144xf32, #tpu.memory_space<vmem>>) dst(%dma_wait3A_176 : memref<10000x144xf32, #tpu.memory_space<vmem_shared>>)
        } else {
        }
        %dma_wait3A_123 = arith.constant 0 : i32
        %dma_wait3A_124 = arith.constant 0 : i32
        %dma_wait3A_125 = tpu.memref_slice %arg2[%dma_wait3A_123, %dma_wait3A_124] : memref<10000x80xi32, #tpu.memory_space<hbm>> -> memref<10000x80xi32, #tpu.memory_space<hbm>>
        tpu.wait_indirect_dma semaphore(%arg26 : memref<!tpu.dma_semaphore, #tpu.memory_space<semaphore_mem>>) src(%dma_wait3A_125 : memref<10000x80xi32, #tpu.memory_space<hbm>>) dst(%arg20 : memref<80x80xi32, #tpu.memory_space<vmem>>)
        %dma_wait3A_126 = arith.constant 0 : i32
        %dma_wait3A_127 = arith.constant 0 : i32
        %dma_wait3A_128 = tpu.memref_slice %arg4[%dma_wait3A_126, %dma_wait3A_127] : memref<10000x16xf32, #tpu.memory_space<hbm>> -> memref<10000x16xf32, #tpu.memory_space<hbm>>
        tpu.wait_indirect_dma semaphore(%arg28 : memref<!tpu.dma_semaphore, #tpu.memory_space<semaphore_mem>>) src(%dma_wait3A_128 : memref<10000x16xf32, #tpu.memory_space<hbm>>) dst(%arg22 : memref<80x16xf32, #tpu.memory_space<vmem>>)
        %lt3A_129 = arith.constant 124 : i32
        %lt3A_130 = arith.cmpi slt, %scan3A_66, %lt3A_129 : i32
        %convert_element_type3A_131 = arith.extui %lt3A_130 : i1 to i32
        %cond3A_132 = arith.constant 0 : i32
        %cond3A_133 = arith.cmpi ne, %convert_element_type3A_131, %cond3A_132 : i32
        scf.if %cond3A_133 {
          %mul3A_174 = arith.constant 2 : i32
          %mul3A_175 = arith.muli %mul3A_174, %scan3A_66 : i32
          %add3A_176 = arith.constant 2 : i32
          %add3A_177 = arith.addi %mul3A_175, %add3A_176 : i32
          %mul3A_178 = arith.constant 80 : i32
          %mul3A_179 = arith.muli %add3A_177, %mul3A_178 : i32
          %add3A_180 = arith.addi %mul3A_41, %mul3A_179 : i32
          %dma_wait3A_181 = tpu.memref_slice %arg6[%add3A_180] : memref<320000xi32, #tpu.memory_space<hbm>> -> memref<80xi32, #tpu.memory_space<hbm>>
          %dma_wait3A_182 = tpu.memref_slice %arg6[%add3A_180] : memref<320000xi32, #tpu.memory_space<hbm>> -> memref<80xi32, #tpu.memory_space<hbm>>
          tpu.wait_dma2 semaphore(%arg31 : memref<!tpu.dma_semaphore, #tpu.memory_space<semaphore_mem>>) src(%dma_wait3A_182 : memref<80xi32, #tpu.memory_space<hbm>>) dst(%arg13 : memref<80xi32, #tpu.memory_space<vmem>>)
          %mul3A_183 = arith.constant 80 : i32
          %mul3A_184 = arith.muli %add3A_177, %mul3A_183 : i32
          %add3A_185 = arith.addi %mul3A_41, %mul3A_184 : i32
          %dma_wait3A_186 = tpu.memref_slice %arg7[%add3A_185] : memref<320000xi32, #tpu.memory_space<hbm>> -> memref<80xi32, #tpu.memory_space<hbm>>
          %dma_wait3A_187 = tpu.memref_slice %arg7[%add3A_185] : memref<320000xi32, #tpu.memory_space<hbm>> -> memref<80xi32, #tpu.memory_space<hbm>>
          tpu.wait_dma2 semaphore(%arg33 : memref<!tpu.dma_semaphore, #tpu.memory_space<semaphore_mem>>) src(%dma_wait3A_187 : memref<80xi32, #tpu.memory_space<hbm>>) dst(%arg15 : memref<80xi32, #tpu.memory_space<vmem>>)
        } else {
        }
        %lt3A_134 = arith.constant 124 : i32
        %lt3A_135 = arith.cmpi slt, %scan3A_66, %lt3A_134 : i32
        %convert_element_type3A_136 = arith.extui %lt3A_135 : i1 to i32
        %cond3A_137 = arith.constant 0 : i32
        %cond3A_138 = arith.cmpi ne, %convert_element_type3A_136, %cond3A_137 : i32
        scf.if %cond3A_138 {
          %dma_start3A_174 = arith.constant 0 : i32
          %dma_start3A_175 = arith.constant 0 : i32
          %dma_start3A_176 = tpu.memref_slice %arg2[%dma_start3A_174, %dma_start3A_175] : memref<10000x80xi32, #tpu.memory_space<hbm>> -> memref<10000x80xi32, #tpu.memory_space<hbm>>
          tpu.enqueue_indirect_dma source(%dma_start3A_176 : memref<10000x80xi32, #tpu.memory_space<hbm>>) target(%arg19 : memref<80x80xi32, #tpu.memory_space<vmem>>) offsets(%arg13 : memref<80xi32, #tpu.memory_space<vmem>>) semaphore(%arg25 : memref<!tpu.dma_semaphore, #tpu.memory_space<semaphore_mem>>)
          %dma_start3A_177 = arith.constant 0 : i32
          %dma_start3A_178 = arith.constant 0 : i32
          %dma_start3A_179 = tpu.memref_slice %arg4[%dma_start3A_177, %dma_start3A_178] : memref<10000x16xf32, #tpu.memory_space<hbm>> -> memref<10000x16xf32, #tpu.memory_space<hbm>>
          tpu.enqueue_indirect_dma source(%dma_start3A_179 : memref<10000x16xf32, #tpu.memory_space<hbm>>) target(%arg21 : memref<80x16xf32, #tpu.memory_space<vmem>>) offsets(%arg15 : memref<80xi32, #tpu.memory_space<vmem>>) semaphore(%arg27 : memref<!tpu.dma_semaphore, #tpu.memory_space<semaphore_mem>>)
        } else {
        }
        %get3A_139 = arith.constant 0 : index
        %get3A_140 = tpu.vector_load %arg16[%get3A_139] {strides = array<i32>} : memref<80xi32, #tpu.memory_space<vmem>>, vector<16xi32>,
        %swap3A_141 = arith.constant 0 : index
        %swap3A_142 = tpu.vector_load %arg18[%swap3A_141] {strides = array<i32>} : memref<80xi32, #tpu.memory_space<vmem>>, vector<16xi32>,
        tpu.vector_store %arg18[%swap3A_141], %get3A_140 {strides = array<i32>} : memref<80xi32, #tpu.memory_space<vmem>>, vector<16xi32>,
        %get3A_143 = arith.constant 16 : index
        %get3A_144 = tpu.vector_load %arg16[%get3A_143] {strides = array<i32>} : memref<80xi32, #tpu.memory_space<vmem>>, vector<16xi32>,
        %swap3A_145 = arith.constant 16 : index
        %swap3A_146 = tpu.vector_load %arg18[%swap3A_145] {strides = array<i32>} : memref<80xi32, #tpu.memory_space<vmem>>, vector<16xi32>,
        tpu.vector_store %arg18[%swap3A_145], %get3A_144 {strides = array<i32>} : memref<80xi32, #tpu.memory_space<vmem>>, vector<16xi32>,
        %get3A_147 = arith.constant 32 : index
        %get3A_148 = tpu.vector_load %arg16[%get3A_147] {strides = array<i32>} : memref<80xi32, #tpu.memory_space<vmem>>, vector<16xi32>,
        %swap3A_149 = arith.constant 32 : index
        %swap3A_150 = tpu.vector_load %arg18[%swap3A_149] {strides = array<i32>} : memref<80xi32, #tpu.memory_space<vmem>>, vector<16xi32>,
        tpu.vector_store %arg18[%swap3A_149], %get3A_148 {strides = array<i32>} : memref<80xi32, #tpu.memory_space<vmem>>, vector<16xi32>,
        %get3A_151 = arith.constant 48 : index
        %get3A_152 = tpu.vector_load %arg16[%get3A_151] {strides = array<i32>} : memref<80xi32, #tpu.memory_space<vmem>>, vector<16xi32>,
        %swap3A_153 = arith.constant 48 : index
        %swap3A_154 = tpu.vector_load %arg18[%swap3A_153] {strides = array<i32>} : memref<80xi32, #tpu.memory_space<vmem>>, vector<16xi32>,
        tpu.vector_store %arg18[%swap3A_153], %get3A_152 {strides = array<i32>} : memref<80xi32, #tpu.memory_space<vmem>>, vector<16xi32>,
        %get3A_155 = arith.constant 64 : index
        %get3A_156 = tpu.vector_load %arg16[%get3A_155] {strides = array<i32>} : memref<80xi32, #tpu.memory_space<vmem>>, vector<16xi32>,
        %swap3A_157 = arith.constant 64 : index
        %swap3A_158 = tpu.vector_load %arg18[%swap3A_157] {strides = array<i32>} : memref<80xi32, #tpu.memory_space<vmem>>, vector<16xi32>,
        tpu.vector_store %arg18[%swap3A_157], %get3A_156 {strides = array<i32>} : memref<80xi32, #tpu.memory_space<vmem>>, vector<16xi32>,
        %iota3A_159 = tpu.iota {dimensions = array<i32: 0>} : vector<16xi32>
        %lt3A_160 = arith.constant 8 : i32
        %lt3A_161 = vector.broadcast %lt3A_160 : i32 to vector<16xi32>
        %lt3A_162 = arith.cmpi slt, %iota3A_159, %lt3A_161 : vector<16xi32>
        %parallel_loop3A_163 = arith.constant 0 : i32
        %parallel_loop3A_164 = arith.constant 80 : i32
        %parallel_loop3A_165 = arith.constant 1 : i32
        scf.for %parallel_loop3A_174 = %parallel_loop3A_163 to %parallel_loop3A_164 step %parallel_loop3A_165  : i32 {
          %parallel_loop3A_175 = arith.index_cast %parallel_loop3A_174 : i32 to index
          %parallel_loop3A_176 = arith.constant 64 : index
          %parallel_loop3A_177 = tpu.vector_load %arg20[%parallel_loop3A_175, %parallel_loop3A_176] {strides = array<i32>} : memref<80x80xi32, #tpu.memory_space<vmem>>, vector<16xi32>,
          %parallel_loop3A_178 = arith.constant 16 : i32
          %parallel_loop3A_179 = vector.broadcast %parallel_loop3A_178 : i32 to vector<16xi32>
          %parallel_loop3A_180 = arith.shli %parallel_loop3A_177, %parallel_loop3A_179 : vector<16xi32>
          %parallel_loop3A_181 = vector.bitcast %parallel_loop3A_180 : vector<16xi32> to vector<16xf32>
          %parallel_loop3A_182 = arith.constant -65536 : i32
          %parallel_loop3A_183 = vector.broadcast %parallel_loop3A_182 : i32 to vector<16xi32>
          %parallel_loop3A_184 = arith.andi %parallel_loop3A_177, %parallel_loop3A_183 : vector<16xi32>
          %parallel_loop3A_185 = vector.bitcast %parallel_loop3A_184 : vector<16xi32> to vector<16xf32>
          %parallel_loop3A_186 = arith.index_cast %parallel_loop3A_174 : i32 to index
          %parallel_loop3A_187 = arith.constant 0 : index
          %parallel_loop3A_188 = tpu.vector_load %arg22[%parallel_loop3A_186, %parallel_loop3A_187] {strides = array<i32>} : memref<80x16xf32, #tpu.memory_space<vmem>>, vector<16xf32>,
          %parallel_loop3A_189 = arith.addf %parallel_loop3A_181, %parallel_loop3A_188 : vector<16xf32>
          %parallel_loop3A_190 = arith.constant 2.000000e-01 : f32
          %parallel_loop3A_191 = vector.broadcast %parallel_loop3A_190 : f32 to vector<16xf32>
          %parallel_loop3A_192 = arith.mulf %parallel_loop3A_189, %parallel_loop3A_191 : vector<16xf32>
          %parallel_loop3A_193 = arith.maximumf %parallel_loop3A_189, %parallel_loop3A_192 : vector<16xf32>
          %parallel_loop3A_194 = math.exp %parallel_loop3A_193 : vector<16xf32>
          %parallel_loop3A_195 = arith.index_cast %parallel_loop3A_174 : i32 to index
          %parallel_loop3A_196 = arith.constant 128 : index
          %parallel_loop3A_197 = tpu.vector_load %arg24[%parallel_loop3A_195, %parallel_loop3A_196] {strides = array<i32>} : memref<80x144xf32, #tpu.memory_space<vmem>>, vector<16xf32>,
          tpu.vector_store %arg24[%parallel_loop3A_195, %parallel_loop3A_196], %parallel_loop3A_194 {strides = array<i32>} : memref<80x144xf32, #tpu.memory_space<vmem>>, vector<16xf32>,
          %parallel_loop3A_198 = arith.index_cast %parallel_loop3A_174 : i32 to index
          %parallel_loop3A_199 = arith.constant 0 : index
          %parallel_loop3A_200 = tpu.vector_load %arg20[%parallel_loop3A_198, %parallel_loop3A_199] {strides = array<i32>} : memref<80x80xi32, #tpu.memory_space<vmem>>, vector<16xi32>,
          %parallel_loop3A_201 = arith.constant 16 : i32
          %parallel_loop3A_202 = vector.broadcast %parallel_loop3A_201 : i32 to vector<16xi32>
          %parallel_loop3A_203 = arith.shli %parallel_loop3A_200, %parallel_loop3A_202 : vector<16xi32>
          %parallel_loop3A_204 = vector.bitcast %parallel_loop3A_203 : vector<16xi32> to vector<16xf32>
          %parallel_loop3A_205 = arith.constant -65536 : i32
          %parallel_loop3A_206 = vector.broadcast %parallel_loop3A_205 : i32 to vector<16xi32>
          %parallel_loop3A_207 = arith.andi %parallel_loop3A_200, %parallel_loop3A_206 : vector<16xi32>
          %parallel_loop3A_208 = vector.bitcast %parallel_loop3A_207 : vector<16xi32> to vector<16xf32>
          %parallel_loop3A_209 = arith.constant 0 : i32
          %parallel_loop3A_210 = arith.constant 1 : i32
          %parallel_loop3A_211 = vector.broadcast %parallel_loop3A_209 : i32 to vector<16xi32>
          %parallel_loop3A_212 = vector.broadcast %parallel_loop3A_210 : i32 to vector<16xi32>
          %parallel_loop3A_213 = arith.select %lt3A_162, %parallel_loop3A_211, %parallel_loop3A_212 : vector<16xi1>, vector<16xi32>
          %parallel_loop3A_214 = vector.shape_cast %parallel_loop3A_213 : vector<16xi32> to vector<16x1xi32>
          %parallel_loop3A_215 = vector.shape_cast %parallel_loop3A_214 : vector<16x1xi32> to vector<16xi32>
          %parallel_loop3A_216 = tpu.dynamic_gather %parallel_loop3A_194[%parallel_loop3A_215] in [0] : vector<16xf32>, vector<16xi32> -> vector<16xf32>
          %parallel_loop3A_217 = arith.mulf %parallel_loop3A_204, %parallel_loop3A_216 : vector<16xf32>
          %parallel_loop3A_218 = arith.index_cast %parallel_loop3A_174 : i32 to index
          %parallel_loop3A_219 = arith.constant 0 : index
          %parallel_loop3A_220 = tpu.vector_load %arg24[%parallel_loop3A_218, %parallel_loop3A_219] {strides = array<i32>} : memref<80x144xf32, #tpu.memory_space<vmem>>, vector<16xf32>,
          tpu.vector_store %arg24[%parallel_loop3A_218, %parallel_loop3A_219], %parallel_loop3A_217 {strides = array<i32>} : memref<80x144xf32, #tpu.memory_space<vmem>>, vector<16xf32>,
          %parallel_loop3A_221 = arith.mulf %parallel_loop3A_208, %parallel_loop3A_216 : vector<16xf32>
          %parallel_loop3A_222 = arith.index_cast %parallel_loop3A_174 : i32 to index
          %parallel_loop3A_223 = arith.constant 16 : index
          %parallel_loop3A_224 = tpu.vector_load %arg24[%parallel_loop3A_222, %parallel_loop3A_223] {strides = array<i32>} : memref<80x144xf32, #tpu.memory_space<vmem>>, vector<16xf32>,
          tpu.vector_store %arg24[%parallel_loop3A_222, %parallel_loop3A_223], %parallel_loop3A_221 {strides = array<i32>} : memref<80x144xf32, #tpu.memory_space<vmem>>, vector<16xf32>,
          %parallel_loop3A_225 = arith.index_cast %parallel_loop3A_174 : i32 to index
          %parallel_loop3A_226 = arith.constant 16 : index
          %parallel_loop3A_227 = tpu.vector_load %arg20[%parallel_loop3A_225, %parallel_loop3A_226] {strides = array<i32>} : memref<80x80xi32, #tpu.memory_space<vmem>>, vector<16xi32>,
          %parallel_loop3A_228 = arith.constant 16 : i32
          %parallel_loop3A_229 = vector.broadcast %parallel_loop3A_228 : i32 to vector<16xi32>
          %parallel_loop3A_230 = arith.shli %parallel_loop3A_227, %parallel_loop3A_229 : vector<16xi32>
          %parallel_loop3A_231 = vector.bitcast %parallel_loop3A_230 : vector<16xi32> to vector<16xf32>
          %parallel_loop3A_232 = arith.constant -65536 : i32
          %parallel_loop3A_233 = vector.broadcast %parallel_loop3A_232 : i32 to vector<16xi32>
          %parallel_loop3A_234 = arith.andi %parallel_loop3A_227, %parallel_loop3A_233 : vector<16xi32>
          %parallel_loop3A_235 = vector.bitcast %parallel_loop3A_234 : vector<16xi32> to vector<16xf32>
          %parallel_loop3A_236 = arith.constant 2 : i32
          %parallel_loop3A_237 = arith.constant 3 : i32
          %parallel_loop3A_238 = vector.broadcast %parallel_loop3A_236 : i32 to vector<16xi32>
          %parallel_loop3A_239 = vector.broadcast %parallel_loop3A_237 : i32 to vector<16xi32>
          %parallel_loop3A_240 = arith.select %lt3A_162, %parallel_loop3A_238, %parallel_loop3A_239 : vector<16xi1>, vector<16xi32>
          %parallel_loop3A_241 = vector.shape_cast %parallel_loop3A_240 : vector<16xi32> to vector<16x1xi32>
          %parallel_loop3A_242 = vector.shape_cast %parallel_loop3A_241 : vector<16x1xi32> to vector<16xi32>
          %parallel_loop3A_243 = tpu.dynamic_gather %parallel_loop3A_194[%parallel_loop3A_242] in [0] : vector<16xf32>, vector<16xi32> -> vector<16xf32>
          %parallel_loop3A_244 = arith.mulf %parallel_loop3A_231, %parallel_loop3A_243 : vector<16xf32>
          %parallel_loop3A_245 = arith.index_cast %parallel_loop3A_174 : i32 to index
          %parallel_loop3A_246 = arith.constant 32 : index
          %parallel_loop3A_247 = tpu.vector_load %arg24[%parallel_loop3A_245, %parallel_loop3A_246] {strides = array<i32>} : memref<80x144xf32, #tpu.memory_space<vmem>>, vector<16xf32>,
          tpu.vector_store %arg24[%parallel_loop3A_245, %parallel_loop3A_246], %parallel_loop3A_244 {strides = array<i32>} : memref<80x144xf32, #tpu.memory_space<vmem>>, vector<16xf32>,
          %parallel_loop3A_248 = arith.mulf %parallel_loop3A_235, %parallel_loop3A_243 : vector<16xf32>
          %parallel_loop3A_249 = arith.index_cast %parallel_loop3A_174 : i32 to index
          %parallel_loop3A_250 = arith.constant 48 : index
          %parallel_loop3A_251 = tpu.vector_load %arg24[%parallel_loop3A_249, %parallel_loop3A_250] {strides = array<i32>} : memref<80x144xf32, #tpu.memory_space<vmem>>, vector<16xf32>,
          tpu.vector_store %arg24[%parallel_loop3A_249, %parallel_loop3A_250], %parallel_loop3A_248 {strides = array<i32>} : memref<80x144xf32, #tpu.memory_space<vmem>>, vector<16xf32>,
          %parallel_loop3A_252 = arith.index_cast %parallel_loop3A_174 : i32 to index
          %parallel_loop3A_253 = arith.constant 32 : index
          %parallel_loop3A_254 = tpu.vector_load %arg20[%parallel_loop3A_252, %parallel_loop3A_253] {strides = array<i32>} : memref<80x80xi32, #tpu.memory_space<vmem>>, vector<16xi32>,
          %parallel_loop3A_255 = arith.constant 16 : i32
          %parallel_loop3A_256 = vector.broadcast %parallel_loop3A_255 : i32 to vector<16xi32>
          %parallel_loop3A_257 = arith.shli %parallel_loop3A_254, %parallel_loop3A_256 : vector<16xi32>
          %parallel_loop3A_258 = vector.bitcast %parallel_loop3A_257 : vector<16xi32> to vector<16xf32>
          %parallel_loop3A_259 = arith.constant -65536 : i32
          %parallel_loop3A_260 = vector.broadcast %parallel_loop3A_259 : i32 to vector<16xi32>
          %parallel_loop3A_261 = arith.andi %parallel_loop3A_254, %parallel_loop3A_260 : vector<16xi32>
          %parallel_loop3A_262 = vector.bitcast %parallel_loop3A_261 : vector<16xi32> to vector<16xf32>
          %parallel_loop3A_263 = arith.constant 4 : i32
          %parallel_loop3A_264 = arith.constant 5 : i32
          %parallel_loop3A_265 = vector.broadcast %parallel_loop3A_263 : i32 to vector<16xi32>
          %parallel_loop3A_266 = vector.broadcast %parallel_loop3A_264 : i32 to vector<16xi32>
          %parallel_loop3A_267 = arith.select %lt3A_162, %parallel_loop3A_265, %parallel_loop3A_266 : vector<16xi1>, vector<16xi32>
          %parallel_loop3A_268 = vector.shape_cast %parallel_loop3A_267 : vector<16xi32> to vector<16x1xi32>
          %parallel_loop3A_269 = vector.shape_cast %parallel_loop3A_268 : vector<16x1xi32> to vector<16xi32>
          %parallel_loop3A_270 = tpu.dynamic_gather %parallel_loop3A_194[%parallel_loop3A_269] in [0] : vector<16xf32>, vector<16xi32> -> vector<16xf32>
          %parallel_loop3A_271 = arith.mulf %parallel_loop3A_258, %parallel_loop3A_270 : vector<16xf32>
          %parallel_loop3A_272 = arith.index_cast %parallel_loop3A_174 : i32 to index
          %parallel_loop3A_273 = arith.constant 64 : index
          %parallel_loop3A_274 = tpu.vector_load %arg24[%parallel_loop3A_272, %parallel_loop3A_273] {strides = array<i32>} : memref<80x144xf32, #tpu.memory_space<vmem>>, vector<16xf32>,
          tpu.vector_store %arg24[%parallel_loop3A_272, %parallel_loop3A_273], %parallel_loop3A_271 {strides = array<i32>} : memref<80x144xf32, #tpu.memory_space<vmem>>, vector<16xf32>,
          %parallel_loop3A_275 = arith.mulf %parallel_loop3A_262, %parallel_loop3A_270 : vector<16xf32>
          %parallel_loop3A_276 = arith.index_cast %parallel_loop3A_174 : i32 to index
          %parallel_loop3A_277 = arith.constant 80 : index
          %parallel_loop3A_278 = tpu.vector_load %arg24[%parallel_loop3A_276, %parallel_loop3A_277] {strides = array<i32>} : memref<80x144xf32, #tpu.memory_space<vmem>>, vector<16xf32>,
          tpu.vector_store %arg24[%parallel_loop3A_276, %parallel_loop3A_277], %parallel_loop3A_275 {strides = array<i32>} : memref<80x144xf32, #tpu.memory_space<vmem>>, vector<16xf32>,
          %parallel_loop3A_279 = arith.index_cast %parallel_loop3A_174 : i32 to index
          %parallel_loop3A_280 = arith.constant 48 : index
          %parallel_loop3A_281 = tpu.vector_load %arg20[%parallel_loop3A_279, %parallel_loop3A_280] {strides = array<i32>} : memref<80x80xi32, #tpu.memory_space<vmem>>, vector<16xi32>,
          %parallel_loop3A_282 = arith.constant 16 : i32
          %parallel_loop3A_283 = vector.broadcast %parallel_loop3A_282 : i32 to vector<16xi32>
          %parallel_loop3A_284 = arith.shli %parallel_loop3A_281, %parallel_loop3A_283 : vector<16xi32>
          %parallel_loop3A_285 = vector.bitcast %parallel_loop3A_284 : vector<16xi32> to vector<16xf32>
          %parallel_loop3A_286 = arith.constant -65536 : i32
          %parallel_loop3A_287 = vector.broadcast %parallel_loop3A_286 : i32 to vector<16xi32>
          %parallel_loop3A_288 = arith.andi %parallel_loop3A_281, %parallel_loop3A_287 : vector<16xi32>
          %parallel_loop3A_289 = vector.bitcast %parallel_loop3A_288 : vector<16xi32> to vector<16xf32>
          %parallel_loop3A_290 = arith.constant 6 : i32
          %parallel_loop3A_291 = arith.constant 7 : i32
          %parallel_loop3A_292 = vector.broadcast %parallel_loop3A_290 : i32 to vector<16xi32>
          %parallel_loop3A_293 = vector.broadcast %parallel_loop3A_291 : i32 to vector<16xi32>
          %parallel_loop3A_294 = arith.select %lt3A_162, %parallel_loop3A_292, %parallel_loop3A_293 : vector<16xi1>, vector<16xi32>
          %parallel_loop3A_295 = vector.shape_cast %parallel_loop3A_294 : vector<16xi32> to vector<16x1xi32>
          %parallel_loop3A_296 = vector.shape_cast %parallel_loop3A_295 : vector<16x1xi32> to vector<16xi32>
          %parallel_loop3A_297 = tpu.dynamic_gather %parallel_loop3A_194[%parallel_loop3A_296] in [0] : vector<16xf32>, vector<16xi32> -> vector<16xf32>
          %parallel_loop3A_298 = arith.mulf %parallel_loop3A_285, %parallel_loop3A_297 : vector<16xf32>
          %parallel_loop3A_299 = arith.index_cast %parallel_loop3A_174 : i32 to index
          %parallel_loop3A_300 = arith.constant 96 : index
          %parallel_loop3A_301 = tpu.vector_load %arg24[%parallel_loop3A_299, %parallel_loop3A_300] {strides = array<i32>} : memref<80x144xf32, #tpu.memory_space<vmem>>, vector<16xf32>,
          tpu.vector_store %arg24[%parallel_loop3A_299, %parallel_loop3A_300], %parallel_loop3A_298 {strides = array<i32>} : memref<80x144xf32, #tpu.memory_space<vmem>>, vector<16xf32>,
          %parallel_loop3A_302 = arith.mulf %parallel_loop3A_289, %parallel_loop3A_297 : vector<16xf32>
          %parallel_loop3A_303 = arith.index_cast %parallel_loop3A_174 : i32 to index
          %parallel_loop3A_304 = arith.constant 112 : index
          %parallel_loop3A_305 = tpu.vector_load %arg24[%parallel_loop3A_303, %parallel_loop3A_304] {strides = array<i32>} : memref<80x144xf32, #tpu.memory_space<vmem>>, vector<16xf32>,
          tpu.vector_store %arg24[%parallel_loop3A_303, %parallel_loop3A_304], %parallel_loop3A_302 {strides = array<i32>} : memref<80x144xf32, #tpu.memory_space<vmem>>, vector<16xf32>,
        } {sc.loop_unroll_factor = 4 : i64, sc.parallel_access}
        %dma_start3A_166 = arith.constant 0 : i32
        %dma_start3A_167 = arith.constant 0 : i32
        %dma_start3A_168 = tpu.memref_slice %arg12[%dma_start3A_166, %dma_start3A_167] : memref<10000x144xf32, #tpu.memory_space<vmem_shared>> -> memref<10000x144xf32, #tpu.memory_space<vmem_shared>>
        tpu.enqueue_indirect_dma source(%arg24 : memref<80x144xf32, #tpu.memory_space<vmem>>) target(%dma_start3A_168 : memref<10000x144xf32, #tpu.memory_space<vmem_shared>>) offsets(%arg18 : memref<80xi32, #tpu.memory_space<vmem>>) semaphore(%arg30 : memref<!tpu.dma_semaphore, #tpu.memory_space<semaphore_mem>>) {add = true}
        %lt3A_169 = arith.constant 124 : i32
        %lt3A_170 = arith.cmpi slt, %scan3A_66, %lt3A_169 : i32
        %convert_element_type3A_171 = arith.extui %lt3A_170 : i1 to i32
        %cond3A_172 = arith.constant 0 : i32
        %cond3A_173 = arith.cmpi ne, %convert_element_type3A_171, %cond3A_172 : i32
        scf.if %cond3A_173 {
          %mul3A_174 = arith.constant 2 : i32
          %mul3A_175 = arith.muli %mul3A_174, %scan3A_66 : i32
          %add3A_176 = arith.constant 3 : i32
          %add3A_177 = arith.addi %mul3A_175, %add3A_176 : i32
          %mul3A_178 = arith.constant 80 : i32
          %mul3A_179 = arith.muli %add3A_177, %mul3A_178 : i32
          %add3A_180 = arith.addi %mul3A_41, %mul3A_179 : i32
          %dma_start3A_181 = tpu.memref_slice %arg6[%add3A_180] : memref<320000xi32, #tpu.memory_space<hbm>> -> memref<80xi32, #tpu.memory_space<hbm>>
          %dma_start3A_182 = tpu.memref_slice %arg6[%add3A_180] : memref<320000xi32, #tpu.memory_space<hbm>> -> memref<80xi32, #tpu.memory_space<hbm>>
          tpu.enqueue_dma source(%dma_start3A_182 : memref<80xi32, #tpu.memory_space<hbm>>) target(%arg14 : memref<80xi32, #tpu.memory_space<vmem>>) target_semaphore(%arg32 : memref<!tpu.dma_semaphore, #tpu.memory_space<semaphore_mem>>)
          %mul3A_183 = arith.constant 80 : i32
          %mul3A_184 = arith.muli %add3A_177, %mul3A_183 : i32
          %add3A_185 = arith.addi %mul3A_41, %mul3A_184 : i32
          %dma_start3A_186 = tpu.memref_slice %arg7[%add3A_185] : memref<320000xi32, #tpu.memory_space<hbm>> -> memref<80xi32, #tpu.memory_space<hbm>>
          %dma_start3A_187 = tpu.memref_slice %arg7[%add3A_185] : memref<320000xi32, #tpu.memory_space<hbm>> -> memref<80xi32, #tpu.memory_space<hbm>>
          tpu.enqueue_dma source(%dma_start3A_187 : memref<80xi32, #tpu.memory_space<hbm>>) target(%arg16 : memref<80xi32, #tpu.memory_space<vmem>>) target_semaphore(%arg34 : memref<!tpu.dma_semaphore, #tpu.memory_space<semaphore_mem>>)
        } else {
        }
      }
      %scan3A_60 = arith.constant 125 : i32
      %dma_wait3A = arith.constant 0 : i32
      %dma_wait3A_61 = arith.constant 0 : i32
      %dma_wait3A_62 = tpu.memref_slice %arg12[%dma_wait3A, %dma_wait3A_61] : memref<10000x144xf32, #tpu.memory_space<vmem_shared>> -> memref<10000x144xf32, #tpu.memory_space<vmem_shared>>
      tpu.wait_indirect_dma semaphore(%arg29 : memref<!tpu.dma_semaphore, #tpu.memory_space<semaphore_mem>>) src(%arg23 : memref<80x144xf32, #tpu.memory_space<vmem>>) dst(%dma_wait3A_62 : memref<10000x144xf32, #tpu.memory_space<vmem_shared>>)
      %dma_wait3A_63 = arith.constant 0 : i32
      %dma_wait3A_64 = arith.constant 0 : i32
      %dma_wait3A_65 = tpu.memref_slice %arg12[%dma_wait3A_63, %dma_wait3A_64] : memref<10000x144xf32, #tpu.memory_space<vmem_shared>> -> memref<10000x144xf32, #tpu.memory_space<vmem_shared>>
      tpu.wait_indirect_dma semaphore(%arg30 : memref<!tpu.dma_semaphore, #tpu.memory_space<semaphore_mem>>) src(%arg24 : memref<80x144xf32, #tpu.memory_space<vmem>>) dst(%dma_wait3A_65 : memref<10000x144xf32, #tpu.memory_space<vmem_shared>>)
    } else {
    }
    %eq3A_24 = arith.constant 1 : i32
    %eq3A_25 = arith.cmpi eq, %arg0, %eq3A_24 : i32
    %convert_element_type3A_26 = arith.extui %eq3A_25 : i1 to i32
    %cond3A_27 = arith.constant 0 : i32
    %cond3A_28 = arith.cmpi ne, %convert_element_type3A_26, %cond3A_27 : i32
    scf.if %cond3A_28 {
      %mul3A_40 = arith.constant 20000 : i32
      %mul3A_41 = arith.muli %arg1, %mul3A_40 : i32
      %add3A_42 = arith.constant 0 : i32
      %add3A_43 = arith.addi %mul3A_41, %add3A_42 : i32
      "tpu.region"() ({
        %run_scoped3A = tpu.sem_alloc : memref<!tpu.dma_semaphore, #tpu.memory_space<semaphore_mem>>
        %dma_start3A_66 = tpu.memref_slice %arg8[%add3A_43] : memref<320000xi32, #tpu.memory_space<hbm>> -> memref<80xi32, #tpu.memory_space<hbm>>
        %dma_start3A_67 = tpu.memref_slice %arg8[%add3A_43] : memref<320000xi32, #tpu.memory_space<hbm>> -> memref<80xi32, #tpu.memory_space<hbm>>
        tpu.enqueue_dma source(%dma_start3A_67 : memref<80xi32, #tpu.memory_space<hbm>>) target(%arg13 : memref<80xi32, #tpu.memory_space<vmem>>) target_semaphore(%run_scoped3A : memref<!tpu.dma_semaphore, #tpu.memory_space<semaphore_mem>>)
        %dma_wait3A_68 = tpu.memref_slice %arg8[%add3A_43] : memref<320000xi32, #tpu.memory_space<hbm>> -> memref<80xi32, #tpu.memory_space<hbm>>
        %dma_wait3A_69 = tpu.memref_slice %arg8[%add3A_43] : memref<320000xi32, #tpu.memory_space<hbm>> -> memref<80xi32, #tpu.memory_space<hbm>>
        tpu.wait_dma2 semaphore(%run_scoped3A : memref<!tpu.dma_semaphore, #tpu.memory_space<semaphore_mem>>) src(%dma_wait3A_69 : memref<80xi32, #tpu.memory_space<hbm>>) dst(%arg13 : memref<80xi32, #tpu.memory_space<vmem>>)
        tpu.yield
      }) : () -> ()
      %add3A_44 = arith.constant 0 : i32
      %add3A_45 = arith.addi %mul3A_41, %add3A_44 : i32
      "tpu.region"() ({
        %run_scoped3A = tpu.sem_alloc : memref<!tpu.dma_semaphore, #tpu.memory_space<semaphore_mem>>
        %dma_start3A_66 = tpu.memref_slice %arg9[%add3A_45] : memref<320000xi32, #tpu.memory_space<hbm>> -> memref<80xi32, #tpu.memory_space<hbm>>
        %dma_start3A_67 = tpu.memref_slice %arg9[%add3A_45] : memref<320000xi32, #tpu.memory_space<hbm>> -> memref<80xi32, #tpu.memory_space<hbm>>
        tpu.enqueue_dma source(%dma_start3A_67 : memref<80xi32, #tpu.memory_space<hbm>>) target(%arg15 : memref<80xi32, #tpu.memory_space<vmem>>) target_semaphore(%run_scoped3A : memref<!tpu.dma_semaphore, #tpu.memory_space<semaphore_mem>>)
        %dma_wait3A_68 = tpu.memref_slice %arg9[%add3A_45] : memref<320000xi32, #tpu.memory_space<hbm>> -> memref<80xi32, #tpu.memory_space<hbm>>
        %dma_wait3A_69 = tpu.memref_slice %arg9[%add3A_45] : memref<320000xi32, #tpu.memory_space<hbm>> -> memref<80xi32, #tpu.memory_space<hbm>>
        tpu.wait_dma2 semaphore(%run_scoped3A : memref<!tpu.dma_semaphore, #tpu.memory_space<semaphore_mem>>) src(%dma_wait3A_69 : memref<80xi32, #tpu.memory_space<hbm>>) dst(%arg15 : memref<80xi32, #tpu.memory_space<vmem>>)
        tpu.yield
      }) : () -> ()
      %dma_start3A = arith.constant 0 : i32
      %dma_start3A_46 = arith.constant 0 : i32
      %dma_start3A_47 = tpu.memref_slice %arg3[%dma_start3A, %dma_start3A_46] : memref<10000x80xi32, #tpu.memory_space<hbm>> -> memref<10000x80xi32, #tpu.memory_space<hbm>>
      tpu.enqueue_indirect_dma source(%dma_start3A_47 : memref<10000x80xi32, #tpu.memory_space<hbm>>) target(%arg19 : memref<80x80xi32, #tpu.memory_space<vmem>>) offsets(%arg13 : memref<80xi32, #tpu.memory_space<vmem>>) semaphore(%arg25 : memref<!tpu.dma_semaphore, #tpu.memory_space<semaphore_mem>>)
      %dma_start3A_48 = arith.constant 0 : i32
      %dma_start3A_49 = arith.constant 0 : i32
      %dma_start3A_50 = tpu.memref_slice %arg5[%dma_start3A_48, %dma_start3A_49] : memref<10000x16xf32, #tpu.memory_space<hbm>> -> memref<10000x16xf32, #tpu.memory_space<hbm>>
      tpu.enqueue_indirect_dma source(%dma_start3A_50 : memref<10000x16xf32, #tpu.memory_space<hbm>>) target(%arg21 : memref<80x16xf32, #tpu.memory_space<vmem>>) offsets(%arg15 : memref<80xi32, #tpu.memory_space<vmem>>) semaphore(%arg27 : memref<!tpu.dma_semaphore, #tpu.memory_space<semaphore_mem>>)
      %add3A_51 = arith.constant 80 : i32
      %add3A_52 = arith.addi %mul3A_41, %add3A_51 : i32
      "tpu.region"() ({
        %run_scoped3A = tpu.sem_alloc : memref<!tpu.dma_semaphore, #tpu.memory_space<semaphore_mem>>
        %dma_start3A_66 = tpu.memref_slice %arg8[%add3A_52] : memref<320000xi32, #tpu.memory_space<hbm>> -> memref<80xi32, #tpu.memory_space<hbm>>
        %dma_start3A_67 = tpu.memref_slice %arg8[%add3A_52] : memref<320000xi32, #tpu.memory_space<hbm>> -> memref<80xi32, #tpu.memory_space<hbm>>
        tpu.enqueue_dma source(%dma_start3A_67 : memref<80xi32, #tpu.memory_space<hbm>>) target(%arg14 : memref<80xi32, #tpu.memory_space<vmem>>) target_semaphore(%run_scoped3A : memref<!tpu.dma_semaphore, #tpu.memory_space<semaphore_mem>>)
        %dma_wait3A_68 = tpu.memref_slice %arg8[%add3A_52] : memref<320000xi32, #tpu.memory_space<hbm>> -> memref<80xi32, #tpu.memory_space<hbm>>
        %dma_wait3A_69 = tpu.memref_slice %arg8[%add3A_52] : memref<320000xi32, #tpu.memory_space<hbm>> -> memref<80xi32, #tpu.memory_space<hbm>>
        tpu.wait_dma2 semaphore(%run_scoped3A : memref<!tpu.dma_semaphore, #tpu.memory_space<semaphore_mem>>) src(%dma_wait3A_69 : memref<80xi32, #tpu.memory_space<hbm>>) dst(%arg14 : memref<80xi32, #tpu.memory_space<vmem>>)
        tpu.yield
      }) : () -> ()
      %add3A_53 = arith.constant 80 : i32
      %add3A_54 = arith.addi %mul3A_41, %add3A_53 : i32
      "tpu.region"() ({
        %run_scoped3A = tpu.sem_alloc : memref<!tpu.dma_semaphore, #tpu.memory_space<semaphore_mem>>
        %dma_start3A_66 = tpu.memref_slice %arg9[%add3A_54] : memref<320000xi32, #tpu.memory_space<hbm>> -> memref<80xi32, #tpu.memory_space<hbm>>
        %dma_start3A_67 = tpu.memref_slice %arg9[%add3A_54] : memref<320000xi32, #tpu.memory_space<hbm>> -> memref<80xi32, #tpu.memory_space<hbm>>
        tpu.enqueue_dma source(%dma_start3A_67 : memref<80xi32, #tpu.memory_space<hbm>>) target(%arg16 : memref<80xi32, #tpu.memory_space<vmem>>) target_semaphore(%run_scoped3A : memref<!tpu.dma_semaphore, #tpu.memory_space<semaphore_mem>>)
        %dma_wait3A_68 = tpu.memref_slice %arg9[%add3A_54] : memref<320000xi32, #tpu.memory_space<hbm>> -> memref<80xi32, #tpu.memory_space<hbm>>
        %dma_wait3A_69 = tpu.memref_slice %arg9[%add3A_54] : memref<320000xi32, #tpu.memory_space<hbm>> -> memref<80xi32, #tpu.memory_space<hbm>>
        tpu.wait_dma2 semaphore(%run_scoped3A : memref<!tpu.dma_semaphore, #tpu.memory_space<semaphore_mem>>) src(%dma_wait3A_69 : memref<80xi32, #tpu.memory_space<hbm>>) dst(%arg16 : memref<80xi32, #tpu.memory_space<vmem>>)
        tpu.yield
      }) : () -> ()
      %scan3A_55 = arith.constant 0 : i32
      %scan3A_56 = arith.constant 0 : i32
      %scan3A_57 = arith.constant 125 : i32
      %scan3A_58 = arith.addi %scan3A_56, %scan3A_57 : i32
      %scan3A_59 = arith.constant 1 : i32
      scf.for %scan3A_66 = %scan3A_56 to %scan3A_58 step %scan3A_59  : i32 {
        %gt3A = arith.constant 0 : i32
        %gt3A_67 = arith.cmpi sgt, %scan3A_66, %gt3A : i32
        %convert_element_type3A_68 = arith.extui %gt3A_67 : i1 to i32
        %cond3A_69 = arith.constant 0 : i32
        %cond3A_70 = arith.cmpi ne, %convert_element_type3A_68, %cond3A_69 : i32
        scf.if %cond3A_70 {
          %dma_wait3A_174 = arith.constant 0 : i32
          %dma_wait3A_175 = arith.constant 0 : i32
          %dma_wait3A_176 = tpu.memref_slice %arg12[%dma_wait3A_174, %dma_wait3A_175] : memref<10000x144xf32, #tpu.memory_space<vmem_shared>> -> memref<10000x144xf32, #tpu.memory_space<vmem_shared>>
          tpu.wait_indirect_dma semaphore(%arg29 : memref<!tpu.dma_semaphore, #tpu.memory_space<semaphore_mem>>) src(%arg23 : memref<80x144xf32, #tpu.memory_space<vmem>>) dst(%dma_wait3A_176 : memref<10000x144xf32, #tpu.memory_space<vmem_shared>>)
        } else {
        }
        %dma_wait3A_71 = arith.constant 0 : i32
        %dma_wait3A_72 = arith.constant 0 : i32
        %dma_wait3A_73 = tpu.memref_slice %arg3[%dma_wait3A_71, %dma_wait3A_72] : memref<10000x80xi32, #tpu.memory_space<hbm>> -> memref<10000x80xi32, #tpu.memory_space<hbm>>
        tpu.wait_indirect_dma semaphore(%arg25 : memref<!tpu.dma_semaphore, #tpu.memory_space<semaphore_mem>>) src(%dma_wait3A_73 : memref<10000x80xi32, #tpu.memory_space<hbm>>) dst(%arg19 : memref<80x80xi32, #tpu.memory_space<vmem>>)
        %dma_wait3A_74 = arith.constant 0 : i32
        %dma_wait3A_75 = arith.constant 0 : i32
        %dma_wait3A_76 = tpu.memref_slice %arg5[%dma_wait3A_74, %dma_wait3A_75] : memref<10000x16xf32, #tpu.memory_space<hbm>> -> memref<10000x16xf32, #tpu.memory_space<hbm>>
        tpu.wait_indirect_dma semaphore(%arg27 : memref<!tpu.dma_semaphore, #tpu.memory_space<semaphore_mem>>) src(%dma_wait3A_76 : memref<10000x16xf32, #tpu.memory_space<hbm>>) dst(%arg21 : memref<80x16xf32, #tpu.memory_space<vmem>>)
        %gt3A_77 = arith.constant 0 : i32
        %gt3A_78 = arith.cmpi sgt, %scan3A_66, %gt3A_77 : i32
        %convert_element_type3A_79 = arith.extui %gt3A_78 : i1 to i32
        %cond3A_80 = arith.constant 0 : i32
        %cond3A_81 = arith.cmpi ne, %convert_element_type3A_79, %cond3A_80 : i32
        scf.if %cond3A_81 {
          %mul3A_174 = arith.constant 2 : i32
          %mul3A_175 = arith.muli %mul3A_174, %scan3A_66 : i32
          %add3A_176 = arith.constant 1 : i32
          %add3A_177 = arith.addi %mul3A_175, %add3A_176 : i32
          %mul3A_178 = arith.constant 80 : i32
          %mul3A_179 = arith.muli %add3A_177, %mul3A_178 : i32
          %add3A_180 = arith.addi %mul3A_41, %mul3A_179 : i32
          %dma_wait3A_181 = tpu.memref_slice %arg8[%add3A_180] : memref<320000xi32, #tpu.memory_space<hbm>> -> memref<80xi32, #tpu.memory_space<hbm>>
          %dma_wait3A_182 = tpu.memref_slice %arg8[%add3A_180] : memref<320000xi32, #tpu.memory_space<hbm>> -> memref<80xi32, #tpu.memory_space<hbm>>
          tpu.wait_dma2 semaphore(%arg32 : memref<!tpu.dma_semaphore, #tpu.memory_space<semaphore_mem>>) src(%dma_wait3A_182 : memref<80xi32, #tpu.memory_space<hbm>>) dst(%arg14 : memref<80xi32, #tpu.memory_space<vmem>>)
          %mul3A_183 = arith.constant 80 : i32
          %mul3A_184 = arith.muli %add3A_177, %mul3A_183 : i32
          %add3A_185 = arith.addi %mul3A_41, %mul3A_184 : i32
          %dma_wait3A_186 = tpu.memref_slice %arg9[%add3A_185] : memref<320000xi32, #tpu.memory_space<hbm>> -> memref<80xi32, #tpu.memory_space<hbm>>
          %dma_wait3A_187 = tpu.memref_slice %arg9[%add3A_185] : memref<320000xi32, #tpu.memory_space<hbm>> -> memref<80xi32, #tpu.memory_space<hbm>>
          tpu.wait_dma2 semaphore(%arg34 : memref<!tpu.dma_semaphore, #tpu.memory_space<semaphore_mem>>) src(%dma_wait3A_187 : memref<80xi32, #tpu.memory_space<hbm>>) dst(%arg16 : memref<80xi32, #tpu.memory_space<vmem>>)
        } else {
        }
        %dma_start3A_82 = arith.constant 0 : i32
        %dma_start3A_83 = arith.constant 0 : i32
        %dma_start3A_84 = tpu.memref_slice %arg3[%dma_start3A_82, %dma_start3A_83] : memref<10000x80xi32, #tpu.memory_space<hbm>> -> memref<10000x80xi32, #tpu.memory_space<hbm>>
        tpu.enqueue_indirect_dma source(%dma_start3A_84 : memref<10000x80xi32, #tpu.memory_space<hbm>>) target(%arg20 : memref<80x80xi32, #tpu.memory_space<vmem>>) offsets(%arg14 : memref<80xi32, #tpu.memory_space<vmem>>) semaphore(%arg26 : memref<!tpu.dma_semaphore, #tpu.memory_space<semaphore_mem>>)
        %dma_start3A_85 = arith.constant 0 : i32
        %dma_start3A_86 = arith.constant 0 : i32
        %dma_start3A_87 = tpu.memref_slice %arg5[%dma_start3A_85, %dma_start3A_86] : memref<10000x16xf32, #tpu.memory_space<hbm>> -> memref<10000x16xf32, #tpu.memory_space<hbm>>
        tpu.enqueue_indirect_dma source(%dma_start3A_87 : memref<10000x16xf32, #tpu.memory_space<hbm>>) target(%arg22 : memref<80x16xf32, #tpu.memory_space<vmem>>) offsets(%arg16 : memref<80xi32, #tpu.memory_space<vmem>>) semaphore(%arg28 : memref<!tpu.dma_semaphore, #tpu.memory_space<semaphore_mem>>)
        %get3A = arith.constant 0 : index
        %get3A_88 = tpu.vector_load %arg15[%get3A] {strides = array<i32>} : memref<80xi32, #tpu.memory_space<vmem>>, vector<16xi32>,
        %swap3A = arith.constant 0 : index
        %swap3A_89 = tpu.vector_load %arg17[%swap3A] {strides = array<i32>} : memref<80xi32, #tpu.memory_space<vmem>>, vector<16xi32>,
        tpu.vector_store %arg17[%swap3A], %get3A_88 {strides = array<i32>} : memref<80xi32, #tpu.memory_space<vmem>>, vector<16xi32>,
        %get3A_90 = arith.constant 16 : index
        %get3A_91 = tpu.vector_load %arg15[%get3A_90] {strides = array<i32>} : memref<80xi32, #tpu.memory_space<vmem>>, vector<16xi32>,
        %swap3A_92 = arith.constant 16 : index
        %swap3A_93 = tpu.vector_load %arg17[%swap3A_92] {strides = array<i32>} : memref<80xi32, #tpu.memory_space<vmem>>, vector<16xi32>,
        tpu.vector_store %arg17[%swap3A_92], %get3A_91 {strides = array<i32>} : memref<80xi32, #tpu.memory_space<vmem>>, vector<16xi32>,
        %get3A_94 = arith.constant 32 : index
        %get3A_95 = tpu.vector_load %arg15[%get3A_94] {strides = array<i32>} : memref<80xi32, #tpu.memory_space<vmem>>, vector<16xi32>,
        %swap3A_96 = arith.constant 32 : index
        %swap3A_97 = tpu.vector_load %arg17[%swap3A_96] {strides = array<i32>} : memref<80xi32, #tpu.memory_space<vmem>>, vector<16xi32>,
        tpu.vector_store %arg17[%swap3A_96], %get3A_95 {strides = array<i32>} : memref<80xi32, #tpu.memory_space<vmem>>, vector<16xi32>,
        %get3A_98 = arith.constant 48 : index
        %get3A_99 = tpu.vector_load %arg15[%get3A_98] {strides = array<i32>} : memref<80xi32, #tpu.memory_space<vmem>>, vector<16xi32>,
        %swap3A_100 = arith.constant 48 : index
        %swap3A_101 = tpu.vector_load %arg17[%swap3A_100] {strides = array<i32>} : memref<80xi32, #tpu.memory_space<vmem>>, vector<16xi32>,
        tpu.vector_store %arg17[%swap3A_100], %get3A_99 {strides = array<i32>} : memref<80xi32, #tpu.memory_space<vmem>>, vector<16xi32>,
        %get3A_102 = arith.constant 64 : index
        %get3A_103 = tpu.vector_load %arg15[%get3A_102] {strides = array<i32>} : memref<80xi32, #tpu.memory_space<vmem>>, vector<16xi32>,
        %swap3A_104 = arith.constant 64 : index
        %swap3A_105 = tpu.vector_load %arg17[%swap3A_104] {strides = array<i32>} : memref<80xi32, #tpu.memory_space<vmem>>, vector<16xi32>,
        tpu.vector_store %arg17[%swap3A_104], %get3A_103 {strides = array<i32>} : memref<80xi32, #tpu.memory_space<vmem>>, vector<16xi32>,
        %iota3A = tpu.iota {dimensions = array<i32: 0>} : vector<16xi32>
        %lt3A = arith.constant 8 : i32
        %lt3A_106 = vector.broadcast %lt3A : i32 to vector<16xi32>
        %lt3A_107 = arith.cmpi slt, %iota3A, %lt3A_106 : vector<16xi32>
        %parallel_loop3A = arith.constant 0 : i32
        %parallel_loop3A_108 = arith.constant 80 : i32
        %parallel_loop3A_109 = arith.constant 1 : i32
        scf.for %parallel_loop3A_174 = %parallel_loop3A to %parallel_loop3A_108 step %parallel_loop3A_109  : i32 {
          %parallel_loop3A_175 = arith.index_cast %parallel_loop3A_174 : i32 to index
          %parallel_loop3A_176 = arith.constant 64 : index
          %parallel_loop3A_177 = tpu.vector_load %arg19[%parallel_loop3A_175, %parallel_loop3A_176] {strides = array<i32>} : memref<80x80xi32, #tpu.memory_space<vmem>>, vector<16xi32>,
          %parallel_loop3A_178 = arith.constant 16 : i32
          %parallel_loop3A_179 = vector.broadcast %parallel_loop3A_178 : i32 to vector<16xi32>
          %parallel_loop3A_180 = arith.shli %parallel_loop3A_177, %parallel_loop3A_179 : vector<16xi32>
          %parallel_loop3A_181 = vector.bitcast %parallel_loop3A_180 : vector<16xi32> to vector<16xf32>
          %parallel_loop3A_182 = arith.constant -65536 : i32
          %parallel_loop3A_183 = vector.broadcast %parallel_loop3A_182 : i32 to vector<16xi32>
          %parallel_loop3A_184 = arith.andi %parallel_loop3A_177, %parallel_loop3A_183 : vector<16xi32>
          %parallel_loop3A_185 = vector.bitcast %parallel_loop3A_184 : vector<16xi32> to vector<16xf32>
          %parallel_loop3A_186 = arith.index_cast %parallel_loop3A_174 : i32 to index
          %parallel_loop3A_187 = arith.constant 0 : index
          %parallel_loop3A_188 = tpu.vector_load %arg21[%parallel_loop3A_186, %parallel_loop3A_187] {strides = array<i32>} : memref<80x16xf32, #tpu.memory_space<vmem>>, vector<16xf32>,
          %parallel_loop3A_189 = arith.addf %parallel_loop3A_181, %parallel_loop3A_188 : vector<16xf32>
          %parallel_loop3A_190 = arith.constant 2.000000e-01 : f32
          %parallel_loop3A_191 = vector.broadcast %parallel_loop3A_190 : f32 to vector<16xf32>
          %parallel_loop3A_192 = arith.mulf %parallel_loop3A_189, %parallel_loop3A_191 : vector<16xf32>
          %parallel_loop3A_193 = arith.maximumf %parallel_loop3A_189, %parallel_loop3A_192 : vector<16xf32>
          %parallel_loop3A_194 = math.exp %parallel_loop3A_193 : vector<16xf32>
          %parallel_loop3A_195 = arith.index_cast %parallel_loop3A_174 : i32 to index
          %parallel_loop3A_196 = arith.constant 128 : index
          %parallel_loop3A_197 = tpu.vector_load %arg23[%parallel_loop3A_195, %parallel_loop3A_196] {strides = array<i32>} : memref<80x144xf32, #tpu.memory_space<vmem>>, vector<16xf32>,
          tpu.vector_store %arg23[%parallel_loop3A_195, %parallel_loop3A_196], %parallel_loop3A_194 {strides = array<i32>} : memref<80x144xf32, #tpu.memory_space<vmem>>, vector<16xf32>,
          %parallel_loop3A_198 = arith.index_cast %parallel_loop3A_174 : i32 to index
          %parallel_loop3A_199 = arith.constant 0 : index
          %parallel_loop3A_200 = tpu.vector_load %arg19[%parallel_loop3A_198, %parallel_loop3A_199] {strides = array<i32>} : memref<80x80xi32, #tpu.memory_space<vmem>>, vector<16xi32>,
          %parallel_loop3A_201 = arith.constant 16 : i32
          %parallel_loop3A_202 = vector.broadcast %parallel_loop3A_201 : i32 to vector<16xi32>
          %parallel_loop3A_203 = arith.shli %parallel_loop3A_200, %parallel_loop3A_202 : vector<16xi32>
          %parallel_loop3A_204 = vector.bitcast %parallel_loop3A_203 : vector<16xi32> to vector<16xf32>
          %parallel_loop3A_205 = arith.constant -65536 : i32
          %parallel_loop3A_206 = vector.broadcast %parallel_loop3A_205 : i32 to vector<16xi32>
          %parallel_loop3A_207 = arith.andi %parallel_loop3A_200, %parallel_loop3A_206 : vector<16xi32>
          %parallel_loop3A_208 = vector.bitcast %parallel_loop3A_207 : vector<16xi32> to vector<16xf32>
          %parallel_loop3A_209 = arith.constant 0 : i32
          %parallel_loop3A_210 = arith.constant 1 : i32
          %parallel_loop3A_211 = vector.broadcast %parallel_loop3A_209 : i32 to vector<16xi32>
          %parallel_loop3A_212 = vector.broadcast %parallel_loop3A_210 : i32 to vector<16xi32>
          %parallel_loop3A_213 = arith.select %lt3A_107, %parallel_loop3A_211, %parallel_loop3A_212 : vector<16xi1>, vector<16xi32>
          %parallel_loop3A_214 = vector.shape_cast %parallel_loop3A_213 : vector<16xi32> to vector<16x1xi32>
          %parallel_loop3A_215 = vector.shape_cast %parallel_loop3A_214 : vector<16x1xi32> to vector<16xi32>
          %parallel_loop3A_216 = tpu.dynamic_gather %parallel_loop3A_194[%parallel_loop3A_215] in [0] : vector<16xf32>, vector<16xi32> -> vector<16xf32>
          %parallel_loop3A_217 = arith.mulf %parallel_loop3A_204, %parallel_loop3A_216 : vector<16xf32>
          %parallel_loop3A_218 = arith.index_cast %parallel_loop3A_174 : i32 to index
          %parallel_loop3A_219 = arith.constant 0 : index
          %parallel_loop3A_220 = tpu.vector_load %arg23[%parallel_loop3A_218, %parallel_loop3A_219] {strides = array<i32>} : memref<80x144xf32, #tpu.memory_space<vmem>>, vector<16xf32>,
          tpu.vector_store %arg23[%parallel_loop3A_218, %parallel_loop3A_219], %parallel_loop3A_217 {strides = array<i32>} : memref<80x144xf32, #tpu.memory_space<vmem>>, vector<16xf32>,
          %parallel_loop3A_221 = arith.mulf %parallel_loop3A_208, %parallel_loop3A_216 : vector<16xf32>
          %parallel_loop3A_222 = arith.index_cast %parallel_loop3A_174 : i32 to index
          %parallel_loop3A_223 = arith.constant 16 : index
          %parallel_loop3A_224 = tpu.vector_load %arg23[%parallel_loop3A_222, %parallel_loop3A_223] {strides = array<i32>} : memref<80x144xf32, #tpu.memory_space<vmem>>, vector<16xf32>,
          tpu.vector_store %arg23[%parallel_loop3A_222, %parallel_loop3A_223], %parallel_loop3A_221 {strides = array<i32>} : memref<80x144xf32, #tpu.memory_space<vmem>>, vector<16xf32>,
          %parallel_loop3A_225 = arith.index_cast %parallel_loop3A_174 : i32 to index
          %parallel_loop3A_226 = arith.constant 16 : index
          %parallel_loop3A_227 = tpu.vector_load %arg19[%parallel_loop3A_225, %parallel_loop3A_226] {strides = array<i32>} : memref<80x80xi32, #tpu.memory_space<vmem>>, vector<16xi32>,
          %parallel_loop3A_228 = arith.constant 16 : i32
          %parallel_loop3A_229 = vector.broadcast %parallel_loop3A_228 : i32 to vector<16xi32>
          %parallel_loop3A_230 = arith.shli %parallel_loop3A_227, %parallel_loop3A_229 : vector<16xi32>
          %parallel_loop3A_231 = vector.bitcast %parallel_loop3A_230 : vector<16xi32> to vector<16xf32>
          %parallel_loop3A_232 = arith.constant -65536 : i32
          %parallel_loop3A_233 = vector.broadcast %parallel_loop3A_232 : i32 to vector<16xi32>
          %parallel_loop3A_234 = arith.andi %parallel_loop3A_227, %parallel_loop3A_233 : vector<16xi32>
          %parallel_loop3A_235 = vector.bitcast %parallel_loop3A_234 : vector<16xi32> to vector<16xf32>
          %parallel_loop3A_236 = arith.constant 2 : i32
          %parallel_loop3A_237 = arith.constant 3 : i32
          %parallel_loop3A_238 = vector.broadcast %parallel_loop3A_236 : i32 to vector<16xi32>
          %parallel_loop3A_239 = vector.broadcast %parallel_loop3A_237 : i32 to vector<16xi32>
          %parallel_loop3A_240 = arith.select %lt3A_107, %parallel_loop3A_238, %parallel_loop3A_239 : vector<16xi1>, vector<16xi32>
          %parallel_loop3A_241 = vector.shape_cast %parallel_loop3A_240 : vector<16xi32> to vector<16x1xi32>
          %parallel_loop3A_242 = vector.shape_cast %parallel_loop3A_241 : vector<16x1xi32> to vector<16xi32>
          %parallel_loop3A_243 = tpu.dynamic_gather %parallel_loop3A_194[%parallel_loop3A_242] in [0] : vector<16xf32>, vector<16xi32> -> vector<16xf32>
          %parallel_loop3A_244 = arith.mulf %parallel_loop3A_231, %parallel_loop3A_243 : vector<16xf32>
          %parallel_loop3A_245 = arith.index_cast %parallel_loop3A_174 : i32 to index
          %parallel_loop3A_246 = arith.constant 32 : index
          %parallel_loop3A_247 = tpu.vector_load %arg23[%parallel_loop3A_245, %parallel_loop3A_246] {strides = array<i32>} : memref<80x144xf32, #tpu.memory_space<vmem>>, vector<16xf32>,
          tpu.vector_store %arg23[%parallel_loop3A_245, %parallel_loop3A_246], %parallel_loop3A_244 {strides = array<i32>} : memref<80x144xf32, #tpu.memory_space<vmem>>, vector<16xf32>,
          %parallel_loop3A_248 = arith.mulf %parallel_loop3A_235, %parallel_loop3A_243 : vector<16xf32>
          %parallel_loop3A_249 = arith.index_cast %parallel_loop3A_174 : i32 to index
          %parallel_loop3A_250 = arith.constant 48 : index
          %parallel_loop3A_251 = tpu.vector_load %arg23[%parallel_loop3A_249, %parallel_loop3A_250] {strides = array<i32>} : memref<80x144xf32, #tpu.memory_space<vmem>>, vector<16xf32>,
          tpu.vector_store %arg23[%parallel_loop3A_249, %parallel_loop3A_250], %parallel_loop3A_248 {strides = array<i32>} : memref<80x144xf32, #tpu.memory_space<vmem>>, vector<16xf32>,
          %parallel_loop3A_252 = arith.index_cast %parallel_loop3A_174 : i32 to index
          %parallel_loop3A_253 = arith.constant 32 : index
          %parallel_loop3A_254 = tpu.vector_load %arg19[%parallel_loop3A_252, %parallel_loop3A_253] {strides = array<i32>} : memref<80x80xi32, #tpu.memory_space<vmem>>, vector<16xi32>,
          %parallel_loop3A_255 = arith.constant 16 : i32
          %parallel_loop3A_256 = vector.broadcast %parallel_loop3A_255 : i32 to vector<16xi32>
          %parallel_loop3A_257 = arith.shli %parallel_loop3A_254, %parallel_loop3A_256 : vector<16xi32>
          %parallel_loop3A_258 = vector.bitcast %parallel_loop3A_257 : vector<16xi32> to vector<16xf32>
          %parallel_loop3A_259 = arith.constant -65536 : i32
          %parallel_loop3A_260 = vector.broadcast %parallel_loop3A_259 : i32 to vector<16xi32>
          %parallel_loop3A_261 = arith.andi %parallel_loop3A_254, %parallel_loop3A_260 : vector<16xi32>
          %parallel_loop3A_262 = vector.bitcast %parallel_loop3A_261 : vector<16xi32> to vector<16xf32>
          %parallel_loop3A_263 = arith.constant 4 : i32
          %parallel_loop3A_264 = arith.constant 5 : i32
          %parallel_loop3A_265 = vector.broadcast %parallel_loop3A_263 : i32 to vector<16xi32>
          %parallel_loop3A_266 = vector.broadcast %parallel_loop3A_264 : i32 to vector<16xi32>
          %parallel_loop3A_267 = arith.select %lt3A_107, %parallel_loop3A_265, %parallel_loop3A_266 : vector<16xi1>, vector<16xi32>
          %parallel_loop3A_268 = vector.shape_cast %parallel_loop3A_267 : vector<16xi32> to vector<16x1xi32>
          %parallel_loop3A_269 = vector.shape_cast %parallel_loop3A_268 : vector<16x1xi32> to vector<16xi32>
          %parallel_loop3A_270 = tpu.dynamic_gather %parallel_loop3A_194[%parallel_loop3A_269] in [0] : vector<16xf32>, vector<16xi32> -> vector<16xf32>
          %parallel_loop3A_271 = arith.mulf %parallel_loop3A_258, %parallel_loop3A_270 : vector<16xf32>
          %parallel_loop3A_272 = arith.index_cast %parallel_loop3A_174 : i32 to index
          %parallel_loop3A_273 = arith.constant 64 : index
          %parallel_loop3A_274 = tpu.vector_load %arg23[%parallel_loop3A_272, %parallel_loop3A_273] {strides = array<i32>} : memref<80x144xf32, #tpu.memory_space<vmem>>, vector<16xf32>,
          tpu.vector_store %arg23[%parallel_loop3A_272, %parallel_loop3A_273], %parallel_loop3A_271 {strides = array<i32>} : memref<80x144xf32, #tpu.memory_space<vmem>>, vector<16xf32>,
          %parallel_loop3A_275 = arith.mulf %parallel_loop3A_262, %parallel_loop3A_270 : vector<16xf32>
          %parallel_loop3A_276 = arith.index_cast %parallel_loop3A_174 : i32 to index
          %parallel_loop3A_277 = arith.constant 80 : index
          %parallel_loop3A_278 = tpu.vector_load %arg23[%parallel_loop3A_276, %parallel_loop3A_277] {strides = array<i32>} : memref<80x144xf32, #tpu.memory_space<vmem>>, vector<16xf32>,
          tpu.vector_store %arg23[%parallel_loop3A_276, %parallel_loop3A_277], %parallel_loop3A_275 {strides = array<i32>} : memref<80x144xf32, #tpu.memory_space<vmem>>, vector<16xf32>,
          %parallel_loop3A_279 = arith.index_cast %parallel_loop3A_174 : i32 to index
          %parallel_loop3A_280 = arith.constant 48 : index
          %parallel_loop3A_281 = tpu.vector_load %arg19[%parallel_loop3A_279, %parallel_loop3A_280] {strides = array<i32>} : memref<80x80xi32, #tpu.memory_space<vmem>>, vector<16xi32>,
          %parallel_loop3A_282 = arith.constant 16 : i32
          %parallel_loop3A_283 = vector.broadcast %parallel_loop3A_282 : i32 to vector<16xi32>
          %parallel_loop3A_284 = arith.shli %parallel_loop3A_281, %parallel_loop3A_283 : vector<16xi32>
          %parallel_loop3A_285 = vector.bitcast %parallel_loop3A_284 : vector<16xi32> to vector<16xf32>
          %parallel_loop3A_286 = arith.constant -65536 : i32
          %parallel_loop3A_287 = vector.broadcast %parallel_loop3A_286 : i32 to vector<16xi32>
          %parallel_loop3A_288 = arith.andi %parallel_loop3A_281, %parallel_loop3A_287 : vector<16xi32>
          %parallel_loop3A_289 = vector.bitcast %parallel_loop3A_288 : vector<16xi32> to vector<16xf32>
          %parallel_loop3A_290 = arith.constant 6 : i32
          %parallel_loop3A_291 = arith.constant 7 : i32
          %parallel_loop3A_292 = vector.broadcast %parallel_loop3A_290 : i32 to vector<16xi32>
          %parallel_loop3A_293 = vector.broadcast %parallel_loop3A_291 : i32 to vector<16xi32>
          %parallel_loop3A_294 = arith.select %lt3A_107, %parallel_loop3A_292, %parallel_loop3A_293 : vector<16xi1>, vector<16xi32>
          %parallel_loop3A_295 = vector.shape_cast %parallel_loop3A_294 : vector<16xi32> to vector<16x1xi32>
          %parallel_loop3A_296 = vector.shape_cast %parallel_loop3A_295 : vector<16x1xi32> to vector<16xi32>
          %parallel_loop3A_297 = tpu.dynamic_gather %parallel_loop3A_194[%parallel_loop3A_296] in [0] : vector<16xf32>, vector<16xi32> -> vector<16xf32>
          %parallel_loop3A_298 = arith.mulf %parallel_loop3A_285, %parallel_loop3A_297 : vector<16xf32>
          %parallel_loop3A_299 = arith.index_cast %parallel_loop3A_174 : i32 to index
          %parallel_loop3A_300 = arith.constant 96 : index
          %parallel_loop3A_301 = tpu.vector_load %arg23[%parallel_loop3A_299, %parallel_loop3A_300] {strides = array<i32>} : memref<80x144xf32, #tpu.memory_space<vmem>>, vector<16xf32>,
          tpu.vector_store %arg23[%parallel_loop3A_299, %parallel_loop3A_300], %parallel_loop3A_298 {strides = array<i32>} : memref<80x144xf32, #tpu.memory_space<vmem>>, vector<16xf32>,
          %parallel_loop3A_302 = arith.mulf %parallel_loop3A_289, %parallel_loop3A_297 : vector<16xf32>
          %parallel_loop3A_303 = arith.index_cast %parallel_loop3A_174 : i32 to index
          %parallel_loop3A_304 = arith.constant 112 : index
          %parallel_loop3A_305 = tpu.vector_load %arg23[%parallel_loop3A_303, %parallel_loop3A_304] {strides = array<i32>} : memref<80x144xf32, #tpu.memory_space<vmem>>, vector<16xf32>,
          tpu.vector_store %arg23[%parallel_loop3A_303, %parallel_loop3A_304], %parallel_loop3A_302 {strides = array<i32>} : memref<80x144xf32, #tpu.memory_space<vmem>>, vector<16xf32>,
        } {sc.loop_unroll_factor = 4 : i64, sc.parallel_access}
        %dma_start3A_110 = arith.constant 0 : i32
        %dma_start3A_111 = arith.constant 0 : i32
        %dma_start3A_112 = tpu.memref_slice %arg12[%dma_start3A_110, %dma_start3A_111] : memref<10000x144xf32, #tpu.memory_space<vmem_shared>> -> memref<10000x144xf32, #tpu.memory_space<vmem_shared>>
        tpu.enqueue_indirect_dma source(%arg23 : memref<80x144xf32, #tpu.memory_space<vmem>>) target(%dma_start3A_112 : memref<10000x144xf32, #tpu.memory_space<vmem_shared>>) offsets(%arg17 : memref<80xi32, #tpu.memory_space<vmem>>) semaphore(%arg29 : memref<!tpu.dma_semaphore, #tpu.memory_space<semaphore_mem>>) {add = true}
        %lt3A_113 = arith.constant 124 : i32
        %lt3A_114 = arith.cmpi slt, %scan3A_66, %lt3A_113 : i32
        %convert_element_type3A_115 = arith.extui %lt3A_114 : i1 to i32
        %cond3A_116 = arith.constant 0 : i32
        %cond3A_117 = arith.cmpi ne, %convert_element_type3A_115, %cond3A_116 : i32
        scf.if %cond3A_117 {
          %mul3A_174 = arith.constant 2 : i32
          %mul3A_175 = arith.muli %mul3A_174, %scan3A_66 : i32
          %add3A_176 = arith.constant 2 : i32
          %add3A_177 = arith.addi %mul3A_175, %add3A_176 : i32
          %mul3A_178 = arith.constant 80 : i32
          %mul3A_179 = arith.muli %add3A_177, %mul3A_178 : i32
          %add3A_180 = arith.addi %mul3A_41, %mul3A_179 : i32
          %dma_start3A_181 = tpu.memref_slice %arg8[%add3A_180] : memref<320000xi32, #tpu.memory_space<hbm>> -> memref<80xi32, #tpu.memory_space<hbm>>
          %dma_start3A_182 = tpu.memref_slice %arg8[%add3A_180] : memref<320000xi32, #tpu.memory_space<hbm>> -> memref<80xi32, #tpu.memory_space<hbm>>
          tpu.enqueue_dma source(%dma_start3A_182 : memref<80xi32, #tpu.memory_space<hbm>>) target(%arg13 : memref<80xi32, #tpu.memory_space<vmem>>) target_semaphore(%arg31 : memref<!tpu.dma_semaphore, #tpu.memory_space<semaphore_mem>>)
          %mul3A_183 = arith.constant 80 : i32
          %mul3A_184 = arith.muli %add3A_177, %mul3A_183 : i32
          %add3A_185 = arith.addi %mul3A_41, %mul3A_184 : i32
          %dma_start3A_186 = tpu.memref_slice %arg9[%add3A_185] : memref<320000xi32, #tpu.memory_space<hbm>> -> memref<80xi32, #tpu.memory_space<hbm>>
          %dma_start3A_187 = tpu.memref_slice %arg9[%add3A_185] : memref<320000xi32, #tpu.memory_space<hbm>> -> memref<80xi32, #tpu.memory_space<hbm>>
          tpu.enqueue_dma source(%dma_start3A_187 : memref<80xi32, #tpu.memory_space<hbm>>) target(%arg15 : memref<80xi32, #tpu.memory_space<vmem>>) target_semaphore(%arg33 : memref<!tpu.dma_semaphore, #tpu.memory_space<semaphore_mem>>)
        } else {
        }
        %gt3A_118 = arith.constant 0 : i32
        %gt3A_119 = arith.cmpi sgt, %scan3A_66, %gt3A_118 : i32
        %convert_element_type3A_120 = arith.extui %gt3A_119 : i1 to i32
        %cond3A_121 = arith.constant 0 : i32
        %cond3A_122 = arith.cmpi ne, %convert_element_type3A_120, %cond3A_121 : i32
        scf.if %cond3A_122 {
          %dma_wait3A_174 = arith.constant 0 : i32
          %dma_wait3A_175 = arith.constant 0 : i32
          %dma_wait3A_176 = tpu.memref_slice %arg12[%dma_wait3A_174, %dma_wait3A_175] : memref<10000x144xf32, #tpu.memory_space<vmem_shared>> -> memref<10000x144xf32, #tpu.memory_space<vmem_shared>>
          tpu.wait_indirect_dma semaphore(%arg30 : memref<!tpu.dma_semaphore, #tpu.memory_space<semaphore_mem>>) src(%arg24 : memref<80x144xf32, #tpu.memory_space<vmem>>) dst(%dma_wait3A_176 : memref<10000x144xf32, #tpu.memory_space<vmem_shared>>)
        } else {
        }
        %dma_wait3A_123 = arith.constant 0 : i32
        %dma_wait3A_124 = arith.constant 0 : i32
        %dma_wait3A_125 = tpu.memref_slice %arg3[%dma_wait3A_123, %dma_wait3A_124] : memref<10000x80xi32, #tpu.memory_space<hbm>> -> memref<10000x80xi32, #tpu.memory_space<hbm>>
        tpu.wait_indirect_dma semaphore(%arg26 : memref<!tpu.dma_semaphore, #tpu.memory_space<semaphore_mem>>) src(%dma_wait3A_125 : memref<10000x80xi32, #tpu.memory_space<hbm>>) dst(%arg20 : memref<80x80xi32, #tpu.memory_space<vmem>>)
        %dma_wait3A_126 = arith.constant 0 : i32
        %dma_wait3A_127 = arith.constant 0 : i32
        %dma_wait3A_128 = tpu.memref_slice %arg5[%dma_wait3A_126, %dma_wait3A_127] : memref<10000x16xf32, #tpu.memory_space<hbm>> -> memref<10000x16xf32, #tpu.memory_space<hbm>>
        tpu.wait_indirect_dma semaphore(%arg28 : memref<!tpu.dma_semaphore, #tpu.memory_space<semaphore_mem>>) src(%dma_wait3A_128 : memref<10000x16xf32, #tpu.memory_space<hbm>>) dst(%arg22 : memref<80x16xf32, #tpu.memory_space<vmem>>)
        %lt3A_129 = arith.constant 124 : i32
        %lt3A_130 = arith.cmpi slt, %scan3A_66, %lt3A_129 : i32
        %convert_element_type3A_131 = arith.extui %lt3A_130 : i1 to i32
        %cond3A_132 = arith.constant 0 : i32
        %cond3A_133 = arith.cmpi ne, %convert_element_type3A_131, %cond3A_132 : i32
        scf.if %cond3A_133 {
          %mul3A_174 = arith.constant 2 : i32
          %mul3A_175 = arith.muli %mul3A_174, %scan3A_66 : i32
          %add3A_176 = arith.constant 2 : i32
          %add3A_177 = arith.addi %mul3A_175, %add3A_176 : i32
          %mul3A_178 = arith.constant 80 : i32
          %mul3A_179 = arith.muli %add3A_177, %mul3A_178 : i32
          %add3A_180 = arith.addi %mul3A_41, %mul3A_179 : i32
          %dma_wait3A_181 = tpu.memref_slice %arg8[%add3A_180] : memref<320000xi32, #tpu.memory_space<hbm>> -> memref<80xi32, #tpu.memory_space<hbm>>
          %dma_wait3A_182 = tpu.memref_slice %arg8[%add3A_180] : memref<320000xi32, #tpu.memory_space<hbm>> -> memref<80xi32, #tpu.memory_space<hbm>>
          tpu.wait_dma2 semaphore(%arg31 : memref<!tpu.dma_semaphore, #tpu.memory_space<semaphore_mem>>) src(%dma_wait3A_182 : memref<80xi32, #tpu.memory_space<hbm>>) dst(%arg13 : memref<80xi32, #tpu.memory_space<vmem>>)
          %mul3A_183 = arith.constant 80 : i32
          %mul3A_184 = arith.muli %add3A_177, %mul3A_183 : i32
          %add3A_185 = arith.addi %mul3A_41, %mul3A_184 : i32
          %dma_wait3A_186 = tpu.memref_slice %arg9[%add3A_185] : memref<320000xi32, #tpu.memory_space<hbm>> -> memref<80xi32, #tpu.memory_space<hbm>>
          %dma_wait3A_187 = tpu.memref_slice %arg9[%add3A_185] : memref<320000xi32, #tpu.memory_space<hbm>> -> memref<80xi32, #tpu.memory_space<hbm>>
          tpu.wait_dma2 semaphore(%arg33 : memref<!tpu.dma_semaphore, #tpu.memory_space<semaphore_mem>>) src(%dma_wait3A_187 : memref<80xi32, #tpu.memory_space<hbm>>) dst(%arg15 : memref<80xi32, #tpu.memory_space<vmem>>)
        } else {
        }
        %lt3A_134 = arith.constant 124 : i32
        %lt3A_135 = arith.cmpi slt, %scan3A_66, %lt3A_134 : i32
        %convert_element_type3A_136 = arith.extui %lt3A_135 : i1 to i32
        %cond3A_137 = arith.constant 0 : i32
        %cond3A_138 = arith.cmpi ne, %convert_element_type3A_136, %cond3A_137 : i32
        scf.if %cond3A_138 {
          %dma_start3A_174 = arith.constant 0 : i32
          %dma_start3A_175 = arith.constant 0 : i32
          %dma_start3A_176 = tpu.memref_slice %arg3[%dma_start3A_174, %dma_start3A_175] : memref<10000x80xi32, #tpu.memory_space<hbm>> -> memref<10000x80xi32, #tpu.memory_space<hbm>>
          tpu.enqueue_indirect_dma source(%dma_start3A_176 : memref<10000x80xi32, #tpu.memory_space<hbm>>) target(%arg19 : memref<80x80xi32, #tpu.memory_space<vmem>>) offsets(%arg13 : memref<80xi32, #tpu.memory_space<vmem>>) semaphore(%arg25 : memref<!tpu.dma_semaphore, #tpu.memory_space<semaphore_mem>>)
          %dma_start3A_177 = arith.constant 0 : i32
          %dma_start3A_178 = arith.constant 0 : i32
          %dma_start3A_179 = tpu.memref_slice %arg5[%dma_start3A_177, %dma_start3A_178] : memref<10000x16xf32, #tpu.memory_space<hbm>> -> memref<10000x16xf32, #tpu.memory_space<hbm>>
          tpu.enqueue_indirect_dma source(%dma_start3A_179 : memref<10000x16xf32, #tpu.memory_space<hbm>>) target(%arg21 : memref<80x16xf32, #tpu.memory_space<vmem>>) offsets(%arg15 : memref<80xi32, #tpu.memory_space<vmem>>) semaphore(%arg27 : memref<!tpu.dma_semaphore, #tpu.memory_space<semaphore_mem>>)
        } else {
        }
        %get3A_139 = arith.constant 0 : index
        %get3A_140 = tpu.vector_load %arg16[%get3A_139] {strides = array<i32>} : memref<80xi32, #tpu.memory_space<vmem>>, vector<16xi32>,
        %swap3A_141 = arith.constant 0 : index
        %swap3A_142 = tpu.vector_load %arg18[%swap3A_141] {strides = array<i32>} : memref<80xi32, #tpu.memory_space<vmem>>, vector<16xi32>,
        tpu.vector_store %arg18[%swap3A_141], %get3A_140 {strides = array<i32>} : memref<80xi32, #tpu.memory_space<vmem>>, vector<16xi32>,
        %get3A_143 = arith.constant 16 : index
        %get3A_144 = tpu.vector_load %arg16[%get3A_143] {strides = array<i32>} : memref<80xi32, #tpu.memory_space<vmem>>, vector<16xi32>,
        %swap3A_145 = arith.constant 16 : index
        %swap3A_146 = tpu.vector_load %arg18[%swap3A_145] {strides = array<i32>} : memref<80xi32, #tpu.memory_space<vmem>>, vector<16xi32>,
        tpu.vector_store %arg18[%swap3A_145], %get3A_144 {strides = array<i32>} : memref<80xi32, #tpu.memory_space<vmem>>, vector<16xi32>,
        %get3A_147 = arith.constant 32 : index
        %get3A_148 = tpu.vector_load %arg16[%get3A_147] {strides = array<i32>} : memref<80xi32, #tpu.memory_space<vmem>>, vector<16xi32>,
        %swap3A_149 = arith.constant 32 : index
        %swap3A_150 = tpu.vector_load %arg18[%swap3A_149] {strides = array<i32>} : memref<80xi32, #tpu.memory_space<vmem>>, vector<16xi32>,
        tpu.vector_store %arg18[%swap3A_149], %get3A_148 {strides = array<i32>} : memref<80xi32, #tpu.memory_space<vmem>>, vector<16xi32>,
        %get3A_151 = arith.constant 48 : index
        %get3A_152 = tpu.vector_load %arg16[%get3A_151] {strides = array<i32>} : memref<80xi32, #tpu.memory_space<vmem>>, vector<16xi32>,
        %swap3A_153 = arith.constant 48 : index
        %swap3A_154 = tpu.vector_load %arg18[%swap3A_153] {strides = array<i32>} : memref<80xi32, #tpu.memory_space<vmem>>, vector<16xi32>,
        tpu.vector_store %arg18[%swap3A_153], %get3A_152 {strides = array<i32>} : memref<80xi32, #tpu.memory_space<vmem>>, vector<16xi32>,
        %get3A_155 = arith.constant 64 : index
        %get3A_156 = tpu.vector_load %arg16[%get3A_155] {strides = array<i32>} : memref<80xi32, #tpu.memory_space<vmem>>, vector<16xi32>,
        %swap3A_157 = arith.constant 64 : index
        %swap3A_158 = tpu.vector_load %arg18[%swap3A_157] {strides = array<i32>} : memref<80xi32, #tpu.memory_space<vmem>>, vector<16xi32>,
        tpu.vector_store %arg18[%swap3A_157], %get3A_156 {strides = array<i32>} : memref<80xi32, #tpu.memory_space<vmem>>, vector<16xi32>,
        %iota3A_159 = tpu.iota {dimensions = array<i32: 0>} : vector<16xi32>
        %lt3A_160 = arith.constant 8 : i32
        %lt3A_161 = vector.broadcast %lt3A_160 : i32 to vector<16xi32>
        %lt3A_162 = arith.cmpi slt, %iota3A_159, %lt3A_161 : vector<16xi32>
        %parallel_loop3A_163 = arith.constant 0 : i32
        %parallel_loop3A_164 = arith.constant 80 : i32
        %parallel_loop3A_165 = arith.constant 1 : i32
        scf.for %parallel_loop3A_174 = %parallel_loop3A_163 to %parallel_loop3A_164 step %parallel_loop3A_165  : i32 {
          %parallel_loop3A_175 = arith.index_cast %parallel_loop3A_174 : i32 to index
          %parallel_loop3A_176 = arith.constant 64 : index
          %parallel_loop3A_177 = tpu.vector_load %arg20[%parallel_loop3A_175, %parallel_loop3A_176] {strides = array<i32>} : memref<80x80xi32, #tpu.memory_space<vmem>>, vector<16xi32>,
          %parallel_loop3A_178 = arith.constant 16 : i32
          %parallel_loop3A_179 = vector.broadcast %parallel_loop3A_178 : i32 to vector<16xi32>
          %parallel_loop3A_180 = arith.shli %parallel_loop3A_177, %parallel_loop3A_179 : vector<16xi32>
          %parallel_loop3A_181 = vector.bitcast %parallel_loop3A_180 : vector<16xi32> to vector<16xf32>
          %parallel_loop3A_182 = arith.constant -65536 : i32
          %parallel_loop3A_183 = vector.broadcast %parallel_loop3A_182 : i32 to vector<16xi32>
          %parallel_loop3A_184 = arith.andi %parallel_loop3A_177, %parallel_loop3A_183 : vector<16xi32>
          %parallel_loop3A_185 = vector.bitcast %parallel_loop3A_184 : vector<16xi32> to vector<16xf32>
          %parallel_loop3A_186 = arith.index_cast %parallel_loop3A_174 : i32 to index
          %parallel_loop3A_187 = arith.constant 0 : index
          %parallel_loop3A_188 = tpu.vector_load %arg22[%parallel_loop3A_186, %parallel_loop3A_187] {strides = array<i32>} : memref<80x16xf32, #tpu.memory_space<vmem>>, vector<16xf32>,
          %parallel_loop3A_189 = arith.addf %parallel_loop3A_181, %parallel_loop3A_188 : vector<16xf32>
          %parallel_loop3A_190 = arith.constant 2.000000e-01 : f32
          %parallel_loop3A_191 = vector.broadcast %parallel_loop3A_190 : f32 to vector<16xf32>
          %parallel_loop3A_192 = arith.mulf %parallel_loop3A_189, %parallel_loop3A_191 : vector<16xf32>
          %parallel_loop3A_193 = arith.maximumf %parallel_loop3A_189, %parallel_loop3A_192 : vector<16xf32>
          %parallel_loop3A_194 = math.exp %parallel_loop3A_193 : vector<16xf32>
          %parallel_loop3A_195 = arith.index_cast %parallel_loop3A_174 : i32 to index
          %parallel_loop3A_196 = arith.constant 128 : index
          %parallel_loop3A_197 = tpu.vector_load %arg24[%parallel_loop3A_195, %parallel_loop3A_196] {strides = array<i32>} : memref<80x144xf32, #tpu.memory_space<vmem>>, vector<16xf32>,
          tpu.vector_store %arg24[%parallel_loop3A_195, %parallel_loop3A_196], %parallel_loop3A_194 {strides = array<i32>} : memref<80x144xf32, #tpu.memory_space<vmem>>, vector<16xf32>,
          %parallel_loop3A_198 = arith.index_cast %parallel_loop3A_174 : i32 to index
          %parallel_loop3A_199 = arith.constant 0 : index
          %parallel_loop3A_200 = tpu.vector_load %arg20[%parallel_loop3A_198, %parallel_loop3A_199] {strides = array<i32>} : memref<80x80xi32, #tpu.memory_space<vmem>>, vector<16xi32>,
          %parallel_loop3A_201 = arith.constant 16 : i32
          %parallel_loop3A_202 = vector.broadcast %parallel_loop3A_201 : i32 to vector<16xi32>
          %parallel_loop3A_203 = arith.shli %parallel_loop3A_200, %parallel_loop3A_202 : vector<16xi32>
          %parallel_loop3A_204 = vector.bitcast %parallel_loop3A_203 : vector<16xi32> to vector<16xf32>
          %parallel_loop3A_205 = arith.constant -65536 : i32
          %parallel_loop3A_206 = vector.broadcast %parallel_loop3A_205 : i32 to vector<16xi32>
          %parallel_loop3A_207 = arith.andi %parallel_loop3A_200, %parallel_loop3A_206 : vector<16xi32>
          %parallel_loop3A_208 = vector.bitcast %parallel_loop3A_207 : vector<16xi32> to vector<16xf32>
          %parallel_loop3A_209 = arith.constant 0 : i32
          %parallel_loop3A_210 = arith.constant 1 : i32
          %parallel_loop3A_211 = vector.broadcast %parallel_loop3A_209 : i32 to vector<16xi32>
          %parallel_loop3A_212 = vector.broadcast %parallel_loop3A_210 : i32 to vector<16xi32>
          %parallel_loop3A_213 = arith.select %lt3A_162, %parallel_loop3A_211, %parallel_loop3A_212 : vector<16xi1>, vector<16xi32>
          %parallel_loop3A_214 = vector.shape_cast %parallel_loop3A_213 : vector<16xi32> to vector<16x1xi32>
          %parallel_loop3A_215 = vector.shape_cast %parallel_loop3A_214 : vector<16x1xi32> to vector<16xi32>
          %parallel_loop3A_216 = tpu.dynamic_gather %parallel_loop3A_194[%parallel_loop3A_215] in [0] : vector<16xf32>, vector<16xi32> -> vector<16xf32>
          %parallel_loop3A_217 = arith.mulf %parallel_loop3A_204, %parallel_loop3A_216 : vector<16xf32>
          %parallel_loop3A_218 = arith.index_cast %parallel_loop3A_174 : i32 to index
          %parallel_loop3A_219 = arith.constant 0 : index
          %parallel_loop3A_220 = tpu.vector_load %arg24[%parallel_loop3A_218, %parallel_loop3A_219] {strides = array<i32>} : memref<80x144xf32, #tpu.memory_space<vmem>>, vector<16xf32>,
          tpu.vector_store %arg24[%parallel_loop3A_218, %parallel_loop3A_219], %parallel_loop3A_217 {strides = array<i32>} : memref<80x144xf32, #tpu.memory_space<vmem>>, vector<16xf32>,
          %parallel_loop3A_221 = arith.mulf %parallel_loop3A_208, %parallel_loop3A_216 : vector<16xf32>
          %parallel_loop3A_222 = arith.index_cast %parallel_loop3A_174 : i32 to index
          %parallel_loop3A_223 = arith.constant 16 : index
          %parallel_loop3A_224 = tpu.vector_load %arg24[%parallel_loop3A_222, %parallel_loop3A_223] {strides = array<i32>} : memref<80x144xf32, #tpu.memory_space<vmem>>, vector<16xf32>,
          tpu.vector_store %arg24[%parallel_loop3A_222, %parallel_loop3A_223], %parallel_loop3A_221 {strides = array<i32>} : memref<80x144xf32, #tpu.memory_space<vmem>>, vector<16xf32>,
          %parallel_loop3A_225 = arith.index_cast %parallel_loop3A_174 : i32 to index
          %parallel_loop3A_226 = arith.constant 16 : index
          %parallel_loop3A_227 = tpu.vector_load %arg20[%parallel_loop3A_225, %parallel_loop3A_226] {strides = array<i32>} : memref<80x80xi32, #tpu.memory_space<vmem>>, vector<16xi32>,
          %parallel_loop3A_228 = arith.constant 16 : i32
          %parallel_loop3A_229 = vector.broadcast %parallel_loop3A_228 : i32 to vector<16xi32>
          %parallel_loop3A_230 = arith.shli %parallel_loop3A_227, %parallel_loop3A_229 : vector<16xi32>
          %parallel_loop3A_231 = vector.bitcast %parallel_loop3A_230 : vector<16xi32> to vector<16xf32>
          %parallel_loop3A_232 = arith.constant -65536 : i32
          %parallel_loop3A_233 = vector.broadcast %parallel_loop3A_232 : i32 to vector<16xi32>
          %parallel_loop3A_234 = arith.andi %parallel_loop3A_227, %parallel_loop3A_233 : vector<16xi32>
          %parallel_loop3A_235 = vector.bitcast %parallel_loop3A_234 : vector<16xi32> to vector<16xf32>
          %parallel_loop3A_236 = arith.constant 2 : i32
          %parallel_loop3A_237 = arith.constant 3 : i32
          %parallel_loop3A_238 = vector.broadcast %parallel_loop3A_236 : i32 to vector<16xi32>
          %parallel_loop3A_239 = vector.broadcast %parallel_loop3A_237 : i32 to vector<16xi32>
          %parallel_loop3A_240 = arith.select %lt3A_162, %parallel_loop3A_238, %parallel_loop3A_239 : vector<16xi1>, vector<16xi32>
          %parallel_loop3A_241 = vector.shape_cast %parallel_loop3A_240 : vector<16xi32> to vector<16x1xi32>
          %parallel_loop3A_242 = vector.shape_cast %parallel_loop3A_241 : vector<16x1xi32> to vector<16xi32>
          %parallel_loop3A_243 = tpu.dynamic_gather %parallel_loop3A_194[%parallel_loop3A_242] in [0] : vector<16xf32>, vector<16xi32> -> vector<16xf32>
          %parallel_loop3A_244 = arith.mulf %parallel_loop3A_231, %parallel_loop3A_243 : vector<16xf32>
          %parallel_loop3A_245 = arith.index_cast %parallel_loop3A_174 : i32 to index
          %parallel_loop3A_246 = arith.constant 32 : index
          %parallel_loop3A_247 = tpu.vector_load %arg24[%parallel_loop3A_245, %parallel_loop3A_246] {strides = array<i32>} : memref<80x144xf32, #tpu.memory_space<vmem>>, vector<16xf32>,
          tpu.vector_store %arg24[%parallel_loop3A_245, %parallel_loop3A_246], %parallel_loop3A_244 {strides = array<i32>} : memref<80x144xf32, #tpu.memory_space<vmem>>, vector<16xf32>,
          %parallel_loop3A_248 = arith.mulf %parallel_loop3A_235, %parallel_loop3A_243 : vector<16xf32>
          %parallel_loop3A_249 = arith.index_cast %parallel_loop3A_174 : i32 to index
          %parallel_loop3A_250 = arith.constant 48 : index
          %parallel_loop3A_251 = tpu.vector_load %arg24[%parallel_loop3A_249, %parallel_loop3A_250] {strides = array<i32>} : memref<80x144xf32, #tpu.memory_space<vmem>>, vector<16xf32>,
          tpu.vector_store %arg24[%parallel_loop3A_249, %parallel_loop3A_250], %parallel_loop3A_248 {strides = array<i32>} : memref<80x144xf32, #tpu.memory_space<vmem>>, vector<16xf32>,
          %parallel_loop3A_252 = arith.index_cast %parallel_loop3A_174 : i32 to index
          %parallel_loop3A_253 = arith.constant 32 : index
          %parallel_loop3A_254 = tpu.vector_load %arg20[%parallel_loop3A_252, %parallel_loop3A_253] {strides = array<i32>} : memref<80x80xi32, #tpu.memory_space<vmem>>, vector<16xi32>,
          %parallel_loop3A_255 = arith.constant 16 : i32
          %parallel_loop3A_256 = vector.broadcast %parallel_loop3A_255 : i32 to vector<16xi32>
          %parallel_loop3A_257 = arith.shli %parallel_loop3A_254, %parallel_loop3A_256 : vector<16xi32>
          %parallel_loop3A_258 = vector.bitcast %parallel_loop3A_257 : vector<16xi32> to vector<16xf32>
          %parallel_loop3A_259 = arith.constant -65536 : i32
          %parallel_loop3A_260 = vector.broadcast %parallel_loop3A_259 : i32 to vector<16xi32>
          %parallel_loop3A_261 = arith.andi %parallel_loop3A_254, %parallel_loop3A_260 : vector<16xi32>
          %parallel_loop3A_262 = vector.bitcast %parallel_loop3A_261 : vector<16xi32> to vector<16xf32>
          %parallel_loop3A_263 = arith.constant 4 : i32
          %parallel_loop3A_264 = arith.constant 5 : i32
          %parallel_loop3A_265 = vector.broadcast %parallel_loop3A_263 : i32 to vector<16xi32>
          %parallel_loop3A_266 = vector.broadcast %parallel_loop3A_264 : i32 to vector<16xi32>
          %parallel_loop3A_267 = arith.select %lt3A_162, %parallel_loop3A_265, %parallel_loop3A_266 : vector<16xi1>, vector<16xi32>
          %parallel_loop3A_268 = vector.shape_cast %parallel_loop3A_267 : vector<16xi32> to vector<16x1xi32>
          %parallel_loop3A_269 = vector.shape_cast %parallel_loop3A_268 : vector<16x1xi32> to vector<16xi32>
          %parallel_loop3A_270 = tpu.dynamic_gather %parallel_loop3A_194[%parallel_loop3A_269] in [0] : vector<16xf32>, vector<16xi32> -> vector<16xf32>
          %parallel_loop3A_271 = arith.mulf %parallel_loop3A_258, %parallel_loop3A_270 : vector<16xf32>
          %parallel_loop3A_272 = arith.index_cast %parallel_loop3A_174 : i32 to index
          %parallel_loop3A_273 = arith.constant 64 : index
          %parallel_loop3A_274 = tpu.vector_load %arg24[%parallel_loop3A_272, %parallel_loop3A_273] {strides = array<i32>} : memref<80x144xf32, #tpu.memory_space<vmem>>, vector<16xf32>,
          tpu.vector_store %arg24[%parallel_loop3A_272, %parallel_loop3A_273], %parallel_loop3A_271 {strides = array<i32>} : memref<80x144xf32, #tpu.memory_space<vmem>>, vector<16xf32>,
          %parallel_loop3A_275 = arith.mulf %parallel_loop3A_262, %parallel_loop3A_270 : vector<16xf32>
          %parallel_loop3A_276 = arith.index_cast %parallel_loop3A_174 : i32 to index
          %parallel_loop3A_277 = arith.constant 80 : index
          %parallel_loop3A_278 = tpu.vector_load %arg24[%parallel_loop3A_276, %parallel_loop3A_277] {strides = array<i32>} : memref<80x144xf32, #tpu.memory_space<vmem>>, vector<16xf32>,
          tpu.vector_store %arg24[%parallel_loop3A_276, %parallel_loop3A_277], %parallel_loop3A_275 {strides = array<i32>} : memref<80x144xf32, #tpu.memory_space<vmem>>, vector<16xf32>,
          %parallel_loop3A_279 = arith.index_cast %parallel_loop3A_174 : i32 to index
          %parallel_loop3A_280 = arith.constant 48 : index
          %parallel_loop3A_281 = tpu.vector_load %arg20[%parallel_loop3A_279, %parallel_loop3A_280] {strides = array<i32>} : memref<80x80xi32, #tpu.memory_space<vmem>>, vector<16xi32>,
          %parallel_loop3A_282 = arith.constant 16 : i32
          %parallel_loop3A_283 = vector.broadcast %parallel_loop3A_282 : i32 to vector<16xi32>
          %parallel_loop3A_284 = arith.shli %parallel_loop3A_281, %parallel_loop3A_283 : vector<16xi32>
          %parallel_loop3A_285 = vector.bitcast %parallel_loop3A_284 : vector<16xi32> to vector<16xf32>
          %parallel_loop3A_286 = arith.constant -65536 : i32
          %parallel_loop3A_287 = vector.broadcast %parallel_loop3A_286 : i32 to vector<16xi32>
          %parallel_loop3A_288 = arith.andi %parallel_loop3A_281, %parallel_loop3A_287 : vector<16xi32>
          %parallel_loop3A_289 = vector.bitcast %parallel_loop3A_288 : vector<16xi32> to vector<16xf32>
          %parallel_loop3A_290 = arith.constant 6 : i32
          %parallel_loop3A_291 = arith.constant 7 : i32
          %parallel_loop3A_292 = vector.broadcast %parallel_loop3A_290 : i32 to vector<16xi32>
          %parallel_loop3A_293 = vector.broadcast %parallel_loop3A_291 : i32 to vector<16xi32>
          %parallel_loop3A_294 = arith.select %lt3A_162, %parallel_loop3A_292, %parallel_loop3A_293 : vector<16xi1>, vector<16xi32>
          %parallel_loop3A_295 = vector.shape_cast %parallel_loop3A_294 : vector<16xi32> to vector<16x1xi32>
          %parallel_loop3A_296 = vector.shape_cast %parallel_loop3A_295 : vector<16x1xi32> to vector<16xi32>
          %parallel_loop3A_297 = tpu.dynamic_gather %parallel_loop3A_194[%parallel_loop3A_296] in [0] : vector<16xf32>, vector<16xi32> -> vector<16xf32>
          %parallel_loop3A_298 = arith.mulf %parallel_loop3A_285, %parallel_loop3A_297 : vector<16xf32>
          %parallel_loop3A_299 = arith.index_cast %parallel_loop3A_174 : i32 to index
          %parallel_loop3A_300 = arith.constant 96 : index
          %parallel_loop3A_301 = tpu.vector_load %arg24[%parallel_loop3A_299, %parallel_loop3A_300] {strides = array<i32>} : memref<80x144xf32, #tpu.memory_space<vmem>>, vector<16xf32>,
          tpu.vector_store %arg24[%parallel_loop3A_299, %parallel_loop3A_300], %parallel_loop3A_298 {strides = array<i32>} : memref<80x144xf32, #tpu.memory_space<vmem>>, vector<16xf32>,
          %parallel_loop3A_302 = arith.mulf %parallel_loop3A_289, %parallel_loop3A_297 : vector<16xf32>
          %parallel_loop3A_303 = arith.index_cast %parallel_loop3A_174 : i32 to index
          %parallel_loop3A_304 = arith.constant 112 : index
          %parallel_loop3A_305 = tpu.vector_load %arg24[%parallel_loop3A_303, %parallel_loop3A_304] {strides = array<i32>} : memref<80x144xf32, #tpu.memory_space<vmem>>, vector<16xf32>,
          tpu.vector_store %arg24[%parallel_loop3A_303, %parallel_loop3A_304], %parallel_loop3A_302 {strides = array<i32>} : memref<80x144xf32, #tpu.memory_space<vmem>>, vector<16xf32>,
        } {sc.loop_unroll_factor = 4 : i64, sc.parallel_access}
        %dma_start3A_166 = arith.constant 0 : i32
        %dma_start3A_167 = arith.constant 0 : i32
        %dma_start3A_168 = tpu.memref_slice %arg12[%dma_start3A_166, %dma_start3A_167] : memref<10000x144xf32, #tpu.memory_space<vmem_shared>> -> memref<10000x144xf32, #tpu.memory_space<vmem_shared>>
        tpu.enqueue_indirect_dma source(%arg24 : memref<80x144xf32, #tpu.memory_space<vmem>>) target(%dma_start3A_168 : memref<10000x144xf32, #tpu.memory_space<vmem_shared>>) offsets(%arg18 : memref<80xi32, #tpu.memory_space<vmem>>) semaphore(%arg30 : memref<!tpu.dma_semaphore, #tpu.memory_space<semaphore_mem>>) {add = true}
        %lt3A_169 = arith.constant 124 : i32
        %lt3A_170 = arith.cmpi slt, %scan3A_66, %lt3A_169 : i32
        %convert_element_type3A_171 = arith.extui %lt3A_170 : i1 to i32
        %cond3A_172 = arith.constant 0 : i32
        %cond3A_173 = arith.cmpi ne, %convert_element_type3A_171, %cond3A_172 : i32
        scf.if %cond3A_173 {
          %mul3A_174 = arith.constant 2 : i32
          %mul3A_175 = arith.muli %mul3A_174, %scan3A_66 : i32
          %add3A_176 = arith.constant 3 : i32
          %add3A_177 = arith.addi %mul3A_175, %add3A_176 : i32
          %mul3A_178 = arith.constant 80 : i32
          %mul3A_179 = arith.muli %add3A_177, %mul3A_178 : i32
          %add3A_180 = arith.addi %mul3A_41, %mul3A_179 : i32
          %dma_start3A_181 = tpu.memref_slice %arg8[%add3A_180] : memref<320000xi32, #tpu.memory_space<hbm>> -> memref<80xi32, #tpu.memory_space<hbm>>
          %dma_start3A_182 = tpu.memref_slice %arg8[%add3A_180] : memref<320000xi32, #tpu.memory_space<hbm>> -> memref<80xi32, #tpu.memory_space<hbm>>
          tpu.enqueue_dma source(%dma_start3A_182 : memref<80xi32, #tpu.memory_space<hbm>>) target(%arg14 : memref<80xi32, #tpu.memory_space<vmem>>) target_semaphore(%arg32 : memref<!tpu.dma_semaphore, #tpu.memory_space<semaphore_mem>>)
          %mul3A_183 = arith.constant 80 : i32
          %mul3A_184 = arith.muli %add3A_177, %mul3A_183 : i32
          %add3A_185 = arith.addi %mul3A_41, %mul3A_184 : i32
          %dma_start3A_186 = tpu.memref_slice %arg9[%add3A_185] : memref<320000xi32, #tpu.memory_space<hbm>> -> memref<80xi32, #tpu.memory_space<hbm>>
          %dma_start3A_187 = tpu.memref_slice %arg9[%add3A_185] : memref<320000xi32, #tpu.memory_space<hbm>> -> memref<80xi32, #tpu.memory_space<hbm>>
          tpu.enqueue_dma source(%dma_start3A_187 : memref<80xi32, #tpu.memory_space<hbm>>) target(%arg16 : memref<80xi32, #tpu.memory_space<vmem>>) target_semaphore(%arg34 : memref<!tpu.dma_semaphore, #tpu.memory_space<semaphore_mem>>)
        } else {
        }
      }
      %scan3A_60 = arith.constant 125 : i32
      %dma_wait3A = arith.constant 0 : i32
      %dma_wait3A_61 = arith.constant 0 : i32
      %dma_wait3A_62 = tpu.memref_slice %arg12[%dma_wait3A, %dma_wait3A_61] : memref<10000x144xf32, #tpu.memory_space<vmem_shared>> -> memref<10000x144xf32, #tpu.memory_space<vmem_shared>>
      tpu.wait_indirect_dma semaphore(%arg29 : memref<!tpu.dma_semaphore, #tpu.memory_space<semaphore_mem>>) src(%arg23 : memref<80x144xf32, #tpu.memory_space<vmem>>) dst(%dma_wait3A_62 : memref<10000x144xf32, #tpu.memory_space<vmem_shared>>)
      %dma_wait3A_63 = arith.constant 0 : i32
      %dma_wait3A_64 = arith.constant 0 : i32
      %dma_wait3A_65 = tpu.memref_slice %arg12[%dma_wait3A_63, %dma_wait3A_64] : memref<10000x144xf32, #tpu.memory_space<vmem_shared>> -> memref<10000x144xf32, #tpu.memory_space<vmem_shared>>
      tpu.wait_indirect_dma semaphore(%arg30 : memref<!tpu.dma_semaphore, #tpu.memory_space<semaphore_mem>>) src(%arg24 : memref<80x144xf32, #tpu.memory_space<vmem>>) dst(%dma_wait3A_65 : memref<10000x144xf32, #tpu.memory_space<vmem_shared>>)
    } else {
    }
    %barrier3A_29 = arith.constant 0 : index
    tpu.barrier barrier_id(%barrier3A_29)
    %eq3A_30 = arith.constant 0 : i32
    %eq3A_31 = arith.cmpi eq, %arg0, %eq3A_30 : i32
    %convert_element_type3A_32 = arith.extui %eq3A_31 : i1 to i32
    %cond3A_33 = arith.constant 0 : i32
    %cond3A_34 = arith.cmpi ne, %convert_element_type3A_32, %cond3A_33 : i32
    scf.if %cond3A_34 {
      %mul3A_40 = arith.constant 625 : i32
      %mul3A_41 = arith.muli %arg1, %mul3A_40 : i32
      %mul3A_42 = arith.constant 625 : i32
      %mul3A_43 = arith.muli %arg1, %mul3A_42 : i32
      "tpu.region"() ({
        %run_scoped3A = tpu.sem_alloc : memref<!tpu.dma_semaphore, #tpu.memory_space<semaphore_mem>>
        %dma_start3A = arith.constant 0 : i32
        %dma_start3A_44 = tpu.memref_slice %arg10[%mul3A_43, %dma_start3A] : memref<10000x144xf32, #tpu.memory_space<hbm>> -> memref<625x144xf32, #tpu.memory_space<hbm>>
        %dma_start3A_45 = arith.constant 0 : i32
        %dma_start3A_46 = tpu.memref_slice %arg12[%mul3A_41, %dma_start3A_45] : memref<10000x144xf32, #tpu.memory_space<vmem_shared>> -> memref<625x144xf32, #tpu.memory_space<vmem_shared>>
        tpu.enqueue_dma source(%dma_start3A_46 : memref<625x144xf32, #tpu.memory_space<vmem_shared>>) target(%dma_start3A_44 : memref<625x144xf32, #tpu.memory_space<hbm>>) target_semaphore(%run_scoped3A : memref<!tpu.dma_semaphore, #tpu.memory_space<semaphore_mem>>)
        %dma_wait3A = arith.constant 0 : i32
        %dma_wait3A_47 = tpu.memref_slice %arg10[%mul3A_43, %dma_wait3A] : memref<10000x144xf32, #tpu.memory_space<hbm>> -> memref<625x144xf32, #tpu.memory_space<hbm>>
        %dma_wait3A_48 = arith.constant 0 : i32
        %dma_wait3A_49 = tpu.memref_slice %arg12[%mul3A_41, %dma_wait3A_48] : memref<10000x144xf32, #tpu.memory_space<vmem_shared>> -> memref<625x144xf32, #tpu.memory_space<vmem_shared>>
        tpu.wait_dma2 semaphore(%run_scoped3A : memref<!tpu.dma_semaphore, #tpu.memory_space<semaphore_mem>>) src(%dma_wait3A_49 : memref<625x144xf32, #tpu.memory_space<vmem_shared>>) dst(%dma_wait3A_47 : memref<625x144xf32, #tpu.memory_space<hbm>>)
        tpu.yield
      }) : () -> ()
    } else {
    }
    %eq3A_35 = arith.constant 1 : i32
    %eq3A_36 = arith.cmpi eq, %arg0, %eq3A_35 : i32
    %convert_element_type3A_37 = arith.extui %eq3A_36 : i1 to i32
    %cond3A_38 = arith.constant 0 : i32
    %cond3A_39 = arith.cmpi ne, %convert_element_type3A_37, %cond3A_38 : i32
    scf.if %cond3A_39 {
      %mul3A_40 = arith.constant 625 : i32
      %mul3A_41 = arith.muli %arg1, %mul3A_40 : i32
      %mul3A_42 = arith.constant 625 : i32
      %mul3A_43 = arith.muli %arg1, %mul3A_42 : i32
      "tpu.region"() ({
        %run_scoped3A = tpu.sem_alloc : memref<!tpu.dma_semaphore, #tpu.memory_space<semaphore_mem>>
        %dma_start3A = arith.constant 0 : i32
        %dma_start3A_44 = tpu.memref_slice %arg11[%mul3A_43, %dma_start3A] : memref<10000x144xf32, #tpu.memory_space<hbm>> -> memref<625x144xf32, #tpu.memory_space<hbm>>
        %dma_start3A_45 = arith.constant 0 : i32
        %dma_start3A_46 = tpu.memref_slice %arg12[%mul3A_41, %dma_start3A_45] : memref<10000x144xf32, #tpu.memory_space<vmem_shared>> -> memref<625x144xf32, #tpu.memory_space<vmem_shared>>
        tpu.enqueue_dma source(%dma_start3A_46 : memref<625x144xf32, #tpu.memory_space<vmem_shared>>) target(%dma_start3A_44 : memref<625x144xf32, #tpu.memory_space<hbm>>) target_semaphore(%run_scoped3A : memref<!tpu.dma_semaphore, #tpu.memory_space<semaphore_mem>>)
        %dma_wait3A = arith.constant 0 : i32
        %dma_wait3A_47 = tpu.memref_slice %arg11[%mul3A_43, %dma_wait3A] : memref<10000x144xf32, #tpu.memory_space<hbm>> -> memref<625x144xf32, #tpu.memory_space<hbm>>
        %dma_wait3A_48 = arith.constant 0 : i32
        %dma_wait3A_49 = tpu.memref_slice %arg12[%mul3A_41, %dma_wait3A_48] : memref<10000x144xf32, #tpu.memory_space<vmem_shared>> -> memref<625x144xf32, #tpu.memory_space<vmem_shared>>
        tpu.wait_dma2 semaphore(%run_scoped3A : memref<!tpu.dma_semaphore, #tpu.memory_space<semaphore_mem>>) src(%dma_wait3A_49 : memref<625x144xf32, #tpu.memory_space<vmem_shared>>) dst(%dma_wait3A_47 : memref<625x144xf32, #tpu.memory_space<hbm>>)
        tpu.yield
      }) : () -> ()
    } else {
    }
    return
  }
}

module attributes {stable_mosaic.version = 14 : i64} {
  func.func @_proj_body(%arg0: memref<10000x128xf32, #tpu.memory_space<vmem>>, %arg1: memref<128x64xf32, #tpu.memory_space<vmem>>, %arg2: memref<128x64xf32, #tpu.memory_space<vmem>>, %arg3: memref<128x16xf32, #tpu.memory_space<vmem>>, %arg4: memref<128x16xf32, #tpu.memory_space<vmem>>, %arg5: memref<128x16xf32, #tpu.memory_space<vmem>>, %arg6: memref<128x16xf32, #tpu.memory_space<vmem>>, %arg7: memref<10000x80xi32, #tpu.memory_space<vmem>>, %arg8: memref<10000x80xi32, #tpu.memory_space<vmem>>, %arg9: memref<10000x16xf32, #tpu.memory_space<vmem>>, %arg10: memref<10000x16xf32, #tpu.memory_space<vmem>>) attributes {dimension_semantics = [], scalar_prefetch = 0 : i64, scratch_operands = 0 : i64, tpu.core_type = #tpu.core_type<tc>} {
    %get3A = arith.constant 0 : index
    %get3A_0 = arith.constant 0 : index
    %get3A_1 = vector.load %arg0[%get3A, %get3A_0] : memref<10000x128xf32, #tpu.memory_space<vmem>>, vector<10000x128xf32>
    %get3A_2 = arith.constant 0 : index
    %get3A_3 = arith.constant 0 : index
    %get3A_4 = vector.load %arg1[%get3A_2, %get3A_3] : memref<128x64xf32, #tpu.memory_space<vmem>>, vector<128x64xf32>
    %dot_general3A = arith.constant dense<0.000000e+00> : vector<10000x64xf32>
    %dot_general3A_5 = tpu.matmul %get3A_1, %get3A_4, %dot_general3A {dimension_numbers = #tpu.dot_dimension_numbers<[1], [0], [0], [1], [0, 0, 1, 1], [], []>, transpose_lhs_hint = false} : vector<10000x128xf32>, vector<128x64xf32>, vector<10000x64xf32> -> vector<10000x64xf32>
    %get3A_6 = arith.constant 0 : index
    %get3A_7 = arith.constant 0 : index
    %get3A_8 = vector.load %arg2[%get3A_6, %get3A_7] : memref<128x64xf32, #tpu.memory_space<vmem>>, vector<128x64xf32>
    %dot_general3A_9 = arith.constant dense<0.000000e+00> : vector<10000x64xf32>
    %dot_general3A_10 = tpu.matmul %get3A_1, %get3A_8, %dot_general3A_9 {dimension_numbers = #tpu.dot_dimension_numbers<[1], [0], [0], [1], [0, 0, 1, 1], [], []>, transpose_lhs_hint = false} : vector<10000x128xf32>, vector<128x64xf32>, vector<10000x64xf32> -> vector<10000x64xf32>
    %convert_element_type3A = arith.truncf %dot_general3A_5 : vector<10000x64xf32> to vector<10000x64xbf16>
    %bitcast_convert_type3A = tpu.bitcast %convert_element_type3A : vector<10000x64xbf16> -> vector<10000x64xi16>
    %convert_element_type3A_11 = arith.extui %bitcast_convert_type3A : vector<10000x64xi16> to vector<10000x64xi32>
    %convert_element_type3A_12 = arith.truncf %dot_general3A_10 : vector<10000x64xf32> to vector<10000x64xbf16>
    %bitcast_convert_type3A_13 = tpu.bitcast %convert_element_type3A_12 : vector<10000x64xbf16> -> vector<10000x64xi16>
    %convert_element_type3A_14 = arith.extui %bitcast_convert_type3A_13 : vector<10000x64xi16> to vector<10000x64xi32>
    %shift_left3A = arith.constant 16 : i32
    %shift_left3A_15 = vector.broadcast %shift_left3A : i32 to vector<10000x64xi32>
    %shift_left3A_16 = arith.shli %convert_element_type3A_14, %shift_left3A_15 : vector<10000x64xi32>
    %or3A = arith.ori %convert_element_type3A_11, %shift_left3A_16 : vector<10000x64xi32>
    %bitcast_convert_type3A_17 = tpu.bitcast %or3A : vector<10000x64xi32> -> vector<10000x64xi32>
    %get3A_18 = arith.constant 0 : index
    %get3A_19 = arith.constant 0 : index
    %get3A_20 = vector.load %arg3[%get3A_18, %get3A_19] : memref<128x16xf32, #tpu.memory_space<vmem>>, vector<128x16xf32>
    %dot_general3A_21 = arith.constant dense<0.000000e+00> : vector<10000x16xf32>
    %dot_general3A_22 = tpu.matmul %get3A_1, %get3A_20, %dot_general3A_21 {dimension_numbers = #tpu.dot_dimension_numbers<[1], [0], [0], [1], [0, 0, 1, 1], [], []>, transpose_lhs_hint = false} : vector<10000x128xf32>, vector<128x16xf32>, vector<10000x16xf32> -> vector<10000x16xf32>
    %convert_element_type3A_23 = arith.truncf %dot_general3A_22 : vector<10000x16xf32> to vector<10000x16xbf16>
    %bitcast_convert_type3A_24 = tpu.bitcast %convert_element_type3A_23 : vector<10000x16xbf16> -> vector<10000x16xi16>
    %convert_element_type3A_25 = arith.extui %bitcast_convert_type3A_24 : vector<10000x16xi16> to vector<10000x16xi32>
    %bitcast_convert_type3A_26 = tpu.bitcast %convert_element_type3A_25 : vector<10000x16xi32> -> vector<10000x16xi32>
    %concatenate3A = tpu.concatenate %bitcast_convert_type3A_17, %bitcast_convert_type3A_26 in 1 : vector<10000x64xi32>, vector<10000x16xi32> -> vector<10000x80xi32>
    %swap3A = arith.constant 0 : index
    %swap3A_27 = arith.constant 0 : index
    %swap3A_28 = vector.load %arg7[%swap3A, %swap3A_27] : memref<10000x80xi32, #tpu.memory_space<vmem>>, vector<10000x80xi32>
    tpu.vector_store %arg7[%swap3A, %swap3A_27], %concatenate3A {strides = array<i32>} : memref<10000x80xi32, #tpu.memory_space<vmem>>, vector<10000x80xi32>,
    %get3A_29 = arith.constant 0 : index
    %get3A_30 = arith.constant 0 : index
    %get3A_31 = vector.load %arg4[%get3A_29, %get3A_30] : memref<128x16xf32, #tpu.memory_space<vmem>>, vector<128x16xf32>
    %dot_general3A_32 = arith.constant dense<0.000000e+00> : vector<10000x16xf32>
    %dot_general3A_33 = tpu.matmul %get3A_1, %get3A_31, %dot_general3A_32 {dimension_numbers = #tpu.dot_dimension_numbers<[1], [0], [0], [1], [0, 0, 1, 1], [], []>, transpose_lhs_hint = false} : vector<10000x128xf32>, vector<128x16xf32>, vector<10000x16xf32> -> vector<10000x16xf32>
    %convert_element_type3A_34 = arith.truncf %dot_general3A_33 : vector<10000x16xf32> to vector<10000x16xbf16>
    %bitcast_convert_type3A_35 = tpu.bitcast %convert_element_type3A_34 : vector<10000x16xbf16> -> vector<10000x16xi16>
    %convert_element_type3A_36 = arith.extui %bitcast_convert_type3A_35 : vector<10000x16xi16> to vector<10000x16xi32>
    %bitcast_convert_type3A_37 = tpu.bitcast %convert_element_type3A_36 : vector<10000x16xi32> -> vector<10000x16xi32>
    %concatenate3A_38 = tpu.concatenate %bitcast_convert_type3A_17, %bitcast_convert_type3A_37 in 1 : vector<10000x64xi32>, vector<10000x16xi32> -> vector<10000x80xi32>
    %swap3A_39 = arith.constant 0 : index
    %swap3A_40 = arith.constant 0 : index
    %swap3A_41 = vector.load %arg8[%swap3A_39, %swap3A_40] : memref<10000x80xi32, #tpu.memory_space<vmem>>, vector<10000x80xi32>
    tpu.vector_store %arg8[%swap3A_39, %swap3A_40], %concatenate3A_38 {strides = array<i32>} : memref<10000x80xi32, #tpu.memory_space<vmem>>, vector<10000x80xi32>,
    %get3A_42 = arith.constant 0 : index
    %get3A_43 = arith.constant 0 : index
    %get3A_44 = vector.load %arg5[%get3A_42, %get3A_43] : memref<128x16xf32, #tpu.memory_space<vmem>>, vector<128x16xf32>
    %dot_general3A_45 = arith.constant dense<0.000000e+00> : vector<10000x16xf32>
    %dot_general3A_46 = tpu.matmul %get3A_1, %get3A_44, %dot_general3A_45 {dimension_numbers = #tpu.dot_dimension_numbers<[1], [0], [0], [1], [0, 0, 1, 1], [], []>, transpose_lhs_hint = false} : vector<10000x128xf32>, vector<128x16xf32>, vector<10000x16xf32> -> vector<10000x16xf32>
    %swap3A_47 = arith.constant 0 : index
    %swap3A_48 = arith.constant 0 : index
    %swap3A_49 = vector.load %arg9[%swap3A_47, %swap3A_48] : memref<10000x16xf32, #tpu.memory_space<vmem>>, vector<10000x16xf32>
    tpu.vector_store %arg9[%swap3A_47, %swap3A_48], %dot_general3A_46 {strides = array<i32>} : memref<10000x16xf32, #tpu.memory_space<vmem>>, vector<10000x16xf32>,
    %get3A_50 = arith.constant 0 : index
    %get3A_51 = arith.constant 0 : index
    %get3A_52 = vector.load %arg6[%get3A_50, %get3A_51] : memref<128x16xf32, #tpu.memory_space<vmem>>, vector<128x16xf32>
    %dot_general3A_53 = arith.constant dense<0.000000e+00> : vector<10000x16xf32>
    %dot_general3A_54 = tpu.matmul %get3A_1, %get3A_52, %dot_general3A_53 {dimension_numbers = #tpu.dot_dimension_numbers<[1], [0], [0], [1], [0, 0, 1, 1], [], []>, transpose_lhs_hint = false} : vector<10000x128xf32>, vector<128x16xf32>, vector<10000x16xf32> -> vector<10000x16xf32>
    %swap3A_55 = arith.constant 0 : index
    %swap3A_56 = arith.constant 0 : index
    %swap3A_57 = vector.load %arg10[%swap3A_55, %swap3A_56] : memref<10000x16xf32, #tpu.memory_space<vmem>>, vector<10000x16xf32>
    tpu.vector_store %arg10[%swap3A_55, %swap3A_56], %dot_general3A_54 {strides = array<i32>} : memref<10000x16xf32, #tpu.memory_space<vmem>>, vector<10000x16xf32>,
    return
  }
}

module attributes {stable_mosaic.version = 14 : i64} {
  func.func @_sem_body(%arg0: memref<10000x144xf32, #tpu.memory_space<vmem>>, %arg1: memref<10000x144xf32, #tpu.memory_space<vmem>>, %arg2: memref<8x128xf32, #tpu.memory_space<vmem>>, %arg3: memref<128x128xf32, #tpu.memory_space<vmem>>, %arg4: memref<1x128xf32, #tpu.memory_space<vmem>>, %arg5: memref<128x1xf32, #tpu.memory_space<vmem>>, %arg6: memref<128x3xf32, #tpu.memory_space<vmem>>, %arg7: memref<1x3xf32, #tpu.memory_space<vmem>>, %arg8: memref<10000x3xf32, #tpu.memory_space<vmem>>) attributes {dimension_semantics = [], scalar_prefetch = 0 : i64, scratch_operands = 0 : i64, tpu.core_type = #tpu.core_type<tc>} {
    %get3A = arith.constant 0 : index
    %get3A_0 = arith.constant 0 : index
    %get3A_1 = vector.load %arg2[%get3A, %get3A_0] : memref<8x128xf32, #tpu.memory_space<vmem>>, vector<8x128xf32>
    %get3A_2 = arith.constant 0 : index
    %get3A_3 = arith.constant 0 : index
    %get3A_4 = vector.load %arg0[%get3A_2, %get3A_3] : memref<10000x144xf32, #tpu.memory_space<vmem>>, vector<10000x144xf32>
    %slice3A = vector.extract_strided_slice %get3A_4 {offsets = [0, 128], sizes = [10000, 8], strides = [1, 1]} : vector<10000x144xf32> to vector<10000x8xf32>
    %dot_general3A = arith.constant dense<0.000000e+00> : vector<10000x128xf32>
    %dot_general3A_5 = tpu.matmul %slice3A, %get3A_1, %dot_general3A {dimension_numbers = #tpu.dot_dimension_numbers<[1], [0], [0], [1], [0, 0, 1, 1], [], []>, transpose_lhs_hint = false} : vector<10000x8xf32>, vector<8x128xf32>, vector<10000x128xf32> -> vector<10000x128xf32>
    %add3A = arith.constant 1.000000e-16 : f32
    %add3A_6 = vector.broadcast %add3A : f32 to vector<10000x128xf32>
    %add3A_7 = arith.addf %dot_general3A_5, %add3A_6 : vector<10000x128xf32>
    %slice3A_8 = vector.extract_strided_slice %get3A_4 {offsets = [0, 0], sizes = [10000, 128], strides = [1, 1]} : vector<10000x144xf32> to vector<10000x128xf32>
    %div3A = arith.divf %slice3A_8, %add3A_7 : vector<10000x128xf32>
    %max3A = arith.constant 0.000000e+00 : f32
    %max3A_9 = vector.broadcast %max3A : f32 to vector<10000x128xf32>
    %max3A_10 = arith.maximumf %div3A, %max3A_9 : vector<10000x128xf32>
    %get3A_11 = arith.constant 0 : index
    %get3A_12 = arith.constant 0 : index
    %get3A_13 = vector.load %arg3[%get3A_11, %get3A_12] : memref<128x128xf32, #tpu.memory_space<vmem>>, vector<128x128xf32>
    %dot_general3A_14 = arith.constant dense<0.000000e+00> : vector<10000x128xf32>
    %dot_general3A_15 = tpu.matmul %max3A_10, %get3A_13, %dot_general3A_14 {dimension_numbers = #tpu.dot_dimension_numbers<[1], [0], [0], [1], [0, 0, 1, 1], [], []>, transpose_lhs_hint = false} : vector<10000x128xf32>, vector<128x128xf32>, vector<10000x128xf32> -> vector<10000x128xf32>
    %get3A_16 = arith.constant 0 : index
    %get3A_17 = arith.constant 0 : index
    %get3A_18 = vector.load %arg4[%get3A_16, %get3A_17] : memref<1x128xf32, #tpu.memory_space<vmem>>, vector<1x128xf32>
    %add3A_19 = vector.broadcast %get3A_18 : vector<1x128xf32> to vector<10000x128xf32>
    %add3A_20 = arith.addf %dot_general3A_15, %add3A_19 : vector<10000x128xf32>
    %tanh3A = math.tanh %add3A_20 : vector<10000x128xf32>
    %get3A_21 = arith.constant 0 : index
    %get3A_22 = arith.constant 0 : index
    %get3A_23 = vector.load %arg5[%get3A_21, %get3A_22] : memref<128x1xf32, #tpu.memory_space<vmem>>, vector<128x1xf32>
    %dot_general3A_24 = arith.constant dense<0.000000e+00> : vector<10000x1xf32>
    %dot_general3A_25 = tpu.matmul %tanh3A, %get3A_23, %dot_general3A_24 {dimension_numbers = #tpu.dot_dimension_numbers<[1], [0], [0], [1], [0, 0, 1, 1], [], []>, transpose_lhs_hint = false} : vector<10000x128xf32>, vector<128x1xf32>, vector<10000x1xf32> -> vector<10000x1xf32>
    %reduce_sum3A = vector.shape_cast %dot_general3A_25 : vector<10000x1xf32> to vector<1x10000x1xf32>
    %reduce_sum3A_26 = arith.constant dense<0.000000e+00> : vector<1xf32>
    %reduce_sum3A_27 = vector.multi_reduction <add>, %reduce_sum3A, %reduce_sum3A_26 [1, 2] : vector<1x10000x1xf32> to vector<1xf32>
    %reduce_sum3A_28 = vector.shape_cast %reduce_sum3A_27 : vector<1xf32> to vector<1x1x1xf32>
    %reduce_sum3A_29 = vector.extract %reduce_sum3A_28[0, 0, 0] : f32 from vector<1x1x1xf32>
    %div3A_30 = arith.constant 1.000000e+04 : f32
    %div3A_31 = arith.divf %reduce_sum3A_29, %div3A_30 : f32
    %get3A_32 = arith.constant 0 : index
    %get3A_33 = arith.constant 0 : index
    %get3A_34 = vector.load %arg1[%get3A_32, %get3A_33] : memref<10000x144xf32, #tpu.memory_space<vmem>>, vector<10000x144xf32>
    %slice3A_35 = vector.extract_strided_slice %get3A_34 {offsets = [0, 128], sizes = [10000, 8], strides = [1, 1]} : vector<10000x144xf32> to vector<10000x8xf32>
    %dot_general3A_36 = arith.constant dense<0.000000e+00> : vector<10000x128xf32>
    %dot_general3A_37 = tpu.matmul %slice3A_35, %get3A_1, %dot_general3A_36 {dimension_numbers = #tpu.dot_dimension_numbers<[1], [0], [0], [1], [0, 0, 1, 1], [], []>, transpose_lhs_hint = false} : vector<10000x8xf32>, vector<8x128xf32>, vector<10000x128xf32> -> vector<10000x128xf32>
    %add3A_38 = arith.constant 1.000000e-16 : f32
    %add3A_39 = vector.broadcast %add3A_38 : f32 to vector<10000x128xf32>
    %add3A_40 = arith.addf %dot_general3A_37, %add3A_39 : vector<10000x128xf32>
    %slice3A_41 = vector.extract_strided_slice %get3A_34 {offsets = [0, 0], sizes = [10000, 128], strides = [1, 1]} : vector<10000x144xf32> to vector<10000x128xf32>
    %div3A_42 = arith.divf %slice3A_41, %add3A_40 : vector<10000x128xf32>
    %max3A_43 = arith.constant 0.000000e+00 : f32
    %max3A_44 = vector.broadcast %max3A_43 : f32 to vector<10000x128xf32>
    %max3A_45 = arith.maximumf %div3A_42, %max3A_44 : vector<10000x128xf32>
    %get3A_46 = arith.constant 0 : index
    %get3A_47 = arith.constant 0 : index
    %get3A_48 = vector.load %arg3[%get3A_46, %get3A_47] : memref<128x128xf32, #tpu.memory_space<vmem>>, vector<128x128xf32>
    %dot_general3A_49 = arith.constant dense<0.000000e+00> : vector<10000x128xf32>
    %dot_general3A_50 = tpu.matmul %max3A_45, %get3A_48, %dot_general3A_49 {dimension_numbers = #tpu.dot_dimension_numbers<[1], [0], [0], [1], [0, 0, 1, 1], [], []>, transpose_lhs_hint = false} : vector<10000x128xf32>, vector<128x128xf32>, vector<10000x128xf32> -> vector<10000x128xf32>
    %get3A_51 = arith.constant 0 : index
    %get3A_52 = arith.constant 0 : index
    %get3A_53 = vector.load %arg4[%get3A_51, %get3A_52] : memref<1x128xf32, #tpu.memory_space<vmem>>, vector<1x128xf32>
    %add3A_54 = vector.broadcast %get3A_53 : vector<1x128xf32> to vector<10000x128xf32>
    %add3A_55 = arith.addf %dot_general3A_50, %add3A_54 : vector<10000x128xf32>
    %tanh3A_56 = math.tanh %add3A_55 : vector<10000x128xf32>
    %get3A_57 = arith.constant 0 : index
    %get3A_58 = arith.constant 0 : index
    %get3A_59 = vector.load %arg5[%get3A_57, %get3A_58] : memref<128x1xf32, #tpu.memory_space<vmem>>, vector<128x1xf32>
    %dot_general3A_60 = arith.constant dense<0.000000e+00> : vector<10000x1xf32>
    %dot_general3A_61 = tpu.matmul %tanh3A_56, %get3A_59, %dot_general3A_60 {dimension_numbers = #tpu.dot_dimension_numbers<[1], [0], [0], [1], [0, 0, 1, 1], [], []>, transpose_lhs_hint = false} : vector<10000x128xf32>, vector<128x1xf32>, vector<10000x1xf32> -> vector<10000x1xf32>
    %reduce_sum3A_62 = vector.shape_cast %dot_general3A_61 : vector<10000x1xf32> to vector<1x10000x1xf32>
    %reduce_sum3A_63 = arith.constant dense<0.000000e+00> : vector<1xf32>
    %reduce_sum3A_64 = vector.multi_reduction <add>, %reduce_sum3A_62, %reduce_sum3A_63 [1, 2] : vector<1x10000x1xf32> to vector<1xf32>
    %reduce_sum3A_65 = vector.shape_cast %reduce_sum3A_64 : vector<1xf32> to vector<1x1x1xf32>
    %reduce_sum3A_66 = vector.extract %reduce_sum3A_65[0, 0, 0] : f32 from vector<1x1x1xf32>
    %div3A_67 = arith.constant 1.000000e+04 : f32
    %div3A_68 = arith.divf %reduce_sum3A_66, %div3A_67 : f32
    %max3A_69 = arith.maximumf %div3A_31, %div3A_68 : f32
    %sub3A = arith.subf %div3A_31, %max3A_69 : f32
    %exp3A = math.exp %sub3A : f32
    %sub3A_70 = arith.subf %div3A_68, %max3A_69 : f32
    %exp3A_71 = math.exp %sub3A_70 : f32
    %add3A_72 = arith.addf %exp3A, %exp3A_71 : f32
    %div3A_73 = arith.divf %exp3A, %add3A_72 : f32
    %add3A_74 = arith.addf %exp3A, %exp3A_71 : f32
    %div3A_75 = arith.divf %exp3A_71, %add3A_74 : f32
    %mul3A = vector.broadcast %div3A_73 : f32 to vector<10000x128xf32>
    %mul3A_76 = arith.mulf %mul3A, %max3A_10 : vector<10000x128xf32>
    %mul3A_77 = vector.broadcast %div3A_75 : f32 to vector<10000x128xf32>
    %mul3A_78 = arith.mulf %mul3A_77, %max3A_45 : vector<10000x128xf32>
    %add3A_79 = arith.addf %mul3A_76, %mul3A_78 : vector<10000x128xf32>
    %get3A_80 = arith.constant 0 : index
    %get3A_81 = arith.constant 0 : index
    %get3A_82 = vector.load %arg6[%get3A_80, %get3A_81] : memref<128x3xf32, #tpu.memory_space<vmem>>, vector<128x3xf32>
    %dot_general3A_83 = arith.constant dense<0.000000e+00> : vector<10000x3xf32>
    %dot_general3A_84 = tpu.matmul %add3A_79, %get3A_82, %dot_general3A_83 {dimension_numbers = #tpu.dot_dimension_numbers<[1], [0], [0], [1], [0, 0, 1, 1], [], []>, transpose_lhs_hint = false} : vector<10000x128xf32>, vector<128x3xf32>, vector<10000x3xf32> -> vector<10000x3xf32>
    %get3A_85 = arith.constant 0 : index
    %get3A_86 = arith.constant 0 : index
    %get3A_87 = vector.load %arg7[%get3A_85, %get3A_86] : memref<1x3xf32, #tpu.memory_space<vmem>>, vector<1x3xf32>
    %add3A_88 = vector.broadcast %get3A_87 : vector<1x3xf32> to vector<10000x3xf32>
    %add3A_89 = arith.addf %dot_general3A_84, %add3A_88 : vector<10000x3xf32>
    %swap3A = arith.constant 0 : index
    %swap3A_90 = arith.constant 0 : index
    %swap3A_91 = vector.load %arg8[%swap3A, %swap3A_90] : memref<10000x3xf32, #tpu.memory_space<vmem>>, vector<10000x3xf32>
    tpu.vector_store %arg8[%swap3A, %swap3A_90], %add3A_89 {strides = array<i32>} : memref<10000x3xf32, #tpu.memory_space<vmem>>, vector<10000x3xf32>,
    return
  }
}

</mosaic_0001>

<sc_bundles>
// kernel: kernel.5.cloned.1.call-start
scs
__scs_entry_jumppad:
0x0: {  	(pc) =	sbr.rel $0x88, $3  }
0x1: {  	(tag) =	ssettag $0x0;
	lr =	simm.s32 $0x1  }
0x2: {  	[smem:$0x3F96] =	sst lr;
	_ =	strace $0xD0000000  }
0x3: {  	_ = 	snop  }
0x4: {  	_ = 	snop  }
0x5: {  	_ = 	snop  }
0x6: {  	_ = 	snop  }
0x7: {  	_ = 	snop  }
__scs_overlays_trampoline_lowered:
0x8: {  	[smem:$0x3FA5] =	sst s0  }
0x9: {  	[smem:$0x3FA6] =	sst s1  }
0xa: {  	[smem:$0x3FA7] =	sst s2  }
0xb: {  	[smem:$0x3FA8] =	sst s3  }
0xc: {  	[smem:$0x3FA9] =	sst s4  }
0xd: {  	[smem:$0x3FAA] =	sst s5  }
0xe: {  	[smem:$0x3FAB] =	sst s6  }
0xf: {  	[smem:$0x3FAC] =	sst s7  }
0x10: {  	[smem:$0x3FAD] =	sst s8  }
0x11: {  	[smem:$0x3FAE] =	sst s9;
	s0 =	simm.s32 @!p0 $0x0  }
0x12: {  	s1 =	sld [smem:$0x3F94];
	s0 =	simm.s32 @p0 $0x1  }
0x13: {  	[smem:$0x3FAF] =	sst s0;
	s0 =	simm.s32 @!p1 $0x0  }
0x14: {  	s2 =	sld [smem:$0x3F93];
	s0 =	simm.s32 @p1 $0x1  }
0x15: {  	[smem:$0x3FB0] =	sst s0;
	s0 =	simm.s32 @!p2 $0x0  }
0x16: {  	s3 =	sld [smem:$0x3FDB];
	s0 =	simm.s32 @p2 $0x1  }
0x17: {  	s4 =	simm.s32 $0x1BF5;
	[smem:$0x3FB2] =	sst s0  }
0x18: {  	s0 =	sld [smem:$0x3F95];
	_ =	swait.ge [sflag:s4], $0x0  }
0x19: {  	s7 =	sld [smem:$0x3F96]  }
0x1a: {  	s8 =	sadd.s32 $0xFFFFE003, lr  }
0x1b: {  	s9 =	sadd.s32 $0xFFFFFEF7, lr;
	s5 =	simm.s32 $0xFFFFFFFF;
	p2 =	slt.u32 s8, $0xFFFFF086  }
0x1c: {  	p1 =	slt.u32 s9, $0xF7A;
	s5 =	simm.s32 @!p2 $0x0  }
0x1d: {  	s5 =	simm.s32 @p1 $0x1;
	p0 =	seq.s32 s7, s2  }
0x1e: {  	s7 =	smul.u32 @!p0 $0xF7A, s2;
	p2 =	seq.s32 @!p0 s5, $0x0  }
0x1f: {  	s9 =	smul.u32 $0xF7A, s1;
	s8 =	simm.s32 @!p0 $0x1BF5;
	p2 =	por !p2, p0  }
0x20: {  	[sflag:s8] =	ssyncset.s32 @!p0 $0xFFFFF086;
	s6 =	sadd.s32 @!p0 s3, s7;
	s7 =	simm.s32 @!p0 $0x108  }
0x21: {  	s3 =	sadd.s32 s3, s9;
	s6 =	sadd.s32 @!p0 $0x88, s6;
	s7 =	simm.s32 @p2 $0x1082  }
0x22: {  	[simem:s7], [sflag:s8] =	dma.local @!p0 [hbm:s6], $0xF7A  }
0x23: {  	s9 =	sor.u32 $0xD0000000, s2;
	s6 =	simm.s32 $0x108;
	_ =	swait.ge @!p0 [sflag:s8], $0x0  }
0x24: {  	s3 =	sadd.s32 $0x88, s3;
	s6 =	simm.s32 @!p1 $0x1082;
	[sflag:s4] =	ssyncset.s32 $0xFFFFF086  }
0x25: {  	[simem:s6], [sflag:s4] =	dma.local [hbm:s3], $0xF7A  }
0x26: {  	[smem:$0x3F96] =	sst s1;
	(tag) =	ssettag s2;
	_ =	strace s9  }
0x27: {  	s1 =	sld [smem:$0x3FA6]  }
0x28: {  	s2 =	sld [smem:$0x3FA7]  }
0x29: {  	s4 =	sld [smem:$0x3FA9]  }
0x2a: {  	p0 =	seq.s32 s5, $0x0;
	s5 =	sld [smem:$0x3FAA]  }
0x2b: {  	s6 =	sld [smem:$0x3FAB]  }
0x2c: {  	s7 =	sld [smem:$0x3FAC]  }
0x2d: {  	s3 =	simm.s32 $0x108;
	s8 =	sld [smem:$0x3FAD]  }
0x2e: {  	s3 =	simm.s32 @!p0 $0x1082;
	s9 =	sld [smem:$0x3FAE]  }
0x2f: {  	lr =	sadd.s32 s0, s3;
	s0 =	sld [smem:$0x3FA5]  }
0x30: {  	s3 =	sld [smem:$0x3FA8]  }
0x31: {  	[smem:$0x3FB1] =	sst s10  }
0x32: {  	s10 =	sld [smem:$0x3FAF];
	_ =	sdelay $0x3  }
0x33: {  	p0 =	seq.s32 s10, $0x1;
	s10 =	sld [smem:$0x3FB1];
	_ =	sdelay $0x3  }
0x34: {  	[smem:$0x3FB1] =	sst s10  }
0x35: {  	s10 =	sld [smem:$0x3FB0];
	_ =	sdelay $0x3  }
0x36: {  	p1 =	seq.s32 s10, $0x1;
	s10 =	sld [smem:$0x3FB1];
	_ =	sdelay $0x3  }
0x37: {  	[smem:$0x3FB1] =	sst s10  }
0x38: {  	s10 =	sld [smem:$0x3FB2]  }
0x39: {  	_ = 	snop;
	(pc) =	sbr.ind lr, $3  }
0x3a: {  	_ = 	snop  }
0x3b: {  	_ = 	snop  }
0x3c: {  	p2 =	seq.s32 s10, $0x1;
	s10 =	sld [smem:$0x3FB1]  }
0x3d: {  	_ =	shalt  }
0x3e: {  	_ =	shalt  }
0x3f: {  	_ =	shalt  }
0x40: {  	_ =	shalt  }
0x41: {  	_ =	shalt  }
0x42: {  	_ =	shalt  }
0x43: {  	_ =	shalt  }
0x44: {  	_ =	shalt  }
0x45: {  	_ =	shalt  }
0x46: {  	_ =	shalt  }
0x47: {  	_ =	shalt  }
0x48: {  	_ =	shalt  }
0x49: {  	_ =	shalt  }
0x4a: {  	_ =	shalt  }
0x4b: {  	_ =	shalt  }
0x4c: {  	_ =	shalt  }
0x4d: {  	_ =	shalt  }
0x4e: {  	_ =	shalt  }
0x4f: {  	_ =	shalt  }
0x50: {  	_ =	shalt  }
0x51: {  	_ =	shalt  }
0x52: {  	_ =	shalt  }
0x53: {  	_ =	shalt  }
0x54: {  	_ =	shalt  }
0x55: {  	_ =	shalt  }
0x56: {  	_ =	shalt  }
0x57: {  	_ =	shalt  }
0x58: {  	_ =	shalt  }
0x59: {  	_ =	shalt  }
0x5a: {  	_ =	shalt  }
0x5b: {  	_ =	shalt  }
0x5c: {  	_ =	shalt  }
0x5d: {  	_ =	shalt  }
0x5e: {  	_ =	shalt  }
0x5f: {  	_ =	shalt  }
0x60: {  	_ =	shalt  }
0x61: {  	_ =	shalt  }
0x62: {  	_ =	shalt  }
0x63: {  	_ =	shalt  }
0x64: {  	_ =	shalt  }
0x65: {  	_ =	shalt  }
0x66: {  	_ =	shalt  }
0x67: {  	_ =	shalt  }
0x68: {  	_ =	shalt  }
0x69: {  	_ =	shalt  }
0x6a: {  	_ =	shalt  }
0x6b: {  	_ =	shalt  }
0x6c: {  	_ =	shalt  }
0x6d: {  	_ =	shalt  }
0x6e: {  	_ =	shalt  }
0x6f: {  	_ =	shalt  }
0x70: {  	_ =	shalt  }
0x71: {  	_ =	shalt  }
0x72: {  	_ =	shalt  }
0x73: {  	_ =	shalt  }
0x74: {  	_ =	shalt  }
0x75: {  	_ =	shalt  }
0x76: {  	_ =	shalt  }
0x77: {  	_ =	shalt  }
0x78: {  	_ =	shalt  }
0x79: {  	_ =	shalt  }
0x7a: {  	_ =	shalt  }
0x7b: {  	_ =	shalt  }
0x7c: {  	_ =	shalt  }
0x7d: {  	_ =	shalt  }
0x7e: {  	_ =	shalt  }
0x7f: {  	_ =	shalt  }
0x80: {  	_ =	shalt  }
0x81: {  	_ =	shalt  }
0x82: {  	_ =	shalt  }
0x83: {  	_ =	shalt  }
0x84: {  	_ =	shalt  }
0x85: {  	_ =	shalt  }
0x86: {  	_ =	shalt  }
0x87: {  	_ =	shalt  }
.Lfunc_end0:
.L_simem_size_0:
called_computation_lowered:
.L_overlay_start_0:
0x88: {  	s2 =	sld [smem:$0x3FD9]  }
0x89: {  	s3 =	sld [smem:$0x3FFE];
	_ =	sdelay $0x1  }
0x8a: {  	s1 =	srdreg.scid  }
0x8b: {  	s0 =	sand.u32 $0x1, s1  }
0x8c: {  	s16 =	sshll.u32 s0, $0xA;
	s2 =	sadd.s32 s3, s2  }
0x8d: {  	s2 =	sadd.s32 s2, s16  }
0x8e: {  	[smem:$0x3FBD] =	sst s2  }
0x8f: {  	_ = 	snop  }
0x90: {  	(tm) =	ssettm $0x1  }
0x91: {  	s17 =	sld [smem:$0x3FFB];
	_ =	sdelay $0x3  }
0x92: {  	_ =	strace s17  }
0x93: {  	s2 =	sld [smem:$0x3FFC];
	_ =	sdelay $0x3  }
0x94: {  	_ =	strace s2  }
0x95: {  	s2 =	sld [smem:$0x3FFD];
	_ =	sdelay $0x3  }
0x96: {  	_ =	strace s2  }
0x97: {  	_ =	strace $0x8FFFFFFF  }
0x98: {  	s18 =	sld [smem:$0x3FDB];
	_ =	sdelay $0x1  }
0x99: {  	s19 =	simm.s32 $_scs_section_size  }
0x9a: {  	s4 =	simm.s32 $_size__tile_overlayer_lowered;
	s5 =	simm.s32 $_tile_overlayer_lowered  }
0x9b: {  	s22 =	simm.s32 $0x1BFF;
	s21 =	sshll.u32 s5, $0x1;
	s2 =	sadd.s32 s19, s18  }
0x9c: {  	s6 =	simm.s32 $0x0;
	s20 =	sshll.u32 s4, $0x1;
	s4 =	sadd.s32 s21, s2  }
0x9d: {  	[timem:s6], [sflag:s22] =	dma.local [hbm:s4], s20  }
0x9e: {  	_ =	swait.ge [sflag:s22], s20  }
0x9f: {  	s3 =	ssub.s32 $0x0, s20;
	[sflag:s22] =	ssyncset.done $0x0  }
0xa0: {  	[sflag:s22] =	ssyncadd.s32 s3;
	_ =	sdelay $0x1  }
0xa1: {  	s23 =	simm.s32 $0x1B8B  }
0xa2: {  	_ =	swait.ge [sflag:s23], $0x1  }
0xa3: {  	[sflag:s23] =	ssyncset.done $0x0  }
0xa4: {  	s25 =	simm.s32 $0x1B8E;
	s24 =	sld [smem:$0x3FFE];
	[sflag:s23] =	ssyncadd.s32 $0xFFFFFFFF  }
0xa5: {  	s26 =	simm.s32 $execute0_lowered;
	[smem:$0x3FD2] =	sst s25  }
0xa6: {  	s4 =	sshll.u32 s26, $0x1;
	_ =	strace $0x80000046;
	[dreg:$0x1] =	wrdreg $0xFFFFFFFF  }
0xa7: {  	s28 =	simm.s32 $_size_execute0_lowered;
	s2 =	sadd.s32 s2, s4;
	[dreg:$0x0] =	wrdreg $0x0  }
0xa8: {  	s4 =	sshll.u32 s28, $0x1;
	[dreg:$0x2] =	wrdreg s2  }
0xa9: {  	[dreg:$0x3] =	wrdreg s4  }
0xaa: {  	[dreg:$0x4] =	wrdreg $0xC0  }
0xab: {  	_ =	task [dreg:s6], $0x5FFFF  }
0xac: {  	[dreg:$0x1] =	wrdreg $0xFFFFFFFF  }
0xad: {  	[dreg:$0x0] =	wrdreg $0x60  }
0xae: {  	[dreg:$0x2] =	wrdreg s24  }
0xaf: {  	[dreg:$0x3] =	wrdreg $0x0  }
0xb0: {  	[dreg:$0x4] =	wrdreg $0x9  }
0xb1: {  	_ =	task.clear_ibuf [dreg:s6], $0x5FFFF;
	_ =	strace $0x90000046  }
0xb2: {  	s29 =	simm.s32 $0x9;
	_ =	strace $0x80000048  }
0xb3: {  	_ =	swait.ge [sflag:s29], $0x1  }
0xb4: {  	[sflag:s29] =	ssyncadd.s32 $0xFFFFFFFF  }
0xb5: {  	_ =	strace $0x90000048  }
0xb6: {  	_ =	sfence  }
0xb7: {  	s30 =	sld [smem:$0x0];
	_ =	sdelay $0x2  }
0xb8: {  	s31 =	sshll.u32 s1, $0xD;
	s1 =	sshrl.u32 s1, $0x2  }
0xb9: {  	s3 =	sand.u32 $0x4000, s31;
	s1 =	sadd.s32 s1, s30  }
0xba: {  	s0 =	sor.u32 s3, s0;
	s1 =	sshll.u32 s1, $0x11  }
0xbb: {  	s0 =	sor.u32 s1, s0  }
0xbc: {  	s0 =	sadd.s32 $0x8F2B, s0  }
0xbd: {  	[sflag:s0] =	ssyncadd.remote.s32 $0x1  }
0xbe: {  	_ =	sfence.sel $0xFFFF  }
0xbf: {  	[dreg:$0x0] =	wrdreg $0xFFFFFFFF;
	(pc) =	sbr.abs _section_cstart, $3  }
0xc0: {  	[dreg:$0x1] =	wrdreg $0xFFFFFFFF  }
0xc1: {  	_ =	task.clear_ibuf [dreg:s6], $0x2FFFF;
	_ =	strace $0x9FFFFFFF  }
0xc2: {  	(tm) =	ssettm $0x7FFFFFFF  }
0xc3: {  	_ =	shalt  }
tec
execute0_lowered:
.L_overlay_start_1:
0x0: {  	(tag) =	ssettag $0x1  }
0x1: {  	s0 =	rddreg [dreg:$0x0]  }
0x2: {  	s1 =	rddreg [dreg:$0x1];
	s2 =	simm.s32 $0x0;
	s14 =	stileid.u32  }
0x3: {  	s4 =	srdreg.scid;
	[smem:$0x7FF] =	sst s2;
	s3 =	sadd.s32 $0x19800, s0  }
0x4: {  	s5 =	sadd.s32 $0x1000, s0;
	s6 =	sadd.s32 $0x37000, s0;
	s7 =	sadd.s32 $0x32000, s0  }
0x5: {  	s8 =	sadd.s32 $0x59A00, s0;
	s9 =	sadd.s32 $0x4FC00, s0;
	s12 =	smul.u32 $0x57E40, s14  }
0x6: {  	s10 =	sadd.s32 $0x45E00, s0;
	s11 =	sadd.s32 $0x3C000, s0;
	s4 =	sand.u32 $0x1, s4  }
0x7: {  	s13 =	sadd.s32 $0x8F800, s0;
	s0 =	sadd.s32 $0x63800, s0;
	s20 =	smul.u32 $0x15F90, s14  }
0x8: {  	s14 =	smul.u32 $0x4E20, s14;
	_ =	strace $0x80000047;
	[dreg:$0x3] =	wrdreg s13  }
0x9: {  	s18 =	ssub.s32 $0x2, s4;
	[dreg:$0x4] =	wrdreg s0;
	s12 =	sshrl.u32 s12, $0x2  }
0xa: {  	s19 =	sshrl.u32 s18, $0x1;
	s16 =	sshrl.u32 s14, $0x3;
	s17 =	sshrl.u32 s20, $0x3  }
0xb: {  	s0 =	ssub.s32 s18, s19;
	[dreg:$0xd] =	wrdreg s17;
	s18 =	sadd.s32 s10, s16  }
0xc: {  	s19 =	sadd.s32 s20, s1;
	s20 =	sadd.s32 s11, s16;
	[dreg:$0xe] =	wrdreg s18  }
0xd: {  	s12 =	sadd.s32 s12, s1;
	[dreg:$0xf] =	wrdreg s20  }
0xe: {  	s28 =	simm.s32 $0x19D70;
	s15 =	sadd.s32 $0x2D00, s12;
	[dreg:$0xc] =	wrdreg s19  }
0xf: {  	s29 =	simm.s32 $0xB;
	s23 =	sadd.s32 $0x5A00, s12;
	[dreg:$0x5] =	wrdreg s15  }
0x10: {  	s31 =	simm.s32 $0x2;
	s24 =	sadd.s32 $0x8700, s12;
	[dreg:$0x6] =	wrdreg s23  }
0x11: {  	p0 =	sne.s32 s4, $0x0;
	s25 =	sadd.s32 $0xB400, s12;
	[dreg:$0x7] =	wrdreg s24  }
0x12: {  	s21 =	sadd.s32 $0xA0, s14;
	s26 =	sadd.s32 $0xE100, s12;
	[dreg:$0x8] =	wrdreg s25  }
0x13: {  	s22 =	sadd.s32 $0xF0, s14;
	s30 =	sadd.s32 $0x10E00, s12;
	[dreg:$0x9] =	wrdreg s26  }
0x14: {  	s14 =	simm.s32 $0x4;
	s12 =	sadd.s32 $0x13B00, s12;
	[dreg:$0xa] =	wrdreg s30  }
0x15: {  	s17 =	simm.s32 $0x6;
	s0 =	smax.u32 s0, $0x1;
	[dreg:$0xb] =	wrdreg s12  }
0x16: {  	s20 =	simm.s32 $0x0;
	s24 =	sadd.s32 s8, s16;
	[dreg:$0x16] =	wrdreg s0  }
0x17: {  	s23 =	sadd.s32 $0xA, s16;
	s12 =	sadd.s32 s9, s16;
	[dreg:$0x10] =	wrdreg s24  }
.Ltmp0:
0x18: {  	[dreg:$0x11] =	wrdreg s12;
	s25 =	sadd.s32 s10, s23;
	(pc) =	sbr.rel .LBB2_1-.Ltmp0, $4  }
0x19: {  	s0 =	simm.s32 $0x50;
	s26 =	sadd.s32 s11, s23;
	[dreg:$0x12] =	wrdreg s25  }
0x1a: {  	v1 =	vlaneseq.u32;
	s15 =	simm.s32 $0x16120;
	s30 =	sadd.s32 s8, s23;
	[dreg:$0x13] =	wrdreg s26  }
0x1b: {  	v0 =	vimm.f32 $0.0e+00;
	v1 =	vshrl.u32 v1, $0x3;
	s16 =	simm.s32 $0x1CA70;
	s4 =	sadd.s32 s9, s23;
	[dreg:$0x14] =	wrdreg s30  }
0x1c: {  	v2 =	vor.u32 $0x2, v1;
	v3 =	vor.u32 $0x4, v1;
	v4 =	vor.u32 $0x6, v1;
	s12 =	simm.s32 $0x16080;
	[dreg:$0x15] =	wrdreg s4;
	s25 =	simm.s32 $0x15FE0  }
.LBB2_18:
0x1d: {  	s4 =	rddreg [dreg:$0x4]  }
0x1e: {  	s20 =	rddreg [dreg:$0x17]  }
.LBB2_19:
0x1f: {  	s13 =	simm.s32 $0x5  }
0x20: {  	_ =	swait.ge [sflag:s13], $0x2D00  }
0x21: {  	[sflag:s13] =	ssyncset.done $0x0  }
0x22: {  	[sflag:s13] =	ssyncadd.s32 $0xFFFFD300  }
0x23: {  	_ =	swait.ge [sflag:s17], $0x2D00  }
0x24: {  	[sflag:s17] =	ssyncset.done $0x0  }
0x25: {  	[sflag:s17] =	ssyncadd.s32 $0xFFFFD300  }
0x26: {  	s26 =	stileid.u32;
	s24 =	rddreg [dreg:$0xd];
	[bflag:$0x0] =	sbarrier.arrive $0xFFFF  }
0x27: {  	s13 =	sshll.u32 s26, $0x6;
	s19 =	rddreg [dreg:$0xc]  }
0x28: {  	s13 =	sor.u32 $0x1C0B, s13;
	s4 =	sadd.s32 s4, s24;
	s18 =	sshrl.u32 s19, $0x3  }
0x29: {  	[hbm:s4], [sflag:s13] =	dma.local [spmem:s18], $0x2BF2  }
0x2a: {  	_ =	swait.ge [sflag:s29], $0x2BF2  }
0x2b: {  	s20 =	sadd.s32 $0x1, s20;
	s30 =	rddreg [dreg:$0x16]  }
0x2c: {  	p1 =	sne.s32 s20, s30  }
.Ltmp1:
0x2d: {  	_ = 	snop;
	(pc) =	sbr.rel @!p1 .LBB2_20-.Ltmp1, $3  }
0x2e: {  	_ =	sdelay $0x1  }
0x2f: {  	[sflag:s29] =	ssyncset.done $0x0  }
0x30: {  	[sflag:s29] =	ssyncadd.s32 $0xFFFFD40E  }
.LBB2_1:
0x31: {  	[dreg:$0x17] =	wrdreg s20;
	s4 =	simm.s32 $0x0;
	s13 =	simm.s32 $0x240  }
.LBB2_2:
0x32: {  	p1 =	sne.s32 s13, $0xB1C0;
	[tilespmem:s4+$0x19DF0] =	vst v0  }
0x33: {  	[tilespmem:s4+$0x19D70] =	vst v0  }
0x34: {  	[tilespmem:s4+$0x19D80] =	vst v0  }
0x35: {  	[tilespmem:s4+$0x19D90] =	vst v0  }
.Ltmp2:
0x36: {  	[tilespmem:s4+$0x19DA0] =	vst v0;
	(pc) =	sbr.rel @p1 .LBB2_2-.Ltmp2, $4  }
0x37: {  	[tilespmem:s4+$0x19DB0] =	vst v0  }
0x38: {  	[tilespmem:s4+$0x19DC0] =	vst v0  }
0x39: {  	[tilespmem:s4+$0x19DD0] =	vst v0  }
0x3a: {  	[tilespmem:s4+$0x19DE0] =	vst v0;
	s4 =	sshra.s32 s13, $0x2;
	s13 =	sadd.s32 $0x240, s13  }
0x3b: {  	[tilespmem:s4+$0x19DF0] =	vst v0  }
0x3c: {  	[tilespmem:s4+$0x19D70] =	vst v0  }
0x3d: {  	[tilespmem:s4+$0x19D80] =	vst v0  }
0x3e: {  	[tilespmem:s4+$0x19D90] =	vst v0  }
0x3f: {  	[tilespmem:s4+$0x19DA0] =	vst v0  }
0x40: {  	[tilespmem:s4+$0x19DB0] =	vst v0  }
0x41: {  	[tilespmem:s4+$0x19DC0] =	vst v0  }
0x42: {  	[tilespmem:s4+$0x19DD0] =	vst v0  }
0x43: {  	[tilespmem:s4+$0x19DE0] =	vst v0  }
0x44: {  	[spmem:s19] =	stream.linear.scatter [tilespmem:s28], [sflag:$0xB], $0x2D00, $0x38;
	[tilespmem:$0x1F770] =	vst v63  }
0x45: {  	_ =	swait.ge [sflag:s29], $0x2D00  }
0x46: {  	[sflag:s29] =	ssyncset.done $0x0  }
0x47: {  	s18 =	rddreg [dreg:$0x5];
	[sflag:s29] =	ssyncadd.s32 $0xFFFFD300  }
0x48: {  	[spmem:s18] =	stream.linear.scatter [tilespmem:s28], [sflag:$0xB], $0x2D00, $0x38;
	[tilespmem:$0x1F770] =	vst v63  }
0x49: {  	_ =	swait.ge [sflag:s29], $0x2D00  }
0x4a: {  	[sflag:s29] =	ssyncset.done $0x0  }
0x4b: {  	s19 =	rddreg [dreg:$0x6];
	[sflag:s29] =	ssyncadd.s32 $0xFFFFD300  }
0x4c: {  	[spmem:s19] =	stream.linear.scatter [tilespmem:s28], [sflag:$0xB], $0x2D00, $0x38;
	[tilespmem:$0x1F770] =	vst v63  }
0x4d: {  	_ =	swait.ge [sflag:s29], $0x2D00  }
0x4e: {  	[sflag:s29] =	ssyncset.done $0x0  }
0x4f: {  	s20 =	rddreg [dreg:$0x7];
	[sflag:s29] =	ssyncadd.s32 $0xFFFFD300  }
0x50: {  	[spmem:s20] =	stream.linear.scatter [tilespmem:s28], [sflag:$0xB], $0x2D00, $0x38;
	[tilespmem:$0x1F770] =	vst v63  }
0x51: {  	_ =	swait.ge [sflag:s29], $0x2D00  }
0x52: {  	[sflag:s29] =	ssyncset.done $0x0  }
0x53: {  	s23 =	rddreg [dreg:$0x8];
	[sflag:s29] =	ssyncadd.s32 $0xFFFFD300  }
0x54: {  	[spmem:s23] =	stream.linear.scatter [tilespmem:s28], [sflag:$0xB], $0x2D00, $0x38;
	[tilespmem:$0x1F770] =	vst v63  }
0x55: {  	_ =	swait.ge [sflag:s29], $0x2D00  }
0x56: {  	[sflag:s29] =	ssyncset.done $0x0  }
0x57: {  	s24 =	rddreg [dreg:$0x9];
	[sflag:s29] =	ssyncadd.s32 $0xFFFFD300  }
0x58: {  	[spmem:s24] =	stream.linear.scatter [tilespmem:s28], [sflag:$0xB], $0x2D00, $0x38;
	[tilespmem:$0x1F770] =	vst v63  }
0x59: {  	_ =	swait.ge [sflag:s29], $0x2D00  }
0x5a: {  	[sflag:s29] =	ssyncset.done $0x0  }
0x5b: {  	s26 =	rddreg [dreg:$0xa];
	[sflag:s29] =	ssyncadd.s32 $0xFFFFD300  }
0x5c: {  	[spmem:s26] =	stream.linear.scatter [tilespmem:s28], [sflag:$0xB], $0x2D00, $0x38;
	[tilespmem:$0x1F770] =	vst v63  }
0x5d: {  	_ =	swait.ge [sflag:s29], $0x2D00  }
0x5e: {  	[sflag:s29] =	ssyncset.done $0x0  }
0x5f: {  	s30 =	rddreg [dreg:$0xb];
	[sflag:s29] =	ssyncadd.s32 $0xFFFFD300  }
0x60: {  	[spmem:s30] =	stream.linear.scatter [tilespmem:s28], [sflag:$0xB], $0x2490, $0x38;
	[tilespmem:$0x1F770] =	vst v63  }
.Ltmp3:
0x61: {  	_ =	swait.ge [sflag:s29], $0x2490;
	(pc) =	sbr.rel @p0 .LBB2_12-.Ltmp3, $4  }
0x62: {  	[sflag:s29] =	ssyncset.done $0x0  }
0x63: {  	[sflag:s29] =	ssyncadd.s32 $0xFFFFDB70  }
0x64: {  	[bflag:$0x0] =	sbarrier.arrive $0xFFFF  }
0x65: {  	s20 =	simm.s32 $0x0  }
0x66: {  	s4 =	rddreg [dreg:$0x10];
	s13 =	simm.s32 $0x15F90  }
0x67: {  	[tilespmem:s13], [sflag:$0xB] =	stream.linear.gather [hbm4b:s4+s20], $0x50, $0x38;
	[tilespmem:$0x1F770] =	vst v63  }
0x68: {  	_ =	swait.ge [sflag:s29], $0x50  }
0x69: {  	[sflag:s29] =	ssyncset.done $0x0  }
0x6a: {  	s18 =	simm.s32 $0x16030;
	s19 =	rddreg [dreg:$0x11];
	[sflag:s29] =	ssyncadd.s32 $0xFFFFFFB0  }
0x6b: {  	[tilespmem:s18], [sflag:$0xB] =	stream.linear.gather [hbm4b:s19+s20], $0x50, $0x38;
	[tilespmem:$0x1F770] =	vst v63  }
0x6c: {  	_ =	swait.ge [sflag:s29], $0x50  }
0x6d: {  	[sflag:s29] =	ssyncset.done $0x0  }
0x6e: {  	s23 =	simm.s32 $0x16170;
	[sflag:s29] =	ssyncadd.s32 $0xFFFFFFB0  }
0x6f: {  	[tilespmem:s23], [sflag:$0x1] =	stream.indirect.gather [hbm4b:s3+s0], $0x50, s13, s0, $0xb8;
	[tilespmem:$0x1F770] =	vst v63  }
0x70: {  	s24 =	simm.s32 $0x19370  }
0x71: {  	[tilespmem:s24], [sflag:$0x3] =	stream.indirect.gather [hbm4b:s6+s0], $0x10, s18, s0, $0xb8;
	[tilespmem:$0x1F770] =	vst v63  }
0x72: {  	s26 =	rddreg [dreg:$0x14]  }
0x73: {  	[tilespmem:s25], [sflag:$0xB] =	stream.linear.gather [hbm4b:s26+s20], $0x50, $0x38;
	[tilespmem:$0x1F770] =	vst v63  }
0x74: {  	_ =	swait.ge [sflag:s29], $0x50  }
0x75: {  	[sflag:s29] =	ssyncset.done $0x0  }
0x76: {  	s30 =	rddreg [dreg:$0x15];
	[sflag:s29] =	ssyncadd.s32 $0xFFFFFFB0  }
0x77: {  	[tilespmem:s12], [sflag:$0xB] =	stream.linear.gather [hbm4b:s30+s20], $0x50, $0x38;
	[tilespmem:$0x1F770] =	vst v63  }
0x78: {  	_ =	swait.ge [sflag:s29], $0x50  }
0x79: {  	[sflag:s29] =	ssyncset.done $0x0  }
0x7a: {  	[sflag:s29] =	ssyncadd.s32 $0xFFFFFFB0  }
.LBB2_5:
0x7b: {  	p1 =	seq.s32 s20, $0x0  }
0x7c: {  	s4 =	simm.s32 @p1 $0x1  }
0x7d: {  	_ =	swait.ge @p1 [sflag:s4], $0x1900  }
0x7e: {  	[sflag:s4] =	ssyncset.done @p1 $0x0  }
0x7f: {  	[sflag:s4] =	ssyncadd.s32 @p1 $0xFFFFE700;
	s4 =	simm.s32 @p1 $0x3  }
0x80: {  	_ =	swait.ge @p1 [sflag:s4], $0x500  }
0x81: {  	[sflag:s4] =	ssyncset.done @p1 $0x0  }
0x82: {  	[sflag:s4] =	ssyncadd.s32 @p1 $0xFFFFFB00;
	s4 =	simm.s32 @!p1 $0x5  }
0x83: {  	_ =	swait.ge @!p1 [sflag:s4], $0x2D00  }
0x84: {  	[sflag:s4] =	ssyncset.done @!p1 $0x0  }
0x85: {  	[sflag:s4] =	ssyncadd.s32 @!p1 $0xFFFFD300;
	s4 =	simm.s32 @!p1 $0x1  }
0x86: {  	_ =	swait.ge @!p1 [sflag:s4], $0x1900  }
0x87: {  	[sflag:s4] =	ssyncset.done @!p1 $0x0  }
0x88: {  	[sflag:s4] =	ssyncadd.s32 @!p1 $0xFFFFE700;
	s4 =	simm.s32 @!p1 $0x3  }
0x89: {  	_ =	swait.ge @!p1 [sflag:s4], $0x500  }
0x8a: {  	[sflag:s4] =	ssyncset.done @!p1 $0x0  }
0x8b: {  	[sflag:s4] =	ssyncadd.s32 @!p1 $0xFFFFFB00;
	s4 =	simm.s32 @!p1 $0x8  }
0x8c: {  	_ =	swait.ge @!p1 [sflag:s4], $0x50  }
0x8d: {  	[sflag:s4] =	ssyncset.done @!p1 $0x0  }
0x8e: {  	[sflag:s4] =	ssyncadd.s32 @!p1 $0xFFFFFFB0;
	s4 =	simm.s32 @!p1 $0xA  }
0x8f: {  	_ =	swait.ge @!p1 [sflag:s4], $0x50  }
0x90: {  	[sflag:s4] =	ssyncset.done @!p1 $0x0  }
0x91: {  	s26 =	simm.s32 $0x17A70;
	[sflag:s4] =	ssyncadd.s32 @!p1 $0xFFFFFFB0  }
0x92: {  	[tilespmem:s26], [sflag:$0x2] =	stream.indirect.gather [hbm4b:s3+s0], $0x50, s25, s0, $0xb8;
	[tilespmem:$0x1F770] =	vst v63  }
0x93: {  	s13 =	simm.s32 $0x19870  }
0x94: {  	[tilespmem:s13], [sflag:$0x4] =	stream.indirect.gather [hbm4b:s6+s0], $0x10, s12, s0, $0xb8;
	[tilespmem:$0x1F770] =	vst v63  }
0x95: {  	v5 =	vld [tilespmem:$0x16030]  }
0x96: {  	v6 =	vld [tilespmem:$0x16040]  }
0x97: {  	v7 =	vld [tilespmem:$0x16050]  }
0x98: {  	v8 =	vld [tilespmem:$0x16060]  }
0x99: {  	v9 =	vld [tilespmem:$0x16070]  }
0x9a: {  	[tilespmem:$0x160D0] =	vst v5  }
0x9b: {  	[tilespmem:$0x160E0] =	vst v6  }
0x9c: {  	[tilespmem:$0x160F0] =	vst v7  }
0x9d: {  	[tilespmem:$0x16100] =	vst v8  }
0x9e: {  	s19 =	simm.s32 $0x16210;
	[tilespmem:$0x16110] =	vst v9  }
0x9f: {  	s18 =	simm.s32 $0x19390;
	v5 =	vld [tilespmem:s19+$0x90]  }
0xa0: {  	v6 =	vld [tilespmem:s18+$0x10];
	_ =	sdelay $0x3  }
0xa1: {  	v5 =	vshll.u32 v5, $0x10  }
0xa2: {  	v5 =	vadd.f32 v5, v6;
	_ =	sdelay $0x1  }
0xa3: {  	v6 =	vmul.f32 $2.000000030e-01, v5;
	_ =	sdelay $0x1  }
0xa4: {  	v5 =	vmax.f32 v5, v6  }
0xa5: {  	v7 =	vld [tilespmem:s19+$0x40];
	v5 =	vmul.f32 $1.442695020e+00, v5  }
0xa6: {  	v8 =	vld [tilespmem:s19+$0xFFFFFFA0]  }
0xa7: {  	v6 =	vld [tilespmem:s19+$0xFFFFFFF0];
	(erf) = vpow2.f32 v5  }
0xa8: {  	v5 =	vld [tilespmem:s18+$0xFFFFFFE0]  }
0xa9: {  	v9 =	vld [tilespmem:s18+$0xFFFFFFF0]  }
0xaa: {  	v10 =	vld [tilespmem:s18+$0x0];
	_ =	sdelay $0x1  }
0xab: {  	v8 =	vshll.u32 v8, $0x10  }
0xac: {  	v6 =	vshll.u32 v6, $0x10;
	v5 =	vadd.f32 v8, v5  }
0xad: {  	v7 =	vshll.u32 v7, $0x10;
	v8 =	vadd.f32 v6, v9  }
0xae: {  	v7 =	vadd.f32 v7, v10;
	v9 =	vmul.f32 $2.000000030e-01, v5  }
0xaf: {  	s26 =	simm.s32 $0x19E90;
	v10 =	vmul.f32 $2.000000030e-01, v8;
	v6 =	vpop (erf)  }
0xb0: {  	v5 =	vmax.f32 v5, v9;
	v9 =	vmul.f32 $2.000000030e-01, v7;
	[tilespmem:s26+$0x110] =	vst v6  }
0xb1: {  	v8 =	vmax.f32 v8, v10;
	v5 =	vmul.f32 $1.442695020e+00, v5;
	v10 =	vld [tilespmem:s19+$0x50]  }
0xb2: {  	v8 =	vmul.f32 $1.442695020e+00, v8;
	v7 =	vmax.f32 v7, v9  }
0xb3: {  	(erf) = vpow2.f32 v5;
	v5 =	vmul.f32 $1.442695020e+00, v7  }
0xb4: {  	(erf) = vpow2.f32 v8  }
0xb5: {  	(erf) = vpow2.f32 v5;
	v5 =	vperm.xlane v6, v1  }
0xb6: {  	s24 =	simm.s32 $0x16350;
	v7 =	vshll.u32 v10, $0x10  }
0xb7: {  	v18 =	vld [tilespmem:s24+$0xFFFFFFF0];
	v8 =	vand.u32 $0xFFFF0000, v10;
	v7 =	vmul.f32 v7, v5  }
0xb8: {  	s23 =	simm.s32 $0x193D0;
	v21 =	vld [tilespmem:s24+$0xFFFFFFA0];
	v5 =	vmul.f32 v8, v5  }
0xb9: {  	v10 =	vld [tilespmem:s23+$0x10];
	[tilespmem:s26+$0x90] =	vst v7  }
0xba: {  	v8 =	vld [tilespmem:s24+$0x90];
	[tilespmem:s26+$0xA0] =	vst v5  }
0xbb: {  	v5 =	vld [tilespmem:s19+$0x60]  }
0xbc: {  	v7 =	vpop (erf)  }
0xbd: {  	v22 =	vld [tilespmem:s23+$0xFFFFFFE0];
	[tilespmem:s26+$0xFFFFFF60] =	vst v7  }
0xbe: {  	v21 =	vshll.u32 v21, $0x10;
	v18 =	vshll.u32 v18, $0x10;
	v9 =	vpop (erf);
	v11 =	vld [tilespmem:s19+$0xFFFFFF60]  }
0xbf: {  	v17 =	vperm.xlane v6, v2;
	v14 =	vperm.xlane v7, v1;
	v8 =	vshll.u32 v8, $0x10;
	[tilespmem:s26+$0xFFFFFFF0] =	vst v9;
	v13 =	vpop (erf)  }
0xc0: {  	v16 =	vperm.xlane v7, v2;
	v8 =	vadd.f32 v8, v10;
	v12 =	vld [tilespmem:s19+$0xFFFFFFB0];
	[tilespmem:s26+$0x80] =	vst v13;
	v20 =	vshll.u32 v5, $0x10  }
0xc1: {  	v19 =	vperm.xlane v9, v1;
	v15 =	vld [tilespmem:s19+$0x0];
	v5 =	vand.u32 $0xFFFF0000, v5;
	v20 =	vmul.f32 v20, v17  }
0xc2: {  	v21 =	vadd.f32 v21, v22;
	v24 =	vmul.f32 $2.000000030e-01, v8;
	v5 =	vmul.f32 v5, v17;
	v17 =	vld [tilespmem:s23+$0xFFFFFFF0]  }
0xc3: {  	v10 =	vperm.xlane v13, v1;
	v23 =	vshll.u32 v11, $0x10;
	v11 =	vand.u32 $0xFFFF0000, v11;
	[tilespmem:s26+$0xB0] =	vst v20  }
0xc4: {  	[tilespmem:s26+$0xC0] =	vst v5;
	v5 =	vmax.f32 v8, v24;
	v23 =	vmul.f32 v23, v14;
	v11 =	vmul.f32 v11, v14;
	v14 =	vld [tilespmem:s24+$0x40]  }
0xc5: {  	v25 =	vshll.u32 v12, $0x10;
	v12 =	vand.u32 $0xFFFF0000, v12;
	v20 =	vld [tilespmem:s19+$0x70];
	v5 =	vmul.f32 $1.442695020e+00, v5  }
0xc6: {  	v8 =	vmul.f32 v25, v19;
	v12 =	vmul.f32 v12, v19;
	v19 =	vld [tilespmem:s23+$0x0];
	v22 =	vshll.u32 v15, $0x10  }
0xc7: {  	v17 =	vadd.f32 v18, v17;
	(erf) = vpow2.f32 v5;
	v18 =	vmul.f32 $2.000000030e-01, v21;
	[tilespmem:s26+$0xFFFFFEE0] =	vst v23  }
0xc8: {  	s23 =	simm.s32 $0x16490;
	v5 =	vand.u32 $0xFFFF0000, v15;
	v15 =	vmul.f32 v22, v10;
	[tilespmem:s26+$0xFFFFFEF0] =	vst v11;
	v11 =	vperm.xlane v6, v3  }
0xc9: {  	s13 =	simm.s32 $0x19410;
	v37 =	vld [tilespmem:s23+$0x90];
	v5 =	vmul.f32 v5, v10;
	[tilespmem:s26+$0xFFFFFF70] =	vst v8;
	v18 =	vmax.f32 v21, v18;
	v10 =	vshll.u32 v14, $0x10  }
0xca: {  	v39 =	vld [tilespmem:s13+$0x10];
	[tilespmem:s26+$0xFFFFFF80] =	vst v12;
	v14 =	vmul.f32 $2.000000030e-01, v17;
	v22 =	vshll.u32 v20, $0x10;
	v18 =	vmul.f32 $1.442695020e+00, v18  }
0xcb: {  	[tilespmem:s26+$0x0] =	vst v15;
	v15 =	vld [tilespmem:s19+$0xFFFFFFC0];
	v10 =	vadd.f32 v10, v19;
	v12 =	vmul.f32 v22, v11;
	v22 =	vperm.xlane v13, v3  }
0xcc: {  	v8 =	vld [tilespmem:s19+$0xFFFFFF70];
	v14 =	vmax.f32 v17, v14;
	(erf) = vpow2.f32 v18;
	v18 =	vperm.xlane v13, v2  }
0xcd: {  	v17 =	vand.u32 $0xFFFF0000, v20;
	v20 =	vperm.xlane v9, v3;
	v14 =	vmul.f32 $1.442695020e+00, v14  }
0xce: {  	[tilespmem:s26+$0x10] =	vst v5;
	v37 =	vshll.u32 v37, $0x10;
	v19 =	vmul.f32 $2.000000030e-01, v10;
	v5 =	vmul.f32 v17, v11  }
0xcf: {  	v11 =	vperm.xlane v9, v2;
	v17 =	vperm.xlane v7, v3;
	v37 =	vadd.f32 v37, v39  }
0xd0: {  	[tilespmem:s26+$0xD0] =	vst v12;
	v21 =	vshll.u32 v15, $0x10;
	(erf) = vpow2.f32 v14;
	v10 =	vmax.f32 v10, v19  }
0xd1: {  	v19 =	vld [tilespmem:s19+$0x10];
	v14 =	vshll.u32 v8, $0x10;
	[tilespmem:s26+$0xE0] =	vst v5;
	v21 =	vmul.f32 v21, v11;
	v5 =	vmul.f32 $1.442695020e+00, v10  }
0xd2: {  	s18 =	simm.s32 $0x1A0D0;
	v8 =	vand.u32 $0xFFFF0000, v8;
	v51 =	vmul.f32 $2.000000030e-01, v37;
	v12 =	vpop (erf);
	v10 =	vld [tilespmem:s19+$0x80];
	v14 =	vmul.f32 v14, v16  }
0xd3: {  	v8 =	vmul.f32 v8, v16;
	[tilespmem:s18+$0x110] =	vst v12;
	(erf) = vpow2.f32 v5;
	v5 =	vand.u32 $0xFFFF0000, v15  }
0xd4: {  	v16 =	vld [tilespmem:s24+$0x50];
	[tilespmem:s26+$0xFFFFFF00] =	vst v14;
	v15 =	vperm.xlane v7, v4;
	v7 =	vmul.f32 v5, v11  }
0xd5: {  	[tilespmem:s26+$0xFFFFFF10] =	vst v8;
	v14 =	vperm.xlane v9, v4;
	v5 =	vperm.xlane v13, v4  }
0xd6: {  	v13 =	vperm.xlane v6, v4;
	v8 =	vshll.u32 v19, $0x10;
	[tilespmem:s26+$0xFFFFFFA0] =	vst v7;
	v7 =	vperm.xlane v12, v1  }
0xd7: {  	v42 =	vld [tilespmem:s23+$0xFFFFFFA0];
	[tilespmem:s26+$0xFFFFFF90] =	vst v21;
	v6 =	vpop (erf);
	v11 =	vand.u32 $0xFFFF0000, v10;
	v8 =	vmul.f32 v8, v18;
	v27 =	vshll.u32 v10, $0x10  }
0xd8: {  	v9 =	vand.u32 $0xFFFF0000, v19;
	v19 =	vld [tilespmem:s19+$0xFFFFFF80];
	[tilespmem:s18+$0xFFFFFF60] =	vst v6;
	v24 =	vmul.f32 v11, v13;
	v13 =	vmul.f32 v27, v13  }
0xd9: {  	v40 =	vperm.xlane v12, v2;
	v18 =	vmul.f32 v9, v18;
	v23 =	vshll.u32 v16, $0x10;
	[tilespmem:s26+$0x20] =	vst v8  }
0xda: {  	v25 =	vld [tilespmem:s19+$0xFFFFFFD0];
	v26 =	vperm.xlane v6, v2;
	v11 =	vand.u32 $0xFFFF0000, v16;
	v21 =	vpop (erf);
	v16 =	vmul.f32 v23, v7;
	[tilespmem:s26+$0xF0] =	vst v13  }
0xdb: {  	v10 =	vperm.xlane v6, v3;
	v23 =	vld [tilespmem:s24+$0xFFFFFF60];
	v7 =	vmul.f32 v11, v7;
	[tilespmem:s18+$0xFFFFFFF0] =	vst v21  }
0xdc: {  	v53 =	vshll.u32 v42, $0x10;
	v8 =	vperm.xlane v6, v1;
	v13 =	vperm.xlane v12, v4;
	[tilespmem:s18+$0x90] =	vst v16  }
0xdd: {  	v28 =	vperm.xlane v21, v1;
	v31 =	vshll.u32 v19, $0x10;
	v9 =	vperm.xlane v21, v3;
	v29 =	vld [tilespmem:s24+$0xFFFFFFB0];
	[tilespmem:s18+$0xA0] =	vst v7  }
0xde: {  	[tilespmem:s26+$0x30] =	vst v18;
	v19 =	vand.u32 $0xFFFF0000, v19;
	v16 =	vperm.xlane v21, v2;
	v31 =	vmul.f32 v31, v17;
	v32 =	vld [tilespmem:s24+$0x60]  }
0xdf: {  	v36 =	vld [tilespmem:s19+$0x20];
	v17 =	vmul.f32 v19, v17;
	v30 =	vpop (erf);
	v18 =	vshll.u32 v25, $0x10;
	v25 =	vand.u32 $0xFFFF0000, v25  }
0xe0: {  	v48 =	vld [tilespmem:s23+$0xFFFFFFF0];
	[tilespmem:s18+$0x80] =	vst v30;
	v7 =	vperm.xlane v30, v1;
	v34 =	vperm.xlane v30, v2;
	v35 =	vshll.u32 v23, $0x10  }
0xe1: {  	v18 =	vmul.f32 v18, v20;
	v33 =	vld [tilespmem:s24+$0x0];
	v23 =	vand.u32 $0xFFFF0000, v23;
	v35 =	vmul.f32 v35, v8  }
0xe2: {  	[tilespmem:s26+$0x100] =	vst v24;
	v20 =	vmul.f32 v25, v20;
	v8 =	vmul.f32 v23, v8;
	v38 =	vshll.u32 v29, $0x10  }
0xe3: {  	v49 =	vld [tilespmem:s13+$0xFFFFFFE0];
	v23 =	vmul.f32 v38, v28;
	v41 =	vshll.u32 v32, $0x10;
	v32 =	vand.u32 $0xFFFF0000, v32;
	[tilespmem:s18+$0xFFFFFEE0] =	vst v35  }
0xe4: {  	v19 =	vld [tilespmem:s13+$0xFFFFFFF0];
	v50 =	vshll.u32 v36, $0x10;
	v29 =	vand.u32 $0xFFFF0000, v29;
	[tilespmem:s18+$0xFFFFFEF0] =	vst v8;
	v32 =	vmul.f32 v32, v40  }
0xe5: {  	v28 =	vmul.f32 v29, v28;
	v29 =	vld [tilespmem:s23+$0x40];
	v8 =	vand.u32 $0xFFFF0000, v36;
	v41 =	vmul.f32 v41, v40;
	[tilespmem:s18+$0xFFFFFF70] =	vst v23  }
0xe6: {  	v52 =	vld [tilespmem:s13+$0x0];
	v24 =	vshll.u32 v33, $0x10;
	v23 =	vshll.u32 v48, $0x10;
	[tilespmem:s18+$0xC0] =	vst v32;
	v32 =	vmul.f32 v50, v22  }
0xe7: {  	v54 =	vld [tilespmem:s24+$0xFFFFFF70];
	[tilespmem:s18+$0xB0] =	vst v41;
	v22 =	vmul.f32 v8, v22;
	v8 =	vperm.xlane v6, v4;
	v6 =	vmax.f32 v37, v51  }
0xe8: {  	[tilespmem:s18+$0xFFFFFF80] =	vst v28;
	v28 =	vadd.f32 v53, v49;
	v24 =	vmul.f32 v24, v7;
	v25 =	vld [tilespmem:s24+$0x70];
	v6 =	vmul.f32 $1.442695020e+00, v6  }
0xe9: {  	v11 =	vperm.xlane v30, v3;
	[tilespmem:s26+$0xFFFFFF20] =	vst v31;
	v33 =	vand.u32 $0xFFFF0000, v33;
	v19 =	vadd.f32 v23, v19  }
0xea: {  	v23 =	vmul.f32 $2.000000030e-01, v28;
	[tilespmem:s18+$0x0] =	vst v24;
	v24 =	vshll.u32 v29, $0x10;
	(erf) = vpow2.f32 v6  }
0xeb: {  	[tilespmem:s26+$0xFFFFFF30] =	vst v17;
	v7 =	vmul.f32 v33, v7;
	v29 =	vperm.xlane v12, v3;
	v24 =	vadd.f32 v24, v52  }
0xec: {  	[tilespmem:s26+$0xFFFFFFB0] =	vst v18;
	v31 =	vmul.f32 $2.000000030e-01, v19;
	v23 =	vmax.f32 v28, v23;
	v18 =	vshll.u32 v54, $0x10  }
0xed: {  	v17 =	vld [tilespmem:s24+$0xFFFFFFC0];
	[tilespmem:s18+$0x10] =	vst v7;
	v23 =	vmul.f32 $1.442695020e+00, v23;
	v28 =	vmul.f32 $2.000000030e-01, v24;
	v7 =	vshll.u32 v25, $0x10  }
0xee: {  	[tilespmem:s26+$0xFFFFFFC0] =	vst v20;
	v6 =	vand.u32 $0xFFFF0000, v25;
	v25 =	vmul.f32 v7, v29;
	v7 =	vperm.xlane v21, v4;
	v21 =	vld [tilespmem:s24+$0x10]  }
0xef: {  	[tilespmem:s26+$0x40] =	vst v32;
	v19 =	vmax.f32 v19, v31;
	(erf) = vpow2.f32 v23;
	v29 =	vmul.f32 v6, v29  }
0xf0: {  	v20 =	vand.u32 $0xFFFF0000, v54;
	v18 =	vmul.f32 v18, v26;
	v19 =	vmul.f32 $1.442695020e+00, v19;
	[tilespmem:s18+$0xD0] =	vst v25;
	v25 =	vld [tilespmem:s19+$0xFFFFFF90]  }
0xf1: {  	v20 =	vmul.f32 v20, v26;
	v23 =	vld [tilespmem:s19+$0xFFFFFFE0];
	v6 =	vperm.xlane v30, v4;
	v24 =	vmax.f32 v24, v28;
	[tilespmem:s18+$0xE0] =	vst v29  }
0xf2: {  	[tilespmem:s26+$0x50] =	vst v22;
	(erf) = vpow2.f32 v19;
	v24 =	vmul.f32 $1.442695020e+00, v24;
	v27 =	vld [tilespmem:s24+$0x80]  }
0xf3: {  	v28 =	vshll.u32 v17, $0x10;
	v17 =	vand.u32 $0xFFFF0000, v17;
	v29 =	vld [tilespmem:s19+$0x30];
	s19 =	simm.s32 $0x1A310;
	v19 =	vshll.u32 v21, $0x10;
	v12 =	vpop (erf)  }
0xf4: {  	(erf) = vpow2.f32 v24;
	v21 =	vand.u32 $0xFFFF0000, v21;
	[tilespmem:s19+$0x110] =	vst v12;
	v26 =	vmul.f32 v19, v34  }
0xf5: {  	[tilespmem:s18+$0xFFFFFF00] =	vst v18;
	v22 =	vshll.u32 v25, $0x10;
	v24 =	vand.u32 $0xFFFF0000, v25;
	v25 =	vmul.f32 v28, v16;
	v28 =	vld [tilespmem:s23+$0x50]  }
0xf6: {  	[tilespmem:s18+$0xFFFFFF10] =	vst v20;
	v55 =	vmul.f32 v21, v34;
	v16 =	vmul.f32 v17, v16  }
0xf7: {  	v19 =	vand.u32 $0xFFFF0000, v23;
	v18 =	vand.u32 $0xFFFF0000, v27;
	v56 =	vmul.f32 v22, v15;
	[tilespmem:s18+$0xFFFFFF90] =	vst v25  }
0xf8: {  	v17 =	vshll.u32 v23, $0x10;
	v57 =	vmul.f32 v24, v15;
	v15 =	vpop (erf);
	v18 =	vmul.f32 v18, v13;
	[tilespmem:s18+$0xFFFFFFA0] =	vst v16  }
0xf9: {  	v19 =	vmul.f32 v19, v14;
	v22 =	vmul.f32 v17, v14;
	v25 =	vld [tilespmem:s24+$0xFFFFFF80];
	[tilespmem:s19+$0xFFFFFF60] =	vst v15  }
0xfa: {  	v58 =	vperm.xlane v15, v1;
	v60 =	vld [tilespmem:s23+$0xFFFFFF60];
	[tilespmem:s18+$0x100] =	vst v18;
	v18 =	vshll.u32 v29, $0x10;
	v21 =	vshll.u32 v28, $0x10  }
0xfb: {  	v20 =	vpop (erf);
	v59 =	vld [tilespmem:s24+$0xFFFFFFD0];
	v16 =	vmul.f32 v18, v5;
	v18 =	vperm.xlane v12, v1  }
0xfc: {  	v23 =	vshll.u32 v27, $0x10;
	v17 =	vperm.xlane v15, v2;
	[tilespmem:s19+$0xFFFFFFF0] =	vst v20;
	v33 =	vperm.xlane v20, v1  }
0xfd: {  	[tilespmem:s18+$0x20] =	vst v26;
	v14 =	vperm.xlane v20, v2;
	v61 =	vld [tilespmem:s23+$0xFFFFFFB0];
	v27 =	vand.u32 $0xFFFF0000, v28;
	v28 =	vmul.f32 v21, v18;
	v21 =	vpop (erf)  }
0xfe: {  	v24 =	vand.u32 $0xFFFF0000, v29;
	v26 =	vperm.xlane v20, v3;
	v29 =	vmul.f32 v27, v18;
	[tilespmem:s19+$0x80] =	vst v21  }
0xff: {  	v31 =	vshll.u32 v25, $0x10;
	v27 =	vperm.xlane v15, v3;
	v62 =	vshll.u32 v60, $0x10;
	[tilespmem:s19+$0x90] =	vst v28;
	v35 =	vld [tilespmem:s23+$0x0]  }
0x100: {  	v63 =	vand.u32 $0xFFFF0000, v60;
	v32 =	vand.u32 $0xFFFF0000, v59;
	v30 =	vperm.xlane v21, v1;
	[tilespmem:s19+$0xA0] =	vst v29  }
0x101: {  	[tilespmem:s18+$0x30] =	vst v55;
	v18 =	vperm.xlane v21, v2;
	v28 =	vand.u32 $0xFFFF0000, v25;
	v25 =	vperm.xlane v21, v3;
	v36 =	vld [tilespmem:s23+$0x60]  }
0x102: {  	v34 =	vld [tilespmem:s24+$0x20];
	[tilespmem:s26+$0xFFFFFF40] =	vst v56;
	v29 =	vshll.u32 v59, $0x10;
	v38 =	vmul.f32 v62, v58;
	v43 =	vshll.u32 v61, $0x10  }
0x103: {  	s30 =	simm.s32 $0x165D0;
	s4 =	simm.s32 $0x8;
	[tilespmem:s26+$0xFFFFFF50] =	vst v57;
	v40 =	vand.u32 $0xFFFF0000, v61;
	v39 =	vmul.f32 v63, v58;
	v37 =	vmul.f32 v43, v33  }
.LBB2_6:
0x104: {  	v41 =	vld [tilespmem:s30+$0x90];
	[tilespmem:s19+$0xFFFFFEE0] =	vst v38;
	v33 =	vmul.f32 v40, v33;
	v38 =	vshll.u32 v35, $0x10;
	v35 =	vand.u32 $0xFFFF0000, v35;
	s13 =	sadd.s32 $0x40, s13  }
0x105: {  	v40 =	vld [tilespmem:s13+$0x10];
	[tilespmem:s19+$0xFFFFFEF0] =	vst v39;
	v38 =	vmul.f32 v38, v30;
	v39 =	vperm.xlane v12, v2  }
0x106: {  	v31 =	vmul.f32 v31, v10;
	v30 =	vmul.f32 v35, v30;
	v42 =	vld [tilespmem:s30+$0xFFFFFFF0];
	[tilespmem:s19+$0xFFFFFF70] =	vst v37;
	v35 =	vshll.u32 v36, $0x10  }
0x107: {  	s4 =	sadd.s32 $0x4, s4;
	v37 =	vld [tilespmem:s30+$0x40];
	[tilespmem:s19+$0xFFFFFF80] =	vst v33;
	v33 =	vand.u32 $0xFFFF0000, v36;
	v35 =	vmul.f32 v35, v39;
	v36 =	vshll.u32 v34, $0x10  }
0x108: {  	v28 =	vmul.f32 v28, v10;
	v10 =	vmovc v27;
	p1 =	slt.u32 s4, $0x4C;
	v34 =	vand.u32 $0xFFFF0000, v34;
	v43 =	vld [tilespmem:s30+$0xFFFFFFA0];
	[tilespmem:s19+$0x0] =	vst v38;
	v33 =	vmul.f32 v33, v39  }
0x109: {  	v29 =	vmul.f32 v29, v9;
	v32 =	vmul.f32 v32, v9;
	v9 =	vmovc v26;
	v27 =	vld [tilespmem:s13+$0xFFFFFFE0];
	v38 =	vshll.u32 v41, $0x10;
	[tilespmem:s19+$0xB0] =	vst v35  }
0x10a: {  	v34 =	vmul.f32 v34, v11;
	v26 =	vld [tilespmem:s13+$0xFFFFFFF0];
	v35 =	vadd.f32 v38, v40;
	[tilespmem:s19+$0xC0] =	vst v33;
	v33 =	vmul.f32 v36, v11  }
0x10b: {  	v15 =	vperm.xlane v15, v4;
	v20 =	vperm.xlane v20, v4;
	v11 =	vmovc v25;
	v36 =	vshll.u32 v42, $0x10;
	[tilespmem:s19+$0x10] =	vst v30;
	v30 =	vld [tilespmem:s23+$0x70]  }
0x10c: {  	v21 =	vperm.xlane v21, v4;
	v25 =	vshll.u32 v37, $0x10;
	v37 =	vld [tilespmem:s13+$0x0];
	v38 =	vmul.f32 $2.000000030e-01, v35;
	[tilespmem:s18+$0xFFFFFF20] =	vst v31  }
0x10d: {  	v13 =	vmul.f32 v23, v13;
	v23 =	vmul.f32 v24, v5;
	v5 =	vmovc v6;
	v31 =	vshll.u32 v43, $0x10;
	v39 =	vld [tilespmem:s23+$0xFFFFFF70];
	[tilespmem:s18+$0xFFFFFF30] =	vst v28  }
0x10e: {  	v6 =	vmov v21;
	v24 =	vadd.f32 v31, v27;
	v27 =	vmax.f32 v35, v38;
	v28 =	vld [tilespmem:s23+$0xFFFFFFC0];
	[tilespmem:s18+$0xFFFFFFB0] =	vst v29  }
0x10f: {  	v29 =	vperm.xlane v12, v3;
	v21 =	vadd.f32 v36, v26;
	v26 =	vmul.f32 $1.442695020e+00, v27;
	v27 =	vld [tilespmem:s23+$0x10];
	[tilespmem:s18+$0xFFFFFFC0] =	vst v32  }
0x110: {  	v31 =	vmul.f32 $2.000000030e-01, v24;
	v32 =	vshll.u32 v30, $0x10;
	v35 =	vld [tilespmem:s24+$0xFFFFFF90];
	[tilespmem:s18+$0x40] =	vst v33  }
0x111: {  	(erf) = vpow2.f32 v26;
	v26 =	vand.u32 $0xFFFF0000, v30;
	v30 =	vmul.f32 v32, v29;
	v32 =	vld [tilespmem:s24+$0xFFFFFFE0];
	[tilespmem:s18+$0x50] =	vst v34  }
0x112: {  	v33 =	vmul.f32 $2.000000030e-01, v21;
	v25 =	vadd.f32 v25, v37;
	v26 =	vmul.f32 v26, v29;
	v29 =	vld [tilespmem:s24+$0x30];
	[tilespmem:s26+$0xFFFFFFD0] =	vst v22;
	s24 =	smov.u32 s23;
	s23 =	smov.u32 s30  }
0x113: {  	v22 =	vmax.f32 v24, v31;
	v24 =	vshll.u32 v39, $0x10;
	v31 =	vand.u32 $0xFFFF0000, v39;
	[tilespmem:s19+$0xD0] =	vst v30  }
0x114: {  	v22 =	vmul.f32 $1.442695020e+00, v22;
	v21 =	vmax.f32 v21, v33;
	v30 =	vmul.f32 $2.000000030e-01, v25;
	[tilespmem:s19+$0xE0] =	vst v26  }
0x115: {  	v21 =	vmul.f32 $1.442695020e+00, v21;
	v26 =	vshll.u32 v28, $0x10;
	v28 =	vand.u32 $0xFFFF0000, v28;
	v33 =	vld [tilespmem:s24+$0x80];
	[tilespmem:s26+$0xFFFFFFE0] =	vst v19  }
0x116: {  	v19 =	vmax.f32 v25, v30;
	(erf) = vpow2.f32 v22;
	v22 =	vshll.u32 v27, $0x10;
	[tilespmem:s26+$0x60] =	vst v16  }
0x117: {  	v16 =	vmul.f32 $1.442695020e+00, v19;
	v19 =	vand.u32 $0xFFFF0000, v27;
	(erf) = vpow2.f32 v21;
	[tilespmem:s26+$0x70] =	vst v23;
	s26 =	smov.u32 s18;
	s18 =	smov.u32 s19  }
0x118: {  	v21 =	vmul.f32 v24, v17;
	v17 =	vmul.f32 v31, v17;
	v24 =	vshll.u32 v35, $0x10;
	[tilespmem:s26+$0xF0] =	vst v13  }
0x119: {  	v13 =	vperm.xlane v12, v4;
	(erf) = vpow2.f32 v16;
	v16 =	vand.u32 $0xFFFF0000, v35  }
0x11a: {  	s19 =	sadd.s32 $0x240, s19;
	v12 =	vpop (erf);
	[tilespmem:s18+$0xFFFFFF00] =	vst v21;
	v21 =	vmul.f32 v26, v14;
	v14 =	vmul.f32 v28, v14;
	v23 =	vand.u32 $0xFFFF0000, v33  }
0x11b: {  	v25 =	vmul.f32 v22, v18;
	v26 =	vshll.u32 v32, $0x10;
	[tilespmem:s19+$0x110] =	vst v12;
	v22 =	vmul.f32 v23, v13  }
0x11c: {  	v34 =	vmul.f32 v19, v18;
	v18 =	vshll.u32 v29, $0x10;
	v27 =	vld [tilespmem:s30+$0x50];
	[tilespmem:s18+$0xFFFFFF10] =	vst v17;
	v17 =	vand.u32 $0xFFFF0000, v32  }
0x11d: {  	v37 =	vmul.f32 v24, v8;
	v24 =	vand.u32 $0xFFFF0000, v29;
	v23 =	vshll.u32 v33, $0x10;
	v28 =	vld [tilespmem:s24+$0xFFFFFF80];
	[tilespmem:s18+$0x100] =	vst v22  }
0x11e: {  	v41 =	vmul.f32 v16, v8;
	v8 =	vmov v15;
	v22 =	vmul.f32 v26, v7;
	[tilespmem:s18+$0xFFFFFF90] =	vst v21  }
0x11f: {  	v16 =	vmul.f32 v18, v5;
	v19 =	vmul.f32 v17, v7;
	v7 =	vmov v20;
	v15 =	vpop (erf);
	[tilespmem:s18+$0xFFFFFFA0] =	vst v14  }
0x120: {  	v18 =	vperm.xlane v12, v1;
	[tilespmem:s19+$0xFFFFFF60] =	vst v15;
	v39 =	vperm.xlane v15, v1;
	v20 =	vpop (erf);
	v32 =	vld [tilespmem:s24+$0xFFFFFFD0]  }
0x121: {  	v17 =	vperm.xlane v15, v2;
	v36 =	vld [tilespmem:s30+$0xFFFFFF60];
	[tilespmem:s19+$0xFFFFFFF0] =	vst v20;
	v33 =	vperm.xlane v20, v1;
	v30 =	vshll.u32 v27, $0x10  }
0x122: {  	v14 =	vperm.xlane v20, v2;
	v26 =	vand.u32 $0xFFFF0000, v27;
	v40 =	vld [tilespmem:s30+$0xFFFFFFB0];
	v29 =	vmul.f32 v30, v18;
	v21 =	vpop (erf);
	[tilespmem:s18+$0x20] =	vst v25  }
0x123: {  	v38 =	vmul.f32 v26, v18;
	v31 =	vshll.u32 v28, $0x10;
	[tilespmem:s19+$0x80] =	vst v21;
	v30 =	vperm.xlane v21, v1  }
.Ltmp4:
0x124: {  	v27 =	vperm.xlane v15, v3;
	v28 =	vand.u32 $0xFFFF0000, v28;
	v18 =	vperm.xlane v21, v2;
	v35 =	vld [tilespmem:s30+$0x0];
	[tilespmem:s19+$0x90] =	vst v29;
	(pc) =	sbr.rel @p1 .LBB2_6-.Ltmp4, $4  }
0x125: {  	v26 =	vperm.xlane v20, v3;
	v25 =	vperm.xlane v21, v3;
	[tilespmem:s19+$0xA0] =	vst v38;
	v29 =	vshll.u32 v32, $0x10  }
0x126: {  	v32 =	vand.u32 $0xFFFF0000, v32;
	v38 =	vshll.u32 v36, $0x10;
	v42 =	vand.u32 $0xFFFF0000, v36;
	v36 =	vld [tilespmem:s30+$0x60];
	[tilespmem:s18+$0x30] =	vst v34  }
0x127: {  	v38 =	vmul.f32 v38, v39;
	v43 =	vshll.u32 v40, $0x10;
	v40 =	vand.u32 $0xFFFF0000, v40;
	v34 =	vld [tilespmem:s24+$0x20];
	[tilespmem:s26+$0xFFFFFF40] =	vst v37  }
0x128: {  	s30 =	sadd.s32 $0x140, s30;
	v39 =	vmul.f32 v42, v39;
	v37 =	vmul.f32 v43, v33;
	[tilespmem:s26+$0xFFFFFF50] =	vst v41  }
0x129: {  	[tilespmem:s19+$0xFFFFFEE0] =	vst v38  }
0x12a: {  	[tilespmem:s26+$0xFFFFFFD0] =	vst v22  }
0x12b: {  	[tilespmem:s26+$0xFFFFFFE0] =	vst v19  }
0x12c: {  	v53 =	vperm.xlane v12, v2;
	[tilespmem:s26+$0x60] =	vst v16  }
0x12d: {  	v33 =	vmul.f32 v40, v33;
	[tilespmem:s19+$0xFFFFFEF0] =	vst v39;
	v54 =	vshll.u32 v36, $0x10  }
0x12e: {  	[tilespmem:s19+$0xFFFFFF70] =	vst v37;
	v55 =	vand.u32 $0xFFFF0000, v36;
	v56 =	vmul.f32 v54, v53  }
0x12f: {  	[tilespmem:s19+$0xFFFFFF80] =	vst v33;
	v33 =	vmul.f32 v55, v53  }
0x130: {  	v31 =	vmul.f32 v31, v10;
	[tilespmem:s19+$0xB0] =	vst v56  }
0x131: {  	v52 =	vshll.u32 v35, $0x10;
	v10 =	vmul.f32 v28, v10;
	[tilespmem:s19+$0xC0] =	vst v33  }
0x132: {  	v57 =	vand.u32 $0xFFFF0000, v35;
	v29 =	vmul.f32 v29, v9;
	v9 =	vmul.f32 v32, v9;
	[tilespmem:s18+$0xFFFFFF20] =	vst v31;
	v28 =	vld [tilespmem:s23+$0x70]  }
0x133: {  	v38 =	vmul.f32 v52, v30;
	v30 =	vmul.f32 v57, v30;
	[tilespmem:s18+$0xFFFFFF30] =	vst v10  }
0x134: {  	[tilespmem:s18+$0xFFFFFFC0] =	vst v9;
	v10 =	vand.u32 $0xFFFF0000, v34  }
0x135: {  	v9 =	vld [tilespmem:s23+$0xFFFFFF70];
	[tilespmem:s19+$0x10] =	vst v30;
	v30 =	vshll.u32 v34, $0x10;
	v10 =	vmul.f32 v10, v11  }
0x136: {  	[tilespmem:s18+$0xFFFFFFB0] =	vst v29;
	v30 =	vmul.f32 v30, v11;
	v11 =	vperm.xlane v12, v3  }
0x137: {  	v5 =	vmul.f32 v24, v5;
	[tilespmem:s18+$0x50] =	vst v10;
	v10 =	vld [tilespmem:s23+$0xFFFFFFC0];
	v29 =	vshll.u32 v28, $0x10;
	v28 =	vand.u32 $0xFFFF0000, v28  }
0x138: {  	[tilespmem:s19+$0x0] =	vst v38;
	v29 =	vmul.f32 v29, v11;
	v11 =	vmul.f32 v28, v11  }
0x139: {  	[tilespmem:s26+$0x70] =	vst v5;
	v22 =	vld [tilespmem:s23+$0x10]  }
0x13a: {  	[tilespmem:s19+$0xE0] =	vst v11;
	v11 =	vshll.u32 v9, $0x10  }
0x13b: {  	[tilespmem:s19+$0xD0] =	vst v29;
	v9 =	vand.u32 $0xFFFF0000, v9;
	v11 =	vmul.f32 v11, v17  }
0x13c: {  	[tilespmem:s18+$0x40] =	vst v30;
	v16 =	vshll.u32 v10, $0x10;
	v10 =	vand.u32 $0xFFFF0000, v10;
	v19 =	vld [tilespmem:s23+$0x80];
	v5 =	vmul.f32 v9, v17  }
0x13d: {  	v10 =	vmul.f32 v10, v14;
	v9 =	vld [tilespmem:s24+$0xFFFFFF90];
	[tilespmem:s19+$0xFFFFFF00] =	vst v11  }
0x13e: {  	v11 =	vmul.f32 v16, v14;
	v16 =	vshll.u32 v22, $0x10;
	[tilespmem:s19+$0xFFFFFF10] =	vst v5  }
0x13f: {  	[tilespmem:s19+$0xFFFFFFA0] =	vst v10;
	v5 =	vand.u32 $0xFFFF0000, v22;
	v14 =	vmul.f32 v16, v18;
	v16 =	vld [tilespmem:s23+$0xFFFFFF80]  }
0x140: {  	v5 =	vmul.f32 v5, v18;
	[tilespmem:s19+$0xFFFFFF90] =	vst v11;
	v11 =	vperm.xlane v12, v4  }
0x141: {  	v10 =	vmul.f32 v23, v13;
	v12 =	vand.u32 $0xFFFF0000, v19;
	v13 =	vld [tilespmem:s23+$0xFFFFFFD0];
	[tilespmem:s19+$0x20] =	vst v14  }
0x142: {  	v14 =	vshll.u32 v9, $0x10;
	[tilespmem:s19+$0x30] =	vst v5;
	v12 =	vmul.f32 v12, v11  }
0x143: {  	[tilespmem:s18+$0xF0] =	vst v10;
	v5 =	vand.u32 $0xFFFF0000, v9;
	v9 =	vmul.f32 v14, v8;
	v10 =	vld [tilespmem:s23+$0x20]  }
0x144: {  	v5 =	vmul.f32 v5, v8;
	[tilespmem:s19+$0x100] =	vst v12;
	v8 =	vshll.u32 v16, $0x10  }
0x145: {  	v12 =	vld [tilespmem:s24+$0xFFFFFFE0];
	v14 =	vand.u32 $0xFFFF0000, v16;
	[tilespmem:s18+$0xFFFFFF40] =	vst v9;
	v8 =	vmul.f32 v8, v27  }
0x146: {  	[tilespmem:s18+$0xFFFFFF50] =	vst v5;
	v5 =	vmul.f32 v14, v27;
	v9 =	vshll.u32 v13, $0x10  }
0x147: {  	v14 =	vld [tilespmem:s24+$0x30];
	v13 =	vand.u32 $0xFFFF0000, v13;
	v9 =	vmul.f32 v9, v26;
	[tilespmem:s19+$0xFFFFFF20] =	vst v8  }
0x148: {  	v8 =	vshll.u32 v10, $0x10;
	v13 =	vmul.f32 v13, v26;
	[tilespmem:s19+$0xFFFFFF30] =	vst v5  }
0x149: {  	v5 =	vand.u32 $0xFFFF0000, v10;
	v8 =	vmul.f32 v8, v25;
	[tilespmem:s19+$0xFFFFFFB0] =	vst v9  }
0x14a: {  	v5 =	vmul.f32 v5, v25;
	v10 =	vld [tilespmem:s23+$0xFFFFFF90];
	v9 =	vshll.u32 v12, $0x10;
	[tilespmem:s19+$0xFFFFFFC0] =	vst v13  }
0x14b: {  	v12 =	vand.u32 $0xFFFF0000, v12;
	v9 =	vmul.f32 v9, v7;
	[tilespmem:s19+$0x40] =	vst v8  }
0x14c: {  	v8 =	vshll.u32 v14, $0x10;
	v7 =	vmul.f32 v12, v7;
	v12 =	vld [tilespmem:s23+$0xFFFFFFE0];
	[tilespmem:s19+$0x50] =	vst v5  }
0x14d: {  	v5 =	vand.u32 $0xFFFF0000, v14;
	v8 =	vmul.f32 v8, v6;
	[tilespmem:s18+$0xFFFFFFD0] =	vst v9  }
0x14e: {  	v13 =	vshll.u32 v19, $0x10;
	v5 =	vmul.f32 v5, v6;
	v6 =	vld [tilespmem:s23+$0x30];
	v9 =	vperm.xlane v15, v4;
	[tilespmem:s18+$0xFFFFFFE0] =	vst v7  }
0x14f: {  	v7 =	vmul.f32 v13, v11;
	[tilespmem:s18+$0x60] =	vst v8;
	v8 =	vshll.u32 v10, $0x10  }
0x150: {  	v11 =	vperm.xlane v20, v4;
	[tilespmem:s18+$0x70] =	vst v5;
	v5 =	vand.u32 $0xFFFF0000, v10;
	v8 =	vmul.f32 v8, v9  }
0x151: {  	[tilespmem:s19+$0xF0] =	vst v7;
	v5 =	vmul.f32 v5, v9;
	v7 =	vshll.u32 v12, $0x10  }
0x152: {  	v9 =	vperm.xlane v21, v4;
	v10 =	vand.u32 $0xFFFF0000, v12;
	v7 =	vmul.f32 v7, v11;
	[tilespmem:s19+$0xFFFFFF40] =	vst v8  }
0x153: {  	v8 =	vshll.u32 v6, $0x10;
	v10 =	vmul.f32 v10, v11;
	[tilespmem:s19+$0xFFFFFF50] =	vst v5  }
0x154: {  	p1 =	seq.s32 s20, $0x7C;
	v5 =	vand.u32 $0xFFFF0000, v6;
	v6 =	vmul.f32 v8, v9;
	[tilespmem:s19+$0xFFFFFFD0] =	vst v7  }
0x155: {  	s4 =	smul.u32 @!p1 $0xA0, s20;
	v5 =	vmul.f32 v5, v9;
	[tilespmem:s19+$0xFFFFFFE0] =	vst v10  }
0x156: {  	[tilespmem:s19+$0x60] =	vst v6  }
0x157: {  	s13 =	simm.s32 $0x160D0;
	s4 =	sadd.s32 @!p1 s4, s21;
	[tilespmem:s19+$0x70] =	vst v5  }
0x158: {  	[spmem:s1] =	stream.indirect.scatter.add.f32 [tilespmem:s28], [sflag:$0x5], $0x90, s13, s0, $0xb8;
	[tilespmem:$0x1F770] =	vst v63  }
0x159: {  	p2 =	seq.s32 @!p1 s20, $0x0;
	s13 =	sshrl.u32 @!p1 s4, $0x3  }
0x15a: {  	s19 =	simm.s32 @!p1 $0x0;
	s4 =	simm.s32 @!p1 $0x15F90;
	s18 =	sadd.s32 @!p1 s8, s13  }
0x15b: {  	[tilespmem:s4], [sflag:$0x7] =	stream.linear.gather @!p1 [hbm4b:s18+s19], $0x50, $0x38;
	[tilespmem:$0x1F770] =	vst v63  }
0x15c: {  	p2 =	por p1, !p2;
	s18 =	sadd.s32 @!p1 s9, s13;
	s13 =	simm.s32 @!p1 $0x16030  }
0x15d: {  	[tilespmem:s13], [sflag:$0x9] =	stream.linear.gather @!p1 [hbm4b:s18+s19], $0x50, $0x38;
	[tilespmem:$0x1F770] =	vst v63  }
0x15e: {  	_ =	swait.ge @p2 [sflag:s17], $0x2D00  }
0x15f: {  	[sflag:s17] =	ssyncset.done @p2 $0x0  }
0x160: {  	[sflag:s17] =	ssyncadd.s32 @p2 $0xFFFFD300  }
0x161: {  	_ =	swait.ge [sflag:s31], $0x1900  }
0x162: {  	[sflag:s31] =	ssyncset.done $0x0  }
0x163: {  	[sflag:s31] =	ssyncadd.s32 $0xFFFFE700  }
0x164: {  	_ =	swait.ge [sflag:s14], $0x500  }
0x165: {  	[sflag:s14] =	ssyncset.done $0x0  }
0x166: {  	s18 =	simm.s32 @!p1 $0x7;
	[sflag:s14] =	ssyncadd.s32 $0xFFFFFB00  }
0x167: {  	_ =	swait.ge @!p1 [sflag:s18], $0x50  }
0x168: {  	[sflag:s18] =	ssyncset.done @!p1 $0x0  }
0x169: {  	[sflag:s18] =	ssyncadd.s32 @!p1 $0xFFFFFFB0;
	s18 =	simm.s32 @!p1 $0x9  }
0x16a: {  	_ =	swait.ge @!p1 [sflag:s18], $0x50  }
0x16b: {  	[sflag:s18] =	ssyncset.done @!p1 $0x0  }
0x16c: {  	s19 =	simm.s32 @!p1 $0x16170;
	[sflag:s18] =	ssyncadd.s32 @!p1 $0xFFFFFFB0;
	s18 =	simm.s32 @!p1 $0x50  }
0x16d: {  	[tilespmem:s19], [sflag:$0x1] =	stream.indirect.gather @!p1 [hbm4b:s3+s18], $0x50, s4, s18, $0xb8;
	[tilespmem:$0x1F770] =	vst v63  }
0x16e: {  	s4 =	simm.s32 @!p1 $0x19370  }
0x16f: {  	[tilespmem:s4], [sflag:$0x3] =	stream.indirect.gather @!p1 [hbm4b:s6+s18], $0x10, s13, s18, $0xb8;
	[tilespmem:$0x1F770] =	vst v63  }
0x170: {  	v5 =	vld [tilespmem:$0x16080]  }
0x171: {  	v6 =	vld [tilespmem:$0x16090]  }
0x172: {  	v7 =	vld [tilespmem:$0x160A0]  }
0x173: {  	v8 =	vld [tilespmem:$0x160B0]  }
0x174: {  	v9 =	vld [tilespmem:$0x160C0]  }
0x175: {  	[tilespmem:$0x16120] =	vst v5  }
0x176: {  	[tilespmem:$0x16130] =	vst v6  }
0x177: {  	[tilespmem:$0x16140] =	vst v7  }
0x178: {  	[tilespmem:$0x16150] =	vst v8  }
0x179: {  	s19 =	simm.s32 $0x17B10;
	[tilespmem:$0x16160] =	vst v9  }
0x17a: {  	s18 =	simm.s32 $0x19890;
	v5 =	vld [tilespmem:s19+$0x90]  }
0x17b: {  	v6 =	vld [tilespmem:s18+$0x10];
	_ =	sdelay $0x3  }
0x17c: {  	v5 =	vshll.u32 v5, $0x10  }
0x17d: {  	v5 =	vadd.f32 v5, v6;
	_ =	sdelay $0x1  }
0x17e: {  	v6 =	vmul.f32 $2.000000030e-01, v5;
	_ =	sdelay $0x1  }
0x17f: {  	v5 =	vmax.f32 v5, v6  }
0x180: {  	v7 =	vld [tilespmem:s19+$0x40];
	v5 =	vmul.f32 $1.442695020e+00, v5  }
0x181: {  	v8 =	vld [tilespmem:s19+$0xFFFFFFA0]  }
0x182: {  	v6 =	vld [tilespmem:s19+$0xFFFFFFF0];
	(erf) = vpow2.f32 v5  }
0x183: {  	v5 =	vld [tilespmem:s18+$0xFFFFFFE0]  }
0x184: {  	v9 =	vld [tilespmem:s18+$0xFFFFFFF0]  }
0x185: {  	v10 =	vld [tilespmem:s18+$0x0];
	_ =	sdelay $0x1  }
0x186: {  	v8 =	vshll.u32 v8, $0x10  }
0x187: {  	v6 =	vshll.u32 v6, $0x10;
	v5 =	vadd.f32 v8, v5  }
0x188: {  	v7 =	vshll.u32 v7, $0x10;
	v8 =	vadd.f32 v6, v9  }
0x189: {  	v7 =	vadd.f32 v7, v10;
	v9 =	vmul.f32 $2.000000030e-01, v5  }
0x18a: {  	s26 =	simm.s32 $0x1CB90;
	v10 =	vmul.f32 $2.000000030e-01, v8;
	v6 =	vpop (erf)  }
0x18b: {  	v5 =	vmax.f32 v5, v9;
	v9 =	vmul.f32 $2.000000030e-01, v7;
	[tilespmem:s26+$0x110] =	vst v6  }
0x18c: {  	v8 =	vmax.f32 v8, v10;
	v5 =	vmul.f32 $1.442695020e+00, v5;
	v10 =	vld [tilespmem:s19+$0x50]  }
0x18d: {  	v8 =	vmul.f32 $1.442695020e+00, v8;
	v7 =	vmax.f32 v7, v9  }
0x18e: {  	(erf) = vpow2.f32 v5;
	v5 =	vmul.f32 $1.442695020e+00, v7  }
0x18f: {  	(erf) = vpow2.f32 v8  }
0x190: {  	(erf) = vpow2.f32 v5;
	v5 =	vperm.xlane v6, v1  }
0x191: {  	s24 =	simm.s32 $0x17C50;
	v7 =	vshll.u32 v10, $0x10  }
0x192: {  	v18 =	vld [tilespmem:s24+$0xFFFFFFF0];
	v8 =	vand.u32 $0xFFFF0000, v10;
	v7 =	vmul.f32 v7, v5  }
0x193: {  	s23 =	simm.s32 $0x198D0;
	v21 =	vld [tilespmem:s24+$0xFFFFFFA0];
	v5 =	vmul.f32 v8, v5  }
0x194: {  	v10 =	vld [tilespmem:s23+$0x10];
	[tilespmem:s26+$0x90] =	vst v7  }
0x195: {  	v8 =	vld [tilespmem:s24+$0x90];
	[tilespmem:s26+$0xA0] =	vst v5  }
0x196: {  	v5 =	vld [tilespmem:s19+$0x60]  }
0x197: {  	v7 =	vpop (erf)  }
0x198: {  	v22 =	vld [tilespmem:s23+$0xFFFFFFE0];
	[tilespmem:s26+$0xFFFFFF60] =	vst v7  }
0x199: {  	v21 =	vshll.u32 v21, $0x10;
	v18 =	vshll.u32 v18, $0x10;
	v9 =	vpop (erf);
	v11 =	vld [tilespmem:s19+$0xFFFFFF60]  }
0x19a: {  	v17 =	vperm.xlane v6, v2;
	v14 =	vperm.xlane v7, v1;
	v8 =	vshll.u32 v8, $0x10;
	[tilespmem:s26+$0xFFFFFFF0] =	vst v9;
	v13 =	vpop (erf)  }
0x19b: {  	v16 =	vperm.xlane v7, v2;
	v8 =	vadd.f32 v8, v10;
	v12 =	vld [tilespmem:s19+$0xFFFFFFB0];
	[tilespmem:s26+$0x80] =	vst v13;
	v20 =	vshll.u32 v5, $0x10  }
0x19c: {  	v19 =	vperm.xlane v9, v1;
	v15 =	vld [tilespmem:s19+$0x0];
	v5 =	vand.u32 $0xFFFF0000, v5;
	v20 =	vmul.f32 v20, v17  }
0x19d: {  	v21 =	vadd.f32 v21, v22;
	v24 =	vmul.f32 $2.000000030e-01, v8;
	v5 =	vmul.f32 v5, v17;
	v17 =	vld [tilespmem:s23+$0xFFFFFFF0]  }
0x19e: {  	v10 =	vperm.xlane v13, v1;
	v23 =	vshll.u32 v11, $0x10;
	v11 =	vand.u32 $0xFFFF0000, v11;
	[tilespmem:s26+$0xB0] =	vst v20  }
0x19f: {  	[tilespmem:s26+$0xC0] =	vst v5;
	v5 =	vmax.f32 v8, v24;
	v23 =	vmul.f32 v23, v14;
	v11 =	vmul.f32 v11, v14;
	v14 =	vld [tilespmem:s24+$0x40]  }
0x1a0: {  	v25 =	vshll.u32 v12, $0x10;
	v12 =	vand.u32 $0xFFFF0000, v12;
	v20 =	vld [tilespmem:s19+$0x70];
	v5 =	vmul.f32 $1.442695020e+00, v5  }
0x1a1: {  	v8 =	vmul.f32 v25, v19;
	v12 =	vmul.f32 v12, v19;
	v19 =	vld [tilespmem:s23+$0x0];
	v22 =	vshll.u32 v15, $0x10;
	[tilespmem:s26+$0xFFFFFEE0] =	vst v23  }
0x1a2: {  	v17 =	vadd.f32 v18, v17;
	(erf) = vpow2.f32 v5;
	v18 =	vmul.f32 $2.000000030e-01, v21;
	[tilespmem:s26+$0xFFFFFEF0] =	vst v11  }
0x1a3: {  	v5 =	vand.u32 $0xFFFF0000, v15;
	v15 =	vmul.f32 v22, v10;
	v11 =	vperm.xlane v6, v3;
	[tilespmem:s26+$0xFFFFFF70] =	vst v8  }
0x1a4: {  	v5 =	vmul.f32 v5, v10;
	[tilespmem:s26+$0xFFFFFF80] =	vst v12;
	v18 =	vmax.f32 v21, v18;
	v10 =	vshll.u32 v14, $0x10  }
0x1a5: {  	[tilespmem:s26+$0x0] =	vst v15;
	v15 =	vld [tilespmem:s19+$0xFFFFFFC0];
	v14 =	vmul.f32 $2.000000030e-01, v17;
	v22 =	vshll.u32 v20, $0x10;
	v18 =	vmul.f32 $1.442695020e+00, v18  }
0x1a6: {  	v8 =	vld [tilespmem:s19+$0xFFFFFF70];
	v10 =	vadd.f32 v10, v19;
	v12 =	vmul.f32 v22, v11;
	v22 =	vperm.xlane v13, v3  }
0x1a7: {  	s23 =	simm.s32 $0x17D90;
	v14 =	vmax.f32 v17, v14;
	(erf) = vpow2.f32 v18;
	v18 =	vperm.xlane v13, v2  }
0x1a8: {  	v63 =	vld [tilespmem:s23+$0x90];
	v17 =	vand.u32 $0xFFFF0000, v20;
	v20 =	vperm.xlane v9, v3;
	v14 =	vmul.f32 $1.442695020e+00, v14  }
0x1a9: {  	s13 =	simm.s32 $0x19910;
	[tilespmem:s26+$0x10] =	vst v5;
	v19 =	vmul.f32 $2.000000030e-01, v10;
	v5 =	vmul.f32 v17, v11  }
0x1aa: {  	v46 =	vld [tilespmem:s13+$0x10];
	v11 =	vperm.xlane v9, v2;
	v17 =	vperm.xlane v7, v3;
	v21 =	vshll.u32 v15, $0x10  }
0x1ab: {  	[tilespmem:s26+$0xD0] =	vst v12;
	(erf) = vpow2.f32 v14;
	v10 =	vmax.f32 v10, v19;
	v19 =	vld [tilespmem:s19+$0x10];
	v14 =	vshll.u32 v8, $0x10  }
0x1ac: {  	s18 =	simm.s32 $0x1CDD0;
	[tilespmem:s26+$0xE0] =	vst v5;
	v8 =	vand.u32 $0xFFFF0000, v8;
	v21 =	vmul.f32 v21, v11;
	v5 =	vmul.f32 $1.442695020e+00, v10;
	v12 =	vpop (erf)  }
0x1ad: {  	v37 =	vshll.u32 v63, $0x10;
	v10 =	vld [tilespmem:s19+$0x80];
	v14 =	vmul.f32 v14, v16;
	v8 =	vmul.f32 v8, v16;
	[tilespmem:s18+$0x110] =	vst v12  }
0x1ae: {  	[tilespmem:s26+$0xFFFFFF90] =	vst v21;
	(erf) = vpow2.f32 v5;
	v5 =	vand.u32 $0xFFFF0000, v15;
	v15 =	vperm.xlane v7, v4  }
0x1af: {  	v37 =	vadd.f32 v37, v46;
	v16 =	vld [tilespmem:s24+$0x50];
	[tilespmem:s26+$0xFFFFFF00] =	vst v14;
	v14 =	vperm.xlane v9, v4;
	v7 =	vmul.f32 v5, v11  }
0x1b0: {  	[tilespmem:s26+$0xFFFFFF10] =	vst v8;
	v5 =	vperm.xlane v13, v4;
	v13 =	vperm.xlane v6, v4;
	v8 =	vshll.u32 v19, $0x10  }
0x1b1: {  	v9 =	vand.u32 $0xFFFF0000, v19;
	v6 =	vpop (erf);
	[tilespmem:s26+$0xFFFFFFA0] =	vst v7;
	v7 =	vperm.xlane v12, v1;
	v8 =	vmul.f32 v8, v18  }
0x1b2: {  	v42 =	vld [tilespmem:s23+$0xFFFFFFA0];
	v11 =	vand.u32 $0xFFFF0000, v10;
	v18 =	vmul.f32 v9, v18;
	v27 =	vshll.u32 v10, $0x10;
	[tilespmem:s18+$0xFFFFFF60] =	vst v6  }
0x1b3: {  	v19 =	vld [tilespmem:s19+$0xFFFFFF80];
	v24 =	vmul.f32 v11, v13;
	v13 =	vmul.f32 v27, v13;
	[tilespmem:s26+$0x20] =	vst v8  }
0x1b4: {  	v51 =	vmul.f32 $2.000000030e-01, v37;
	v47 =	vperm.xlane v12, v2;
	v23 =	vshll.u32 v16, $0x10;
	[tilespmem:s26+$0x30] =	vst v18  }
0x1b5: {  	v25 =	vld [tilespmem:s19+$0xFFFFFFD0];
	v26 =	vperm.xlane v6, v2;
	v11 =	vand.u32 $0xFFFF0000, v16;
	v21 =	vpop (erf);
	v16 =	vmul.f32 v23, v7;
	[tilespmem:s26+$0xF0] =	vst v13  }
0x1b6: {  	v10 =	vperm.xlane v6, v3;
	v23 =	vld [tilespmem:s24+$0xFFFFFF60];
	v7 =	vmul.f32 v11, v7;
	[tilespmem:s18+$0xFFFFFFF0] =	vst v21  }
0x1b7: {  	v53 =	vshll.u32 v42, $0x10;
	v8 =	vperm.xlane v6, v1;
	v62 =	vld [tilespmem:s19+$0x20];
	v13 =	vperm.xlane v12, v4;
	[tilespmem:s18+$0x90] =	vst v16  }
0x1b8: {  	v28 =	vperm.xlane v21, v1;
	v31 =	vshll.u32 v19, $0x10;
	v9 =	vperm.xlane v21, v3;
	v29 =	vld [tilespmem:s24+$0xFFFFFFB0];
	[tilespmem:s18+$0xA0] =	vst v7  }
0x1b9: {  	v19 =	vand.u32 $0xFFFF0000, v19;
	v16 =	vperm.xlane v21, v2;
	v31 =	vmul.f32 v31, v17;
	v58 =	vld [tilespmem:s24+$0x60]  }
0x1ba: {  	v17 =	vmul.f32 v19, v17;
	v30 =	vpop (erf);
	v18 =	vshll.u32 v25, $0x10;
	v25 =	vand.u32 $0xFFFF0000, v25  }
0x1bb: {  	v48 =	vld [tilespmem:s23+$0xFFFFFFF0];
	[tilespmem:s18+$0x80] =	vst v30;
	v7 =	vperm.xlane v30, v1;
	v60 =	vperm.xlane v30, v2;
	v61 =	vshll.u32 v23, $0x10  }
0x1bc: {  	v18 =	vmul.f32 v18, v20;
	v59 =	vld [tilespmem:s24+$0x0];
	v23 =	vand.u32 $0xFFFF0000, v23;
	v35 =	vmul.f32 v61, v8  }
0x1bd: {  	[tilespmem:s26+$0x100] =	vst v24;
	v20 =	vmul.f32 v25, v20;
	v8 =	vmul.f32 v23, v8;
	v45 =	vshll.u32 v29, $0x10  }
0x1be: {  	v49 =	vld [tilespmem:s13+$0xFFFFFFE0];
	v50 =	vshll.u32 v62, $0x10;
	v23 =	vmul.f32 v45, v28;
	v32 =	vand.u32 $0xFFFF0000, v58;
	[tilespmem:s18+$0xFFFFFEE0] =	vst v35  }
0x1bf: {  	v19 =	vld [tilespmem:s13+$0xFFFFFFF0];
	v29 =	vand.u32 $0xFFFF0000, v29;
	v41 =	vshll.u32 v58, $0x10;
	[tilespmem:s18+$0xFFFFFEF0] =	vst v8;
	v32 =	vmul.f32 v32, v47  }
0x1c0: {  	v28 =	vmul.f32 v29, v28;
	v29 =	vld [tilespmem:s23+$0x40];
	v8 =	vand.u32 $0xFFFF0000, v62;
	v41 =	vmul.f32 v41, v47;
	[tilespmem:s18+$0xFFFFFF70] =	vst v23  }
0x1c1: {  	v52 =	vld [tilespmem:s13+$0x0];
	v24 =	vshll.u32 v59, $0x10;
	v23 =	vshll.u32 v48, $0x10;
	[tilespmem:s18+$0xC0] =	vst v32;
	v32 =	vmul.f32 v50, v22  }
0x1c2: {  	v54 =	vld [tilespmem:s24+$0xFFFFFF70];
	[tilespmem:s18+$0xB0] =	vst v41;
	v22 =	vmul.f32 v8, v22;
	v8 =	vperm.xlane v6, v4;
	v6 =	vmax.f32 v37, v51  }
0x1c3: {  	[tilespmem:s18+$0xFFFFFF80] =	vst v28;
	v28 =	vadd.f32 v53, v49;
	v24 =	vmul.f32 v24, v7;
	v25 =	vld [tilespmem:s24+$0x70];
	v6 =	vmul.f32 $1.442695020e+00, v6  }
0x1c4: {  	v11 =	vperm.xlane v30, v3;
	[tilespmem:s26+$0xFFFFFF20] =	vst v31;
	v33 =	vand.u32 $0xFFFF0000, v59;
	v19 =	vadd.f32 v23, v19  }
0x1c5: {  	v23 =	vmul.f32 $2.000000030e-01, v28;
	[tilespmem:s18+$0x0] =	vst v24;
	v24 =	vshll.u32 v29, $0x10;
	(erf) = vpow2.f32 v6  }
0x1c6: {  	[tilespmem:s26+$0xFFFFFF30] =	vst v17;
	v7 =	vmul.f32 v33, v7;
	v29 =	vperm.xlane v12, v3;
	v24 =	vadd.f32 v24, v52  }
0x1c7: {  	[tilespmem:s26+$0xFFFFFFB0] =	vst v18;
	v31 =	vmul.f32 $2.000000030e-01, v19;
	v23 =	vmax.f32 v28, v23;
	v18 =	vshll.u32 v54, $0x10  }
0x1c8: {  	v17 =	vld [tilespmem:s24+$0xFFFFFFC0];
	[tilespmem:s18+$0x10] =	vst v7;
	v23 =	vmul.f32 $1.442695020e+00, v23;
	v28 =	vmul.f32 $2.000000030e-01, v24;
	v7 =	vshll.u32 v25, $0x10  }
0x1c9: {  	[tilespmem:s26+$0xFFFFFFC0] =	vst v20;
	v6 =	vand.u32 $0xFFFF0000, v25;
	v25 =	vmul.f32 v7, v29;
	v7 =	vperm.xlane v21, v4;
	v21 =	vld [tilespmem:s24+$0x10]  }
0x1ca: {  	[tilespmem:s26+$0x40] =	vst v32;
	v19 =	vmax.f32 v19, v31;
	(erf) = vpow2.f32 v23;
	v29 =	vmul.f32 v6, v29  }
0x1cb: {  	v20 =	vand.u32 $0xFFFF0000, v54;
	v18 =	vmul.f32 v18, v26;
	v19 =	vmul.f32 $1.442695020e+00, v19;
	[tilespmem:s18+$0xD0] =	vst v25;
	v25 =	vld [tilespmem:s19+$0xFFFFFF90]  }
0x1cc: {  	v20 =	vmul.f32 v20, v26;
	v23 =	vld [tilespmem:s19+$0xFFFFFFE0];
	v6 =	vperm.xlane v30, v4;
	v24 =	vmax.f32 v24, v28;
	[tilespmem:s18+$0xE0] =	vst v29  }
0x1cd: {  	[tilespmem:s26+$0x50] =	vst v22;
	(erf) = vpow2.f32 v19;
	v24 =	vmul.f32 $1.442695020e+00, v24;
	v27 =	vld [tilespmem:s24+$0x80]  }
0x1ce: {  	v28 =	vshll.u32 v17, $0x10;
	v17 =	vand.u32 $0xFFFF0000, v17;
	v29 =	vld [tilespmem:s19+$0x30];
	s19 =	simm.s32 $0x1D010;
	v19 =	vshll.u32 v21, $0x10;
	v12 =	vpop (erf)  }
0x1cf: {  	(erf) = vpow2.f32 v24;
	v21 =	vand.u32 $0xFFFF0000, v21;
	[tilespmem:s19+$0x110] =	vst v12;
	v26 =	vmul.f32 v19, v60  }
0x1d0: {  	[tilespmem:s18+$0xFFFFFF00] =	vst v18;
	v22 =	vshll.u32 v25, $0x10;
	v24 =	vand.u32 $0xFFFF0000, v25;
	v25 =	vmul.f32 v28, v16;
	v28 =	vld [tilespmem:s23+$0x50]  }
0x1d1: {  	[tilespmem:s18+$0xFFFFFF10] =	vst v20;
	v55 =	vmul.f32 v21, v60;
	v16 =	vmul.f32 v17, v16  }
0x1d2: {  	v19 =	vand.u32 $0xFFFF0000, v23;
	v18 =	vand.u32 $0xFFFF0000, v27;
	v56 =	vmul.f32 v22, v15;
	[tilespmem:s18+$0xFFFFFF90] =	vst v25  }
0x1d3: {  	v17 =	vshll.u32 v23, $0x10;
	v57 =	vmul.f32 v24, v15;
	v15 =	vpop (erf);
	v18 =	vmul.f32 v18, v13;
	[tilespmem:s18+$0xFFFFFFA0] =	vst v16  }
0x1d4: {  	v19 =	vmul.f32 v19, v14;
	v22 =	vmul.f32 v17, v14;
	v25 =	vld [tilespmem:s24+$0xFFFFFF80];
	[tilespmem:s19+$0xFFFFFF60] =	vst v15  }
0x1d5: {  	v58 =	vperm.xlane v15, v1;
	v60 =	vld [tilespmem:s23+$0xFFFFFF60];
	[tilespmem:s18+$0x100] =	vst v18;
	v18 =	vshll.u32 v29, $0x10;
	v21 =	vshll.u32 v28, $0x10  }
0x1d6: {  	v20 =	vpop (erf);
	v59 =	vld [tilespmem:s24+$0xFFFFFFD0];
	v16 =	vmul.f32 v18, v5;
	v18 =	vperm.xlane v12, v1  }
0x1d7: {  	v23 =	vshll.u32 v27, $0x10;
	v17 =	vperm.xlane v15, v2;
	[tilespmem:s19+$0xFFFFFFF0] =	vst v20;
	v33 =	vperm.xlane v20, v1  }
0x1d8: {  	[tilespmem:s18+$0x20] =	vst v26;
	v14 =	vperm.xlane v20, v2;
	v61 =	vld [tilespmem:s23+$0xFFFFFFB0];
	v27 =	vand.u32 $0xFFFF0000, v28;
	v28 =	vmul.f32 v21, v18;
	v21 =	vpop (erf)  }
0x1d9: {  	v24 =	vand.u32 $0xFFFF0000, v29;
	v26 =	vperm.xlane v20, v3;
	v29 =	vmul.f32 v27, v18;
	[tilespmem:s19+$0x80] =	vst v21  }
0x1da: {  	v31 =	vshll.u32 v25, $0x10;
	v27 =	vperm.xlane v15, v3;
	v62 =	vshll.u32 v60, $0x10;
	[tilespmem:s19+$0x90] =	vst v28;
	v35 =	vld [tilespmem:s23+$0x0]  }
0x1db: {  	v63 =	vand.u32 $0xFFFF0000, v60;
	v32 =	vand.u32 $0xFFFF0000, v59;
	v30 =	vperm.xlane v21, v1;
	[tilespmem:s19+$0xA0] =	vst v29  }
0x1dc: {  	[tilespmem:s18+$0x30] =	vst v55;
	v18 =	vperm.xlane v21, v2;
	v28 =	vand.u32 $0xFFFF0000, v25;
	v25 =	vperm.xlane v21, v3;
	v36 =	vld [tilespmem:s23+$0x60]  }
0x1dd: {  	v34 =	vld [tilespmem:s24+$0x20];
	[tilespmem:s26+$0xFFFFFF40] =	vst v56;
	v29 =	vshll.u32 v59, $0x10;
	v38 =	vmul.f32 v62, v58;
	v43 =	vshll.u32 v61, $0x10  }
0x1de: {  	s30 =	simm.s32 $0x17ED0;
	s4 =	simm.s32 $0x8;
	[tilespmem:s26+$0xFFFFFF50] =	vst v57;
	v40 =	vand.u32 $0xFFFF0000, v61;
	v39 =	vmul.f32 v63, v58;
	v37 =	vmul.f32 v43, v33  }
.LBB2_8:
0x1df: {  	v41 =	vld [tilespmem:s30+$0x90];
	[tilespmem:s19+$0xFFFFFEE0] =	vst v38;
	v33 =	vmul.f32 v40, v33;
	v38 =	vshll.u32 v35, $0x10;
	v35 =	vand.u32 $0xFFFF0000, v35;
	s13 =	sadd.s32 $0x40, s13  }
0x1e0: {  	v40 =	vld [tilespmem:s13+$0x10];
	[tilespmem:s19+$0xFFFFFEF0] =	vst v39;
	v38 =	vmul.f32 v38, v30;
	v39 =	vperm.xlane v12, v2  }
0x1e1: {  	v31 =	vmul.f32 v31, v10;
	v30 =	vmul.f32 v35, v30;
	v42 =	vld [tilespmem:s30+$0xFFFFFFF0];
	[tilespmem:s19+$0xFFFFFF70] =	vst v37;
	v35 =	vshll.u32 v36, $0x10  }
0x1e2: {  	s4 =	sadd.s32 $0x4, s4;
	v37 =	vld [tilespmem:s30+$0x40];
	[tilespmem:s19+$0xFFFFFF80] =	vst v33;
	v33 =	vand.u32 $0xFFFF0000, v36;
	v35 =	vmul.f32 v35, v39;
	v36 =	vshll.u32 v34, $0x10  }
0x1e3: {  	v28 =	vmul.f32 v28, v10;
	v10 =	vmovc v27;
	p2 =	slt.u32 s4, $0x4C;
	v34 =	vand.u32 $0xFFFF0000, v34;
	v43 =	vld [tilespmem:s30+$0xFFFFFFA0];
	[tilespmem:s19+$0x0] =	vst v38;
	v33 =	vmul.f32 v33, v39  }
0x1e4: {  	v29 =	vmul.f32 v29, v9;
	v32 =	vmul.f32 v32, v9;
	v9 =	vmovc v26;
	v27 =	vld [tilespmem:s13+$0xFFFFFFE0];
	v38 =	vshll.u32 v41, $0x10;
	[tilespmem:s19+$0xB0] =	vst v35  }
0x1e5: {  	v34 =	vmul.f32 v34, v11;
	v26 =	vld [tilespmem:s13+$0xFFFFFFF0];
	v35 =	vadd.f32 v38, v40;
	[tilespmem:s19+$0xC0] =	vst v33;
	v33 =	vmul.f32 v36, v11  }
0x1e6: {  	v15 =	vperm.xlane v15, v4;
	v20 =	vperm.xlane v20, v4;
	v11 =	vmovc v25;
	v36 =	vshll.u32 v42, $0x10;
	[tilespmem:s19+$0x10] =	vst v30;
	v30 =	vld [tilespmem:s23+$0x70]  }
0x1e7: {  	v21 =	vperm.xlane v21, v4;
	v25 =	vshll.u32 v37, $0x10;
	v37 =	vld [tilespmem:s13+$0x0];
	v38 =	vmul.f32 $2.000000030e-01, v35;
	[tilespmem:s18+$0xFFFFFF20] =	vst v31  }
0x1e8: {  	v13 =	vmul.f32 v23, v13;
	v23 =	vmul.f32 v24, v5;
	v5 =	vmovc v6;
	v31 =	vshll.u32 v43, $0x10;
	v39 =	vld [tilespmem:s23+$0xFFFFFF70];
	[tilespmem:s18+$0xFFFFFF30] =	vst v28  }
0x1e9: {  	v6 =	vmov v21;
	v24 =	vadd.f32 v31, v27;
	v27 =	vmax.f32 v35, v38;
	v28 =	vld [tilespmem:s23+$0xFFFFFFC0];
	[tilespmem:s18+$0xFFFFFFB0] =	vst v29  }
0x1ea: {  	v29 =	vperm.xlane v12, v3;
	v21 =	vadd.f32 v36, v26;
	v26 =	vmul.f32 $1.442695020e+00, v27;
	v27 =	vld [tilespmem:s23+$0x10];
	[tilespmem:s18+$0xFFFFFFC0] =	vst v32  }
0x1eb: {  	v31 =	vmul.f32 $2.000000030e-01, v24;
	v32 =	vshll.u32 v30, $0x10;
	v35 =	vld [tilespmem:s24+$0xFFFFFF90];
	[tilespmem:s18+$0x40] =	vst v33  }
0x1ec: {  	(erf) = vpow2.f32 v26;
	v26 =	vand.u32 $0xFFFF0000, v30;
	v30 =	vmul.f32 v32, v29;
	v32 =	vld [tilespmem:s24+$0xFFFFFFE0];
	[tilespmem:s18+$0x50] =	vst v34  }
0x1ed: {  	v33 =	vmul.f32 $2.000000030e-01, v21;
	v25 =	vadd.f32 v25, v37;
	v26 =	vmul.f32 v26, v29;
	v29 =	vld [tilespmem:s24+$0x30];
	[tilespmem:s26+$0xFFFFFFD0] =	vst v22;
	s24 =	smov.u32 s23;
	s23 =	smov.u32 s30  }
0x1ee: {  	v22 =	vmax.f32 v24, v31;
	v24 =	vshll.u32 v39, $0x10;
	v31 =	vand.u32 $0xFFFF0000, v39;
	[tilespmem:s19+$0xD0] =	vst v30  }
0x1ef: {  	v22 =	vmul.f32 $1.442695020e+00, v22;
	v21 =	vmax.f32 v21, v33;
	v30 =	vmul.f32 $2.000000030e-01, v25;
	[tilespmem:s19+$0xE0] =	vst v26  }
0x1f0: {  	v21 =	vmul.f32 $1.442695020e+00, v21;
	v26 =	vshll.u32 v28, $0x10;
	v28 =	vand.u32 $0xFFFF0000, v28;
	v33 =	vld [tilespmem:s24+$0x80];
	[tilespmem:s26+$0xFFFFFFE0] =	vst v19  }
0x1f1: {  	v19 =	vmax.f32 v25, v30;
	(erf) = vpow2.f32 v22;
	v22 =	vshll.u32 v27, $0x10;
	[tilespmem:s26+$0x60] =	vst v16  }
0x1f2: {  	v16 =	vmul.f32 $1.442695020e+00, v19;
	v19 =	vand.u32 $0xFFFF0000, v27;
	(erf) = vpow2.f32 v21;
	[tilespmem:s26+$0x70] =	vst v23;
	s26 =	smov.u32 s18;
	s18 =	smov.u32 s19  }
0x1f3: {  	v21 =	vmul.f32 v24, v17;
	v17 =	vmul.f32 v31, v17;
	v24 =	vshll.u32 v35, $0x10;
	[tilespmem:s26+$0xF0] =	vst v13  }
0x1f4: {  	v13 =	vperm.xlane v12, v4;
	(erf) = vpow2.f32 v16;
	v16 =	vand.u32 $0xFFFF0000, v35  }
0x1f5: {  	s19 =	sadd.s32 $0x240, s19;
	v12 =	vpop (erf);
	[tilespmem:s18+$0xFFFFFF00] =	vst v21;
	v21 =	vmul.f32 v26, v14;
	v14 =	vmul.f32 v28, v14;
	v23 =	vand.u32 $0xFFFF0000, v33  }
0x1f6: {  	v25 =	vmul.f32 v22, v18;
	v26 =	vshll.u32 v32, $0x10;
	[tilespmem:s19+$0x110] =	vst v12;
	v22 =	vmul.f32 v23, v13  }
0x1f7: {  	v34 =	vmul.f32 v19, v18;
	v18 =	vshll.u32 v29, $0x10;
	v27 =	vld [tilespmem:s30+$0x50];
	[tilespmem:s18+$0xFFFFFF10] =	vst v17;
	v17 =	vand.u32 $0xFFFF0000, v32  }
0x1f8: {  	v37 =	vmul.f32 v24, v8;
	v24 =	vand.u32 $0xFFFF0000, v29;
	v23 =	vshll.u32 v33, $0x10;
	v28 =	vld [tilespmem:s24+$0xFFFFFF80];
	[tilespmem:s18+$0x100] =	vst v22  }
0x1f9: {  	v41 =	vmul.f32 v16, v8;
	v8 =	vmov v15;
	v22 =	vmul.f32 v26, v7;
	[tilespmem:s18+$0xFFFFFF90] =	vst v21  }
0x1fa: {  	v16 =	vmul.f32 v18, v5;
	v19 =	vmul.f32 v17, v7;
	v7 =	vmov v20;
	v15 =	vpop (erf);
	[tilespmem:s18+$0xFFFFFFA0] =	vst v14  }
0x1fb: {  	v18 =	vperm.xlane v12, v1;
	[tilespmem:s19+$0xFFFFFF60] =	vst v15;
	v39 =	vperm.xlane v15, v1;
	v20 =	vpop (erf);
	v32 =	vld [tilespmem:s24+$0xFFFFFFD0]  }
0x1fc: {  	v17 =	vperm.xlane v15, v2;
	v36 =	vld [tilespmem:s30+$0xFFFFFF60];
	[tilespmem:s19+$0xFFFFFFF0] =	vst v20;
	v33 =	vperm.xlane v20, v1;
	v30 =	vshll.u32 v27, $0x10  }
0x1fd: {  	v14 =	vperm.xlane v20, v2;
	v26 =	vand.u32 $0xFFFF0000, v27;
	v40 =	vld [tilespmem:s30+$0xFFFFFFB0];
	v29 =	vmul.f32 v30, v18;
	v21 =	vpop (erf);
	[tilespmem:s18+$0x20] =	vst v25  }
0x1fe: {  	v38 =	vmul.f32 v26, v18;
	v31 =	vshll.u32 v28, $0x10;
	[tilespmem:s19+$0x80] =	vst v21;
	v30 =	vperm.xlane v21, v1  }
.Ltmp5:
0x1ff: {  	v27 =	vperm.xlane v15, v3;
	v28 =	vand.u32 $0xFFFF0000, v28;
	v18 =	vperm.xlane v21, v2;
	v35 =	vld [tilespmem:s30+$0x0];
	[tilespmem:s19+$0x90] =	vst v29;
	(pc) =	sbr.rel @p2 .LBB2_8-.Ltmp5, $4  }
0x200: {  	v26 =	vperm.xlane v20, v3;
	v25 =	vperm.xlane v21, v3;
	[tilespmem:s19+$0xA0] =	vst v38;
	v29 =	vshll.u32 v32, $0x10  }
0x201: {  	v32 =	vand.u32 $0xFFFF0000, v32;
	v38 =	vshll.u32 v36, $0x10;
	v42 =	vand.u32 $0xFFFF0000, v36;
	v36 =	vld [tilespmem:s30+$0x60];
	[tilespmem:s18+$0x30] =	vst v34  }
0x202: {  	v38 =	vmul.f32 v38, v39;
	v43 =	vshll.u32 v40, $0x10;
	v40 =	vand.u32 $0xFFFF0000, v40;
	v34 =	vld [tilespmem:s24+$0x20];
	[tilespmem:s26+$0xFFFFFF40] =	vst v37  }
0x203: {  	s30 =	sadd.s32 $0x140, s30;
	v39 =	vmul.f32 v42, v39;
	v37 =	vmul.f32 v43, v33;
	[tilespmem:s26+$0xFFFFFF50] =	vst v41  }
0x204: {  	[tilespmem:s19+$0xFFFFFEE0] =	vst v38  }
0x205: {  	[tilespmem:s26+$0xFFFFFFD0] =	vst v22  }
0x206: {  	[tilespmem:s26+$0xFFFFFFE0] =	vst v19  }
0x207: {  	[tilespmem:s26+$0x60] =	vst v16  }
0x208: {  	v33 =	vmul.f32 v40, v33;
	v50 =	vperm.xlane v12, v2;
	[tilespmem:s19+$0xFFFFFEF0] =	vst v39  }
0x209: {  	v31 =	vmul.f32 v31, v10;
	[tilespmem:s19+$0xFFFFFF70] =	vst v37;
	v51 =	vshll.u32 v36, $0x10  }
0x20a: {  	[tilespmem:s19+$0xFFFFFF80] =	vst v33;
	v52 =	vand.u32 $0xFFFF0000, v36;
	v53 =	vmul.f32 v51, v50  }
0x20b: {  	[tilespmem:s18+$0xFFFFFF20] =	vst v31;
	v33 =	vmul.f32 v52, v50  }
0x20c: {  	v49 =	vshll.u32 v35, $0x10;
	v54 =	vand.u32 $0xFFFF0000, v35;
	v56 =	vmul.f32 v28, v10;
	[tilespmem:s19+$0xB0] =	vst v53  }
0x20d: {  	v29 =	vmul.f32 v29, v9;
	v38 =	vmul.f32 v49, v30;
	v58 =	vshll.u32 v34, $0x10;
	[tilespmem:s19+$0xC0] =	vst v33  }
0x20e: {  	v55 =	vmul.f32 v54, v30;
	[tilespmem:s18+$0xFFFFFF30] =	vst v56;
	v30 =	vmul.f32 v58, v11;
	v57 =	vld [tilespmem:s23+$0x70]  }
0x20f: {  	v59 =	vmul.f32 v32, v9;
	[tilespmem:s18+$0xFFFFFFB0] =	vst v29  }
0x210: {  	v5 =	vmul.f32 v24, v5;
	[tilespmem:s18+$0x40] =	vst v30;
	v30 =	vld [tilespmem:s23+$0xFFFFFFC0]  }
0x211: {  	[tilespmem:s18+$0xFFFFFFC0] =	vst v59  }
0x212: {  	v61 =	vperm.xlane v12, v3;
	v62 =	vld [tilespmem:s23+$0xFFFFFF70];
	[tilespmem:s26+$0x70] =	vst v5;
	v60 =	vand.u32 $0xFFFF0000, v34  }
0x213: {  	[tilespmem:s19+$0x0] =	vst v38;
	v10 =	vmul.f32 v60, v11;
	v63 =	vshll.u32 v57, $0x10  }
0x214: {  	[tilespmem:s19+$0x10] =	vst v55;
	v28 =	vand.u32 $0xFFFF0000, v57;
	v29 =	vmul.f32 v63, v61  }
0x215: {  	v31 =	vld [tilespmem:s23+$0x10];
	[tilespmem:s18+$0x50] =	vst v10;
	v33 =	vshll.u32 v30, $0x10;
	v11 =	vmul.f32 v28, v61  }
0x216: {  	v10 =	vand.u32 $0xFFFF0000, v30;
	v36 =	vmul.f32 v33, v14;
	[tilespmem:s19+$0xD0] =	vst v29  }
0x217: {  	v35 =	vld [tilespmem:s24+$0xFFFFFF90];
	v9 =	vand.u32 $0xFFFF0000, v62;
	v10 =	vmul.f32 v10, v14;
	[tilespmem:s19+$0xE0] =	vst v11  }
0x218: {  	v32 =	vshll.u32 v62, $0x10;
	v5 =	vmul.f32 v9, v17;
	[tilespmem:s19+$0xFFFFFF90] =	vst v36  }
0x219: {  	v11 =	vmul.f32 v32, v17;
	[tilespmem:s19+$0xFFFFFFA0] =	vst v10;
	v34 =	vld [tilespmem:s23+$0x80]  }
0x21a: {  	v41 =	vmul.f32 v23, v13;
	[tilespmem:s19+$0xFFFFFF10] =	vst v5;
	v5 =	vand.u32 $0xFFFF0000, v31;
	v43 =	vld [tilespmem:s23+$0xFFFFFFD0]  }
0x21b: {  	v37 =	vshll.u32 v31, $0x10;
	v5 =	vmul.f32 v5, v18;
	[tilespmem:s19+$0xFFFFFF00] =	vst v11  }
0x21c: {  	[tilespmem:s18+$0xF0] =	vst v41;
	v44 =	vshll.u32 v35, $0x10;
	v38 =	vmul.f32 v37, v18;
	v39 =	vld [tilespmem:s23+$0xFFFFFF80]  }
0x21d: {  	v40 =	vperm.xlane v12, v4;
	v45 =	vmul.f32 v44, v8;
	[tilespmem:s19+$0x30] =	vst v5;
	v5 =	vand.u32 $0xFFFF0000, v35  }
0x21e: {  	v48 =	vld [tilespmem:s24+$0xFFFFFFE0];
	[tilespmem:s19+$0x20] =	vst v38;
	v5 =	vmul.f32 v5, v8;
	v42 =	vand.u32 $0xFFFF0000, v34  }
0x21f: {  	[tilespmem:s18+$0xFFFFFF40] =	vst v45;
	v46 =	vld [tilespmem:s23+$0x20];
	v50 =	vshll.u32 v43, $0x10;
	v12 =	vmul.f32 v42, v40  }
0x220: {  	[tilespmem:s18+$0xFFFFFF50] =	vst v5;
	v13 =	vand.u32 $0xFFFF0000, v43;
	v9 =	vmul.f32 v50, v26  }
0x221: {  	v13 =	vmul.f32 v13, v26;
	v47 =	vshll.u32 v39, $0x10;
	[tilespmem:s19+$0x100] =	vst v12  }
0x222: {  	v49 =	vand.u32 $0xFFFF0000, v39;
	v8 =	vmul.f32 v47, v27;
	[tilespmem:s19+$0xFFFFFFB0] =	vst v9  }
0x223: {  	v51 =	vld [tilespmem:s24+$0x30];
	v53 =	vshll.u32 v48, $0x10;
	v5 =	vmul.f32 v49, v27;
	[tilespmem:s19+$0xFFFFFFC0] =	vst v13;
	v12 =	vand.u32 $0xFFFF0000, v48  }
0x224: {  	v52 =	vshll.u32 v46, $0x10;
	v9 =	vmul.f32 v53, v7;
	v7 =	vmul.f32 v12, v7;
	[tilespmem:s19+$0xFFFFFF20] =	vst v8  }
0x225: {  	v56 =	vld [tilespmem:s23+$0xFFFFFFE0];
	[tilespmem:s19+$0xFFFFFF30] =	vst v5;
	v5 =	vand.u32 $0xFFFF0000, v46;
	v8 =	vmul.f32 v52, v25  }
0x226: {  	v5 =	vmul.f32 v5, v25;
	[tilespmem:s18+$0xFFFFFFE0] =	vst v7  }
0x227: {  	v60 =	vperm.xlane v20, v4;
	v58 =	vshll.u32 v34, $0x10;
	v54 =	vld [tilespmem:s23+$0xFFFFFF90];
	[tilespmem:s19+$0x40] =	vst v8  }
0x228: {  	v55 =	vshll.u32 v51, $0x10;
	v7 =	vmul.f32 v58, v40;
	[tilespmem:s19+$0x50] =	vst v5;
	v5 =	vand.u32 $0xFFFF0000, v51  }
0x229: {  	[tilespmem:s18+$0xFFFFFFD0] =	vst v9;
	v8 =	vmul.f32 v55, v6;
	v5 =	vmul.f32 v5, v6;
	v6 =	vld [tilespmem:s23+$0x30]  }
0x22a: {  	[tilespmem:s19+$0xF0] =	vst v7;
	v7 =	vshll.u32 v56, $0x10  }
0x22b: {  	v57 =	vperm.xlane v15, v4;
	[tilespmem:s18+$0x60] =	vst v8;
	v62 =	vand.u32 $0xFFFF0000, v56;
	v7 =	vmul.f32 v7, v60  }
0x22c: {  	v10 =	vmul.f32 v62, v60;
	[tilespmem:s18+$0x70] =	vst v5;
	v5 =	vand.u32 $0xFFFF0000, v54  }
0x22d: {  	v61 =	vperm.xlane v21, v4;
	v59 =	vshll.u32 v54, $0x10;
	v5 =	vmul.f32 v5, v57;
	[tilespmem:s19+$0xFFFFFFD0] =	vst v7  }
0x22e: {  	v8 =	vmul.f32 v59, v57;
	[tilespmem:s19+$0xFFFFFFE0] =	vst v10;
	v63 =	vshll.u32 v6, $0x10  }
.Ltmp6:
0x22f: {  	[tilespmem:s19+$0xFFFFFF50] =	vst v5;
	v5 =	vand.u32 $0xFFFF0000, v6;
	v6 =	vmul.f32 v63, v61;
	(pc) =	sbr.rel @p1 .LBB2_10-.Ltmp6, $4  }
0x230: {  	[tilespmem:s19+$0xFFFFFF40] =	vst v8;
	v5 =	vmul.f32 v5, v61  }
0x231: {  	[tilespmem:s19+$0x60] =	vst v6  }
0x232: {  	[tilespmem:s19+$0x70] =	vst v5  }
0x233: {  	[spmem:s1] =	stream.indirect.scatter.add.f32 [tilespmem:s16], [sflag:$0x6], $0x90, s15, s0, $0xb8;
	[tilespmem:$0x1F770] =	vst v63  }
0x234: {  	s4 =	smul.u32 $0xA0, s20;
	_ =	sdelay $0x1  }
0x235: {  	s4 =	sadd.s32 s4, s22  }
.Ltmp7:
0x236: {  	s4 =	sshrl.u32 s4, $0x3;
	(pc) =	sbr.rel .LBB2_5-.Ltmp7, $4  }
0x237: {  	s13 =	sadd.s32 s8, s4  }
0x238: {  	[tilespmem:s25], [sflag:$0x8] =	stream.linear.gather [hbm4b:s13+s2], $0x50, $0x38;
	[tilespmem:$0x1F770] =	vst v63  }
0x239: {  	s20 =	sadd.s32 $0x1, s20;
	s4 =	sadd.s32 s9, s4  }
0x23a: {  	[tilespmem:s12], [sflag:$0xA] =	stream.linear.gather [hbm4b:s4+s2], $0x50, $0x38;
	[tilespmem:$0x1F770] =	vst v63  }
.LBB2_12:
0x23b: {  	s4 =	rddreg [dreg:$0xe];
	s13 =	simm.s32 $0x15F90  }
0x23c: {  	[tilespmem:s13], [sflag:$0xB] =	stream.linear.gather [hbm4b:s4+s20], $0x50, $0x38;
	[tilespmem:$0x1F770] =	vst v63  }
0x23d: {  	_ =	swait.ge [sflag:s29], $0x50  }
0x23e: {  	[sflag:s29] =	ssyncset.done $0x0  }
0x23f: {  	s18 =	simm.s32 $0x16030;
	s19 =	rddreg [dreg:$0xf];
	[sflag:s29] =	ssyncadd.s32 $0xFFFFFFB0  }
0x240: {  	[tilespmem:s18], [sflag:$0xB] =	stream.linear.gather [hbm4b:s19+s20], $0x50, $0x38;
	[tilespmem:$0x1F770] =	vst v63  }
0x241: {  	_ =	swait.ge [sflag:s29], $0x50  }
0x242: {  	[sflag:s29] =	ssyncset.done $0x0  }
0x243: {  	s23 =	simm.s32 $0x16170;
	[sflag:s29] =	ssyncadd.s32 $0xFFFFFFB0  }
0x244: {  	[tilespmem:s23], [sflag:$0x1] =	stream.indirect.gather [hbm4b:s5+s0], $0x50, s13, s0, $0xb8;
	[tilespmem:$0x1F770] =	vst v63  }
0x245: {  	s24 =	simm.s32 $0x19370  }
0x246: {  	[tilespmem:s24], [sflag:$0x3] =	stream.indirect.gather [hbm4b:s7+s0], $0x10, s18, s0, $0xb8;
	[tilespmem:$0x1F770] =	vst v63  }
0x247: {  	s26 =	rddreg [dreg:$0x12]  }
0x248: {  	[tilespmem:s25], [sflag:$0xB] =	stream.linear.gather [hbm4b:s26+s20], $0x50, $0x38;
	[tilespmem:$0x1F770] =	vst v63  }
0x249: {  	_ =	swait.ge [sflag:s29], $0x50  }
0x24a: {  	[sflag:s29] =	ssyncset.done $0x0  }
0x24b: {  	s30 =	rddreg [dreg:$0x13];
	[sflag:s29] =	ssyncadd.s32 $0xFFFFFFB0  }
0x24c: {  	[tilespmem:s12], [sflag:$0xB] =	stream.linear.gather [hbm4b:s30+s20], $0x50, $0x38;
	[tilespmem:$0x1F770] =	vst v63  }
0x24d: {  	_ =	swait.ge [sflag:s29], $0x50  }
0x24e: {  	[sflag:s29] =	ssyncset.done $0x0  }
0x24f: {  	[sflag:s29] =	ssyncadd.s32 $0xFFFFFFB0  }
.LBB2_13:
0x250: {  	p1 =	seq.s32 s20, $0x0  }
0x251: {  	s4 =	simm.s32 @p1 $0x1  }
0x252: {  	_ =	swait.ge @p1 [sflag:s4], $0x1900  }
0x253: {  	[sflag:s4] =	ssyncset.done @p1 $0x0  }
0x254: {  	[sflag:s4] =	ssyncadd.s32 @p1 $0xFFFFE700;
	s4 =	simm.s32 @p1 $0x3  }
0x255: {  	_ =	swait.ge @p1 [sflag:s4], $0x500  }
0x256: {  	[sflag:s4] =	ssyncset.done @p1 $0x0  }
0x257: {  	[sflag:s4] =	ssyncadd.s32 @p1 $0xFFFFFB00;
	s4 =	simm.s32 @!p1 $0x5  }
0x258: {  	_ =	swait.ge @!p1 [sflag:s4], $0x2D00  }
0x259: {  	[sflag:s4] =	ssyncset.done @!p1 $0x0  }
0x25a: {  	[sflag:s4] =	ssyncadd.s32 @!p1 $0xFFFFD300;
	s4 =	simm.s32 @!p1 $0x1  }
0x25b: {  	_ =	swait.ge @!p1 [sflag:s4], $0x1900  }
0x25c: {  	[sflag:s4] =	ssyncset.done @!p1 $0x0  }
0x25d: {  	[sflag:s4] =	ssyncadd.s32 @!p1 $0xFFFFE700;
	s4 =	simm.s32 @!p1 $0x3  }
0x25e: {  	_ =	swait.ge @!p1 [sflag:s4], $0x500  }
0x25f: {  	[sflag:s4] =	ssyncset.done @!p1 $0x0  }
0x260: {  	[sflag:s4] =	ssyncadd.s32 @!p1 $0xFFFFFB00;
	s4 =	simm.s32 @!p1 $0x8  }
0x261: {  	_ =	swait.ge @!p1 [sflag:s4], $0x50  }
0x262: {  	[sflag:s4] =	ssyncset.done @!p1 $0x0  }
0x263: {  	[sflag:s4] =	ssyncadd.s32 @!p1 $0xFFFFFFB0;
	s4 =	simm.s32 @!p1 $0xA  }
0x264: {  	_ =	swait.ge @!p1 [sflag:s4], $0x50  }
0x265: {  	[sflag:s4] =	ssyncset.done @!p1 $0x0  }
0x266: {  	s26 =	simm.s32 $0x17A70;
	[sflag:s4] =	ssyncadd.s32 @!p1 $0xFFFFFFB0  }
0x267: {  	[tilespmem:s26], [sflag:$0x2] =	stream.indirect.gather [hbm4b:s5+s0], $0x50, s25, s0, $0xb8;
	[tilespmem:$0x1F770] =	vst v63  }
0x268: {  	s13 =	simm.s32 $0x19870  }
0x269: {  	[tilespmem:s13], [sflag:$0x4] =	stream.indirect.gather [hbm4b:s7+s0], $0x10, s12, s0, $0xb8;
	[tilespmem:$0x1F770] =	vst v63  }
0x26a: {  	v5 =	vld [tilespmem:$0x16030]  }
0x26b: {  	v6 =	vld [tilespmem:$0x16040]  }
0x26c: {  	v7 =	vld [tilespmem:$0x16050]  }
0x26d: {  	v8 =	vld [tilespmem:$0x16060]  }
0x26e: {  	v9 =	vld [tilespmem:$0x16070]  }
0x26f: {  	[tilespmem:$0x160D0] =	vst v5  }
0x270: {  	[tilespmem:$0x160E0] =	vst v6  }
0x271: {  	[tilespmem:$0x160F0] =	vst v7  }
0x272: {  	[tilespmem:$0x16100] =	vst v8  }
0x273: {  	s19 =	simm.s32 $0x16210;
	[tilespmem:$0x16110] =	vst v9  }
0x274: {  	s18 =	simm.s32 $0x19390;
	v5 =	vld [tilespmem:s19+$0x90]  }
0x275: {  	v6 =	vld [tilespmem:s18+$0x10];
	_ =	sdelay $0x3  }
0x276: {  	v5 =	vshll.u32 v5, $0x10  }
0x277: {  	v5 =	vadd.f32 v5, v6;
	_ =	sdelay $0x1  }
0x278: {  	v6 =	vmul.f32 $2.000000030e-01, v5;
	_ =	sdelay $0x1  }
0x279: {  	v5 =	vmax.f32 v5, v6  }
0x27a: {  	v7 =	vld [tilespmem:s19+$0x40];
	v5 =	vmul.f32 $1.442695020e+00, v5  }
0x27b: {  	v8 =	vld [tilespmem:s19+$0xFFFFFFA0]  }
0x27c: {  	v6 =	vld [tilespmem:s19+$0xFFFFFFF0];
	(erf) = vpow2.f32 v5  }
0x27d: {  	v5 =	vld [tilespmem:s18+$0xFFFFFFE0]  }
0x27e: {  	v9 =	vld [tilespmem:s18+$0xFFFFFFF0]  }
0x27f: {  	v10 =	vld [tilespmem:s18+$0x0];
	_ =	sdelay $0x1  }
0x280: {  	v8 =	vshll.u32 v8, $0x10  }
0x281: {  	v6 =	vshll.u32 v6, $0x10;
	v5 =	vadd.f32 v8, v5  }
0x282: {  	v7 =	vshll.u32 v7, $0x10;
	v8 =	vadd.f32 v6, v9  }
0x283: {  	v7 =	vadd.f32 v7, v10;
	v9 =	vmul.f32 $2.000000030e-01, v5  }
0x284: {  	s26 =	simm.s32 $0x19E90;
	v10 =	vmul.f32 $2.000000030e-01, v8;
	v6 =	vpop (erf)  }
0x285: {  	v5 =	vmax.f32 v5, v9;
	v9 =	vmul.f32 $2.000000030e-01, v7;
	[tilespmem:s26+$0x110] =	vst v6  }
0x286: {  	v8 =	vmax.f32 v8, v10;
	v5 =	vmul.f32 $1.442695020e+00, v5;
	v10 =	vld [tilespmem:s19+$0x50]  }
0x287: {  	v8 =	vmul.f32 $1.442695020e+00, v8;
	v7 =	vmax.f32 v7, v9  }
0x288: {  	(erf) = vpow2.f32 v5;
	v5 =	vmul.f32 $1.442695020e+00, v7  }
0x289: {  	(erf) = vpow2.f32 v8  }
0x28a: {  	(erf) = vpow2.f32 v5;
	v5 =	vperm.xlane v6, v1  }
0x28b: {  	s24 =	simm.s32 $0x16350;
	v7 =	vshll.u32 v10, $0x10  }
0x28c: {  	v18 =	vld [tilespmem:s24+$0xFFFFFFF0];
	v8 =	vand.u32 $0xFFFF0000, v10;
	v7 =	vmul.f32 v7, v5  }
0x28d: {  	s23 =	simm.s32 $0x193D0;
	v21 =	vld [tilespmem:s24+$0xFFFFFFA0];
	v5 =	vmul.f32 v8, v5  }
0x28e: {  	v10 =	vld [tilespmem:s23+$0x10];
	[tilespmem:s26+$0x90] =	vst v7  }
0x28f: {  	v8 =	vld [tilespmem:s24+$0x90];
	[tilespmem:s26+$0xA0] =	vst v5  }
0x290: {  	v5 =	vld [tilespmem:s19+$0x60]  }
0x291: {  	v7 =	vpop (erf)  }
0x292: {  	v22 =	vld [tilespmem:s23+$0xFFFFFFE0];
	[tilespmem:s26+$0xFFFFFF60] =	vst v7  }
0x293: {  	v21 =	vshll.u32 v21, $0x10;
	v18 =	vshll.u32 v18, $0x10;
	v9 =	vpop (erf);
	v11 =	vld [tilespmem:s19+$0xFFFFFF60]  }
0x294: {  	v17 =	vperm.xlane v6, v2;
	v14 =	vperm.xlane v7, v1;
	v8 =	vshll.u32 v8, $0x10;
	[tilespmem:s26+$0xFFFFFFF0] =	vst v9;
	v13 =	vpop (erf)  }
0x295: {  	v16 =	vperm.xlane v7, v2;
	v8 =	vadd.f32 v8, v10;
	v12 =	vld [tilespmem:s19+$0xFFFFFFB0];
	[tilespmem:s26+$0x80] =	vst v13;
	v20 =	vshll.u32 v5, $0x10  }
0x296: {  	v19 =	vperm.xlane v9, v1;
	v15 =	vld [tilespmem:s19+$0x0];
	v5 =	vand.u32 $0xFFFF0000, v5;
	v20 =	vmul.f32 v20, v17  }
0x297: {  	v21 =	vadd.f32 v21, v22;
	v24 =	vmul.f32 $2.000000030e-01, v8;
	v5 =	vmul.f32 v5, v17;
	v17 =	vld [tilespmem:s23+$0xFFFFFFF0]  }
0x298: {  	v10 =	vperm.xlane v13, v1;
	v23 =	vshll.u32 v11, $0x10;
	v11 =	vand.u32 $0xFFFF0000, v11;
	[tilespmem:s26+$0xB0] =	vst v20  }
0x299: {  	[tilespmem:s26+$0xC0] =	vst v5;
	v5 =	vmax.f32 v8, v24;
	v23 =	vmul.f32 v23, v14;
	v11 =	vmul.f32 v11, v14;
	v14 =	vld [tilespmem:s24+$0x40]  }
0x29a: {  	v25 =	vshll.u32 v12, $0x10;
	v12 =	vand.u32 $0xFFFF0000, v12;
	v20 =	vld [tilespmem:s19+$0x70];
	v5 =	vmul.f32 $1.442695020e+00, v5  }
0x29b: {  	v8 =	vmul.f32 v25, v19;
	v12 =	vmul.f32 v12, v19;
	v19 =	vld [tilespmem:s23+$0x0];
	v22 =	vshll.u32 v15, $0x10  }
0x29c: {  	v17 =	vadd.f32 v18, v17;
	(erf) = vpow2.f32 v5;
	v18 =	vmul.f32 $2.000000030e-01, v21;
	[tilespmem:s26+$0xFFFFFEE0] =	vst v23  }
0x29d: {  	s23 =	simm.s32 $0x16490;
	v5 =	vand.u32 $0xFFFF0000, v15;
	v15 =	vmul.f32 v22, v10;
	[tilespmem:s26+$0xFFFFFEF0] =	vst v11;
	v11 =	vperm.xlane v6, v3  }
0x29e: {  	s13 =	simm.s32 $0x19410;
	v37 =	vld [tilespmem:s23+$0x90];
	v5 =	vmul.f32 v5, v10;
	[tilespmem:s26+$0xFFFFFF70] =	vst v8;
	v18 =	vmax.f32 v21, v18;
	v10 =	vshll.u32 v14, $0x10  }
0x29f: {  	v39 =	vld [tilespmem:s13+$0x10];
	[tilespmem:s26+$0xFFFFFF80] =	vst v12;
	v14 =	vmul.f32 $2.000000030e-01, v17;
	v22 =	vshll.u32 v20, $0x10;
	v18 =	vmul.f32 $1.442695020e+00, v18  }
0x2a0: {  	[tilespmem:s26+$0x0] =	vst v15;
	v15 =	vld [tilespmem:s19+$0xFFFFFFC0];
	v10 =	vadd.f32 v10, v19;
	v12 =	vmul.f32 v22, v11;
	v22 =	vperm.xlane v13, v3  }
0x2a1: {  	v8 =	vld [tilespmem:s19+$0xFFFFFF70];
	v14 =	vmax.f32 v17, v14;
	(erf) = vpow2.f32 v18;
	v18 =	vperm.xlane v13, v2  }
0x2a2: {  	v17 =	vand.u32 $0xFFFF0000, v20;
	v20 =	vperm.xlane v9, v3;
	v14 =	vmul.f32 $1.442695020e+00, v14  }
0x2a3: {  	[tilespmem:s26+$0x10] =	vst v5;
	v37 =	vshll.u32 v37, $0x10;
	v19 =	vmul.f32 $2.000000030e-01, v10;
	v5 =	vmul.f32 v17, v11  }
0x2a4: {  	v11 =	vperm.xlane v9, v2;
	v17 =	vperm.xlane v7, v3;
	v37 =	vadd.f32 v37, v39  }
0x2a5: {  	[tilespmem:s26+$0xD0] =	vst v12;
	v21 =	vshll.u32 v15, $0x10;
	(erf) = vpow2.f32 v14;
	v10 =	vmax.f32 v10, v19  }
0x2a6: {  	v19 =	vld [tilespmem:s19+$0x10];
	v14 =	vshll.u32 v8, $0x10;
	[tilespmem:s26+$0xE0] =	vst v5;
	v21 =	vmul.f32 v21, v11;
	v5 =	vmul.f32 $1.442695020e+00, v10  }
0x2a7: {  	s18 =	simm.s32 $0x1A0D0;
	v8 =	vand.u32 $0xFFFF0000, v8;
	v51 =	vmul.f32 $2.000000030e-01, v37;
	v12 =	vpop (erf);
	v10 =	vld [tilespmem:s19+$0x80];
	v14 =	vmul.f32 v14, v16  }
0x2a8: {  	v8 =	vmul.f32 v8, v16;
	[tilespmem:s18+$0x110] =	vst v12;
	(erf) = vpow2.f32 v5;
	v5 =	vand.u32 $0xFFFF0000, v15  }
0x2a9: {  	v16 =	vld [tilespmem:s24+$0x50];
	[tilespmem:s26+$0xFFFFFF00] =	vst v14;
	v15 =	vperm.xlane v7, v4;
	v7 =	vmul.f32 v5, v11  }
0x2aa: {  	[tilespmem:s26+$0xFFFFFF10] =	vst v8;
	v14 =	vperm.xlane v9, v4;
	v5 =	vperm.xlane v13, v4  }
0x2ab: {  	v13 =	vperm.xlane v6, v4;
	v8 =	vshll.u32 v19, $0x10;
	[tilespmem:s26+$0xFFFFFFA0] =	vst v7;
	v7 =	vperm.xlane v12, v1  }
0x2ac: {  	v42 =	vld [tilespmem:s23+$0xFFFFFFA0];
	[tilespmem:s26+$0xFFFFFF90] =	vst v21;
	v6 =	vpop (erf);
	v11 =	vand.u32 $0xFFFF0000, v10;
	v8 =	vmul.f32 v8, v18;
	v27 =	vshll.u32 v10, $0x10  }
0x2ad: {  	v9 =	vand.u32 $0xFFFF0000, v19;
	v19 =	vld [tilespmem:s19+$0xFFFFFF80];
	[tilespmem:s18+$0xFFFFFF60] =	vst v6;
	v24 =	vmul.f32 v11, v13;
	v13 =	vmul.f32 v27, v13  }
0x2ae: {  	v40 =	vperm.xlane v12, v2;
	v18 =	vmul.f32 v9, v18;
	v23 =	vshll.u32 v16, $0x10;
	[tilespmem:s26+$0x20] =	vst v8  }
0x2af: {  	v25 =	vld [tilespmem:s19+$0xFFFFFFD0];
	v26 =	vperm.xlane v6, v2;
	v11 =	vand.u32 $0xFFFF0000, v16;
	v21 =	vpop (erf);
	v16 =	vmul.f32 v23, v7;
	[tilespmem:s26+$0xF0] =	vst v13  }
0x2b0: {  	v10 =	vperm.xlane v6, v3;
	v23 =	vld [tilespmem:s24+$0xFFFFFF60];
	v7 =	vmul.f32 v11, v7;
	[tilespmem:s18+$0xFFFFFFF0] =	vst v21  }
0x2b1: {  	v53 =	vshll.u32 v42, $0x10;
	v8 =	vperm.xlane v6, v1;
	v13 =	vperm.xlane v12, v4;
	[tilespmem:s18+$0x90] =	vst v16  }
0x2b2: {  	v28 =	vperm.xlane v21, v1;
	v31 =	vshll.u32 v19, $0x10;
	v9 =	vperm.xlane v21, v3;
	v29 =	vld [tilespmem:s24+$0xFFFFFFB0];
	[tilespmem:s18+$0xA0] =	vst v7  }
0x2b3: {  	[tilespmem:s26+$0x30] =	vst v18;
	v19 =	vand.u32 $0xFFFF0000, v19;
	v16 =	vperm.xlane v21, v2;
	v31 =	vmul.f32 v31, v17;
	v32 =	vld [tilespmem:s24+$0x60]  }
0x2b4: {  	v36 =	vld [tilespmem:s19+$0x20];
	v17 =	vmul.f32 v19, v17;
	v30 =	vpop (erf);
	v18 =	vshll.u32 v25, $0x10;
	v25 =	vand.u32 $0xFFFF0000, v25  }
0x2b5: {  	v48 =	vld [tilespmem:s23+$0xFFFFFFF0];
	[tilespmem:s18+$0x80] =	vst v30;
	v7 =	vperm.xlane v30, v1;
	v34 =	vperm.xlane v30, v2;
	v35 =	vshll.u32 v23, $0x10  }
0x2b6: {  	v18 =	vmul.f32 v18, v20;
	v33 =	vld [tilespmem:s24+$0x0];
	v23 =	vand.u32 $0xFFFF0000, v23;
	v35 =	vmul.f32 v35, v8  }
0x2b7: {  	[tilespmem:s26+$0x100] =	vst v24;
	v20 =	vmul.f32 v25, v20;
	v8 =	vmul.f32 v23, v8;
	v38 =	vshll.u32 v29, $0x10  }
0x2b8: {  	v49 =	vld [tilespmem:s13+$0xFFFFFFE0];
	v23 =	vmul.f32 v38, v28;
	v41 =	vshll.u32 v32, $0x10;
	v32 =	vand.u32 $0xFFFF0000, v32;
	[tilespmem:s18+$0xFFFFFEE0] =	vst v35  }
0x2b9: {  	v19 =	vld [tilespmem:s13+$0xFFFFFFF0];
	v50 =	vshll.u32 v36, $0x10;
	v29 =	vand.u32 $0xFFFF0000, v29;
	[tilespmem:s18+$0xFFFFFEF0] =	vst v8;
	v32 =	vmul.f32 v32, v40  }
0x2ba: {  	v28 =	vmul.f32 v29, v28;
	v29 =	vld [tilespmem:s23+$0x40];
	v8 =	vand.u32 $0xFFFF0000, v36;
	v41 =	vmul.f32 v41, v40;
	[tilespmem:s18+$0xFFFFFF70] =	vst v23  }
0x2bb: {  	v52 =	vld [tilespmem:s13+$0x0];
	v24 =	vshll.u32 v33, $0x10;
	v23 =	vshll.u32 v48, $0x10;
	[tilespmem:s18+$0xC0] =	vst v32;
	v32 =	vmul.f32 v50, v22  }
0x2bc: {  	v54 =	vld [tilespmem:s24+$0xFFFFFF70];
	[tilespmem:s18+$0xB0] =	vst v41;
	v22 =	vmul.f32 v8, v22;
	v8 =	vperm.xlane v6, v4;
	v6 =	vmax.f32 v37, v51  }
0x2bd: {  	[tilespmem:s18+$0xFFFFFF80] =	vst v28;
	v28 =	vadd.f32 v53, v49;
	v24 =	vmul.f32 v24, v7;
	v25 =	vld [tilespmem:s24+$0x70];
	v6 =	vmul.f32 $1.442695020e+00, v6  }
0x2be: {  	v11 =	vperm.xlane v30, v3;
	[tilespmem:s26+$0xFFFFFF20] =	vst v31;
	v33 =	vand.u32 $0xFFFF0000, v33;
	v19 =	vadd.f32 v23, v19  }
0x2bf: {  	v23 =	vmul.f32 $2.000000030e-01, v28;
	[tilespmem:s18+$0x0] =	vst v24;
	v24 =	vshll.u32 v29, $0x10;
	(erf) = vpow2.f32 v6  }
0x2c0: {  	[tilespmem:s26+$0xFFFFFF30] =	vst v17;
	v7 =	vmul.f32 v33, v7;
	v29 =	vperm.xlane v12, v3;
	v24 =	vadd.f32 v24, v52  }
0x2c1: {  	[tilespmem:s26+$0xFFFFFFB0] =	vst v18;
	v31 =	vmul.f32 $2.000000030e-01, v19;
	v23 =	vmax.f32 v28, v23;
	v18 =	vshll.u32 v54, $0x10  }
0x2c2: {  	v17 =	vld [tilespmem:s24+$0xFFFFFFC0];
	[tilespmem:s18+$0x10] =	vst v7;
	v23 =	vmul.f32 $1.442695020e+00, v23;
	v28 =	vmul.f32 $2.000000030e-01, v24;
	v7 =	vshll.u32 v25, $0x10  }
0x2c3: {  	[tilespmem:s26+$0xFFFFFFC0] =	vst v20;
	v6 =	vand.u32 $0xFFFF0000, v25;
	v25 =	vmul.f32 v7, v29;
	v7 =	vperm.xlane v21, v4;
	v21 =	vld [tilespmem:s24+$0x10]  }
0x2c4: {  	[tilespmem:s26+$0x40] =	vst v32;
	v19 =	vmax.f32 v19, v31;
	(erf) = vpow2.f32 v23;
	v29 =	vmul.f32 v6, v29  }
0x2c5: {  	v20 =	vand.u32 $0xFFFF0000, v54;
	v18 =	vmul.f32 v18, v26;
	v19 =	vmul.f32 $1.442695020e+00, v19;
	[tilespmem:s18+$0xD0] =	vst v25;
	v25 =	vld [tilespmem:s19+$0xFFFFFF90]  }
0x2c6: {  	v20 =	vmul.f32 v20, v26;
	v23 =	vld [tilespmem:s19+$0xFFFFFFE0];
	v6 =	vperm.xlane v30, v4;
	v24 =	vmax.f32 v24, v28;
	[tilespmem:s18+$0xE0] =	vst v29  }
0x2c7: {  	[tilespmem:s26+$0x50] =	vst v22;
	(erf) = vpow2.f32 v19;
	v24 =	vmul.f32 $1.442695020e+00, v24;
	v27 =	vld [tilespmem:s24+$0x80]  }
0x2c8: {  	v28 =	vshll.u32 v17, $0x10;
	v17 =	vand.u32 $0xFFFF0000, v17;
	v29 =	vld [tilespmem:s19+$0x30];
	s19 =	simm.s32 $0x1A310;
	v19 =	vshll.u32 v21, $0x10;
	v12 =	vpop (erf)  }
0x2c9: {  	(erf) = vpow2.f32 v24;
	v21 =	vand.u32 $0xFFFF0000, v21;
	[tilespmem:s19+$0x110] =	vst v12;
	v26 =	vmul.f32 v19, v34  }
0x2ca: {  	[tilespmem:s18+$0xFFFFFF00] =	vst v18;
	v22 =	vshll.u32 v25, $0x10;
	v24 =	vand.u32 $0xFFFF0000, v25;
	v25 =	vmul.f32 v28, v16;
	v28 =	vld [tilespmem:s23+$0x50]  }
0x2cb: {  	[tilespmem:s18+$0xFFFFFF10] =	vst v20;
	v55 =	vmul.f32 v21, v34;
	v16 =	vmul.f32 v17, v16  }
0x2cc: {  	v19 =	vand.u32 $0xFFFF0000, v23;
	v18 =	vand.u32 $0xFFFF0000, v27;
	v56 =	vmul.f32 v22, v15;
	[tilespmem:s18+$0xFFFFFF90] =	vst v25  }
0x2cd: {  	v17 =	vshll.u32 v23, $0x10;
	v57 =	vmul.f32 v24, v15;
	v15 =	vpop (erf);
	v18 =	vmul.f32 v18, v13;
	[tilespmem:s18+$0xFFFFFFA0] =	vst v16  }
0x2ce: {  	v19 =	vmul.f32 v19, v14;
	v22 =	vmul.f32 v17, v14;
	v25 =	vld [tilespmem:s24+$0xFFFFFF80];
	[tilespmem:s19+$0xFFFFFF60] =	vst v15  }
0x2cf: {  	v58 =	vperm.xlane v15, v1;
	v60 =	vld [tilespmem:s23+$0xFFFFFF60];
	[tilespmem:s18+$0x100] =	vst v18;
	v18 =	vshll.u32 v29, $0x10;
	v21 =	vshll.u32 v28, $0x10  }
0x2d0: {  	v20 =	vpop (erf);
	v59 =	vld [tilespmem:s24+$0xFFFFFFD0];
	v16 =	vmul.f32 v18, v5;
	v18 =	vperm.xlane v12, v1  }
0x2d1: {  	v23 =	vshll.u32 v27, $0x10;
	v17 =	vperm.xlane v15, v2;
	[tilespmem:s19+$0xFFFFFFF0] =	vst v20;
	v33 =	vperm.xlane v20, v1  }
0x2d2: {  	[tilespmem:s18+$0x20] =	vst v26;
	v14 =	vperm.xlane v20, v2;
	v61 =	vld [tilespmem:s23+$0xFFFFFFB0];
	v27 =	vand.u32 $0xFFFF0000, v28;
	v28 =	vmul.f32 v21, v18;
	v21 =	vpop (erf)  }
0x2d3: {  	v24 =	vand.u32 $0xFFFF0000, v29;
	v26 =	vperm.xlane v20, v3;
	v29 =	vmul.f32 v27, v18;
	[tilespmem:s19+$0x80] =	vst v21  }
0x2d4: {  	v31 =	vshll.u32 v25, $0x10;
	v27 =	vperm.xlane v15, v3;
	v62 =	vshll.u32 v60, $0x10;
	[tilespmem:s19+$0x90] =	vst v28;
	v35 =	vld [tilespmem:s23+$0x0]  }
0x2d5: {  	v63 =	vand.u32 $0xFFFF0000, v60;
	v32 =	vand.u32 $0xFFFF0000, v59;
	v30 =	vperm.xlane v21, v1;
	[tilespmem:s19+$0xA0] =	vst v29  }
0x2d6: {  	[tilespmem:s18+$0x30] =	vst v55;
	v18 =	vperm.xlane v21, v2;
	v28 =	vand.u32 $0xFFFF0000, v25;
	v25 =	vperm.xlane v21, v3;
	v36 =	vld [tilespmem:s23+$0x60]  }
0x2d7: {  	v34 =	vld [tilespmem:s24+$0x20];
	[tilespmem:s26+$0xFFFFFF40] =	vst v56;
	v29 =	vshll.u32 v59, $0x10;
	v38 =	vmul.f32 v62, v58;
	v43 =	vshll.u32 v61, $0x10  }
0x2d8: {  	s30 =	simm.s32 $0x165D0;
	s4 =	simm.s32 $0x8;
	[tilespmem:s26+$0xFFFFFF50] =	vst v57;
	v40 =	vand.u32 $0xFFFF0000, v61;
	v39 =	vmul.f32 v63, v58;
	v37 =	vmul.f32 v43, v33  }
.LBB2_14:
0x2d9: {  	v41 =	vld [tilespmem:s30+$0x90];
	[tilespmem:s19+$0xFFFFFEE0] =	vst v38;
	v33 =	vmul.f32 v40, v33;
	v38 =	vshll.u32 v35, $0x10;
	v35 =	vand.u32 $0xFFFF0000, v35;
	s13 =	sadd.s32 $0x40, s13  }
0x2da: {  	v40 =	vld [tilespmem:s13+$0x10];
	[tilespmem:s19+$0xFFFFFEF0] =	vst v39;
	v38 =	vmul.f32 v38, v30;
	v39 =	vperm.xlane v12, v2  }
0x2db: {  	v31 =	vmul.f32 v31, v10;
	v30 =	vmul.f32 v35, v30;
	v42 =	vld [tilespmem:s30+$0xFFFFFFF0];
	[tilespmem:s19+$0xFFFFFF70] =	vst v37;
	v35 =	vshll.u32 v36, $0x10  }
0x2dc: {  	s4 =	sadd.s32 $0x4, s4;
	v37 =	vld [tilespmem:s30+$0x40];
	[tilespmem:s19+$0xFFFFFF80] =	vst v33;
	v33 =	vand.u32 $0xFFFF0000, v36;
	v35 =	vmul.f32 v35, v39;
	v36 =	vshll.u32 v34, $0x10  }
0x2dd: {  	v28 =	vmul.f32 v28, v10;
	v10 =	vmovc v27;
	p1 =	slt.u32 s4, $0x4C;
	v34 =	vand.u32 $0xFFFF0000, v34;
	v43 =	vld [tilespmem:s30+$0xFFFFFFA0];
	[tilespmem:s19+$0x0] =	vst v38;
	v33 =	vmul.f32 v33, v39  }
0x2de: {  	v29 =	vmul.f32 v29, v9;
	v32 =	vmul.f32 v32, v9;
	v9 =	vmovc v26;
	v27 =	vld [tilespmem:s13+$0xFFFFFFE0];
	v38 =	vshll.u32 v41, $0x10;
	[tilespmem:s19+$0xB0] =	vst v35  }
0x2df: {  	v34 =	vmul.f32 v34, v11;
	v26 =	vld [tilespmem:s13+$0xFFFFFFF0];
	v35 =	vadd.f32 v38, v40;
	[tilespmem:s19+$0xC0] =	vst v33;
	v33 =	vmul.f32 v36, v11  }
0x2e0: {  	v15 =	vperm.xlane v15, v4;
	v20 =	vperm.xlane v20, v4;
	v11 =	vmovc v25;
	v36 =	vshll.u32 v42, $0x10;
	[tilespmem:s19+$0x10] =	vst v30;
	v30 =	vld [tilespmem:s23+$0x70]  }
0x2e1: {  	v21 =	vperm.xlane v21, v4;
	v25 =	vshll.u32 v37, $0x10;
	v37 =	vld [tilespmem:s13+$0x0];
	v38 =	vmul.f32 $2.000000030e-01, v35;
	[tilespmem:s18+$0xFFFFFF20] =	vst v31  }
0x2e2: {  	v13 =	vmul.f32 v23, v13;
	v23 =	vmul.f32 v24, v5;
	v5 =	vmovc v6;
	v31 =	vshll.u32 v43, $0x10;
	v39 =	vld [tilespmem:s23+$0xFFFFFF70];
	[tilespmem:s18+$0xFFFFFF30] =	vst v28  }
0x2e3: {  	v6 =	vmov v21;
	v24 =	vadd.f32 v31, v27;
	v27 =	vmax.f32 v35, v38;
	v28 =	vld [tilespmem:s23+$0xFFFFFFC0];
	[tilespmem:s18+$0xFFFFFFB0] =	vst v29  }
0x2e4: {  	v29 =	vperm.xlane v12, v3;
	v21 =	vadd.f32 v36, v26;
	v26 =	vmul.f32 $1.442695020e+00, v27;
	v27 =	vld [tilespmem:s23+$0x10];
	[tilespmem:s18+$0xFFFFFFC0] =	vst v32  }
0x2e5: {  	v31 =	vmul.f32 $2.000000030e-01, v24;
	v32 =	vshll.u32 v30, $0x10;
	v35 =	vld [tilespmem:s24+$0xFFFFFF90];
	[tilespmem:s18+$0x40] =	vst v33  }
0x2e6: {  	(erf) = vpow2.f32 v26;
	v26 =	vand.u32 $0xFFFF0000, v30;
	v30 =	vmul.f32 v32, v29;
	v32 =	vld [tilespmem:s24+$0xFFFFFFE0];
	[tilespmem:s18+$0x50] =	vst v34  }
0x2e7: {  	v33 =	vmul.f32 $2.000000030e-01, v21;
	v25 =	vadd.f32 v25, v37;
	v26 =	vmul.f32 v26, v29;
	v29 =	vld [tilespmem:s24+$0x30];
	[tilespmem:s26+$0xFFFFFFD0] =	vst v22;
	s24 =	smov.u32 s23;
	s23 =	smov.u32 s30  }
0x2e8: {  	v22 =	vmax.f32 v24, v31;
	v24 =	vshll.u32 v39, $0x10;
	v31 =	vand.u32 $0xFFFF0000, v39;
	[tilespmem:s19+$0xD0] =	vst v30  }
0x2e9: {  	v22 =	vmul.f32 $1.442695020e+00, v22;
	v21 =	vmax.f32 v21, v33;
	v30 =	vmul.f32 $2.000000030e-01, v25;
	[tilespmem:s19+$0xE0] =	vst v26  }
0x2ea: {  	v21 =	vmul.f32 $1.442695020e+00, v21;
	v26 =	vshll.u32 v28, $0x10;
	v28 =	vand.u32 $0xFFFF0000, v28;
	v33 =	vld [tilespmem:s24+$0x80];
	[tilespmem:s26+$0xFFFFFFE0] =	vst v19  }
0x2eb: {  	v19 =	vmax.f32 v25, v30;
	(erf) = vpow2.f32 v22;
	v22 =	vshll.u32 v27, $0x10;
	[tilespmem:s26+$0x60] =	vst v16  }
0x2ec: {  	v16 =	vmul.f32 $1.442695020e+00, v19;
	v19 =	vand.u32 $0xFFFF0000, v27;
	(erf) = vpow2.f32 v21;
	[tilespmem:s26+$0x70] =	vst v23;
	s26 =	smov.u32 s18;
	s18 =	smov.u32 s19  }
0x2ed: {  	v21 =	vmul.f32 v24, v17;
	v17 =	vmul.f32 v31, v17;
	v24 =	vshll.u32 v35, $0x10;
	[tilespmem:s26+$0xF0] =	vst v13  }
0x2ee: {  	v13 =	vperm.xlane v12, v4;
	(erf) = vpow2.f32 v16;
	v16 =	vand.u32 $0xFFFF0000, v35  }
0x2ef: {  	s19 =	sadd.s32 $0x240, s19;
	v12 =	vpop (erf);
	[tilespmem:s18+$0xFFFFFF00] =	vst v21;
	v21 =	vmul.f32 v26, v14;
	v14 =	vmul.f32 v28, v14;
	v23 =	vand.u32 $0xFFFF0000, v33  }
0x2f0: {  	v25 =	vmul.f32 v22, v18;
	v26 =	vshll.u32 v32, $0x10;
	[tilespmem:s19+$0x110] =	vst v12;
	v22 =	vmul.f32 v23, v13  }
0x2f1: {  	v34 =	vmul.f32 v19, v18;
	v18 =	vshll.u32 v29, $0x10;
	v27 =	vld [tilespmem:s30+$0x50];
	[tilespmem:s18+$0xFFFFFF10] =	vst v17;
	v17 =	vand.u32 $0xFFFF0000, v32  }
0x2f2: {  	v37 =	vmul.f32 v24, v8;
	v24 =	vand.u32 $0xFFFF0000, v29;
	v23 =	vshll.u32 v33, $0x10;
	v28 =	vld [tilespmem:s24+$0xFFFFFF80];
	[tilespmem:s18+$0x100] =	vst v22  }
0x2f3: {  	v41 =	vmul.f32 v16, v8;
	v8 =	vmov v15;
	v22 =	vmul.f32 v26, v7;
	[tilespmem:s18+$0xFFFFFF90] =	vst v21  }
0x2f4: {  	v16 =	vmul.f32 v18, v5;
	v19 =	vmul.f32 v17, v7;
	v7 =	vmov v20;
	v15 =	vpop (erf);
	[tilespmem:s18+$0xFFFFFFA0] =	vst v14  }
0x2f5: {  	v18 =	vperm.xlane v12, v1;
	[tilespmem:s19+$0xFFFFFF60] =	vst v15;
	v39 =	vperm.xlane v15, v1;
	v20 =	vpop (erf);
	v32 =	vld [tilespmem:s24+$0xFFFFFFD0]  }
0x2f6: {  	v17 =	vperm.xlane v15, v2;
	v36 =	vld [tilespmem:s30+$0xFFFFFF60];
	[tilespmem:s19+$0xFFFFFFF0] =	vst v20;
	v33 =	vperm.xlane v20, v1;
	v30 =	vshll.u32 v27, $0x10  }
0x2f7: {  	v14 =	vperm.xlane v20, v2;
	v26 =	vand.u32 $0xFFFF0000, v27;
	v40 =	vld [tilespmem:s30+$0xFFFFFFB0];
	v29 =	vmul.f32 v30, v18;
	v21 =	vpop (erf);
	[tilespmem:s18+$0x20] =	vst v25  }
0x2f8: {  	v38 =	vmul.f32 v26, v18;
	v31 =	vshll.u32 v28, $0x10;
	[tilespmem:s19+$0x80] =	vst v21;
	v30 =	vperm.xlane v21, v1  }
.Ltmp8:
0x2f9: {  	v27 =	vperm.xlane v15, v3;
	v28 =	vand.u32 $0xFFFF0000, v28;
	v18 =	vperm.xlane v21, v2;
	v35 =	vld [tilespmem:s30+$0x0];
	[tilespmem:s19+$0x90] =	vst v29;
	(pc) =	sbr.rel @p1 .LBB2_14-.Ltmp8, $4  }
0x2fa: {  	v26 =	vperm.xlane v20, v3;
	v25 =	vperm.xlane v21, v3;
	[tilespmem:s19+$0xA0] =	vst v38;
	v29 =	vshll.u32 v32, $0x10  }
0x2fb: {  	v32 =	vand.u32 $0xFFFF0000, v32;
	v38 =	vshll.u32 v36, $0x10;
	v42 =	vand.u32 $0xFFFF0000, v36;
	v36 =	vld [tilespmem:s30+$0x60];
	[tilespmem:s18+$0x30] =	vst v34  }
0x2fc: {  	v38 =	vmul.f32 v38, v39;
	v43 =	vshll.u32 v40, $0x10;
	v40 =	vand.u32 $0xFFFF0000, v40;
	v34 =	vld [tilespmem:s24+$0x20];
	[tilespmem:s26+$0xFFFFFF40] =	vst v37  }
0x2fd: {  	s30 =	sadd.s32 $0x140, s30;
	v39 =	vmul.f32 v42, v39;
	v37 =	vmul.f32 v43, v33;
	[tilespmem:s26+$0xFFFFFF50] =	vst v41  }
0x2fe: {  	[tilespmem:s19+$0xFFFFFEE0] =	vst v38  }
0x2ff: {  	[tilespmem:s26+$0xFFFFFFD0] =	vst v22  }
0x300: {  	[tilespmem:s26+$0xFFFFFFE0] =	vst v19  }
0x301: {  	v53 =	vperm.xlane v12, v2;
	[tilespmem:s26+$0x60] =	vst v16  }
0x302: {  	v33 =	vmul.f32 v40, v33;
	[tilespmem:s19+$0xFFFFFEF0] =	vst v39;
	v54 =	vshll.u32 v36, $0x10  }
0x303: {  	[tilespmem:s19+$0xFFFFFF70] =	vst v37;
	v55 =	vand.u32 $0xFFFF0000, v36;
	v56 =	vmul.f32 v54, v53  }
0x304: {  	[tilespmem:s19+$0xFFFFFF80] =	vst v33;
	v33 =	vmul.f32 v55, v53  }
0x305: {  	v31 =	vmul.f32 v31, v10;
	[tilespmem:s19+$0xB0] =	vst v56  }
0x306: {  	v52 =	vshll.u32 v35, $0x10;
	v10 =	vmul.f32 v28, v10;
	[tilespmem:s19+$0xC0] =	vst v33  }
0x307: {  	v57 =	vand.u32 $0xFFFF0000, v35;
	v29 =	vmul.f32 v29, v9;
	v9 =	vmul.f32 v32, v9;
	[tilespmem:s18+$0xFFFFFF20] =	vst v31;
	v28 =	vld [tilespmem:s23+$0x70]  }
0x308: {  	v38 =	vmul.f32 v52, v30;
	v30 =	vmul.f32 v57, v30;
	[tilespmem:s18+$0xFFFFFF30] =	vst v10  }
0x309: {  	[tilespmem:s18+$0xFFFFFFC0] =	vst v9;
	v10 =	vand.u32 $0xFFFF0000, v34  }
0x30a: {  	v9 =	vld [tilespmem:s23+$0xFFFFFF70];
	[tilespmem:s19+$0x10] =	vst v30;
	v30 =	vshll.u32 v34, $0x10;
	v10 =	vmul.f32 v10, v11  }
0x30b: {  	[tilespmem:s18+$0xFFFFFFB0] =	vst v29;
	v30 =	vmul.f32 v30, v11;
	v11 =	vperm.xlane v12, v3  }
0x30c: {  	v5 =	vmul.f32 v24, v5;
	[tilespmem:s18+$0x50] =	vst v10;
	v10 =	vld [tilespmem:s23+$0xFFFFFFC0];
	v29 =	vshll.u32 v28, $0x10;
	v28 =	vand.u32 $0xFFFF0000, v28  }
0x30d: {  	[tilespmem:s19+$0x0] =	vst v38;
	v29 =	vmul.f32 v29, v11;
	v11 =	vmul.f32 v28, v11  }
0x30e: {  	[tilespmem:s26+$0x70] =	vst v5;
	v22 =	vld [tilespmem:s23+$0x10]  }
0x30f: {  	[tilespmem:s19+$0xE0] =	vst v11;
	v11 =	vshll.u32 v9, $0x10  }
0x310: {  	[tilespmem:s19+$0xD0] =	vst v29;
	v9 =	vand.u32 $0xFFFF0000, v9;
	v11 =	vmul.f32 v11, v17  }
0x311: {  	[tilespmem:s18+$0x40] =	vst v30;
	v16 =	vshll.u32 v10, $0x10;
	v10 =	vand.u32 $0xFFFF0000, v10;
	v19 =	vld [tilespmem:s23+$0x80];
	v5 =	vmul.f32 v9, v17  }
0x312: {  	v10 =	vmul.f32 v10, v14;
	v9 =	vld [tilespmem:s24+$0xFFFFFF90];
	[tilespmem:s19+$0xFFFFFF00] =	vst v11  }
0x313: {  	v11 =	vmul.f32 v16, v14;
	v16 =	vshll.u32 v22, $0x10;
	[tilespmem:s19+$0xFFFFFF10] =	vst v5  }
0x314: {  	[tilespmem:s19+$0xFFFFFFA0] =	vst v10;
	v5 =	vand.u32 $0xFFFF0000, v22;
	v14 =	vmul.f32 v16, v18;
	v16 =	vld [tilespmem:s23+$0xFFFFFF80]  }
0x315: {  	v5 =	vmul.f32 v5, v18;
	[tilespmem:s19+$0xFFFFFF90] =	vst v11;
	v11 =	vperm.xlane v12, v4  }
0x316: {  	v10 =	vmul.f32 v23, v13;
	v12 =	vand.u32 $0xFFFF0000, v19;
	v13 =	vld [tilespmem:s23+$0xFFFFFFD0];
	[tilespmem:s19+$0x20] =	vst v14  }
0x317: {  	v14 =	vshll.u32 v9, $0x10;
	[tilespmem:s19+$0x30] =	vst v5;
	v12 =	vmul.f32 v12, v11  }
0x318: {  	[tilespmem:s18+$0xF0] =	vst v10;
	v5 =	vand.u32 $0xFFFF0000, v9;
	v9 =	vmul.f32 v14, v8;
	v10 =	vld [tilespmem:s23+$0x20]  }
0x319: {  	v5 =	vmul.f32 v5, v8;
	[tilespmem:s19+$0x100] =	vst v12;
	v8 =	vshll.u32 v16, $0x10  }
0x31a: {  	v12 =	vld [tilespmem:s24+$0xFFFFFFE0];
	v14 =	vand.u32 $0xFFFF0000, v16;
	[tilespmem:s18+$0xFFFFFF40] =	vst v9;
	v8 =	vmul.f32 v8, v27  }
0x31b: {  	[tilespmem:s18+$0xFFFFFF50] =	vst v5;
	v5 =	vmul.f32 v14, v27;
	v9 =	vshll.u32 v13, $0x10  }
0x31c: {  	v14 =	vld [tilespmem:s24+$0x30];
	v13 =	vand.u32 $0xFFFF0000, v13;
	v9 =	vmul.f32 v9, v26;
	[tilespmem:s19+$0xFFFFFF20] =	vst v8  }
0x31d: {  	v8 =	vshll.u32 v10, $0x10;
	v13 =	vmul.f32 v13, v26;
	[tilespmem:s19+$0xFFFFFF30] =	vst v5  }
0x31e: {  	v5 =	vand.u32 $0xFFFF0000, v10;
	v8 =	vmul.f32 v8, v25;
	[tilespmem:s19+$0xFFFFFFB0] =	vst v9  }
0x31f: {  	v5 =	vmul.f32 v5, v25;
	v10 =	vld [tilespmem:s23+$0xFFFFFF90];
	v9 =	vshll.u32 v12, $0x10;
	[tilespmem:s19+$0xFFFFFFC0] =	vst v13  }
0x320: {  	v12 =	vand.u32 $0xFFFF0000, v12;
	v9 =	vmul.f32 v9, v7;
	[tilespmem:s19+$0x40] =	vst v8  }
0x321: {  	v8 =	vshll.u32 v14, $0x10;
	v7 =	vmul.f32 v12, v7;
	v12 =	vld [tilespmem:s23+$0xFFFFFFE0];
	[tilespmem:s19+$0x50] =	vst v5  }
0x322: {  	v5 =	vand.u32 $0xFFFF0000, v14;
	v8 =	vmul.f32 v8, v6;
	[tilespmem:s18+$0xFFFFFFD0] =	vst v9  }
0x323: {  	v13 =	vshll.u32 v19, $0x10;
	v5 =	vmul.f32 v5, v6;
	v6 =	vld [tilespmem:s23+$0x30];
	v9 =	vperm.xlane v15, v4;
	[tilespmem:s18+$0xFFFFFFE0] =	vst v7  }
0x324: {  	v7 =	vmul.f32 v13, v11;
	[tilespmem:s18+$0x60] =	vst v8;
	v8 =	vshll.u32 v10, $0x10  }
0x325: {  	v11 =	vperm.xlane v20, v4;
	[tilespmem:s18+$0x70] =	vst v5;
	v5 =	vand.u32 $0xFFFF0000, v10;
	v8 =	vmul.f32 v8, v9  }
0x326: {  	[tilespmem:s19+$0xF0] =	vst v7;
	v5 =	vmul.f32 v5, v9;
	v7 =	vshll.u32 v12, $0x10  }
0x327: {  	v9 =	vperm.xlane v21, v4;
	v10 =	vand.u32 $0xFFFF0000, v12;
	v7 =	vmul.f32 v7, v11;
	[tilespmem:s19+$0xFFFFFF40] =	vst v8  }
0x328: {  	v8 =	vshll.u32 v6, $0x10;
	v10 =	vmul.f32 v10, v11;
	[tilespmem:s19+$0xFFFFFF50] =	vst v5  }
0x329: {  	p1 =	seq.s32 s20, $0x7C;
	v5 =	vand.u32 $0xFFFF0000, v6;
	v6 =	vmul.f32 v8, v9;
	[tilespmem:s19+$0xFFFFFFD0] =	vst v7  }
0x32a: {  	s4 =	smul.u32 @!p1 $0xA0, s20;
	v5 =	vmul.f32 v5, v9;
	[tilespmem:s19+$0xFFFFFFE0] =	vst v10  }
0x32b: {  	[tilespmem:s19+$0x60] =	vst v6  }
0x32c: {  	s13 =	simm.s32 $0x160D0;
	s4 =	sadd.s32 @!p1 s4, s21;
	[tilespmem:s19+$0x70] =	vst v5  }
0x32d: {  	[spmem:s1] =	stream.indirect.scatter.add.f32 [tilespmem:s28], [sflag:$0x5], $0x90, s13, s0, $0xb8;
	[tilespmem:$0x1F770] =	vst v63  }
0x32e: {  	p2 =	seq.s32 @!p1 s20, $0x0;
	s13 =	sshrl.u32 @!p1 s4, $0x3  }
0x32f: {  	s19 =	simm.s32 @!p1 $0x0;
	s4 =	simm.s32 @!p1 $0x15F90;
	s18 =	sadd.s32 @!p1 s10, s13  }
0x330: {  	[tilespmem:s4], [sflag:$0x7] =	stream.linear.gather @!p1 [hbm4b:s18+s19], $0x50, $0x38;
	[tilespmem:$0x1F770] =	vst v63  }
0x331: {  	p2 =	por p1, !p2;
	s18 =	sadd.s32 @!p1 s11, s13;
	s13 =	simm.s32 @!p1 $0x16030  }
0x332: {  	[tilespmem:s13], [sflag:$0x9] =	stream.linear.gather @!p1 [hbm4b:s18+s19], $0x50, $0x38;
	[tilespmem:$0x1F770] =	vst v63  }
0x333: {  	_ =	swait.ge @p2 [sflag:s17], $0x2D00  }
0x334: {  	[sflag:s17] =	ssyncset.done @p2 $0x0  }
0x335: {  	[sflag:s17] =	ssyncadd.s32 @p2 $0xFFFFD300  }
0x336: {  	_ =	swait.ge [sflag:s31], $0x1900  }
0x337: {  	[sflag:s31] =	ssyncset.done $0x0  }
0x338: {  	[sflag:s31] =	ssyncadd.s32 $0xFFFFE700  }
0x339: {  	_ =	swait.ge [sflag:s14], $0x500  }
0x33a: {  	[sflag:s14] =	ssyncset.done $0x0  }
0x33b: {  	s18 =	simm.s32 @!p1 $0x7;
	[sflag:s14] =	ssyncadd.s32 $0xFFFFFB00  }
0x33c: {  	_ =	swait.ge @!p1 [sflag:s18], $0x50  }
0x33d: {  	[sflag:s18] =	ssyncset.done @!p1 $0x0  }
0x33e: {  	[sflag:s18] =	ssyncadd.s32 @!p1 $0xFFFFFFB0;
	s18 =	simm.s32 @!p1 $0x9  }
0x33f: {  	_ =	swait.ge @!p1 [sflag:s18], $0x50  }
0x340: {  	[sflag:s18] =	ssyncset.done @!p1 $0x0  }
0x341: {  	s19 =	simm.s32 @!p1 $0x16170;
	[sflag:s18] =	ssyncadd.s32 @!p1 $0xFFFFFFB0;
	s18 =	simm.s32 @!p1 $0x50  }
0x342: {  	[tilespmem:s19], [sflag:$0x1] =	stream.indirect.gather @!p1 [hbm4b:s5+s18], $0x50, s4, s18, $0xb8;
	[tilespmem:$0x1F770] =	vst v63  }
0x343: {  	s4 =	simm.s32 @!p1 $0x19370  }
0x344: {  	[tilespmem:s4], [sflag:$0x3] =	stream.indirect.gather @!p1 [hbm4b:s7+s18], $0x10, s13, s18, $0xb8;
	[tilespmem:$0x1F770] =	vst v63  }
0x345: {  	v5 =	vld [tilespmem:$0x16080]  }
0x346: {  	v6 =	vld [tilespmem:$0x16090]  }
0x347: {  	v7 =	vld [tilespmem:$0x160A0]  }
0x348: {  	v8 =	vld [tilespmem:$0x160B0]  }
0x349: {  	v9 =	vld [tilespmem:$0x160C0]  }
0x34a: {  	[tilespmem:$0x16120] =	vst v5  }
0x34b: {  	[tilespmem:$0x16130] =	vst v6  }
0x34c: {  	[tilespmem:$0x16140] =	vst v7  }
0x34d: {  	[tilespmem:$0x16150] =	vst v8  }
0x34e: {  	s19 =	simm.s32 $0x17B10;
	[tilespmem:$0x16160] =	vst v9  }
0x34f: {  	s18 =	simm.s32 $0x19890;
	v5 =	vld [tilespmem:s19+$0x90]  }
0x350: {  	v6 =	vld [tilespmem:s18+$0x10];
	_ =	sdelay $0x3  }
0x351: {  	v5 =	vshll.u32 v5, $0x10  }
0x352: {  	v5 =	vadd.f32 v5, v6;
	_ =	sdelay $0x1  }
0x353: {  	v6 =	vmul.f32 $2.000000030e-01, v5;
	_ =	sdelay $0x1  }
0x354: {  	v5 =	vmax.f32 v5, v6  }
0x355: {  	v7 =	vld [tilespmem:s19+$0x40];
	v5 =	vmul.f32 $1.442695020e+00, v5  }
0x356: {  	v8 =	vld [tilespmem:s19+$0xFFFFFFA0]  }
0x357: {  	v6 =	vld [tilespmem:s19+$0xFFFFFFF0];
	(erf) = vpow2.f32 v5  }
0x358: {  	v5 =	vld [tilespmem:s18+$0xFFFFFFE0]  }
0x359: {  	v9 =	vld [tilespmem:s18+$0xFFFFFFF0]  }
0x35a: {  	v10 =	vld [tilespmem:s18+$0x0];
	_ =	sdelay $0x1  }
0x35b: {  	v8 =	vshll.u32 v8, $0x10  }
0x35c: {  	v6 =	vshll.u32 v6, $0x10;
	v5 =	vadd.f32 v8, v5  }
0x35d: {  	v7 =	vshll.u32 v7, $0x10;
	v8 =	vadd.f32 v6, v9  }
0x35e: {  	v7 =	vadd.f32 v7, v10;
	v9 =	vmul.f32 $2.000000030e-01, v5  }
0x35f: {  	s26 =	simm.s32 $0x1CB90;
	v10 =	vmul.f32 $2.000000030e-01, v8;
	v6 =	vpop (erf)  }
0x360: {  	v5 =	vmax.f32 v5, v9;
	v9 =	vmul.f32 $2.000000030e-01, v7;
	[tilespmem:s26+$0x110] =	vst v6  }
0x361: {  	v8 =	vmax.f32 v8, v10;
	v5 =	vmul.f32 $1.442695020e+00, v5;
	v10 =	vld [tilespmem:s19+$0x50]  }
0x362: {  	v8 =	vmul.f32 $1.442695020e+00, v8;
	v7 =	vmax.f32 v7, v9  }
0x363: {  	(erf) = vpow2.f32 v5;
	v5 =	vmul.f32 $1.442695020e+00, v7  }
0x364: {  	(erf) = vpow2.f32 v8  }
0x365: {  	(erf) = vpow2.f32 v5;
	v5 =	vperm.xlane v6, v1  }
0x366: {  	s24 =	simm.s32 $0x17C50;
	v7 =	vshll.u32 v10, $0x10  }
0x367: {  	v18 =	vld [tilespmem:s24+$0xFFFFFFF0];
	v8 =	vand.u32 $0xFFFF0000, v10;
	v7 =	vmul.f32 v7, v5  }
0x368: {  	s23 =	simm.s32 $0x198D0;
	v21 =	vld [tilespmem:s24+$0xFFFFFFA0];
	v5 =	vmul.f32 v8, v5  }
0x369: {  	v10 =	vld [tilespmem:s23+$0x10];
	[tilespmem:s26+$0x90] =	vst v7  }
0x36a: {  	v8 =	vld [tilespmem:s24+$0x90];
	[tilespmem:s26+$0xA0] =	vst v5  }
0x36b: {  	v5 =	vld [tilespmem:s19+$0x60]  }
0x36c: {  	v7 =	vpop (erf)  }
0x36d: {  	v22 =	vld [tilespmem:s23+$0xFFFFFFE0];
	[tilespmem:s26+$0xFFFFFF60] =	vst v7  }
0x36e: {  	v21 =	vshll.u32 v21, $0x10;
	v18 =	vshll.u32 v18, $0x10;
	v9 =	vpop (erf);
	v11 =	vld [tilespmem:s19+$0xFFFFFF60]  }
0x36f: {  	v17 =	vperm.xlane v6, v2;
	v14 =	vperm.xlane v7, v1;
	v8 =	vshll.u32 v8, $0x10;
	[tilespmem:s26+$0xFFFFFFF0] =	vst v9;
	v13 =	vpop (erf)  }
0x370: {  	v16 =	vperm.xlane v7, v2;
	v8 =	vadd.f32 v8, v10;
	v12 =	vld [tilespmem:s19+$0xFFFFFFB0];
	[tilespmem:s26+$0x80] =	vst v13;
	v20 =	vshll.u32 v5, $0x10  }
0x371: {  	v19 =	vperm.xlane v9, v1;
	v15 =	vld [tilespmem:s19+$0x0];
	v5 =	vand.u32 $0xFFFF0000, v5;
	v20 =	vmul.f32 v20, v17  }
0x372: {  	v21 =	vadd.f32 v21, v22;
	v24 =	vmul.f32 $2.000000030e-01, v8;
	v5 =	vmul.f32 v5, v17;
	v17 =	vld [tilespmem:s23+$0xFFFFFFF0]  }
0x373: {  	v10 =	vperm.xlane v13, v1;
	v23 =	vshll.u32 v11, $0x10;
	v11 =	vand.u32 $0xFFFF0000, v11;
	[tilespmem:s26+$0xB0] =	vst v20  }
0x374: {  	[tilespmem:s26+$0xC0] =	vst v5;
	v5 =	vmax.f32 v8, v24;
	v23 =	vmul.f32 v23, v14;
	v11 =	vmul.f32 v11, v14;
	v14 =	vld [tilespmem:s24+$0x40]  }
0x375: {  	v25 =	vshll.u32 v12, $0x10;
	v12 =	vand.u32 $0xFFFF0000, v12;
	v20 =	vld [tilespmem:s19+$0x70];
	v5 =	vmul.f32 $1.442695020e+00, v5  }
0x376: {  	v8 =	vmul.f32 v25, v19;
	v12 =	vmul.f32 v12, v19;
	v19 =	vld [tilespmem:s23+$0x0];
	v22 =	vshll.u32 v15, $0x10;
	[tilespmem:s26+$0xFFFFFEE0] =	vst v23  }
0x377: {  	v17 =	vadd.f32 v18, v17;
	(erf) = vpow2.f32 v5;
	v18 =	vmul.f32 $2.000000030e-01, v21;
	[tilespmem:s26+$0xFFFFFEF0] =	vst v11  }
0x378: {  	v5 =	vand.u32 $0xFFFF0000, v15;
	v15 =	vmul.f32 v22, v10;
	v11 =	vperm.xlane v6, v3;
	[tilespmem:s26+$0xFFFFFF70] =	vst v8  }
0x379: {  	v5 =	vmul.f32 v5, v10;
	[tilespmem:s26+$0xFFFFFF80] =	vst v12;
	v18 =	vmax.f32 v21, v18;
	v10 =	vshll.u32 v14, $0x10  }
0x37a: {  	[tilespmem:s26+$0x0] =	vst v15;
	v15 =	vld [tilespmem:s19+$0xFFFFFFC0];
	v14 =	vmul.f32 $2.000000030e-01, v17;
	v22 =	vshll.u32 v20, $0x10;
	v18 =	vmul.f32 $1.442695020e+00, v18  }
0x37b: {  	v8 =	vld [tilespmem:s19+$0xFFFFFF70];
	v10 =	vadd.f32 v10, v19;
	v12 =	vmul.f32 v22, v11;
	v22 =	vperm.xlane v13, v3  }
0x37c: {  	s23 =	simm.s32 $0x17D90;
	v14 =	vmax.f32 v17, v14;
	(erf) = vpow2.f32 v18;
	v18 =	vperm.xlane v13, v2  }
0x37d: {  	v63 =	vld [tilespmem:s23+$0x90];
	v17 =	vand.u32 $0xFFFF0000, v20;
	v20 =	vperm.xlane v9, v3;
	v14 =	vmul.f32 $1.442695020e+00, v14  }
0x37e: {  	s13 =	simm.s32 $0x19910;
	[tilespmem:s26+$0x10] =	vst v5;
	v19 =	vmul.f32 $2.000000030e-01, v10;
	v5 =	vmul.f32 v17, v11  }
0x37f: {  	v46 =	vld [tilespmem:s13+$0x10];
	v11 =	vperm.xlane v9, v2;
	v17 =	vperm.xlane v7, v3;
	v21 =	vshll.u32 v15, $0x10  }
0x380: {  	[tilespmem:s26+$0xD0] =	vst v12;
	(erf) = vpow2.f32 v14;
	v10 =	vmax.f32 v10, v19;
	v19 =	vld [tilespmem:s19+$0x10];
	v14 =	vshll.u32 v8, $0x10  }
0x381: {  	s18 =	simm.s32 $0x1CDD0;
	[tilespmem:s26+$0xE0] =	vst v5;
	v8 =	vand.u32 $0xFFFF0000, v8;
	v21 =	vmul.f32 v21, v11;
	v5 =	vmul.f32 $1.442695020e+00, v10;
	v12 =	vpop (erf)  }
0x382: {  	v37 =	vshll.u32 v63, $0x10;
	v10 =	vld [tilespmem:s19+$0x80];
	v14 =	vmul.f32 v14, v16;
	v8 =	vmul.f32 v8, v16;
	[tilespmem:s18+$0x110] =	vst v12  }
0x383: {  	[tilespmem:s26+$0xFFFFFF90] =	vst v21;
	(erf) = vpow2.f32 v5;
	v5 =	vand.u32 $0xFFFF0000, v15;
	v15 =	vperm.xlane v7, v4  }
0x384: {  	v37 =	vadd.f32 v37, v46;
	v16 =	vld [tilespmem:s24+$0x50];
	[tilespmem:s26+$0xFFFFFF00] =	vst v14;
	v14 =	vperm.xlane v9, v4;
	v7 =	vmul.f32 v5, v11  }
0x385: {  	[tilespmem:s26+$0xFFFFFF10] =	vst v8;
	v5 =	vperm.xlane v13, v4;
	v13 =	vperm.xlane v6, v4;
	v8 =	vshll.u32 v19, $0x10  }
0x386: {  	v9 =	vand.u32 $0xFFFF0000, v19;
	v6 =	vpop (erf);
	[tilespmem:s26+$0xFFFFFFA0] =	vst v7;
	v7 =	vperm.xlane v12, v1;
	v8 =	vmul.f32 v8, v18  }
0x387: {  	v42 =	vld [tilespmem:s23+$0xFFFFFFA0];
	v11 =	vand.u32 $0xFFFF0000, v10;
	v18 =	vmul.f32 v9, v18;
	v27 =	vshll.u32 v10, $0x10;
	[tilespmem:s18+$0xFFFFFF60] =	vst v6  }
0x388: {  	v19 =	vld [tilespmem:s19+$0xFFFFFF80];
	v24 =	vmul.f32 v11, v13;
	v13 =	vmul.f32 v27, v13;
	[tilespmem:s26+$0x20] =	vst v8  }
0x389: {  	v51 =	vmul.f32 $2.000000030e-01, v37;
	v47 =	vperm.xlane v12, v2;
	v23 =	vshll.u32 v16, $0x10;
	[tilespmem:s26+$0x30] =	vst v18  }
0x38a: {  	v25 =	vld [tilespmem:s19+$0xFFFFFFD0];
	v26 =	vperm.xlane v6, v2;
	v11 =	vand.u32 $0xFFFF0000, v16;
	v21 =	vpop (erf);
	v16 =	vmul.f32 v23, v7;
	[tilespmem:s26+$0xF0] =	vst v13  }
0x38b: {  	v10 =	vperm.xlane v6, v3;
	v23 =	vld [tilespmem:s24+$0xFFFFFF60];
	v7 =	vmul.f32 v11, v7;
	[tilespmem:s18+$0xFFFFFFF0] =	vst v21  }
0x38c: {  	v53 =	vshll.u32 v42, $0x10;
	v8 =	vperm.xlane v6, v1;
	v62 =	vld [tilespmem:s19+$0x20];
	v13 =	vperm.xlane v12, v4;
	[tilespmem:s18+$0x90] =	vst v16  }
0x38d: {  	v28 =	vperm.xlane v21, v1;
	v31 =	vshll.u32 v19, $0x10;
	v9 =	vperm.xlane v21, v3;
	v29 =	vld [tilespmem:s24+$0xFFFFFFB0];
	[tilespmem:s18+$0xA0] =	vst v7  }
0x38e: {  	v19 =	vand.u32 $0xFFFF0000, v19;
	v16 =	vperm.xlane v21, v2;
	v31 =	vmul.f32 v31, v17;
	v58 =	vld [tilespmem:s24+$0x60]  }
0x38f: {  	v17 =	vmul.f32 v19, v17;
	v30 =	vpop (erf);
	v18 =	vshll.u32 v25, $0x10;
	v25 =	vand.u32 $0xFFFF0000, v25  }
0x390: {  	v48 =	vld [tilespmem:s23+$0xFFFFFFF0];
	[tilespmem:s18+$0x80] =	vst v30;
	v7 =	vperm.xlane v30, v1;
	v60 =	vperm.xlane v30, v2;
	v61 =	vshll.u32 v23, $0x10  }
0x391: {  	v18 =	vmul.f32 v18, v20;
	v59 =	vld [tilespmem:s24+$0x0];
	v23 =	vand.u32 $0xFFFF0000, v23;
	v35 =	vmul.f32 v61, v8  }
0x392: {  	[tilespmem:s26+$0x100] =	vst v24;
	v20 =	vmul.f32 v25, v20;
	v8 =	vmul.f32 v23, v8;
	v45 =	vshll.u32 v29, $0x10  }
0x393: {  	v49 =	vld [tilespmem:s13+$0xFFFFFFE0];
	v50 =	vshll.u32 v62, $0x10;
	v23 =	vmul.f32 v45, v28;
	v32 =	vand.u32 $0xFFFF0000, v58;
	[tilespmem:s18+$0xFFFFFEE0] =	vst v35  }
0x394: {  	v19 =	vld [tilespmem:s13+$0xFFFFFFF0];
	v29 =	vand.u32 $0xFFFF0000, v29;
	v41 =	vshll.u32 v58, $0x10;
	[tilespmem:s18+$0xFFFFFEF0] =	vst v8;
	v32 =	vmul.f32 v32, v47  }
0x395: {  	v28 =	vmul.f32 v29, v28;
	v29 =	vld [tilespmem:s23+$0x40];
	v8 =	vand.u32 $0xFFFF0000, v62;
	v41 =	vmul.f32 v41, v47;
	[tilespmem:s18+$0xFFFFFF70] =	vst v23  }
0x396: {  	v52 =	vld [tilespmem:s13+$0x0];
	v24 =	vshll.u32 v59, $0x10;
	v23 =	vshll.u32 v48, $0x10;
	[tilespmem:s18+$0xC0] =	vst v32;
	v32 =	vmul.f32 v50, v22  }
0x397: {  	v54 =	vld [tilespmem:s24+$0xFFFFFF70];
	[tilespmem:s18+$0xB0] =	vst v41;
	v22 =	vmul.f32 v8, v22;
	v8 =	vperm.xlane v6, v4;
	v6 =	vmax.f32 v37, v51  }
0x398: {  	[tilespmem:s18+$0xFFFFFF80] =	vst v28;
	v28 =	vadd.f32 v53, v49;
	v24 =	vmul.f32 v24, v7;
	v25 =	vld [tilespmem:s24+$0x70];
	v6 =	vmul.f32 $1.442695020e+00, v6  }
0x399: {  	v11 =	vperm.xlane v30, v3;
	[tilespmem:s26+$0xFFFFFF20] =	vst v31;
	v33 =	vand.u32 $0xFFFF0000, v59;
	v19 =	vadd.f32 v23, v19  }
0x39a: {  	v23 =	vmul.f32 $2.000000030e-01, v28;
	[tilespmem:s18+$0x0] =	vst v24;
	v24 =	vshll.u32 v29, $0x10;
	(erf) = vpow2.f32 v6  }
0x39b: {  	[tilespmem:s26+$0xFFFFFF30] =	vst v17;
	v7 =	vmul.f32 v33, v7;
	v29 =	vperm.xlane v12, v3;
	v24 =	vadd.f32 v24, v52  }
0x39c: {  	[tilespmem:s26+$0xFFFFFFB0] =	vst v18;
	v31 =	vmul.f32 $2.000000030e-01, v19;
	v23 =	vmax.f32 v28, v23;
	v18 =	vshll.u32 v54, $0x10  }
0x39d: {  	v17 =	vld [tilespmem:s24+$0xFFFFFFC0];
	[tilespmem:s18+$0x10] =	vst v7;
	v23 =	vmul.f32 $1.442695020e+00, v23;
	v28 =	vmul.f32 $2.000000030e-01, v24;
	v7 =	vshll.u32 v25, $0x10  }
0x39e: {  	[tilespmem:s26+$0xFFFFFFC0] =	vst v20;
	v6 =	vand.u32 $0xFFFF0000, v25;
	v25 =	vmul.f32 v7, v29;
	v7 =	vperm.xlane v21, v4;
	v21 =	vld [tilespmem:s24+$0x10]  }
0x39f: {  	[tilespmem:s26+$0x40] =	vst v32;
	v19 =	vmax.f32 v19, v31;
	(erf) = vpow2.f32 v23;
	v29 =	vmul.f32 v6, v29  }
0x3a0: {  	v20 =	vand.u32 $0xFFFF0000, v54;
	v18 =	vmul.f32 v18, v26;
	v19 =	vmul.f32 $1.442695020e+00, v19;
	[tilespmem:s18+$0xD0] =	vst v25;
	v25 =	vld [tilespmem:s19+$0xFFFFFF90]  }
0x3a1: {  	v20 =	vmul.f32 v20, v26;
	v23 =	vld [tilespmem:s19+$0xFFFFFFE0];
	v6 =	vperm.xlane v30, v4;
	v24 =	vmax.f32 v24, v28;
	[tilespmem:s18+$0xE0] =	vst v29  }
0x3a2: {  	[tilespmem:s26+$0x50] =	vst v22;
	(erf) = vpow2.f32 v19;
	v24 =	vmul.f32 $1.442695020e+00, v24;
	v27 =	vld [tilespmem:s24+$0x80]  }
0x3a3: {  	v28 =	vshll.u32 v17, $0x10;
	v17 =	vand.u32 $0xFFFF0000, v17;
	v29 =	vld [tilespmem:s19+$0x30];
	s19 =	simm.s32 $0x1D010;
	v19 =	vshll.u32 v21, $0x10;
	v12 =	vpop (erf)  }
0x3a4: {  	(erf) = vpow2.f32 v24;
	v21 =	vand.u32 $0xFFFF0000, v21;
	[tilespmem:s19+$0x110] =	vst v12;
	v26 =	vmul.f32 v19, v60  }
0x3a5: {  	[tilespmem:s18+$0xFFFFFF00] =	vst v18;
	v22 =	vshll.u32 v25, $0x10;
	v24 =	vand.u32 $0xFFFF0000, v25;
	v25 =	vmul.f32 v28, v16;
	v28 =	vld [tilespmem:s23+$0x50]  }
0x3a6: {  	[tilespmem:s18+$0xFFFFFF10] =	vst v20;
	v55 =	vmul.f32 v21, v60;
	v16 =	vmul.f32 v17, v16  }
0x3a7: {  	v19 =	vand.u32 $0xFFFF0000, v23;
	v18 =	vand.u32 $0xFFFF0000, v27;
	v56 =	vmul.f32 v22, v15;
	[tilespmem:s18+$0xFFFFFF90] =	vst v25  }
0x3a8: {  	v17 =	vshll.u32 v23, $0x10;
	v57 =	vmul.f32 v24, v15;
	v15 =	vpop (erf);
	v18 =	vmul.f32 v18, v13;
	[tilespmem:s18+$0xFFFFFFA0] =	vst v16  }
0x3a9: {  	v19 =	vmul.f32 v19, v14;
	v22 =	vmul.f32 v17, v14;
	v25 =	vld [tilespmem:s24+$0xFFFFFF80];
	[tilespmem:s19+$0xFFFFFF60] =	vst v15  }
0x3aa: {  	v58 =	vperm.xlane v15, v1;
	v60 =	vld [tilespmem:s23+$0xFFFFFF60];
	[tilespmem:s18+$0x100] =	vst v18;
	v18 =	vshll.u32 v29, $0x10;
	v21 =	vshll.u32 v28, $0x10  }
0x3ab: {  	v20 =	vpop (erf);
	v59 =	vld [tilespmem:s24+$0xFFFFFFD0];
	v16 =	vmul.f32 v18, v5;
	v18 =	vperm.xlane v12, v1  }
0x3ac: {  	v23 =	vshll.u32 v27, $0x10;
	v17 =	vperm.xlane v15, v2;
	[tilespmem:s19+$0xFFFFFFF0] =	vst v20;
	v33 =	vperm.xlane v20, v1  }
0x3ad: {  	[tilespmem:s18+$0x20] =	vst v26;
	v14 =	vperm.xlane v20, v2;
	v61 =	vld [tilespmem:s23+$0xFFFFFFB0];
	v27 =	vand.u32 $0xFFFF0000, v28;
	v28 =	vmul.f32 v21, v18;
	v21 =	vpop (erf)  }
0x3ae: {  	v24 =	vand.u32 $0xFFFF0000, v29;
	v26 =	vperm.xlane v20, v3;
	v29 =	vmul.f32 v27, v18;
	[tilespmem:s19+$0x80] =	vst v21  }
0x3af: {  	v31 =	vshll.u32 v25, $0x10;
	v27 =	vperm.xlane v15, v3;
	v62 =	vshll.u32 v60, $0x10;
	[tilespmem:s19+$0x90] =	vst v28;
	v35 =	vld [tilespmem:s23+$0x0]  }
0x3b0: {  	v63 =	vand.u32 $0xFFFF0000, v60;
	v32 =	vand.u32 $0xFFFF0000, v59;
	v30 =	vperm.xlane v21, v1;
	[tilespmem:s19+$0xA0] =	vst v29  }
0x3b1: {  	[tilespmem:s18+$0x30] =	vst v55;
	v18 =	vperm.xlane v21, v2;
	v28 =	vand.u32 $0xFFFF0000, v25;
	v25 =	vperm.xlane v21, v3;
	v36 =	vld [tilespmem:s23+$0x60]  }
0x3b2: {  	v34 =	vld [tilespmem:s24+$0x20];
	[tilespmem:s26+$0xFFFFFF40] =	vst v56;
	v29 =	vshll.u32 v59, $0x10;
	v38 =	vmul.f32 v62, v58;
	v43 =	vshll.u32 v61, $0x10  }
0x3b3: {  	s30 =	simm.s32 $0x17ED0;
	s4 =	simm.s32 $0x8;
	[tilespmem:s26+$0xFFFFFF50] =	vst v57;
	v40 =	vand.u32 $0xFFFF0000, v61;
	v39 =	vmul.f32 v63, v58;
	v37 =	vmul.f32 v43, v33  }
.LBB2_16:
0x3b4: {  	v41 =	vld [tilespmem:s30+$0x90];
	[tilespmem:s19+$0xFFFFFEE0] =	vst v38;
	v33 =	vmul.f32 v40, v33;
	v38 =	vshll.u32 v35, $0x10;
	v35 =	vand.u32 $0xFFFF0000, v35;
	s13 =	sadd.s32 $0x40, s13  }
0x3b5: {  	v40 =	vld [tilespmem:s13+$0x10];
	[tilespmem:s19+$0xFFFFFEF0] =	vst v39;
	v38 =	vmul.f32 v38, v30;
	v39 =	vperm.xlane v12, v2  }
0x3b6: {  	v31 =	vmul.f32 v31, v10;
	v30 =	vmul.f32 v35, v30;
	v42 =	vld [tilespmem:s30+$0xFFFFFFF0];
	[tilespmem:s19+$0xFFFFFF70] =	vst v37;
	v35 =	vshll.u32 v36, $0x10  }
0x3b7: {  	s4 =	sadd.s32 $0x4, s4;
	v37 =	vld [tilespmem:s30+$0x40];
	[tilespmem:s19+$0xFFFFFF80] =	vst v33;
	v33 =	vand.u32 $0xFFFF0000, v36;
	v35 =	vmul.f32 v35, v39;
	v36 =	vshll.u32 v34, $0x10  }
0x3b8: {  	v28 =	vmul.f32 v28, v10;
	v10 =	vmovc v27;
	p2 =	slt.u32 s4, $0x4C;
	v34 =	vand.u32 $0xFFFF0000, v34;
	v43 =	vld [tilespmem:s30+$0xFFFFFFA0];
	[tilespmem:s19+$0x0] =	vst v38;
	v33 =	vmul.f32 v33, v39  }
0x3b9: {  	v29 =	vmul.f32 v29, v9;
	v32 =	vmul.f32 v32, v9;
	v9 =	vmovc v26;
	v27 =	vld [tilespmem:s13+$0xFFFFFFE0];
	v38 =	vshll.u32 v41, $0x10;
	[tilespmem:s19+$0xB0] =	vst v35  }
0x3ba: {  	v34 =	vmul.f32 v34, v11;
	v26 =	vld [tilespmem:s13+$0xFFFFFFF0];
	v35 =	vadd.f32 v38, v40;
	[tilespmem:s19+$0xC0] =	vst v33;
	v33 =	vmul.f32 v36, v11  }
0x3bb: {  	v15 =	vperm.xlane v15, v4;
	v20 =	vperm.xlane v20, v4;
	v11 =	vmovc v25;
	v36 =	vshll.u32 v42, $0x10;
	[tilespmem:s19+$0x10] =	vst v30;
	v30 =	vld [tilespmem:s23+$0x70]  }
0x3bc: {  	v21 =	vperm.xlane v21, v4;
	v25 =	vshll.u32 v37, $0x10;
	v37 =	vld [tilespmem:s13+$0x0];
	v38 =	vmul.f32 $2.000000030e-01, v35;
	[tilespmem:s18+$0xFFFFFF20] =	vst v31  }
0x3bd: {  	v13 =	vmul.f32 v23, v13;
	v23 =	vmul.f32 v24, v5;
	v5 =	vmovc v6;
	v31 =	vshll.u32 v43, $0x10;
	v39 =	vld [tilespmem:s23+$0xFFFFFF70];
	[tilespmem:s18+$0xFFFFFF30] =	vst v28  }
0x3be: {  	v6 =	vmov v21;
	v24 =	vadd.f32 v31, v27;
	v27 =	vmax.f32 v35, v38;
	v28 =	vld [tilespmem:s23+$0xFFFFFFC0];
	[tilespmem:s18+$0xFFFFFFB0] =	vst v29  }
0x3bf: {  	v29 =	vperm.xlane v12, v3;
	v21 =	vadd.f32 v36, v26;
	v26 =	vmul.f32 $1.442695020e+00, v27;
	v27 =	vld [tilespmem:s23+$0x10];
	[tilespmem:s18+$0xFFFFFFC0] =	vst v32  }
0x3c0: {  	v31 =	vmul.f32 $2.000000030e-01, v24;
	v32 =	vshll.u32 v30, $0x10;
	v35 =	vld [tilespmem:s24+$0xFFFFFF90];
	[tilespmem:s18+$0x40] =	vst v33  }
0x3c1: {  	(erf) = vpow2.f32 v26;
	v26 =	vand.u32 $0xFFFF0000, v30;
	v30 =	vmul.f32 v32, v29;
	v32 =	vld [tilespmem:s24+$0xFFFFFFE0];
	[tilespmem:s18+$0x50] =	vst v34  }
0x3c2: {  	v33 =	vmul.f32 $2.000000030e-01, v21;
	v25 =	vadd.f32 v25, v37;
	v26 =	vmul.f32 v26, v29;
	v29 =	vld [tilespmem:s24+$0x30];
	[tilespmem:s26+$0xFFFFFFD0] =	vst v22;
	s24 =	smov.u32 s23;
	s23 =	smov.u32 s30  }
0x3c3: {  	v22 =	vmax.f32 v24, v31;
	v24 =	vshll.u32 v39, $0x10;
	v31 =	vand.u32 $0xFFFF0000, v39;
	[tilespmem:s19+$0xD0] =	vst v30  }
0x3c4: {  	v22 =	vmul.f32 $1.442695020e+00, v22;
	v21 =	vmax.f32 v21, v33;
	v30 =	vmul.f32 $2.000000030e-01, v25;
	[tilespmem:s19+$0xE0] =	vst v26  }
0x3c5: {  	v21 =	vmul.f32 $1.442695020e+00, v21;
	v26 =	vshll.u32 v28, $0x10;
	v28 =	vand.u32 $0xFFFF0000, v28;
	v33 =	vld [tilespmem:s24+$0x80];
	[tilespmem:s26+$0xFFFFFFE0] =	vst v19  }
0x3c6: {  	v19 =	vmax.f32 v25, v30;
	(erf) = vpow2.f32 v22;
	v22 =	vshll.u32 v27, $0x10;
	[tilespmem:s26+$0x60] =	vst v16  }
0x3c7: {  	v16 =	vmul.f32 $1.442695020e+00, v19;
	v19 =	vand.u32 $0xFFFF0000, v27;
	(erf) = vpow2.f32 v21;
	[tilespmem:s26+$0x70] =	vst v23;
	s26 =	smov.u32 s18;
	s18 =	smov.u32 s19  }
0x3c8: {  	v21 =	vmul.f32 v24, v17;
	v17 =	vmul.f32 v31, v17;
	v24 =	vshll.u32 v35, $0x10;
	[tilespmem:s26+$0xF0] =	vst v13  }
0x3c9: {  	v13 =	vperm.xlane v12, v4;
	(erf) = vpow2.f32 v16;
	v16 =	vand.u32 $0xFFFF0000, v35  }
0x3ca: {  	s19 =	sadd.s32 $0x240, s19;
	v12 =	vpop (erf);
	[tilespmem:s18+$0xFFFFFF00] =	vst v21;
	v21 =	vmul.f32 v26, v14;
	v14 =	vmul.f32 v28, v14;
	v23 =	vand.u32 $0xFFFF0000, v33  }
0x3cb: {  	v25 =	vmul.f32 v22, v18;
	v26 =	vshll.u32 v32, $0x10;
	[tilespmem:s19+$0x110] =	vst v12;
	v22 =	vmul.f32 v23, v13  }
0x3cc: {  	v34 =	vmul.f32 v19, v18;
	v18 =	vshll.u32 v29, $0x10;
	v27 =	vld [tilespmem:s30+$0x50];
	[tilespmem:s18+$0xFFFFFF10] =	vst v17;
	v17 =	vand.u32 $0xFFFF0000, v32  }
0x3cd: {  	v37 =	vmul.f32 v24, v8;
	v24 =	vand.u32 $0xFFFF0000, v29;
	v23 =	vshll.u32 v33, $0x10;
	v28 =	vld [tilespmem:s24+$0xFFFFFF80];
	[tilespmem:s18+$0x100] =	vst v22  }
0x3ce: {  	v41 =	vmul.f32 v16, v8;
	v8 =	vmov v15;
	v22 =	vmul.f32 v26, v7;
	[tilespmem:s18+$0xFFFFFF90] =	vst v21  }
0x3cf: {  	v16 =	vmul.f32 v18, v5;
	v19 =	vmul.f32 v17, v7;
	v7 =	vmov v20;
	v15 =	vpop (erf);
	[tilespmem:s18+$0xFFFFFFA0] =	vst v14  }
0x3d0: {  	v18 =	vperm.xlane v12, v1;
	[tilespmem:s19+$0xFFFFFF60] =	vst v15;
	v39 =	vperm.xlane v15, v1;
	v20 =	vpop (erf);
	v32 =	vld [tilespmem:s24+$0xFFFFFFD0]  }
0x3d1: {  	v17 =	vperm.xlane v15, v2;
	v36 =	vld [tilespmem:s30+$0xFFFFFF60];
	[tilespmem:s19+$0xFFFFFFF0] =	vst v20;
	v33 =	vperm.xlane v20, v1;
	v30 =	vshll.u32 v27, $0x10  }
0x3d2: {  	v14 =	vperm.xlane v20, v2;
	v26 =	vand.u32 $0xFFFF0000, v27;
	v40 =	vld [tilespmem:s30+$0xFFFFFFB0];
	v29 =	vmul.f32 v30, v18;
	v21 =	vpop (erf);
	[tilespmem:s18+$0x20] =	vst v25  }
0x3d3: {  	v38 =	vmul.f32 v26, v18;
	v31 =	vshll.u32 v28, $0x10;
	[tilespmem:s19+$0x80] =	vst v21;
	v30 =	vperm.xlane v21, v1  }
.Ltmp9:
0x3d4: {  	v27 =	vperm.xlane v15, v3;
	v28 =	vand.u32 $0xFFFF0000, v28;
	v18 =	vperm.xlane v21, v2;
	v35 =	vld [tilespmem:s30+$0x0];
	[tilespmem:s19+$0x90] =	vst v29;
	(pc) =	sbr.rel @p2 .LBB2_16-.Ltmp9, $4  }
0x3d5: {  	v26 =	vperm.xlane v20, v3;
	v25 =	vperm.xlane v21, v3;
	[tilespmem:s19+$0xA0] =	vst v38;
	v29 =	vshll.u32 v32, $0x10  }
0x3d6: {  	v32 =	vand.u32 $0xFFFF0000, v32;
	v38 =	vshll.u32 v36, $0x10;
	v42 =	vand.u32 $0xFFFF0000, v36;
	v36 =	vld [tilespmem:s30+$0x60];
	[tilespmem:s18+$0x30] =	vst v34  }
0x3d7: {  	v38 =	vmul.f32 v38, v39;
	v43 =	vshll.u32 v40, $0x10;
	v40 =	vand.u32 $0xFFFF0000, v40;
	v34 =	vld [tilespmem:s24+$0x20];
	[tilespmem:s26+$0xFFFFFF40] =	vst v37  }
0x3d8: {  	s30 =	sadd.s32 $0x140, s30;
	v39 =	vmul.f32 v42, v39;
	v37 =	vmul.f32 v43, v33;
	[tilespmem:s26+$0xFFFFFF50] =	vst v41  }
0x3d9: {  	[tilespmem:s19+$0xFFFFFEE0] =	vst v38  }
0x3da: {  	[tilespmem:s26+$0xFFFFFFD0] =	vst v22  }
0x3db: {  	[tilespmem:s26+$0xFFFFFFE0] =	vst v19  }
0x3dc: {  	[tilespmem:s26+$0x60] =	vst v16  }
0x3dd: {  	v33 =	vmul.f32 v40, v33;
	v50 =	vperm.xlane v12, v2;
	[tilespmem:s19+$0xFFFFFEF0] =	vst v39  }
0x3de: {  	v31 =	vmul.f32 v31, v10;
	[tilespmem:s19+$0xFFFFFF70] =	vst v37;
	v51 =	vshll.u32 v36, $0x10  }
0x3df: {  	[tilespmem:s19+$0xFFFFFF80] =	vst v33;
	v52 =	vand.u32 $0xFFFF0000, v36;
	v53 =	vmul.f32 v51, v50  }
0x3e0: {  	[tilespmem:s18+$0xFFFFFF20] =	vst v31;
	v33 =	vmul.f32 v52, v50  }
0x3e1: {  	v49 =	vshll.u32 v35, $0x10;
	v54 =	vand.u32 $0xFFFF0000, v35;
	v56 =	vmul.f32 v28, v10;
	[tilespmem:s19+$0xB0] =	vst v53  }
0x3e2: {  	v29 =	vmul.f32 v29, v9;
	v38 =	vmul.f32 v49, v30;
	v58 =	vshll.u32 v34, $0x10;
	[tilespmem:s19+$0xC0] =	vst v33  }
0x3e3: {  	v55 =	vmul.f32 v54, v30;
	[tilespmem:s18+$0xFFFFFF30] =	vst v56;
	v30 =	vmul.f32 v58, v11;
	v57 =	vld [tilespmem:s23+$0x70]  }
0x3e4: {  	v59 =	vmul.f32 v32, v9;
	[tilespmem:s18+$0xFFFFFFB0] =	vst v29  }
0x3e5: {  	v5 =	vmul.f32 v24, v5;
	[tilespmem:s18+$0x40] =	vst v30;
	v30 =	vld [tilespmem:s23+$0xFFFFFFC0]  }
0x3e6: {  	[tilespmem:s18+$0xFFFFFFC0] =	vst v59  }
0x3e7: {  	v61 =	vperm.xlane v12, v3;
	v62 =	vld [tilespmem:s23+$0xFFFFFF70];
	[tilespmem:s26+$0x70] =	vst v5;
	v60 =	vand.u32 $0xFFFF0000, v34  }
0x3e8: {  	[tilespmem:s19+$0x0] =	vst v38;
	v10 =	vmul.f32 v60, v11;
	v63 =	vshll.u32 v57, $0x10  }
0x3e9: {  	[tilespmem:s19+$0x10] =	vst v55;
	v28 =	vand.u32 $0xFFFF0000, v57;
	v29 =	vmul.f32 v63, v61  }
0x3ea: {  	v31 =	vld [tilespmem:s23+$0x10];
	[tilespmem:s18+$0x50] =	vst v10;
	v33 =	vshll.u32 v30, $0x10;
	v11 =	vmul.f32 v28, v61  }
0x3eb: {  	v10 =	vand.u32 $0xFFFF0000, v30;
	v36 =	vmul.f32 v33, v14;
	[tilespmem:s19+$0xD0] =	vst v29  }
0x3ec: {  	v35 =	vld [tilespmem:s24+$0xFFFFFF90];
	v9 =	vand.u32 $0xFFFF0000, v62;
	v10 =	vmul.f32 v10, v14;
	[tilespmem:s19+$0xE0] =	vst v11  }
0x3ed: {  	v32 =	vshll.u32 v62, $0x10;
	v5 =	vmul.f32 v9, v17;
	[tilespmem:s19+$0xFFFFFF90] =	vst v36  }
0x3ee: {  	v11 =	vmul.f32 v32, v17;
	[tilespmem:s19+$0xFFFFFFA0] =	vst v10;
	v34 =	vld [tilespmem:s23+$0x80]  }
0x3ef: {  	v41 =	vmul.f32 v23, v13;
	[tilespmem:s19+$0xFFFFFF10] =	vst v5;
	v5 =	vand.u32 $0xFFFF0000, v31;
	v43 =	vld [tilespmem:s23+$0xFFFFFFD0]  }
0x3f0: {  	v37 =	vshll.u32 v31, $0x10;
	v5 =	vmul.f32 v5, v18;
	[tilespmem:s19+$0xFFFFFF00] =	vst v11  }
0x3f1: {  	[tilespmem:s18+$0xF0] =	vst v41;
	v44 =	vshll.u32 v35, $0x10;
	v38 =	vmul.f32 v37, v18;
	v39 =	vld [tilespmem:s23+$0xFFFFFF80]  }
0x3f2: {  	v40 =	vperm.xlane v12, v4;
	v45 =	vmul.f32 v44, v8;
	[tilespmem:s19+$0x30] =	vst v5;
	v5 =	vand.u32 $0xFFFF0000, v35  }
0x3f3: {  	v48 =	vld [tilespmem:s24+$0xFFFFFFE0];
	[tilespmem:s19+$0x20] =	vst v38;
	v5 =	vmul.f32 v5, v8;
	v42 =	vand.u32 $0xFFFF0000, v34  }
0x3f4: {  	[tilespmem:s18+$0xFFFFFF40] =	vst v45;
	v46 =	vld [tilespmem:s23+$0x20];
	v50 =	vshll.u32 v43, $0x10;
	v12 =	vmul.f32 v42, v40  }
0x3f5: {  	[tilespmem:s18+$0xFFFFFF50] =	vst v5;
	v13 =	vand.u32 $0xFFFF0000, v43;
	v9 =	vmul.f32 v50, v26  }
0x3f6: {  	v13 =	vmul.f32 v13, v26;
	v47 =	vshll.u32 v39, $0x10;
	[tilespmem:s19+$0x100] =	vst v12  }
0x3f7: {  	v49 =	vand.u32 $0xFFFF0000, v39;
	v8 =	vmul.f32 v47, v27;
	[tilespmem:s19+$0xFFFFFFB0] =	vst v9  }
0x3f8: {  	v51 =	vld [tilespmem:s24+$0x30];
	v53 =	vshll.u32 v48, $0x10;
	v5 =	vmul.f32 v49, v27;
	[tilespmem:s19+$0xFFFFFFC0] =	vst v13;
	v12 =	vand.u32 $0xFFFF0000, v48  }
0x3f9: {  	v52 =	vshll.u32 v46, $0x10;
	v9 =	vmul.f32 v53, v7;
	v7 =	vmul.f32 v12, v7;
	[tilespmem:s19+$0xFFFFFF20] =	vst v8  }
0x3fa: {  	v56 =	vld [tilespmem:s23+$0xFFFFFFE0];
	[tilespmem:s19+$0xFFFFFF30] =	vst v5;
	v5 =	vand.u32 $0xFFFF0000, v46;
	v8 =	vmul.f32 v52, v25  }
0x3fb: {  	v5 =	vmul.f32 v5, v25;
	[tilespmem:s18+$0xFFFFFFE0] =	vst v7  }
0x3fc: {  	v60 =	vperm.xlane v20, v4;
	v58 =	vshll.u32 v34, $0x10;
	v54 =	vld [tilespmem:s23+$0xFFFFFF90];
	[tilespmem:s19+$0x40] =	vst v8  }
0x3fd: {  	v55 =	vshll.u32 v51, $0x10;
	v7 =	vmul.f32 v58, v40;
	[tilespmem:s19+$0x50] =	vst v5;
	v5 =	vand.u32 $0xFFFF0000, v51  }
0x3fe: {  	[tilespmem:s18+$0xFFFFFFD0] =	vst v9;
	v8 =	vmul.f32 v55, v6;
	v5 =	vmul.f32 v5, v6;
	v6 =	vld [tilespmem:s23+$0x30]  }
0x3ff: {  	[tilespmem:s19+$0xF0] =	vst v7;
	v7 =	vshll.u32 v56, $0x10  }
0x400: {  	v57 =	vperm.xlane v15, v4;
	[tilespmem:s18+$0x60] =	vst v8;
	v62 =	vand.u32 $0xFFFF0000, v56;
	v7 =	vmul.f32 v7, v60  }
0x401: {  	v10 =	vmul.f32 v62, v60;
	[tilespmem:s18+$0x70] =	vst v5;
	v5 =	vand.u32 $0xFFFF0000, v54  }
0x402: {  	v61 =	vperm.xlane v21, v4;
	v59 =	vshll.u32 v54, $0x10;
	v5 =	vmul.f32 v5, v57;
	[tilespmem:s19+$0xFFFFFFD0] =	vst v7  }
0x403: {  	v8 =	vmul.f32 v59, v57;
	[tilespmem:s19+$0xFFFFFFE0] =	vst v10;
	v63 =	vshll.u32 v6, $0x10  }
.Ltmp10:
0x404: {  	[tilespmem:s19+$0xFFFFFF50] =	vst v5;
	v5 =	vand.u32 $0xFFFF0000, v6;
	v6 =	vmul.f32 v63, v61;
	(pc) =	sbr.rel @p1 .LBB2_18-.Ltmp10, $4  }
0x405: {  	[tilespmem:s19+$0xFFFFFF40] =	vst v8;
	v5 =	vmul.f32 v5, v61  }
0x406: {  	[tilespmem:s19+$0x60] =	vst v6  }
0x407: {  	[tilespmem:s19+$0x70] =	vst v5  }
0x408: {  	[spmem:s1] =	stream.indirect.scatter.add.f32 [tilespmem:s16], [sflag:$0x6], $0x90, s15, s0, $0xb8;
	[tilespmem:$0x1F770] =	vst v63  }
0x409: {  	s4 =	smul.u32 $0xA0, s20;
	_ =	sdelay $0x1  }
0x40a: {  	s4 =	sadd.s32 s4, s22  }
.Ltmp11:
0x40b: {  	s4 =	sshrl.u32 s4, $0x3;
	(pc) =	sbr.rel .LBB2_13-.Ltmp11, $4  }
0x40c: {  	s13 =	sadd.s32 s10, s4  }
0x40d: {  	[tilespmem:s25], [sflag:$0x8] =	stream.linear.gather [hbm4b:s13+s2], $0x50, $0x38;
	[tilespmem:$0x1F770] =	vst v63  }
0x40e: {  	s20 =	sadd.s32 $0x1, s20;
	s4 =	sadd.s32 s11, s4  }
0x40f: {  	[tilespmem:s12], [sflag:$0xA] =	stream.linear.gather [hbm4b:s4+s2], $0x50, $0x38;
	[tilespmem:$0x1F770] =	vst v63  }
.LBB2_10:
.Ltmp12:
0x410: {  	(pc) =	sbr.rel .LBB2_19-.Ltmp12, $3  }
0x411: {  	_ =	sdelay $0x1  }
0x412: {  	s4 =	rddreg [dreg:$0x3]  }
0x413: {  	s20 =	rddreg [dreg:$0x17]  }
.LBB2_20:
0x414: {  	_ =	sfence.sel $0x180000  }
0x415: {  	[bflag:$0x0] =	sbarrier.arrive $0xFFFF  }
0x416: {  	_ =	strace $0x90000047  }
0x417: {  	s0 =	stileid.u32;
	[bflag:$0x2] =	sbarrier.arrive $0xFFFF  }
0x418: {  	p0 =	sne.s32 s0, $0x0;
	s0 =	rddreg [dreg:$0x2]  }
0x419: {  	s0 =	sadd.s32 @!p0 $0x100000, s0  }
0x41a: {  	[sflag:s0] =	ssyncadd.tile.s32 @!p0 $0x1;
	_ =	shalt  }
.Lfunc_end2:
_tile_overlayer_lowered:
.L_overlay_start_2:
0x41b: {  	(tag) =	ssettag $0x2  }
0x41c: {  	s0 =	rddreg [dreg:$0x0];
	s2 =	stileid.u32  }
0x41d: {  	s1 =	rddreg [dreg:$0x1];
	p0 =	sne.s32 s2, $0x0  }
0x41e: {  	s3 =	rddreg [dreg:$0x2];
	[bflag:$0x3] =	sbarrier.arrive $0xFFFF;
	s2 =	simm.s32 @!p0 $0x1C0B  }
0x41f: {  	[timem:s3], [sflag:s2] =	dma.local @!p0 [hbm:s0], s1  }
0x420: {  	s0 =	simm.s32 @!p0 $0xB  }
0x421: {  	_ =	swait.ge @!p0 [sflag:s0], s1  }
0x422: {  	s1 =	ssub.s32 @!p0 $0x0, s1;
	[sflag:s0] =	ssyncset.done @!p0 $0x0  }
0x423: {  	[sflag:s0] =	ssyncadd.s32 @!p0 s1  }
0x424: {  	[bflag:$0x3] =	sbarrier.arrive $0xFFFF  }
0x425: {  	_ =	shalt  }

</sc_bundles>
